<compile_context>
chip_gen: v7x
topology: tpu7x:2x2x1
jax: 0.10.2.dev20260603
libtpu: 0.0.44.dev20260713+nightly
codegen_flags: <defaults>
</compile_context>

<pallas_src>
import jax
import jax.numpy as jnp
from jax.experimental import pallas as pl
from jax.experimental.pallas import tpu as pltpu

B, N, C_IN = 4, 100000, 4
FEAT = 128
H, W = 256, 256
PCR = (-50.0, -50.0, -5.0, 50.0, 50.0, 3.0)
EPS = 1e-5

P_CHUNK = 4000
N_CHUNKS = N // P_CHUNK
HW = H * W


def _mlp_body(x_ref, vmask_ref, w1_ref, b1_ref, w2_ref, b2_ref, w3_ref, b3_ref,
              feats_ref):
    x = x_ref[...]
    h = jnp.maximum(jnp.dot(x, w1_ref[...], preferred_element_type=jnp.float32) + b1_ref[...], 0.0)
    h = jnp.maximum(jnp.dot(h, w2_ref[...], preferred_element_type=jnp.float32) + b2_ref[...], 0.0)
    h = jnp.maximum(jnp.dot(h, w3_ref[...], preferred_element_type=jnp.float32) + b3_ref[...], 0.0)
    feats_ref[...] = jnp.where(vmask_ref[...] != 0.0, h, -jnp.inf)


def _mlp_pallas(pts, vmask, w1t, b1r, w2t, b2r, w3t, b3r):
    return pl.pallas_call(
        _mlp_body,
        grid=(N_CHUNKS,),
        in_specs=[
            pl.BlockSpec((P_CHUNK, C_IN), lambda i: (i, 0)),
            pl.BlockSpec((P_CHUNK, 1), lambda i: (i, 0)),
            pl.BlockSpec((C_IN, 64), lambda i: (0, 0)),
            pl.BlockSpec((1, 64), lambda i: (0, 0)),
            pl.BlockSpec((64, 128), lambda i: (0, 0)),
            pl.BlockSpec((1, 128), lambda i: (0, 0)),
            pl.BlockSpec((128, FEAT), lambda i: (0, 0)),
            pl.BlockSpec((1, FEAT), lambda i: (0, 0)),
        ],
        out_specs=pl.BlockSpec((P_CHUNK, FEAT), lambda i: (i, 0)),
        out_shape=jax.ShapeDtypeStruct((N, FEAT), jnp.float32),
    )(pts, vmask, w1t, b1r, w2t, b2r, w3t, b3r)


def kernel(points, w1, b1, g1, be1, m1, v1, w2, b2, g2, be2, m2, v2, w3, b3, g3, be3, m3, v3):
    def fold(wt, bb, g, be, m, v):
        s = g * jax.lax.rsqrt(v + EPS)
        return (wt.T * s[None, :]), (s * (bb - m) + be)

    w1t, b1r = fold(w1, b1, g1, be1, m1, v1)
    w2t, b2r = fold(w2, b2, g2, be2, m2, v2)
    w3t, b3r = fold(w3, b3, g3, be3, m3, v3)
    b1r, b2r, b3r = b1r[None, :], b2r[None, :], b3r[None, :]

    x_norm = (points[..., 0] - PCR[0]) / (PCR[3] - PCR[0])
    y_norm = (points[..., 1] - PCR[1]) / (PCR[4] - PCR[1])
    valid = (x_norm >= 0) & (x_norm <= 1) & (y_norm >= 0) & (y_norm <= 1)
    gx = jnp.clip((x_norm * (W - 1)).astype(jnp.int32), 0, W - 1)
    gy = jnp.clip((y_norm * (H - 1)).astype(jnp.int32), 0, H - 1)
    lin = gy * W + gx
    vmask = valid.astype(jnp.float32)[..., None]

    grids = []
    for b in range(B):
        feats = _mlp_pallas(points[b], vmask[b], w1t, b1r, w2t, b2r, w3t, b3r)
        grids.append(jnp.full((HW, FEAT), -jnp.inf, dtype=jnp.float32).at[lin[b]].max(feats))

    grid = jnp.stack(grids)
    grid = jnp.where(jnp.isneginf(grid), 0.0, grid)
    return grid.reshape(B, H, W, FEAT).transpose(0, 3, 1, 2)

# --- scband reference (transcript-rebuilt; emitter-appended) ---
"""Pipeline reference for scband-li-darencoder-23905787969768 (READ-ONLY COPY).

The authoritative reference and input builder live on the scoring server;
editing this copy changes nothing except your own understanding.
"""

import jax, jax.numpy as jnp
import numpy as np

B, N, C_IN = 4, 100000, 4
FEAT = 128
H, W = 256, 256
PCR = (-50.0, -50.0, -5.0, 50.0, 50.0, 3.0)
EPS = 1e-5


def setup_inputs(seed: int = 0) -> dict:
    key = jax.random.key(seed)
    ks = jax.random.split(key, 20)
    points = jax.random.normal(ks[0], (B, N, C_IN), dtype=jnp.float32) * 15.0

    def lin_w(k, fi, fo):
        return jax.random.normal(k, (fo, fi), dtype=jnp.float32) * (1.0 / np.sqrt(fi))

    def bn_params(k, c):
        k1, k2, k3, k4 = jax.random.split(k, 4)
        g = 1.0 + 0.1 * jax.random.normal(k1, (c,), dtype=jnp.float32)
        be = 0.01 * jax.random.normal(k2, (c,), dtype=jnp.float32)
        m = 0.1 * jax.random.normal(k3, (c,), dtype=jnp.float32)
        v = 1.0 + 0.1 * jax.random.uniform(k4, (c,), dtype=jnp.float32)
        return g, be, m, v

    w1 = lin_w(ks[1], C_IN, 64)
    b1 = 0.01 * jax.random.normal(ks[2], (64,), dtype=jnp.float32)
    g1, be1, m1, v1 = bn_params(ks[3], 64)
    w2 = lin_w(ks[4], 64, 128)
    b2 = 0.01 * jax.random.normal(ks[5], (128,), dtype=jnp.float32)
    g2, be2, m2, v2 = bn_params(ks[6], 128)
    w3 = lin_w(ks[7], 128, FEAT)
    b3 = 0.01 * jax.random.normal(ks[8], (FEAT,), dtype=jnp.float32)
    g3, be3, m3, v3 = bn_params(ks[9], FEAT)
    return {
        'points': points,
        'w1': w1, 'b1': b1, 'g1': g1, 'be1': be1, 'm1': m1, 'v1': v1,
        'w2': w2, 'b2': b2, 'g2': g2, 'be2': be2, 'm2': m2, 'v2': v2,
        'w3': w3, 'b3': b3, 'g3': g3, 'be3': be3, 'm3': m3, 'v3': v3,
    }


def _bn(x, g, b, m, v):
    return g * (x - m) * jax.lax.rsqrt(v + EPS) + b


def reference(points, w1, b1, g1, be1, m1, v1, w2, b2, g2, be2, m2, v2, w3, b3, g3, be3, m3, v3):
    # point-wise MLP (Conv1d kernel=1 == linear), BN in eval mode
    h = jax.nn.relu(_bn(points @ w1.T + b1, g1, be1, m1, v1))
    h = jax.nn.relu(_bn(h @ w2.T + b2, g2, be2, m2, v2))
    feats = jax.nn.relu(_bn(h @ w3.T + b3, g3, be3, m3, v3))  # [B, N, FEAT]

    x_norm = (points[..., 0] - PCR[0]) / (PCR[3] - PCR[0])
    y_norm = (points[..., 1] - PCR[1]) / (PCR[4] - PCR[1])
    valid = (x_norm >= 0) & (x_norm <= 1) & (y_norm >= 0) & (y_norm <= 1)  # [B, N]
    gx = jnp.clip((x_norm * (W - 1)).astype(jnp.int32), 0, W - 1)
    gy = jnp.clip((y_norm * (H - 1)).astype(jnp.int32), 0, H - 1)
    batch_idx = jnp.arange(B, dtype=jnp.int32)[:, None]
    lin = batch_idx * (H * W) + gy * W + gx  # [B, N]

    lin_flat = lin.reshape(-1)
    feats_flat = feats.reshape(B * N, FEAT)
    # invalid points carry -inf so they never win the scatter-amax
    feats_masked = jnp.where(valid.reshape(-1, 1), feats_flat, -jnp.inf)
    grid = jnp.full((B * H * W, FEAT), -jnp.inf, dtype=jnp.float32).at[lin_flat].max(feats_masked)
    # cells with no (valid) contribution stay zero, matching include_self=False torch semantics
    grid = jnp.where(jnp.isneginf(grid), 0.0, grid)
    out = grid.reshape(B, H, W, FEAT).transpose(0, 3, 1, 2)  # [B, FEAT, H, W]
    return out

if __name__ == "__main__":
    import jax
    _d = setup_inputs()
    print(jax.jit(kernel)(*tuple(_d.values())))

</pallas_src>

<mosaic_0001>
module attributes {stable_mosaic.version = 14 : i64} {
  func.func @_mlp_body(%arg0: i32, %arg1: memref<4000x4xf32, #tpu.memory_space<vmem>>, %arg2: memref<4000x1xf32, #tpu.memory_space<vmem>>, %arg3: memref<4x64xf32, #tpu.memory_space<vmem>>, %arg4: memref<1x64xf32, #tpu.memory_space<vmem>>, %arg5: memref<64x128xf32, #tpu.memory_space<vmem>>, %arg6: memref<1x128xf32, #tpu.memory_space<vmem>>, %arg7: memref<128x128xf32, #tpu.memory_space<vmem>>, %arg8: memref<1x128xf32, #tpu.memory_space<vmem>>, %arg9: memref<4000x128xf32, #tpu.memory_space<vmem>>) attributes {dimension_semantics = [#tpu.dimension_semantics<arbitrary>], iteration_bounds = array<i64: 25>, scalar_prefetch = 0 : i64, scratch_operands = 0 : i64, tpu.core_type = #tpu.core_type<tc>, window_params = [{transform_indices = @transform_0, window_bounds = array<i64: 4000, 4>}, {transform_indices = @transform_1, window_bounds = array<i64: 4000, 1>}, {pipeline_mode = #tpu.pipeline_mode<synchronous>, transform_indices = @transform_2, window_bounds = array<i64: 4, 64>}, {pipeline_mode = #tpu.pipeline_mode<synchronous>, transform_indices = @transform_3, window_bounds = array<i64: 1, 64>}, {pipeline_mode = #tpu.pipeline_mode<synchronous>, transform_indices = @transform_4, window_bounds = array<i64: 64, 128>}, {pipeline_mode = #tpu.pipeline_mode<synchronous>, transform_indices = @transform_5, window_bounds = array<i64: 1, 128>}, {pipeline_mode = #tpu.pipeline_mode<synchronous>, transform_indices = @transform_6, window_bounds = array<i64: 128, 128>}, {pipeline_mode = #tpu.pipeline_mode<synchronous>, transform_indices = @transform_7, window_bounds = array<i64: 1, 128>}, {transform_indices = @transform_8, window_bounds = array<i64: 4000, 128>}]} {
    %get3A = arith.constant 0 : index
    %get3A_0 = arith.constant 0 : index
    %get3A_1 = vector.load %arg1[%get3A, %get3A_0] : memref<4000x4xf32, #tpu.memory_space<vmem>>, vector<4000x4xf32>
    %get3A_2 = arith.constant 0 : index
    %get3A_3 = arith.constant 0 : index
    %get3A_4 = vector.load %arg3[%get3A_2, %get3A_3] : memref<4x64xf32, #tpu.memory_space<vmem>>, vector<4x64xf32>
    %dot_general3A = arith.constant dense<0.000000e+00> : vector<4000x64xf32>
    %dot_general3A_5 = tpu.matmul %get3A_1, %get3A_4, %dot_general3A {dimension_numbers = #tpu.dot_dimension_numbers<[1], [0], [0], [1], [0, 0, 1, 1], [], []>, transpose_lhs_hint = false} : vector<4000x4xf32>, vector<4x64xf32>, vector<4000x64xf32> -> vector<4000x64xf32>
    %get3A_6 = arith.constant 0 : index
    %get3A_7 = arith.constant 0 : index
    %get3A_8 = vector.load %arg4[%get3A_6, %get3A_7] : memref<1x64xf32, #tpu.memory_space<vmem>>, vector<1x64xf32>
    %add3A = vector.broadcast %get3A_8 : vector<1x64xf32> to vector<4000x64xf32>
    %add3A_9 = arith.addf %dot_general3A_5, %add3A : vector<4000x64xf32>
    %max3A = arith.constant 0.000000e+00 : f32
    %max3A_10 = vector.broadcast %max3A : f32 to vector<4000x64xf32>
    %max3A_11 = arith.maximumf %add3A_9, %max3A_10 : vector<4000x64xf32>
    %get3A_12 = arith.constant 0 : index
    %get3A_13 = arith.constant 0 : index
    %get3A_14 = vector.load %arg5[%get3A_12, %get3A_13] : memref<64x128xf32, #tpu.memory_space<vmem>>, vector<64x128xf32>
    %dot_general3A_15 = arith.constant dense<0.000000e+00> : vector<4000x128xf32>
    %dot_general3A_16 = tpu.matmul %max3A_11, %get3A_14, %dot_general3A_15 {dimension_numbers = #tpu.dot_dimension_numbers<[1], [0], [0], [1], [0, 0, 1, 1], [], []>, transpose_lhs_hint = false} : vector<4000x64xf32>, vector<64x128xf32>, vector<4000x128xf32> -> vector<4000x128xf32>
    %get3A_17 = arith.constant 0 : index
    %get3A_18 = arith.constant 0 : index
    %get3A_19 = vector.load %arg6[%get3A_17, %get3A_18] : memref<1x128xf32, #tpu.memory_space<vmem>>, vector<1x128xf32>
    %add3A_20 = vector.broadcast %get3A_19 : vector<1x128xf32> to vector<4000x128xf32>
    %add3A_21 = arith.addf %dot_general3A_16, %add3A_20 : vector<4000x128xf32>
    %max3A_22 = arith.constant 0.000000e+00 : f32
    %max3A_23 = vector.broadcast %max3A_22 : f32 to vector<4000x128xf32>
    %max3A_24 = arith.maximumf %add3A_21, %max3A_23 : vector<4000x128xf32>
    %get3A_25 = arith.constant 0 : index
    %get3A_26 = arith.constant 0 : index
    %get3A_27 = vector.load %arg7[%get3A_25, %get3A_26] : memref<128x128xf32, #tpu.memory_space<vmem>>, vector<128x128xf32>
    %dot_general3A_28 = arith.constant dense<0.000000e+00> : vector<4000x128xf32>
    %dot_general3A_29 = tpu.matmul %max3A_24, %get3A_27, %dot_general3A_28 {dimension_numbers = #tpu.dot_dimension_numbers<[1], [0], [0], [1], [0, 0, 1, 1], [], []>, transpose_lhs_hint = false} : vector<4000x128xf32>, vector<128x128xf32>, vector<4000x128xf32> -> vector<4000x128xf32>
    %get3A_30 = arith.constant 0 : index
    %get3A_31 = arith.constant 0 : index
    %get3A_32 = vector.load %arg8[%get3A_30, %get3A_31] : memref<1x128xf32, #tpu.memory_space<vmem>>, vector<1x128xf32>
    %add3A_33 = vector.broadcast %get3A_32 : vector<1x128xf32> to vector<4000x128xf32>
    %add3A_34 = arith.addf %dot_general3A_29, %add3A_33 : vector<4000x128xf32>
    %max3A_35 = arith.constant 0.000000e+00 : f32
    %max3A_36 = vector.broadcast %max3A_35 : f32 to vector<4000x128xf32>
    %max3A_37 = arith.maximumf %add3A_34, %max3A_36 : vector<4000x128xf32>
    %get3A_38 = arith.constant 0 : index
    %get3A_39 = arith.constant 0 : index
    %get3A_40 = vector.load %arg2[%get3A_38, %get3A_39] : memref<4000x1xf32, #tpu.memory_space<vmem>>, vector<4000x1xf32>
    %ne3A = arith.constant 0.000000e+00 : f32
    %ne3A_41 = vector.broadcast %ne3A : f32 to vector<4000x1xf32>
    %ne3A_42 = arith.cmpf one, %get3A_40, %ne3A_41 : vector<4000x1xf32>
    %jit3A = arith.constant 0xFF800000 : f32
    %broadcast_in_dim3A = vector.shape_cast %ne3A_42 : vector<4000x1xi1> to vector<4000x1xi1>
    %broadcast_in_dim3A_43 = vector.broadcast %broadcast_in_dim3A : vector<4000x1xi1> to vector<4000x128xi1>
    %broadcast_in_dim3A_44 = vector.broadcast %jit3A : f32 to vector<4000x128xf32>
    %select_n3A = arith.select %broadcast_in_dim3A_43, %max3A_37, %broadcast_in_dim3A_44 : vector<4000x128xi1>, vector<4000x128xf32>
    %swap3A = arith.constant 0 : index
    %swap3A_45 = arith.constant 0 : index
    %swap3A_46 = vector.load %arg9[%swap3A, %swap3A_45] : memref<4000x128xf32, #tpu.memory_space<vmem>>, vector<4000x128xf32>
    tpu.vector_store %arg9[%swap3A, %swap3A_45], %select_n3A {strides = array<i32>} : memref<4000x128xf32, #tpu.memory_space<vmem>>, vector<4000x128xf32>,
    return
  }
  func.func @transform_0(%arg0: i32) -> (i32, i32) {
    %c0_i32 = arith.constant 0 : i32
    %c0_i32_0 = arith.constant 0 : i32
    return %arg0, %c0_i32 : i32, i32
  }
  func.func @transform_1(%arg0: i32) -> (i32, i32) {
    %c0_i32 = arith.constant 0 : i32
    %c0_i32_0 = arith.constant 0 : i32
    return %arg0, %c0_i32 : i32, i32
  }
  func.func @transform_2(%arg0: i32) -> (i32, i32) {
    %c0_i32 = arith.constant 0 : i32
    %c0_i32_0 = arith.constant 0 : i32
    %c0_i32_1 = arith.constant 0 : i32
    return %c0_i32, %c0_i32_0 : i32, i32
  }
  func.func @transform_3(%arg0: i32) -> (i32, i32) {
    %c0_i32 = arith.constant 0 : i32
    %c0_i32_0 = arith.constant 0 : i32
    %c0_i32_1 = arith.constant 0 : i32
    return %c0_i32, %c0_i32_0 : i32, i32
  }
  func.func @transform_4(%arg0: i32) -> (i32, i32) {
    %c0_i32 = arith.constant 0 : i32
    %c0_i32_0 = arith.constant 0 : i32
    %c0_i32_1 = arith.constant 0 : i32
    return %c0_i32, %c0_i32_0 : i32, i32
  }
  func.func @transform_5(%arg0: i32) -> (i32, i32) {
    %c0_i32 = arith.constant 0 : i32
    %c0_i32_0 = arith.constant 0 : i32
    %c0_i32_1 = arith.constant 0 : i32
    return %c0_i32, %c0_i32_0 : i32, i32
  }
  func.func @transform_6(%arg0: i32) -> (i32, i32) {
    %c0_i32 = arith.constant 0 : i32
    %c0_i32_0 = arith.constant 0 : i32
    %c0_i32_1 = arith.constant 0 : i32
    return %c0_i32, %c0_i32_0 : i32, i32
  }
  func.func @transform_7(%arg0: i32) -> (i32, i32) {
    %c0_i32 = arith.constant 0 : i32
    %c0_i32_0 = arith.constant 0 : i32
    %c0_i32_1 = arith.constant 0 : i32
    return %c0_i32, %c0_i32_0 : i32, i32
  }
  func.func @transform_8(%arg0: i32) -> (i32, i32) {
    %c0_i32 = arith.constant 0 : i32
    %c0_i32_0 = arith.constant 0 : i32
    return %arg0, %c0_i32 : i32, i32
  }
}

</mosaic_0001>

<sc_bundles>
// kernel: scatter_offload_async_start.1
scs
__scs_entry_jumppad:
0x0: {  	(pc) =	sbr.rel $0x88, $3  }
0x1: {  	(tag) =	ssettag $0x0;
	lr =	simm.s32 $0x1  }
0x2: {  	[smem:$0x3F8E] =	sst lr;
	_ =	strace $0xD0000000  }
0x3: {  	_ = 	snop  }
0x4: {  	_ = 	snop  }
0x5: {  	_ = 	snop  }
0x6: {  	_ = 	snop  }
0x7: {  	_ = 	snop  }
__scs_overlays_trampoline_lowered:
0x8: {  	[smem:$0x3F9D] =	sst s0  }
0x9: {  	[smem:$0x3F9E] =	sst s1  }
0xa: {  	[smem:$0x3F9F] =	sst s2  }
0xb: {  	[smem:$0x3FA0] =	sst s3  }
0xc: {  	[smem:$0x3FA1] =	sst s4  }
0xd: {  	[smem:$0x3FA2] =	sst s5  }
0xe: {  	[smem:$0x3FA3] =	sst s6  }
0xf: {  	[smem:$0x3FA4] =	sst s7  }
0x10: {  	[smem:$0x3FA5] =	sst s8  }
0x11: {  	[smem:$0x3FA6] =	sst s9;
	s0 =	simm.s32 @!p0 $0x0  }
0x12: {  	s1 =	sld [smem:$0x3F8C];
	s0 =	simm.s32 @p0 $0x1  }
0x13: {  	[smem:$0x3FA7] =	sst s0;
	s0 =	simm.s32 @!p1 $0x0  }
0x14: {  	s2 =	sld [smem:$0x3F8B];
	s0 =	simm.s32 @p1 $0x1  }
0x15: {  	[smem:$0x3FA8] =	sst s0;
	s0 =	simm.s32 @!p2 $0x0  }
0x16: {  	s3 =	sld [smem:$0x3FDB];
	s0 =	simm.s32 @p2 $0x1  }
0x17: {  	s4 =	simm.s32 $0x1BF5;
	[smem:$0x3FAA] =	sst s0  }
0x18: {  	s0 =	sld [smem:$0x3F8D];
	_ =	swait.ge [sflag:s4], $0x0  }
0x19: {  	s7 =	sld [smem:$0x3F8E]  }
0x1a: {  	s8 =	sadd.s32 $0xFFFFE003, lr  }
0x1b: {  	s9 =	sadd.s32 $0xFFFFFEF7, lr;
	s5 =	simm.s32 $0xFFFFFFFF;
	p2 =	slt.u32 s8, $0xFFFFF086  }
0x1c: {  	p1 =	slt.u32 s9, $0xF7A;
	s5 =	simm.s32 @!p2 $0x0  }
0x1d: {  	s5 =	simm.s32 @p1 $0x1;
	p0 =	seq.s32 s7, s2  }
0x1e: {  	s7 =	smul.u32 @!p0 $0xF7A, s2;
	p2 =	seq.s32 @!p0 s5, $0x0  }
0x1f: {  	s9 =	smul.u32 $0xF7A, s1;
	s8 =	simm.s32 @!p0 $0x1BF5;
	p2 =	por !p2, p0  }
0x20: {  	[sflag:s8] =	ssyncset.s32 @!p0 $0xFFFFF086;
	s6 =	sadd.s32 @!p0 s3, s7;
	s7 =	simm.s32 @!p0 $0x108  }
0x21: {  	s3 =	sadd.s32 s3, s9;
	s6 =	sadd.s32 @!p0 $0x88, s6;
	s7 =	simm.s32 @p2 $0x1082  }
0x22: {  	[simem:s7], [sflag:s8] =	dma.local @!p0 [hbm:s6], $0xF7A  }
0x23: {  	s9 =	sor.u32 $0xD0000000, s2;
	s6 =	simm.s32 $0x108;
	_ =	swait.ge @!p0 [sflag:s8], $0x0  }
0x24: {  	s3 =	sadd.s32 $0x88, s3;
	s6 =	simm.s32 @!p1 $0x1082;
	[sflag:s4] =	ssyncset.s32 $0xFFFFF086  }
0x25: {  	[simem:s6], [sflag:s4] =	dma.local [hbm:s3], $0xF7A  }
0x26: {  	[smem:$0x3F8E] =	sst s1;
	(tag) =	ssettag s2;
	_ =	strace s9  }
0x27: {  	s1 =	sld [smem:$0x3F9E]  }
0x28: {  	s2 =	sld [smem:$0x3F9F]  }
0x29: {  	s4 =	sld [smem:$0x3FA1]  }
0x2a: {  	p0 =	seq.s32 s5, $0x0;
	s5 =	sld [smem:$0x3FA2]  }
0x2b: {  	s6 =	sld [smem:$0x3FA3]  }
0x2c: {  	s7 =	sld [smem:$0x3FA4]  }
0x2d: {  	s3 =	simm.s32 $0x108;
	s8 =	sld [smem:$0x3FA5]  }
0x2e: {  	s3 =	simm.s32 @!p0 $0x1082;
	s9 =	sld [smem:$0x3FA6]  }
0x2f: {  	lr =	sadd.s32 s0, s3;
	s0 =	sld [smem:$0x3F9D]  }
0x30: {  	s3 =	sld [smem:$0x3FA0]  }
0x31: {  	[smem:$0x3FA9] =	sst s10  }
0x32: {  	s10 =	sld [smem:$0x3FA7];
	_ =	sdelay $0x3  }
0x33: {  	p0 =	seq.s32 s10, $0x1;
	s10 =	sld [smem:$0x3FA9];
	_ =	sdelay $0x3  }
0x34: {  	[smem:$0x3FA9] =	sst s10  }
0x35: {  	s10 =	sld [smem:$0x3FA8];
	_ =	sdelay $0x3  }
0x36: {  	p1 =	seq.s32 s10, $0x1;
	s10 =	sld [smem:$0x3FA9];
	_ =	sdelay $0x3  }
0x37: {  	[smem:$0x3FA9] =	sst s10  }
0x38: {  	s10 =	sld [smem:$0x3FAA]  }
0x39: {  	_ = 	snop;
	(pc) =	sbr.ind lr, $3  }
0x3a: {  	_ = 	snop  }
0x3b: {  	_ = 	snop  }
0x3c: {  	p2 =	seq.s32 s10, $0x1;
	s10 =	sld [smem:$0x3FA9]  }
0x3d: {  	_ =	shalt  }
0x3e: {  	_ =	shalt  }
0x3f: {  	_ =	shalt  }
0x40: {  	_ =	shalt  }
0x41: {  	_ =	shalt  }
0x42: {  	_ =	shalt  }
0x43: {  	_ =	shalt  }
0x44: {  	_ =	shalt  }
0x45: {  	_ =	shalt  }
0x46: {  	_ =	shalt  }
0x47: {  	_ =	shalt  }
0x48: {  	_ =	shalt  }
0x49: {  	_ =	shalt  }
0x4a: {  	_ =	shalt  }
0x4b: {  	_ =	shalt  }
0x4c: {  	_ =	shalt  }
0x4d: {  	_ =	shalt  }
0x4e: {  	_ =	shalt  }
0x4f: {  	_ =	shalt  }
0x50: {  	_ =	shalt  }
0x51: {  	_ =	shalt  }
0x52: {  	_ =	shalt  }
0x53: {  	_ =	shalt  }
0x54: {  	_ =	shalt  }
0x55: {  	_ =	shalt  }
0x56: {  	_ =	shalt  }
0x57: {  	_ =	shalt  }
0x58: {  	_ =	shalt  }
0x59: {  	_ =	shalt  }
0x5a: {  	_ =	shalt  }
0x5b: {  	_ =	shalt  }
0x5c: {  	_ =	shalt  }
0x5d: {  	_ =	shalt  }
0x5e: {  	_ =	shalt  }
0x5f: {  	_ =	shalt  }
0x60: {  	_ =	shalt  }
0x61: {  	_ =	shalt  }
0x62: {  	_ =	shalt  }
0x63: {  	_ =	shalt  }
0x64: {  	_ =	shalt  }
0x65: {  	_ =	shalt  }
0x66: {  	_ =	shalt  }
0x67: {  	_ =	shalt  }
0x68: {  	_ =	shalt  }
0x69: {  	_ =	shalt  }
0x6a: {  	_ =	shalt  }
0x6b: {  	_ =	shalt  }
0x6c: {  	_ =	shalt  }
0x6d: {  	_ =	shalt  }
0x6e: {  	_ =	shalt  }
0x6f: {  	_ =	shalt  }
0x70: {  	_ =	shalt  }
0x71: {  	_ =	shalt  }
0x72: {  	_ =	shalt  }
0x73: {  	_ =	shalt  }
0x74: {  	_ =	shalt  }
0x75: {  	_ =	shalt  }
0x76: {  	_ =	shalt  }
0x77: {  	_ =	shalt  }
0x78: {  	_ =	shalt  }
0x79: {  	_ =	shalt  }
0x7a: {  	_ =	shalt  }
0x7b: {  	_ =	shalt  }
0x7c: {  	_ =	shalt  }
0x7d: {  	_ =	shalt  }
0x7e: {  	_ =	shalt  }
0x7f: {  	_ =	shalt  }
0x80: {  	_ =	shalt  }
0x81: {  	_ =	shalt  }
0x82: {  	_ =	shalt  }
0x83: {  	_ =	shalt  }
0x84: {  	_ =	shalt  }
0x85: {  	_ =	shalt  }
0x86: {  	_ =	shalt  }
0x87: {  	_ =	shalt  }
.Lfunc_end0:
.L_simem_size_0:
called_computation.1_lowered:
.L_overlay_start_0:
0x88: {  	s2 =	sld [smem:$0x3FD9]  }
0x89: {  	s3 =	sld [smem:$0x3FFE];
	_ =	sdelay $0x1  }
0x8a: {  	s1 =	srdreg.scid  }
0x8b: {  	s0 =	sand.u32 $0x1, s1  }
0x8c: {  	s12 =	sshll.u32 s0, $0xA;
	s2 =	sadd.s32 s3, s2  }
0x8d: {  	s2 =	sadd.s32 s2, s12  }
0x8e: {  	[smem:$0x3FB5] =	sst s2  }
0x8f: {  	_ = 	snop  }
0x90: {  	(tm) =	ssettm $0x1  }
0x91: {  	s13 =	sld [smem:$0x3FFB];
	_ =	sdelay $0x3  }
0x92: {  	_ =	strace s13  }
0x93: {  	s2 =	sld [smem:$0x3FFC];
	_ =	sdelay $0x3  }
0x94: {  	_ =	strace s2  }
0x95: {  	s2 =	sld [smem:$0x3FFD];
	_ =	sdelay $0x3  }
0x96: {  	_ =	strace s2  }
0x97: {  	_ =	strace $0x8FFFFFFF  }
0x98: {  	s14 =	sld [smem:$0x3FDB];
	_ =	sdelay $0x1  }
0x99: {  	s15 =	simm.s32 $_scs_section_size  }
0x9a: {  	s4 =	simm.s32 $_size__tile_overlayer_lowered;
	s5 =	simm.s32 $_tile_overlayer_lowered  }
0x9b: {  	s19 =	simm.s32 $0x1BFF;
	s17 =	sshll.u32 s5, $0x1;
	s6 =	sadd.s32 s15, s14  }
0x9c: {  	s20 =	simm.s32 $0x0;
	s16 =	sshll.u32 s4, $0x1;
	s18 =	sadd.s32 s17, s6  }
0x9d: {  	[timem:s20], [sflag:s19] =	dma.local [hbm:s18], s16  }
0x9e: {  	_ =	swait.ge [sflag:s19], s16  }
0x9f: {  	s3 =	ssub.s32 $0x0, s16;
	[sflag:s19] =	ssyncset.done $0x0  }
0xa0: {  	[sflag:s19] =	ssyncadd.s32 s3;
	_ =	sdelay $0x1  }
0xa1: {  	s21 =	simm.s32 $0x1B8B  }
0xa2: {  	_ =	swait.ge [sflag:s21], $0x1  }
0xa3: {  	[sflag:s21] =	ssyncset.done $0x0  }
0xa4: {  	[sflag:s21] =	ssyncadd.s32 $0xFFFFFFFF  }
0xa5: {  	s3 =	sld [smem:$0x0]  }
0xa6: {  	s4 =	sand.u32 $0xFFFFFFFE, s1  }
0xa7: {  	p0 =	sne.s32 s1, s4  }
0xa8: {  	s4 =	sshll.u32 @p0 s4, $0xE  }
0xa9: {  	s5 =	sadd.s32 @p0 $0x11B8D, s4;
	s7 =	sshll.u32 @p0 s3, $0x11  }
0xaa: {  	s5 =	sor.u32 @p0 s7, s5  }
0xab: {  	[sflag:s5] =	ssyncadd.remote.s32 @p0 $0x1;
	_ =	sdelay $0x1  }
0xac: {  	s5 =	simm.s32 @p0 $0x1B8D  }
0xad: {  	_ =	swait.eq @p0 [sflag:s5], $0x1  }
0xae: {  	[sflag:s5] =	ssyncadd.s32 @p0 $0xFFFFFFFF  }
0xaf: {  	s7 =	sshll.u32 @!p0 s1, $0xE  }
0xb0: {  	s7 =	sor.u32 @!p0 $0x4000, s7;
	s5 =	simm.s32 @!p0 $0x1B8D  }
0xb1: {  	s9 =	sshll.u32 @!p0 s3, $0x11;
	s8 =	sadd.s32 @!p0 $0x11B8D, s7;
	_ =	swait.eq @!p0 [sflag:s5], $0x1  }
0xb2: {  	[sflag:s5] =	ssyncadd.s32 @!p0 $0xFFFFFFFF;
	s5 =	sor.u32 @!p0 s9, s8  }
0xb3: {  	s23 =	simm.s32 $0x1B8E;
	s22 =	sld [smem:$0x3FFE];
	[sflag:s5] =	ssyncadd.remote.s32 @!p0 $0x1  }
0xb4: {  	s24 =	simm.s32 $execute0_lowered;
	[smem:$0x3FD2] =	sst s23  }
0xb5: {  	s8 =	sshll.u32 s24, $0x1;
	_ =	strace $0x80000052;
	[dreg:$0x1] =	wrdreg $0xFFFFFFFF  }
0xb6: {  	s25 =	simm.s32 $_size_execute0_lowered;
	s8 =	sadd.s32 s6, s8;
	[dreg:$0x0] =	wrdreg $0x0  }
0xb7: {  	s9 =	sshll.u32 s25, $0x1;
	[dreg:$0x2] =	wrdreg s8  }
0xb8: {  	[dreg:$0x3] =	wrdreg s9  }
0xb9: {  	[dreg:$0x4] =	wrdreg $0xC0  }
0xba: {  	s26 =	simm.s32 $execute1_lowered;
	_ =	task [dreg:s20], $0x5FFFF  }
0xbb: {  	s8 =	sshll.u32 s26, $0x1;
	[dreg:$0x1] =	wrdreg $0xFFFFFFFF  }
0xbc: {  	s6 =	sadd.s32 s6, s8;
	[dreg:$0x0] =	wrdreg $0x60  }
0xbd: {  	[dreg:$0x2] =	wrdreg s6  }
0xbe: {  	[dreg:$0x3] =	wrdreg s22  }
0xbf: {  	[dreg:$0x4] =	wrdreg $0xB  }
0xc0: {  	_ =	task.clear_ibuf [dreg:s20], $0x5FFFF;
	_ =	strace $0x90000052  }
0xc1: {  	s28 =	simm.s32 $0xB;
	_ =	strace $0x80000054  }
0xc2: {  	_ =	swait.ge [sflag:s28], $0x1  }
0xc3: {  	[sflag:s28] =	ssyncadd.s32 $0xFFFFFFFF  }
0xc4: {  	_ =	strace $0x90000054  }
0xc5: {  	s6 =	sld [smem:$0x0];
	_ =	sdelay $0x3  }
0xc6: {  	s4 =	sadd.s32 @p0 $0x11BF3, s4;
	s8 =	sshll.u32 @p0 s6, $0x11  }
0xc7: {  	s4 =	sor.u32 @p0 s8, s4  }
0xc8: {  	[sflag:s4] =	ssyncadd.remote.s32 @p0 $0x1;
	_ =	sdelay $0x1  }
0xc9: {  	s4 =	simm.s32 @p0 $0x1BF3  }
0xca: {  	_ =	swait.eq @p0 [sflag:s4], $0x1  }
0xcb: {  	[sflag:s4] =	ssyncadd.s32 @p0 $0xFFFFFFFF;
	_ =	sdelay $0x1  }
0xcc: {  	s4 =	simm.s32 @!p0 $0x1BF3  }
0xcd: {  	s7 =	sadd.s32 @!p0 $0x11BF3, s7;
	s6 =	sshll.u32 @!p0 s6, $0x11;
	_ =	swait.eq @!p0 [sflag:s4], $0x1  }
0xce: {  	[sflag:s4] =	ssyncadd.s32 @!p0 $0xFFFFFFFF;
	s4 =	sor.u32 @!p0 s6, s7  }
0xcf: {  	[sflag:s4] =	ssyncadd.remote.s32 @!p0 $0x1  }
0xd0: {  	_ =	strace $0x80000055;
	[dreg:$0x1] =	wrdreg $0xFFFFFFFF  }
0xd1: {  	[dreg:$0x0] =	wrdreg $0x2030  }
0xd2: {  	[dreg:$0x2] =	wrdreg s22  }
0xd3: {  	[dreg:$0x3] =	wrdreg s1  }
0xd4: {  	[dreg:$0x4] =	wrdreg s3  }
0xd5: {  	[dreg:$0x5] =	wrdreg $0xC  }
0xd6: {  	_ =	task.clear_ibuf [dreg:s20], $0x6FFFF;
	_ =	strace $0x90000055  }
0xd7: {  	s29 =	simm.s32 $0xC;
	_ =	strace $0x80000057  }
0xd8: {  	_ =	swait.ge [sflag:s29], $0x1  }
0xd9: {  	[sflag:s29] =	ssyncadd.s32 $0xFFFFFFFF  }
0xda: {  	_ =	strace $0x90000057  }
0xdb: {  	_ =	sfence  }
0xdc: {  	s30 =	sld [smem:$0x0];
	_ =	sdelay $0x2  }
0xdd: {  	s31 =	sshll.u32 s1, $0xD;
	s1 =	sshrl.u32 s1, $0x2  }
0xde: {  	s4 =	sand.u32 $0x4000, s31;
	s1 =	sadd.s32 s1, s30  }
0xdf: {  	s0 =	sor.u32 s4, s0;
	s1 =	sshll.u32 s1, $0x11  }
0xe0: {  	s0 =	sor.u32 s1, s0  }
0xe1: {  	s0 =	sadd.s32 $0x8F2B, s0  }
0xe2: {  	[sflag:s0] =	ssyncadd.remote.s32 $0x1  }
0xe3: {  	_ =	sfence.sel $0xFFFF  }
0xe4: {  	[dreg:$0x0] =	wrdreg $0xFFFFFFFF;
	(pc) =	sbr.abs _section_cstart, $3  }
0xe5: {  	[dreg:$0x1] =	wrdreg $0xFFFFFFFF  }
0xe6: {  	_ =	task.clear_ibuf [dreg:s20], $0x2FFFF;
	_ =	strace $0x9FFFFFFF  }
0xe7: {  	(tm) =	ssettm $0x7FFFFFFF  }
tec
execute0_lowered:
.L_overlay_start_1:
0x0: {  	(tag) =	ssettag $0x1  }
0x1: {  	s2 =	rddreg [dreg:$0x0]  }
0x2: {  	s4 =	rddreg [dreg:$0x1]  }
0x3: {  	s0 =	rddreg [dreg:$0x2];
	s3 =	stileid.u32;
	[bflag:$0x3] =	sbarrier.arrive $0xFFFF  }
0x4: {  	s1 =	simm.s32 $_size_execute1_lowered;
	s29 =	srdreg.scid;
	p0 =	sne.s32 s3, $0x0  }
0x5: {  	s1 =	sshll.u32 s1, $0x1;
	s5 =	simm.s32 @!p0 $0x1C3F;
	s6 =	simm.s32 @!p0 $0x4060  }
0x6: {  	[timem:s6], [sflag:s5] =	dma.local @!p0 [hbm:s2], s1  }
0x7: {  	s2 =	sshll.u32 s29, $0x7  }
0x8: {  	s7 =	simm.s32 $0x1;
	s3 =	sshll.u32 s3, $0x8;
	s2 =	sand.u32 $0x80, s2  }
0x9: {  	s8 =	simm.s32 $0x2;
	s9 =	simm.s32 $0x0;
	s2 =	sor.u32 s3, s2  }
0xa: {  	s12 =	simm.s32 $0x0;
	s11 =	simm.s32 $0x0;
	s30 =	ssub.s32 $0x10000, s2  }
.Ltmp0:
0xb: {  	s5 =	simm.s32 $0x1;
	s31 =	sand.u32 $0xF80, s30;
	(pc) =	sbr.rel .LBB2_1-.Ltmp0, $4  }
0xc: {  	_ =	strace $0x80000053;
	s3 =	sadd.s32 $0x43800, s4;
	p1 =	sne.s32 s31, $0x0  }
0xd: {  	[sflag:s5] =	ssyncpa.u1 $0x0;
	s6 =	sshrl.u32 s30, $0xC;
	s7 =	simm.s32 @!p1 $0x0  }
0xe: {  	s4 =	sadd.s32 $0x765800, s4;
	[sflag:s8] =	ssyncpa.u1 $0x0;
	s6 =	sadd.s32 s7, s6  }
0xf: {  	s8 =	simm.s32 $0x0;
	s10 =	smov.u32 s2;
	s7 =	sadd.s32 $0x1, s6  }
.LBB2_4:
0x10: {  	_ =	sdelay $0x3  }
0x11: {  	[tilespmem:v0+s14+$0xFFFFFFA0 ss:$0x1] =	vst.idx.msk $0xffff, v6  }
0x12: {  	v56 =	vld.idx.msk [tilespmem:v1+s15+$0x30 ss:$0x1], $0xffff;
	[tilespmem:v0+s14+$0xFFFFFFB0 ss:$0x1] =	vst.idx.msk $0xffff, v4  }
0x13: {  	v57 =	vld.idx.msk [tilespmem:v1+s15+$0xFFFFFFC0 ss:$0x1], $0xffff;
	[tilespmem:v0+s14+$0xFFFFFFC0 ss:$0x1] =	vst.idx.msk $0xffff, v2  }
0x14: {  	v58 =	vld.idx.msk [tilespmem:v1+s15+$0xFFFFFFD0 ss:$0x1], $0xffff;
	[tilespmem:v0+s14+$0xFFFFFFD0 ss:$0x1] =	vst.idx.msk $0xffff, v3  }
0x15: {  	v59 =	vld.idx.msk [tilespmem:v1+s15+$0xFFFFFFE0 ss:$0x1], $0xffff;
	[tilespmem:v0+s14+$0xFFFFFFE0 ss:$0x1] =	vst.idx.msk $0xffff, v5  }
0x16: {  	v60 =	vld.idx.msk [tilespmem:v1+s15+$0xFFFFFFF0 ss:$0x1], $0xffff;
	[tilespmem:v0+s14+$0xFFFFFFF0 ss:$0x1] =	vst.idx.msk $0xffff, v7  }
0x17: {  	v61 =	vld.idx.msk [tilespmem:v1+s15+$0x0 ss:$0x1], $0xffff;
	[tilespmem:v0+s15+$0x0 ss:$0x1] =	vst.idx.msk $0xffff, v56  }
0x18: {  	v62 =	vld.idx.msk [tilespmem:v1+s15+$0x10 ss:$0x1], $0xffff;
	[tilespmem:v0+s15+$0xFFFFFF90 ss:$0x1] =	vst.idx.msk $0xffff, v57  }
0x19: {  	v63 =	vld.idx.msk [tilespmem:v1+s15+$0x20 ss:$0x1], $0xffff;
	[tilespmem:v0+s15+$0xFFFFFFA0 ss:$0x1] =	vst.idx.msk $0xffff, v58  }
0x1a: {  	[tilespmem:v0+s15+$0xFFFFFFB0 ss:$0x1] =	vst.idx.msk $0xffff, v59  }
0x1b: {  	[tilespmem:v0+s15+$0xFFFFFFC0 ss:$0x1] =	vst.idx.msk $0xffff, v60  }
0x1c: {  	s12 =	sshll.u32 s12, $0x4;
	[tilespmem:v0+s15+$0xFFFFFFD0 ss:$0x1] =	vst.idx.msk $0xffff, v61  }
0x1d: {  	s12 =	sand.u32 $0xFFFF0, s12;
	[tilespmem:v0+s15+$0xFFFFFFE0 ss:$0x1] =	vst.idx.msk $0xffff, v62  }
0x1e: {  	s12 =	sadd.s32 s4, s12;
	[tilespmem:v0+s15+$0xFFFFFFF0 ss:$0x1] =	vst.idx.msk $0xffff, v63  }
0x1f: {  	[hbm4b:s12+s8] =	stream.linear.scatter [tilespmem:s13], [sflag:$0x2], $0x4000, $0x38;
	[tilespmem:$0x10000] =	vst v63  }
.LBB2_5:
0x20: {  	s14 =	sadd.s32 $0x1000, s10  }
0x21: {  	p2 =	sgt.s32 s14, $0xFFFF  }
0x22: {  	s14 =	smov.u32 @p2 s2;
	p2 =	sne.s32 s11, s7  }
.Ltmp1:
0x23: {  	p1 =	slt.u32 s11, $0x2;
	(pc) =	sbr.rel @!p2 .LBB2_6-.Ltmp1, $4  }
0x24: {  	s13 =	simm.s32 @!p1 $0x2  }
0x25: {  	s15 =	sadd.s32 $0x1, s11;
	_ =	swait.ge @!p1 [sflag:s13], $0x4000  }
0x26: {  	s12 =	smov.u32 s10;
	s9 =	sadd.s32 $0x4000, s9;
	[sflag:s13] =	ssyncset.done @!p1 $0x0  }
0x27: {  	s11 =	smov.u32 s15;
	s10 =	smov.u32 s14;
	[sflag:s13] =	ssyncadd.s32 @!p1 $0xFFFFC000  }
.LBB2_1:
0x28: {  	p1 =	sge.u32 s11, s6  }
0x29: {  	s13 =	sxor.u32 @!p1 $0xFFFFFFFF, s11;
	s14 =	sshll.u32 @!p1 s10, $0x4  }
0x2a: {  	s31 =	sadd.s32 $0xFFFFFFFF, s11;
	s13 =	sshll.u32 @!p1 s13, $0xE;
	s14 =	sand.u32 @!p1 $0xFFFF0, s14  }
0x2b: {  	s15 =	simm.s32 @!p1 $0x0;
	s13 =	sand.u32 @!p1 $0x4000, s13;
	s14 =	sadd.s32 @!p1 s3, s14  }
0x2c: {  	[tilespmem:s13], [sflag:$0x1] =	stream.linear.gather @!p1 [hbm4b:s14+s15], $0x4000, $0x38;
	[tilespmem:$0x10000] =	vst v63  }
0x2d: {  	p1 =	sge.u32 s31, s6  }
.Ltmp2:
0x2e: {  	_ = 	snop;
	(pc) =	sbr.rel @p1 .LBB2_5-.Ltmp2, $1  }
0x2f: {  	_ =	sdelay $0x3  }
0x30: {  	s13 =	sand.u32 $0x4000, s9  }
0x31: {  	s14 =	sor.u32 $0x40, s13  }
0x32: {  	v1 =	vmov s14;
	_ =	sdelay $0x1  }
0x33: {  	_ =	swait.ge [sflag:s5], $0x4000  }
0x34: {  	[sflag:s5] =	ssyncset.done $0x0  }
0x35: {  	[sflag:s5] =	ssyncadd.s32 $0xFFFFC000;
	s14 =	simm.s32 $0x0  }
0x36: {  	s13 =	sor.u32 $0x8070, s13;
	v7 =	vld.idx.msk [tilespmem:v1+s14+$0x30 ss:$0x1], $0xffff  }
0x37: {  	v0 =	vmov s13;
	v8 =	vld.idx.msk [tilespmem:v1+s14+$0xFFFFFFC0 ss:$0x1], $0xffff  }
0x38: {  	v6 =	vld.idx.msk [tilespmem:v1+s14+$0xFFFFFFD0 ss:$0x1], $0xffff  }
0x39: {  	v4 =	vld.idx.msk [tilespmem:v1+s14+$0xFFFFFFE0 ss:$0x1], $0xffff  }
0x3a: {  	v2 =	vld.idx.msk [tilespmem:v1+s14+$0xFFFFFFF0 ss:$0x1], $0xffff  }
0x3b: {  	s31 =	sshll.u32 s11, $0xE;
	v3 =	vld.idx.msk [tilespmem:v1+s14+$0x0 ss:$0x1], $0xffff  }
0x3c: {  	s13 =	sand.u32 $0x4000, s31;
	v5 =	vld.idx.msk [tilespmem:v1+s14+$0x10 ss:$0x1], $0xffff;
	[tilespmem:v0+s14+$0x0 ss:$0x1] =	vst.idx.msk $0xffff, v7  }
0x3d: {  	s15 =	simm.s32 $0x80;
	s16 =	simm.s32 $0x400;
	s13 =	sor.u32 $0x8000, s13;
	[tilespmem:v0+s14+$0xFFFFFF90 ss:$0x1] =	vst.idx.msk $0xffff, v8;
	v7 =	vld.idx.msk [tilespmem:v1+s14+$0x20 ss:$0x1], $0xffff  }
.LBB2_3:
0x3e: {  	p1 =	sne.s32 s16, $0xFE00;
	v8 =	vld.idx.msk [tilespmem:v1+s15+$0x30 ss:$0x1], $0xffff;
	[tilespmem:v0+s14+$0xFFFFFFA0 ss:$0x1] =	vst.idx.msk $0xffff, v6  }
0x3f: {  	v9 =	vld.idx.msk [tilespmem:v1+s15+$0xFFFFFFC0 ss:$0x1], $0xffff;
	[tilespmem:v0+s14+$0xFFFFFFB0 ss:$0x1] =	vst.idx.msk $0xffff, v4  }
0x40: {  	v6 =	vld.idx.msk [tilespmem:v1+s15+$0xFFFFFFD0 ss:$0x1], $0xffff;
	[tilespmem:v0+s14+$0xFFFFFFC0 ss:$0x1] =	vst.idx.msk $0xffff, v2  }
.Ltmp3:
0x41: {  	v4 =	vld.idx.msk [tilespmem:v1+s15+$0xFFFFFFE0 ss:$0x1], $0xffff;
	[tilespmem:v0+s14+$0xFFFFFFD0 ss:$0x1] =	vst.idx.msk $0xffff, v3;
	(pc) =	sbr.rel @p1 .LBB2_3-.Ltmp3, $4  }
0x42: {  	v2 =	vld.idx.msk [tilespmem:v1+s15+$0xFFFFFFF0 ss:$0x1], $0xffff;
	[tilespmem:v0+s14+$0xFFFFFFE0 ss:$0x1] =	vst.idx.msk $0xffff, v5  }
0x43: {  	v3 =	vld.idx.msk [tilespmem:v1+s15+$0x0 ss:$0x1], $0xffff;
	[tilespmem:v0+s14+$0xFFFFFFF0 ss:$0x1] =	vst.idx.msk $0xffff, v7;
	s14 =	smov.u32 s15  }
0x44: {  	v5 =	vld.idx.msk [tilespmem:v1+s14+$0x10 ss:$0x1], $0xffff;
	[tilespmem:v0+s14+$0x0 ss:$0x1] =	vst.idx.msk $0xffff, v8  }
0x45: {  	s15 =	sshra.s32 s16, $0x2;
	s16 =	sadd.s32 $0x200, s16;
	[tilespmem:v0+s14+$0xFFFFFF90 ss:$0x1] =	vst.idx.msk $0xffff, v9;
	v7 =	vld.idx.msk [tilespmem:v1+s14+$0x20 ss:$0x1], $0xffff  }
.Ltmp4:
0x46: {  	_ = 	snop;
	(pc) =	sbr.rel .LBB2_4-.Ltmp4, $1  }
0x47: {  	_ =	sdelay $0x3  }
.LBB2_6:
0x48: {  	_ =	sfence.sel $0x180000  }
0x49: {  	s2 =	simm.s32 $0x1;
	[bflag:$0x0] =	sbarrier.arrive $0xFFFF  }
0x4a: {  	s31 =	simm.s32 $0x2;
	[sflag:s2] =	ssyncpa.u1 $0x1  }
0x4b: {  	[sflag:s31] =	ssyncpa.u1 $0x1  }
0x4c: {  	_ =	strace $0x90000053  }
0x4d: {  	s0 =	sadd.s32 @!p0 $0x100000, s0;
	[bflag:$0x2] =	sbarrier.arrive $0xFFFF  }
0x4e: {  	[sflag:s0] =	ssyncadd.tile.s32 @!p0 $0x1;
	s0 =	simm.s32 @!p0 $0x3F  }
0x4f: {  	_ =	swait.ge @!p0 [sflag:s0], s1  }
0x50: {  	s1 =	ssub.s32 @!p0 $0x0, s1;
	[sflag:s0] =	ssyncset.done @!p0 $0x0  }
0x51: {  	[sflag:s0] =	ssyncadd.s32 @!p0 s1  }
0x52: {  	[bflag:$0x3] =	sbarrier.arrive $0xFFFF  }
0x53: {  	_ =	shalt  }
.Lfunc_end2:
execute1_lowered:
.L_overlay_start_2:
0x54: {  	(tag) =	ssettag $0x2  }
0x55: {  	s0 =	rddreg [dreg:$0x0]  }
0x56: {  	s2 =	rddreg [dreg:$0x1];
	_ =	strace $0x80000056;
	s1 =	simm.s32 $0x1  }
0x57: {  	s9 =	simm.s32 $0x108;
	v0 =	vimm.s32 $0x0;
	[sflag:s1] =	ssyncpa.u1 $0x0  }
0x58: {  	[tilespmem:s9+$0x70] =	vst v0  }
0x59: {  	[tilespmem:s9+$0x60] =	vst v0  }
0x5a: {  	[tilespmem:s9+$0x50] =	vst v0  }
0x5b: {  	[tilespmem:s9+$0x40] =	vst v0  }
0x5c: {  	s1 =	sadd.s32 $0x765800, s0;
	[tilespmem:s9+$0x30] =	vst v0  }
0x5d: {  	s15 =	sadd.s32 $0x3A200, s0;
	s6 =	sadd.s32 $0x8EC200, s0;
	[tilespmem:s9+$0x20] =	vst v0  }
0x5e: {  	s14 =	sadd.s32 $0x3D400, s0;
	s5 =	sand.u32 $0x1, s2;
	s0 =	simm.s32 $0x40;
	[tilespmem:s9+$0x10] =	vst v0  }
.LBB3_1:
0x5f: {  	s0 =	sadd.s32 $0x40, s0;
	[tilespmem:s9+$0x0] =	vst v0;
	s9 =	sadd.s32 $0x80, s9  }
0x60: {  	p0 =	slt.u32 s0, $0x3C40;
	[tilespmem:s9+$0x70] =	vst v0  }
0x61: {  	[tilespmem:s9+$0x60] =	vst v0  }
.Ltmp5:
0x62: {  	[tilespmem:s9+$0x50] =	vst v0;
	(pc) =	sbr.rel @p0 .LBB3_1-.Ltmp5, $4  }
0x63: {  	[tilespmem:s9+$0x40] =	vst v0  }
0x64: {  	[tilespmem:s9+$0x30] =	vst v0  }
0x65: {  	[tilespmem:s9+$0x20] =	vst v0  }
0x66: {  	[tilespmem:s9+$0x10] =	vst v0  }
0x67: {  	s16 =	stileid.u32  }
0x68: {  	s0 =	simm.s32 $0x1;
	p0 =	sne.s32 s16, $0x0;
	s2 =	smul.u32 $0xD, s16  }
0x69: {  	s0 =	simm.s32 @!p0 $0x0  }
0x6a: {  	s0 =	sadd.s32 s0, s2  }
0x6b: {  	p1 =	seq.s32 s16, $0x0;
	s7 =	smul.u32 $0xF0, s0;
	s0 =	simm.s32 $0xD20  }
0x6c: {  	s0 =	simm.s32 @!p1 $0xC30  }
0x6d: {  	s0 =	sadd.s32 s0, s7  }
0x6e: {  	s8 =	smin.u32 s0, $0xC350  }
0x6f: {  	s0 =	ssub.s32 s8, s7  }
0x70: {  	p1 =	sgt.s32 s0, $0x0  }
0x71: {  	s3 =	simm.s32 $0x2;
	s10 =	simm.s32 $0x9;
	s0 =	simm.s32 @!p1 $0x0  }
0x72: {  	s4 =	simm.s32 $0xA;
	s11 =	simm.s32 $0xB;
	s29 =	smul.u32 $0x8889, s0  }
0x73: {  	[dreg:$0x4] =	wrdreg s5;
	s31 =	smul.u32 $0x186A, s5;
	s12 =	simm.s32 $0x1  }
0x74: {  	s22 =	simm.s32 $0x0;
	s18 =	simm.s32 $0xC;
	s2 =	sshrl.u32 s29, $0x17  }
0x75: {  	s20 =	simm.s32 $0x0;
	s21 =	simm.s32 $0x0;
	s30 =	smul.u32 $0xF0, s2  }
.Ltmp6:
0x76: {  	[tilespmem:s9+$0x0] =	vst v0;
	v0 =	vimm.s32 $0xFFFFFFFF;
	[sflag:s3] =	ssyncpa.u1 $0x0;
	s16 =	sshll.u32 s16, $0x8;
	(pc) =	sbr.rel .LBB3_3-.Ltmp6, $4  }
0x77: {  	[tilespmem:$0xF208] =	vst v0;
	[sflag:s10] =	ssyncpa.u1 $0x0;
	p1 =	sne.s32 s0, s30;
	s0 =	simm.s32 $0x1  }
0x78: {  	s14 =	sadd.s32 s31, s14;
	[sflag:s4] =	ssyncpa.u1 $0x0;
	s0 =	simm.s32 @!p1 $0x0  }
0x79: {  	s15 =	sadd.s32 s31, s15;
	[sflag:s11] =	ssyncpa.u1 $0x0;
	s13 =	sadd.s32 s2, s0  }
0x7a: {  	v0 =	vlaneseq.u32;
	s19 =	smov.u32 s7;
	p1 =	por $0x0, $0x0;
	s17 =	sadd.s32 $0x1, s13  }
.LBB3_18:
0x7b: {  	s0 =	sshrl.u32 s31, $0x2  }
.LBB3_20:
0x7c: {  	_ =	swait.ge [sflag:s18], s0  }
0x7d: {  	s31 =	ssub.s32 $0x0, s0;
	v1 =	vmov s24;
	vm0 =	veq.s32 v0, $0x0;
	[sflag:s18] =	ssyncset.done $0x0  }
0x7e: {  	vm15 =	veq.s32 v0, $0x2;
	v1 =	vsel vm0, s30, v1;
	[sflag:s18] =	ssyncadd.s32 s31  }
0x7f: {  	v1 =	vsel vm15, s22, v1;
	[sflag:s18] =	ssyncpa.u1 $0x1  }
0x80: {  	[tilespmem:$0xF208] =	vst v1  }
.LBB3_21:
0x81: {  	s0 =	sadd.s32 $0xF0, s19  }
0x82: {  	s2 =	smov.u32 s7;
	p2 =	slt.s32 s0, s8  }
0x83: {  	s2 =	smov.u32 @p2 s0;
	p2 =	sne.s32 s21, s17  }
.Ltmp7:
0x84: {  	_ = 	snop;
	(pc) =	sbr.rel @!p2 .LBB3_22-.Ltmp7, $3  }
0x85: {  	_ =	sdelay $0x1  }
0x86: {  	s22 =	smov.u32 s20;
	s31 =	sadd.s32 $0x1, s21;
	s20 =	smov.u32 s19  }
0x87: {  	p1 =	por !p1, !p1;
	s21 =	smov.u32 s31;
	s19 =	smov.u32 s2  }
.LBB3_3:
0x88: {  	p2 =	sge.u32 s21, s13  }
0x89: {  	s0 =	smulhi.u32 @!p2 $0xAAAAAAAB, s21  }
0x8a: {  	s2 =	smov.u32 s19;
	p3 =	sgt.s32 @!p2 s19, $0xC260  }
0x8b: {  	s3 =	sshra.s32 @!p2 s19, $0x1F;
	p3 =	por !p3, p2;
	s0 =	sshrl.u32 @!p2 s0, $0x1  }
0x8c: {  	s3 =	sand.u32 @!p2 s3, s19;
	s2 =	simm.s32 @p3 $0xC260;
	s0 =	smul.u32 @!p2 $0x3, s0  }
0x8d: {  	s2 =	ssub.s32 @!p2 s2, s3  }
0x8e: {  	s2 =	sadd.s32 @!p2 $0xFFFF3DA0, s2;
	s0 =	ssub.s32 @!p2 s21, s0  }
0x8f: {  	s3 =	sshll.u32 @!p2 s2, $0x2;
	p3 =	sgt.s32 @!p2 s2, $0xEF;
	s0 =	smul.u32 @!p2 $0x3C0, s0  }
0x90: {  	s4 =	sand.u32 @!p2 $0x7, s19;
	s2 =	ssub.s32 @!p2 $0x3C0, s3;
	p3 =	por !p3, p2  }
0x91: {  	s3 =	sshrl.u32 @!p2 s19, $0x3;
	s2 =	sshrl.u32 @!p2 s2, $0x2;
	s0 =	sshrl.u32 @!p2 s0, $0x2  }
0x92: {  	s3 =	sadd.s32 @!p2 s3, s14;
	s2 =	simm.s32 @!p3 $0x0;
	s0 =	sadd.s32 @!p2 $0x10248, s0  }
0x93: {  	[tilespmem:s0], [sflag:$0xA] =	stream.linear.gather @!p2 [hbm4b:s3+s4], s2, $0x38;
	[tilespmem:$0x1F6F8] =	vst v63  }
0x94: {  	s0 =	sadd.s32 $0xFFFFFFFF, s21  }
0x95: {  	p2 =	sge.u32 s0, s13  }
0x96: {  	p3 =	sgt.s32 @!p2 s20, $0xC260  }
0x97: {  	s2 =	smov.u32 s20;
	s3 =	sshra.s32 @!p2 s20, $0x1F;
	p3 =	por !p3, p2  }
0x98: {  	s3 =	sand.u32 @!p2 s3, s20;
	s2 =	simm.s32 @p3 $0xC260  }
0x99: {  	s2 =	ssub.s32 @!p2 s2, s3  }
0x9a: {  	s2 =	sadd.s32 @!p2 $0xFFFF3DA0, s2  }
0x9b: {  	s4 =	sand.u32 @!p2 $0x1, s0;
	s3 =	sshll.u32 @!p2 s2, $0x2  }
0x9c: {  	p3 =	sgt.s32 @!p2 s2, $0xEF;
	s2 =	ssub.s32 @!p2 $0x3C0, s3;
	s3 =	smulhi.u32 @!p2 $0xAAAAAAAB, s0  }
0x9d: {  	s23 =	smul.u32 @!p2 $0x3C0, s4;
	p3 =	por !p3, p2;
	s2 =	sshrl.u32 @!p2 s2, $0x2  }
0x9e: {  	s5 =	simm.s32 @!p2 $0xA;
	s2 =	simm.s32 @!p3 $0x0;
	s3 =	sshrl.u32 @!p2 s3, $0x1  }
0x9f: {  	s23 =	sshrl.u32 @!p2 s23, $0x2;
	_ =	swait.ge @!p2 [sflag:s5], s2;
	s3 =	smul.u32 @!p2 $0x3, s3  }
0xa0: {  	s23 =	sadd.s32 @!p2 $0x10518, s23;
	s24 =	ssub.s32 @!p2 $0x0, s2;
	[sflag:s5] =	ssyncset.done @!p2 $0x0  }
0xa1: {  	[sflag:s5] =	ssyncadd.s32 @!p2 s24;
	s5 =	sshrl.u32 @!p2 s20, $0x3;
	s0 =	ssub.s32 @!p2 s0, s3  }
0xa2: {  	s24 =	sand.u32 @!p2 $0x7, s20;
	s5 =	sadd.s32 @!p2 s5, s15;
	s0 =	smul.u32 @!p2 $0x3C0, s0  }
0xa3: {  	[tilespmem:s23], [sflag:$0xB] =	stream.linear.gather @!p2 [hbm4b:s5+s24], s2, $0x38;
	[tilespmem:$0x1F6F8] =	vst v63  }
0xa4: {  	s3 =	ssub.s32 @!p2 $0xC350, s20;
	s2 =	smul.u32 @!p2 $0x1E000, s4  }
0xa5: {  	p3 =	slt.s32 @!p2 s3, $0xF0  }
0xa6: {  	p3 =	por !p3, p2;
	s0 =	sshrl.u32 @!p2 s0, $0x2;
	s2 =	sshrl.u32 @!p2 s2, $0x2  }
0xa7: {  	s3 =	simm.s32 @p3 $0xF0;
	s0 =	sadd.s32 @!p2 $0x10248, s0;
	s2 =	sor.u32 @!p2 $0x106F8, s2  }
0xa8: {  	[tilespmem:s2], [sflag:$0x9] =	stream.indirect.gather @!p2 [hbm4b:s6+s3], $0x80, s0, s3, $0xb8;
	[tilespmem:$0x1F6F8] =	vst v63  }
0xa9: {  	p2 =	slt.u32 s21, $0x2  }
.Ltmp8:
0xaa: {  	_ = 	snop;
	(pc) =	sbr.rel @p2 .LBB3_21-.Ltmp8, $1  }
0xab: {  	_ =	sdelay $0x3  }
0xac: {  	p2 =	sgt.s32 s22, $0xC260  }
0xad: {  	s0 =	smov.u32 s22;
	s2 =	sshra.s32 s22, $0x1F;
	s3 =	ssub.s32 $0xC350, s22  }
0xae: {  	s0 =	simm.s32 @!p2 $0xC260;
	s2 =	sand.u32 s2, s22;
	p2 =	slt.s32 s3, $0xF0  }
0xaf: {  	s0 =	ssub.s32 s0, s2;
	s3 =	simm.s32 @!p2 $0xF0  }
0xb0: {  	s0 =	sadd.s32 $0xFFFF3DA0, s0;
	s25 =	sshll.u32 s3, $0x7  }
0xb1: {  	s26 =	sshll.u32 s0, $0x2;
	s2 =	sand.u32 $0x3FFFFF80, s25  }
0xb2: {  	p2 =	sgt.s32 s0, $0xEF;
	s29 =	ssub.s32 $0x3C0, s26;
	_ =	swait.ge [sflag:s10], s2  }
0xb3: {  	s2 =	ssub.s32 $0x0, s2;
	[sflag:s10] =	ssyncset.done $0x0;
	s0 =	sshrl.u32 s29, $0x2  }
0xb4: {  	[sflag:s10] =	ssyncadd.s32 s2;
	s0 =	simm.s32 @p2 $0x0  }
0xb5: {  	_ =	swait.ge [sflag:s11], s0  }
0xb6: {  	s0 =	ssub.s32 $0x0, s0;
	[sflag:s11] =	ssyncset.done $0x0  }
0xb7: {  	[sflag:s11] =	ssyncadd.s32 s0  }
0xb8: {  	v1 =	vld [tilespmem:$0xF208];
	_ =	sdelay $0x4  }
0xb9: {  	(v2sf) =	vpush v1, $0x0  }
0xba: {  	(v2sf) =	vpush v1, $0x1  }
0xbb: {  	(v2sf) =	vpush v1, $0x2;
	_ =	sdelay $0x3  }
0xbc: {  	s0 =	sadd.s32 $0xF0, s22  }
0xbd: {  	s2 =	ssub.s32 $0x186A0, s22;
	p2 =	slt.s32 s8, s0  }
0xbe: {  	s0 =	smov.u32 @p2 s8;
	p2 =	sgt.s32 s2, $0x0  }
0xbf: {  	s26 =	ssub.s32 s0, s22;
	s2 =	simm.s32 @!p2 $0x0  }
0xc0: {  	p2 =	slt.s32 s2, s26  }
0xc1: {  	s26 =	smov.u32 @p2 s2  }
0xc2: {  	s25 =	simm.s32 $0x1;
	p2 =	slt.s32 s26, $0x1  }
.Ltmp9:
0xc3: {  	s25 =	simm.s32 @!p1 $0x0;
	(pc) =	sbr.rel @p2 .LBB3_8-.Ltmp9, $4  }
0xc4: {  	s31 =	smul.u32 $0x3C0, s25  }
0xc5: {  	s28 =	spop (v2sf)  }
0xc6: {  	s0 =	sshrl.u32 s31, $0x2;
	s30 =	spop (v2sf)  }
0xc7: {  	s23 =	sadd.s32 $0x10518, s0;
	s22 =	spop (v2sf)  }
0xc8: {  	s0 =	smin.u32 s26, $0x10  }
0xc9: {  	v1 =	vmov s0  }
0xca: {  	p3 =	sgt.s32 s26, $0x10;
	vm1 =	vgt.u32 v1, v0  }
.Ltmp10:
0xcb: {  	_ = 	snop;
	(pc) =	sbr.rel @!p3 .LBB3_7-.Ltmp10, $2  }
0xcc: {  	_ =	sdelay $0x2  }
0xcd: {  	s4 =	simm.s32 $0x10;
	s24 =	sadd.s32 $0xFFFFFFF0, s26;
	s0 =	smov.u32 s23;
	vm0 =	vmmov vm1  }
.LBB3_6:
0xce: {  	s2 =	smin.u32 s24, $0x10;
	s4 =	sadd.s32 $0x10, s4;
	v1 =	vld.msk [tilespmem:s0+$0x0 ss:$0x1], vm1  }
0xcf: {  	v2 =	vmov s2;
	p3 =	slt.s32 s4, s26  }
0xd0: {  	vm1 =	vgt.u32 v2, v0  }
.Ltmp11:
0xd1: {  	(pc) =	sbr.rel @p3 .LBB3_6-.Ltmp11, $3  }
0xd2: {  	_ =	sdelay $0x1  }
0xd3: {  	v1 =	vshll.u32 v1, $0x4  }
0xd4: {  	s24 =	sadd.s32 $0xFFFFFFF0, s24;
	[tilespmem:s0+$0x0] =	vst.msk vm0, v1;
	s0 =	sadd.s32 $0x10, s0;
	vm0 =	vmmov vm1  }
.LBB3_7:
0xd5: {  	_ =	sdelay $0x4  }
0xd6: {  	v1 =	vld.msk [tilespmem:s0+$0x0 ss:$0x1], vm1;
	_ =	sdelay $0x4  }
0xd7: {  	v1 =	vshll.u32 v1, $0x4  }
0xd8: {  	[tilespmem:s0+$0x0] =	vst.msk vm0, v1  }
.LBB3_8:
0xd9: {  	s0 =	sand.u32 $0x1, s21  }
0xda: {  	s2 =	smul.u32 $0x7800, s0  }
0xdb: {  	p3 =	sne.s32 s30, $0xFFFFFFFF  }
0xdc: {  	v1 =	vld @!p3 [tilespmem:s2+$0x106F8];
	_ =	sdelay $0x2  }
0xdd: {  	s0 =	smul.u32 $0xF0, s0;
	_ =	sdelay $0x1  }
0xde: {  	v2 =	vld.msk @!p3 [tilespmem:s0+$0x10518], $0x1;
	[tilespmem:$0x108] =	vst @!p3 v1  }
0xdf: {  	v1 =	vld @!p3 [tilespmem:s2+$0x10708];
	_ =	sdelay $0x4  }
0xe0: {  	[tilespmem:$0x118] =	vst @!p3 v1  }
0xe1: {  	v1 =	vld @!p3 [tilespmem:s2+$0x10718];
	_ =	sdelay $0x4  }
0xe2: {  	[tilespmem:$0x128] =	vst @!p3 v1  }
0xe3: {  	v1 =	vld @!p3 [tilespmem:s2+$0x10728];
	_ =	sdelay $0x4  }
0xe4: {  	[tilespmem:$0x138] =	vst @!p3 v1  }
0xe5: {  	v1 =	vld @!p3 [tilespmem:s2+$0x10738];
	_ =	sdelay $0x4  }
0xe6: {  	[tilespmem:$0x148] =	vst @!p3 v1  }
0xe7: {  	(v2sf) =	vpush @!p3 v2, $0x0;
	v1 =	vld @!p3 [tilespmem:s2+$0x10748];
	_ =	sdelay $0x4  }
0xe8: {  	[tilespmem:$0x158] =	vst @!p3 v1  }
0xe9: {  	v1 =	vld @!p3 [tilespmem:s2+$0x10758];
	_ =	sdelay $0x4  }
0xea: {  	[tilespmem:$0x168] =	vst @!p3 v1  }
0xeb: {  	v1 =	vld @!p3 [tilespmem:s2+$0x10768]  }
.Ltmp12:
0xec: {  	_ = 	snop;
	(pc) =	sbr.rel @p2 .LBB3_19-.Ltmp12, $4  }
0xed: {  	_ = 	snop  }
0xee: {  	s29 =	spop @!p3 (v2sf)  }
0xef: {  	s22 =	simm.s32 @!p3 $0x0;
	s24 =	smov.u32 s29  }
0xf0: {  	s29 =	smov.u32 @p3 s28;
	s24 =	smov.u32 @p3 s30;
	[tilespmem:$0x178] =	vst @!p3 v1;
	[sflag:s18] =	ssyncpa.u1 $0x0  }
0xf1: {  	v1 =	vld.msk [tilespmem:s23+$0x0], $0x1;
	_ =	sdelay $0x4  }
0xf2: {  	(v2sf) =	vpush v1, $0x0;
	_ =	sdelay $0xe  }
0xf3: {  	s2 =	smul.u32 $0x1E000, s25;
	s0 =	spop (v2sf)  }
0xf4: {  	s26 =	ssub.s32 $0x0, s26;
	p2 =	seq.s32 s29, s0  }
0xf5: {  	s30 =	sadd.s32 $0x1, s26;
	s2 =	sshrl.u32 s2, $0x2;
	p3 =	sgt.s32 @!p2 s29, $0x0  }
0xf6: {  	s25 =	sor.u32 $0x10738, s2;
	s2 =	smov.u32 s29;
	p3 =	por !p3, p2  }
0xf7: {  	s2 =	simm.s32 @p3 $0x0;
	p3 =	seq.s32 s30, $0x0  }
.Ltmp13:
0xf8: {  	_ = 	snop;
	(pc) =	sbr.rel @p3 .LBB3_11-.Ltmp13, $4  }
0xf9: {  	_ = 	snop  }
0xfa: {  	s28 =	simm.s32 $0x0;
	s31 =	sadd.s32 $0x1, s23;
	s2 =	smin.u32 @!p2 s2, $0xFFFF0  }
0xfb: {  	s4 =	simm.s32 @!p2 $0x1;
	s5 =	simm.s32 @!p2 $0x7988;
	s3 =	sand.u32 @!p2 $0xFFFF8, s2  }
0xfc: {  	s4 =	smov.u32 @p2 s28;
	s2 =	sand.u32 @!p2 $0x7, s2;
	s3 =	sadd.s32 @!p2 s1, s3  }
.LBB3_10:
0xfd: {  	s9 =	smov.u32 s4  }
0xfe: {  	[tilespmem:s5], [sflag:$0x2] =	stream.linear.gather @!p2 [hbm4b:s3+s2], $0x80, $0x38;
	[tilespmem:$0x1F6F8] =	vst v63  }
0xff: {  	s30 =	sadd.s32 $0x1, s30;
	s2 =	smov.u32 s0;
	v1 =	vld.msk [tilespmem:s31+$0x0], $0x1  }
0x100: {  	p3 =	seq.s32 s30, $0x0;
	_ =	sdelay $0x3  }
0x101: {  	(v2sf) =	vpush v1, $0x0;
	_ =	sdelay $0xe  }
0x102: {  	s0 =	spop (v2sf)  }
0x103: {  	p2 =	seq.s32 s2, s0  }
0x104: {  	p4 =	sgt.s32 @!p2 s2, $0x0;
	s3 =	sshll.u32 @!p2 s4, $0x9;
	s4 =	sadd.s32 @!p2 $0x1, s4  }
.Ltmp14:
0x105: {  	p4 =	por !p4, p2;
	s3 =	sshra.s32 @!p2 s3, $0x2;
	(pc) =	sbr.rel @!p3 .LBB3_10-.Ltmp14, $4  }
0x106: {  	s4 =	smov.u32 @p2 s9;
	s2 =	simm.s32 @p4 $0x0;
	s5 =	sadd.s32 @!p2 $0x7988, s3  }
0x107: {  	s2 =	smin.u32 @!p2 s2, $0xFFFF0  }
0x108: {  	s3 =	sand.u32 @!p2 $0xFFFF8, s2;
	s2 =	sand.u32 @!p2 $0x7, s2  }
0x109: {  	s31 =	sadd.s32 $0x1, s31;
	s3 =	sadd.s32 @!p2 s1, s3  }
.LBB3_11:
0x10a: {  	[tilespmem:s5], [sflag:$0x2] =	stream.linear.gather @!p2 [hbm4b:s3+s2], $0x80, $0x38;
	[tilespmem:$0x1F6F8] =	vst v63  }
.Ltmp15:
0x10b: {  	s0 =	sshll.u32 s4, $0x7;
	(pc) =	sbr.rel .LBB3_12-.Ltmp15, $4  }
0x10c: {  	s30 =	simm.s32 $0x2;
	s0 =	sand.u32 $0x3FFFFF80, s0  }
0x10d: {  	_ =	swait.ge [sflag:s30], s0  }
0x10e: {  	s0 =	ssub.s32 $0x0, s0;
	[sflag:s30] =	ssyncset.done $0x0  }
0x10f: {  	s31 =	simm.s32 $0x0;
	[sflag:s30] =	ssyncadd.s32 s0  }
.LBB3_13:
0x110: {  	s0 =	sshra.s32 s0, $0x2;
	v1 =	vld [tilespmem:s25+$0xFFFFFFC0]  }
0x111: {  	v2 =	vld [tilespmem:s0+$0x108];
	_ =	sdelay $0x4  }
0x112: {  	v1 =	vmax.f32 v1, v2  }
0x113: {  	v2 =	vld [tilespmem:s0+$0x118];
	[tilespmem:s0+$0x108] =	vst v1  }
0x114: {  	v1 =	vld [tilespmem:s25+$0xFFFFFFD0];
	_ =	sdelay $0x4  }
0x115: {  	v1 =	vmax.f32 v1, v2  }
0x116: {  	v2 =	vld [tilespmem:s0+$0x128];
	[tilespmem:s0+$0x118] =	vst v1  }
0x117: {  	v1 =	vld [tilespmem:s25+$0xFFFFFFE0];
	_ =	sdelay $0x4  }
0x118: {  	v1 =	vmax.f32 v1, v2  }
0x119: {  	v2 =	vld [tilespmem:s0+$0x138];
	[tilespmem:s0+$0x128] =	vst v1  }
0x11a: {  	v1 =	vld [tilespmem:s25+$0xFFFFFFF0];
	_ =	sdelay $0x4  }
0x11b: {  	v1 =	vmax.f32 v1, v2  }
0x11c: {  	v2 =	vld [tilespmem:s0+$0x148];
	[tilespmem:s0+$0x138] =	vst v1  }
0x11d: {  	v1 =	vld [tilespmem:s25+$0x0];
	_ =	sdelay $0x4  }
0x11e: {  	v1 =	vmax.f32 v1, v2  }
0x11f: {  	v2 =	vld [tilespmem:s0+$0x158];
	[tilespmem:s0+$0x148] =	vst v1  }
0x120: {  	v1 =	vld [tilespmem:s25+$0x10];
	_ =	sdelay $0x4  }
0x121: {  	v1 =	vmax.f32 v1, v2  }
0x122: {  	v2 =	vld [tilespmem:s0+$0x168];
	[tilespmem:s0+$0x158] =	vst v1  }
0x123: {  	v1 =	vld [tilespmem:s25+$0x20];
	_ =	sdelay $0x4  }
0x124: {  	v1 =	vmax.f32 v1, v2  }
0x125: {  	v2 =	vld [tilespmem:s0+$0x178];
	[tilespmem:s0+$0x168] =	vst v1  }
0x126: {  	v1 =	vld [tilespmem:s25+$0x30];
	_ =	sdelay $0x4  }
0x127: {  	v1 =	vmax.f32 v1, v2  }
0x128: {  	[tilespmem:s0+$0x178] =	vst v1  }
.LBB3_17:
0x129: {  	s26 =	sadd.s32 $0x1, s26  }
0x12a: {  	p2 =	seq.s32 s26, $0x0  }
.Ltmp16:
0x12b: {  	_ = 	snop;
	(pc) =	sbr.rel @p2 .LBB3_18-.Ltmp16, $2  }
0x12c: {  	_ =	sdelay $0x2  }
0x12d: {  	s23 =	sadd.s32 $0x1, s23;
	s25 =	sadd.s32 $0x80, s25;
	s29 =	smov.u32 s30  }
.LBB3_12:
0x12e: {  	v1 =	vld.msk [tilespmem:s23+$0x0], $0x1;
	_ =	sdelay $0x4  }
0x12f: {  	(v2sf) =	vpush v1, $0x0;
	_ =	sdelay $0xe  }
0x130: {  	s30 =	spop (v2sf)  }
0x131: {  	p2 =	sne.s32 s29, s30  }
.Ltmp17:
0x132: {  	_ = 	snop;
	(pc) =	sbr.rel @!p2 .LBB3_13-.Ltmp17, $2  }
0x133: {  	_ =	sdelay $0x2  }
0x134: {  	s0 =	sshll.u32 s22, $0x9  }
0x135: {  	p2 =	seq.s32 s29, s24  }
.Ltmp18:
0x136: {  	_ = 	snop;
	(pc) =	sbr.rel @!p2 .LBB3_15-.Ltmp18, $1  }
0x137: {  	_ =	sdelay $0x3  }
0x138: {  	s0 =	sshra.s32 s0, $0x2  }
.Ltmp19:
0x139: {  	s0 =	sadd.s32 $0x108, s0;
	(pc) =	sbr.rel .LBB3_16-.Ltmp19, $4  }
0x13a: {  	[spmem:s16] =	stream.linear.scatter [tilespmem:s0], [sflag:$0x1], $0x80, $0x38;
	[tilespmem:$0x1F6F8] =	vst v63  }
0x13b: {  	_ =	swait.ge [sflag:s12], $0x80  }
0x13c: {  	[sflag:s12] =	ssyncset.done $0x0  }
0x13d: {  	[sflag:s12] =	ssyncadd.s32 $0xFFFFFF80  }
.LBB3_15:
0x13e: {  	s2 =	sshll.u32 s28, $0x9;
	s0 =	sshra.s32 s0, $0x2  }
0x13f: {  	s2 =	sshra.s32 s2, $0x2;
	v2 =	vld [tilespmem:s0+$0x108]  }
0x140: {  	v1 =	vld [tilespmem:s2+$0x7988];
	_ =	sdelay $0x4  }
0x141: {  	v1 =	vmax.f32 v1, v2  }
0x142: {  	v2 =	vld [tilespmem:s0+$0x118];
	[tilespmem:s0+$0x108] =	vst v1  }
0x143: {  	v1 =	vld [tilespmem:s2+$0x7998];
	_ =	sdelay $0x4  }
0x144: {  	v1 =	vmax.f32 v1, v2  }
0x145: {  	v2 =	vld [tilespmem:s0+$0x128];
	[tilespmem:s0+$0x118] =	vst v1  }
0x146: {  	v1 =	vld [tilespmem:s2+$0x79A8];
	_ =	sdelay $0x4  }
0x147: {  	v1 =	vmax.f32 v1, v2  }
0x148: {  	v2 =	vld [tilespmem:s0+$0x138];
	[tilespmem:s0+$0x128] =	vst v1  }
0x149: {  	v1 =	vld [tilespmem:s2+$0x79B8];
	_ =	sdelay $0x4  }
0x14a: {  	v1 =	vmax.f32 v1, v2  }
0x14b: {  	v2 =	vld [tilespmem:s0+$0x148];
	[tilespmem:s0+$0x138] =	vst v1  }
0x14c: {  	v1 =	vld [tilespmem:s2+$0x79C8];
	_ =	sdelay $0x4  }
0x14d: {  	v1 =	vmax.f32 v1, v2  }
0x14e: {  	v2 =	vld [tilespmem:s0+$0x158];
	[tilespmem:s0+$0x148] =	vst v1  }
0x14f: {  	v1 =	vld [tilespmem:s2+$0x79D8];
	_ =	sdelay $0x4  }
0x150: {  	v1 =	vmax.f32 v1, v2  }
0x151: {  	v2 =	vld [tilespmem:s0+$0x168];
	[tilespmem:s0+$0x158] =	vst v1  }
0x152: {  	v1 =	vld [tilespmem:s2+$0x79E8];
	_ =	sdelay $0x4  }
0x153: {  	v1 =	vmax.f32 v1, v2  }
0x154: {  	v2 =	vld [tilespmem:s0+$0x178];
	[tilespmem:s0+$0x168] =	vst v1  }
0x155: {  	v1 =	vld [tilespmem:s2+$0x79F8];
	_ =	sdelay $0x3  }
0x156: {  	p2 =	sgt.u32 s29, $0xFFFF0  }
0x157: {  	s2 =	sand.u32 @!p2 $0xFFFF8, s29;
	v1 =	vmax.f32 v1, v2  }
0x158: {  	s3 =	sadd.s32 $0x108, s0;
	[tilespmem:s0+$0x178] =	vst v1;
	s0 =	sadd.s32 @!p2 s1, s2;
	s2 =	sand.u32 @!p2 $0x7, s29  }
0x159: {  	[hbm4b:s0+s2] =	stream.linear.scatter @!p2 [tilespmem:s3], [sflag:$0xC], $0x80, $0x38;
	[tilespmem:$0x1F6F8] =	vst v63  }
0x15a: {  	s0 =	simm.s32 $0x0  }
0x15b: {  	s0 =	simm.s32 @!p2 $0x200  }
0x15c: {  	s31 =	sadd.s32 s0, s31  }
.LBB3_16:
0x15d: {  	s0 =	sadd.s32 $0x1, s22  }
0x15e: {  	s2 =	smulhi.u32 $0x88888889, s0;
	_ =	sdelay $0x1  }
0x15f: {  	v1 =	vld [tilespmem:s25+$0xFFFFFFC0];
	s2 =	sshrl.u32 s2, $0x7  }
0x160: {  	s2 =	smul.u32 $0xF0, s2;
	_ =	sdelay $0x1  }
0x161: {  	s22 =	ssub.s32 s0, s2  }
0x162: {  	s0 =	sshll.u32 s22, $0x7  }
0x163: {  	[tilespmem:s0+$0x108] =	vst v1  }
0x164: {  	v1 =	vld [tilespmem:s25+$0xFFFFFFD0];
	_ =	sdelay $0x4  }
0x165: {  	[tilespmem:s0+$0x118] =	vst v1  }
0x166: {  	v1 =	vld [tilespmem:s25+$0xFFFFFFE0];
	_ =	sdelay $0x4  }
0x167: {  	[tilespmem:s0+$0x128] =	vst v1  }
0x168: {  	v1 =	vld [tilespmem:s25+$0xFFFFFFF0];
	_ =	sdelay $0x4  }
0x169: {  	[tilespmem:s0+$0x138] =	vst v1  }
0x16a: {  	v1 =	vld [tilespmem:s25+$0x0];
	_ =	sdelay $0x4  }
0x16b: {  	[tilespmem:s0+$0x148] =	vst v1  }
0x16c: {  	v1 =	vld [tilespmem:s25+$0x10];
	_ =	sdelay $0x4  }
0x16d: {  	[tilespmem:s0+$0x158] =	vst v1  }
0x16e: {  	v1 =	vld [tilespmem:s25+$0x20];
	_ =	sdelay $0x4  }
0x16f: {  	[tilespmem:s0+$0x168] =	vst v1  }
0x170: {  	v1 =	vld [tilespmem:s25+$0x30]  }
.Ltmp20:
0x171: {  	_ = 	snop;
	(pc) =	sbr.rel .LBB3_17-.Ltmp20, $2  }
0x172: {  	_ =	sdelay $0x2  }
0x173: {  	s28 =	sadd.s32 $0x1, s28;
	[tilespmem:s0+$0x178] =	vst v1  }
.LBB3_19:
.Ltmp21:
0x174: {  	(pc) =	sbr.rel .LBB3_20-.Ltmp21, $4  }
0x175: {  	_ = 	snop  }
0x176: {  	s0 =	simm.s32 $0x2  }
0x177: {  	_ =	swait.ge [sflag:s0], $0x0  }
0x178: {  	s30 =	smov.u32 s29;
	[sflag:s0] =	ssyncset.done $0x0;
	s0 =	simm.s32 $0x0  }
.LBB3_22:
0x179: {  	_ =	sfence.sel $0x180000  }
0x17a: {  	s0 =	simm.s32 $0x9;
	[bflag:$0x0] =	sbarrier.arrive $0xFFFF  }
0x17b: {  	s24 =	simm.s32 $0xA;
	[sflag:s0] =	ssyncpa.u1 $0x1  }
0x17c: {  	s25 =	simm.s32 $0xB;
	[sflag:s24] =	ssyncpa.u1 $0x1  }
0x17d: {  	s26 =	simm.s32 $0x2;
	[sflag:s25] =	ssyncpa.u1 $0x1  }
0x17e: {  	[sflag:s26] =	ssyncpa.u1 $0x1  }
0x17f: {  	v0 =	vld [tilespmem:$0xF208];
	_ =	sdelay $0x4  }
0x180: {  	(v2sf) =	vpush v0, $0x0  }
0x181: {  	(v2sf) =	vpush v0, $0x1;
	_ =	sdelay $0x1  }
0x182: {  	(v2sf) =	vpush v0, $0x2;
	_ =	sdelay $0xb  }
0x183: {  	s0 =	spop (v2sf)  }
0x184: {  	s2 =	spop (v2sf)  }
0x185: {  	s3 =	smov.u32 s0;
	p1 =	sne.s32 s0, s2  }
0x186: {  	s4 =	spop (v2sf);
	s3 =	simm.s32 @!p1 $0xFFFFFFFF  }
0x187: {  	v2 =	vimm.s32 $0x1;
	v3 =	vlaneseq.u32;
	p1 =	seq.s32 s4, $0xFFFFFFFF;
	v1 =	vmov s3  }
0x188: {  	s16 =	stileid.u32;
	v0 =	vperm.xlane v0, v2;
	p2 =	sne.s32 @!p1 s0, s2;
	v1 =	vperm.xlane v1, v3  }
0x189: {  	vm0 =	vcmask $0x3F04;
	s6 =	simm.s32 $0xF208;
	s0 =	simm.s32 @!p1 $0x1;
	p2 =	por !p2, p1  }
0x18a: {  	s3 =	sshll.u32 s16, $0x1;
	s2 =	sshll.u32 @!p1 s4, $0x9;
	s0 =	simm.s32 @p2 $0x0;
	v0 =	vsel vm0, v1, v0  }
0x18b: {  	s5 =	sor.u32 $0x1000, s3;
	s2 =	sshra.s32 @!p1 s2, $0x2;
	s0 =	sor.u32 @!p1 s0, s3;
	[tilespmem:$0xF208] =	vst v0  }
0x18c: {  	[spmem:s5] =	stream.linear.scatter [tilespmem:s6], [sflag:$0x1], $0x2, $0x38;
	[tilespmem:$0x1F6F8] =	vst v63  }
0x18d: {  	s2 =	sadd.s32 @!p1 $0x108, s2;
	s0 =	sshll.u32 @!p1 s0, $0x7  }
0x18e: {  	[spmem:s0] =	stream.linear.scatter @!p1 [tilespmem:s2], [sflag:$0x1], $0x80, $0x38;
	[tilespmem:$0x1F6F8] =	vst v63  }
0x18f: {  	s0 =	simm.s32 @!p1 $0x82  }
0x190: {  	s28 =	simm.s32 $0x1;
	s0 =	simm.s32 @p1 $0x2  }
0x191: {  	_ =	swait.ge [sflag:s28], s0  }
0x192: {  	s0 =	ssub.s32 $0x0, s0;
	[sflag:s28] =	ssyncset.done $0x0  }
0x193: {  	[sflag:s28] =	ssyncadd.s32 s0  }
.Ltmp22:
0x194: {  	_ =	sfence.stream.spmem;
	(pc) =	sbr.rel @p0 .LBB3_39-.Ltmp22, $4  }
0x195: {  	s29 =	simm.s32 $0x3;
	[bflag:$0x0] =	sbarrier.arrive $0xFFFF  }
0x196: {  	s30 =	simm.s32 $0x4;
	[sflag:s29] =	ssyncpa.u1 $0x1  }
0x197: {  	s31 =	simm.s32 $0x3C;
	[sflag:s30] =	ssyncpa.u1 $0x1  }
0x198: {  	s15 =	rddreg [dreg:$0x4];
	[sflag:s31] =	ssyncpa.u1 $0x1  }
0x199: {  	_ =	sfence.stream.spmem;
	s0 =	simm.s32 $0x5  }
0x19a: {  	s2 =	simm.s32 $0x1000;
	s3 =	simm.s32 $0xF218;
	[sflag:s0] =	ssyncpa.u1 $0x0  }
0x19b: {  	[tilespmem:s3], [sflag:$0x5] =	stream.linear.gather [spmem:s2], $0x20, $0x38;
	[tilespmem:$0x1F6F8] =	vst v63  }
0x19c: {  	s26 =	simm.s32 $0x0;
	s28 =	simm.s32 $0xF238  }
0x19d: {  	[tilespmem:s28], [sflag:$0x5] =	stream.linear.gather [spmem:s26], $0x1000, $0x38;
	[tilespmem:$0x1F6F8] =	vst v63  }
0x19e: {  	_ =	swait.ge [sflag:s0], $0x1020  }
0x19f: {  	[sflag:s0] =	ssyncset.done $0x0  }
0x1a0: {  	s29 =	simm.s32 $0x0;
	[sflag:s0] =	ssyncadd.s32 $0xFFFFEFE0  }
0x1a1: {  	v0 =	vld.msk [tilespmem:s29+$0xF218], $0x1;
	_ =	sdelay $0x1  }
0x1a2: {  	s30 =	simm.s32 $0x1  }
0x1a3: {  	v1 =	vld.msk [tilespmem:s30+$0xF218], $0x1;
	_ =	sdelay $0x1  }
0x1a4: {  	(v2sf) =	vpush v0, $0x0;
	_ =	sdelay $0x2  }
0x1a5: {  	(v2sf) =	vpush v1, $0x0;
	_ =	sdelay $0x2  }
0x1a6: {  	s31 =	simm.s32 $0x2  }
0x1a7: {  	v0 =	vld.msk [tilespmem:s31+$0xF218], $0x1;
	_ =	sdelay $0x2  }
0x1a8: {  	s4 =	simm.s32 $0xFFFFFFFF;
	s5 =	simm.s32 $0xFFFFFFFF;
	s0 =	simm.s32 $0xC  }
.LBB3_24:
0x1a9: {  	s2 =	smov.u32 s5;
	s3 =	smov.u32 s4  }
0x1aa: {  	s4 =	sshra.s32 s0, $0x2;
	p1 =	sne.s32 s0, $0x7C;
	s0 =	sadd.s32 $0x4, s0;
	(v2sf) =	vpush v0, $0x0  }
0x1ab: {  	v0 =	vld.msk [tilespmem:s4+$0xF218], $0x1  }
.Ltmp23:
0x1ac: {  	(pc) =	sbr.rel @p1 .LBB3_24-.Ltmp23, $4  }
0x1ad: {  	s5 =	spop (v2sf)  }
0x1ae: {  	p2 =	sne.s32 s3, $0xFFFFFFFF;
	s4 =	smov.u32 s5  }
0x1af: {  	p3 =	seq.s32 s5, $0xFFFFFFFF;
	s4 =	smov.u32 @p2 s3  }
0x1b0: {  	s5 =	smov.u32 @p3 s2;
	s4 =	smov.u32 @p3 s3  }
0x1b1: {  	(v2sf) =	vpush v0, $0x0;
	_ =	sdelay $0x8  }
0x1b2: {  	s0 =	spop (v2sf)  }
0x1b3: {  	p1 =	sne.s32 s4, $0xFFFFFFFF;
	s2 =	smov.u32 s0  }
0x1b4: {  	s9 =	simm.s32 $0x6;
	p2 =	seq.s32 s0, $0xFFFFFFFF;
	s2 =	smov.u32 @p1 s4  }
0x1b5: {  	s6 =	simm.s32 $0x0;
	s2 =	smov.u32 @p2 s4;
	s3 =	spop (v2sf)  }
0x1b6: {  	s0 =	smov.u32 @p2 s5;
	p1 =	sne.s32 s2, $0xFFFFFFFF;
	s4 =	smov.u32 s3  }
.Ltmp24:
0x1b7: {  	p2 =	seq.s32 s3, $0xFFFFFFFF;
	s4 =	smov.u32 @p1 s2;
	(pc) =	sbr.rel .LBB3_26-.Ltmp24, $4  }
0x1b8: {  	s10 =	simm.s32 $0xF188;
	s4 =	smov.u32 @p2 s2;
	s7 =	spop (v2sf)  }
0x1b9: {  	s11 =	simm.s32 $0x0;
	p1 =	sne.s32 s4, $0xFFFFFFFF;
	s8 =	smov.u32 s7  }
0x1ba: {  	s3 =	smov.u32 @p2 s0;
	p2 =	seq.s32 s7, $0xFFFFFFFF;
	s8 =	smov.u32 @p1 s4  }
0x1bb: {  	[sflag:s9] =	ssyncpa.u1 $0x0;
	s7 =	smov.u32 @p2 s3;
	s8 =	smov.u32 @p2 s4  }
.LBB3_32:
0x1bc: {  	p1 =	sgt.u32 s12, $0xFFFF0  }
0x1bd: {  	p2 =	seq.s32 @!p1 s12, s8  }
0x1be: {  	p1 =	por p1, p2  }
0x1bf: {  	p2 =	sne.s32 @!p1 s12, s7  }
0x1c0: {  	p1 =	por p1, !p2  }
0x1c1: {  	s0 =	sshll.u32 @p1 s11, $0x9  }
0x1c2: {  	s0 =	sand.u32 @!p1 $0xFFFF8, s12  }
0x1c3: {  	s2 =	sand.u32 @!p1 $0x7, s12;
	s0 =	sadd.s32 @!p1 s1, s0  }
0x1c4: {  	[tilespmem:s10], [sflag:$0x6] =	stream.linear.gather @!p1 [hbm4b:s0+s2], $0x80, $0x38;
	[tilespmem:$0x1F6F8] =	vst v63  }
0x1c5: {  	_ =	swait.ge @!p1 [sflag:s9], $0x80  }
0x1c6: {  	[sflag:s9] =	ssyncset.done @!p1 $0x0  }
0x1c7: {  	s0 =	sshll.u32 @!p1 s11, $0x9;
	[sflag:s9] =	ssyncadd.s32 @!p1 $0xFFFFFF80  }
0x1c8: {  	s2 =	sshrl.u32 @!p1 s0, $0x2;
	v1 =	vld @!p1 [tilespmem:$0xF188]  }
0x1c9: {  	v2 =	vld @!p1 [tilespmem:s2+$0xF238];
	_ =	sdelay $0x4  }
0x1ca: {  	v1 =	vmax.f32 @!p1 v1, v2  }
0x1cb: {  	v2 =	vld @!p1 [tilespmem:s2+$0xF248];
	[tilespmem:s2+$0xF238] =	vst @!p1 v1  }
0x1cc: {  	v1 =	vld @!p1 [tilespmem:$0xF198];
	_ =	sdelay $0x4  }
0x1cd: {  	v1 =	vmax.f32 @!p1 v1, v2  }
0x1ce: {  	v2 =	vld @!p1 [tilespmem:s2+$0xF258];
	[tilespmem:s2+$0xF248] =	vst @!p1 v1  }
0x1cf: {  	v1 =	vld @!p1 [tilespmem:$0xF1A8];
	_ =	sdelay $0x4  }
0x1d0: {  	v1 =	vmax.f32 @!p1 v1, v2  }
0x1d1: {  	v2 =	vld @!p1 [tilespmem:s2+$0xF268];
	[tilespmem:s2+$0xF258] =	vst @!p1 v1  }
0x1d2: {  	v1 =	vld @!p1 [tilespmem:$0xF1B8];
	_ =	sdelay $0x4  }
0x1d3: {  	v1 =	vmax.f32 @!p1 v1, v2  }
0x1d4: {  	v2 =	vld @!p1 [tilespmem:s2+$0xF278];
	[tilespmem:s2+$0xF268] =	vst @!p1 v1  }
0x1d5: {  	v1 =	vld @!p1 [tilespmem:$0xF1C8];
	_ =	sdelay $0x4  }
0x1d6: {  	v1 =	vmax.f32 @!p1 v1, v2  }
0x1d7: {  	v2 =	vld @!p1 [tilespmem:s2+$0xF288];
	[tilespmem:s2+$0xF278] =	vst @!p1 v1  }
0x1d8: {  	v1 =	vld @!p1 [tilespmem:$0xF1D8];
	_ =	sdelay $0x4  }
0x1d9: {  	v1 =	vmax.f32 @!p1 v1, v2  }
0x1da: {  	v2 =	vld @!p1 [tilespmem:s2+$0xF298];
	[tilespmem:s2+$0xF288] =	vst @!p1 v1  }
0x1db: {  	v1 =	vld @!p1 [tilespmem:$0xF1E8];
	_ =	sdelay $0x4  }
0x1dc: {  	v1 =	vmax.f32 @!p1 v1, v2  }
0x1dd: {  	v2 =	vld @!p1 [tilespmem:s2+$0xF2A8];
	[tilespmem:s2+$0xF298] =	vst @!p1 v1  }
0x1de: {  	v1 =	vld @!p1 [tilespmem:$0xF1F8];
	_ =	sdelay $0x4  }
0x1df: {  	v1 =	vmax.f32 @!p1 v1, v2  }
0x1e0: {  	[tilespmem:s2+$0xF2A8] =	vst @!p1 v1  }
0x1e1: {  	s0 =	sshrl.u32 s0, $0x2;
	[tilespmem:s6+$0xF218] =	vst.msk $0x1, v0  }
0x1e2: {  	v0 =	vld [tilespmem:s0+$0xF238];
	_ =	sdelay $0x2  }
0x1e3: {  	s31 =	sshll.u32 s6, $0x9  }
0x1e4: {  	s2 =	sshra.s32 s31, $0x2  }
0x1e5: {  	[tilespmem:s2+$0xF238] =	vst v0  }
0x1e6: {  	v0 =	vld [tilespmem:s0+$0xF248];
	_ =	sdelay $0x4  }
0x1e7: {  	[tilespmem:s2+$0xF248] =	vst v0  }
0x1e8: {  	v0 =	vld [tilespmem:s0+$0xF258];
	_ =	sdelay $0x4  }
0x1e9: {  	[tilespmem:s2+$0xF258] =	vst v0  }
0x1ea: {  	v0 =	vld [tilespmem:s0+$0xF268];
	_ =	sdelay $0x4  }
0x1eb: {  	[tilespmem:s2+$0xF268] =	vst v0  }
0x1ec: {  	v0 =	vld [tilespmem:s0+$0xF278];
	_ =	sdelay $0x4  }
0x1ed: {  	[tilespmem:s2+$0xF278] =	vst v0  }
0x1ee: {  	v0 =	vld [tilespmem:s0+$0xF288];
	_ =	sdelay $0x4  }
0x1ef: {  	[tilespmem:s2+$0xF288] =	vst v0  }
0x1f0: {  	v0 =	vld [tilespmem:s0+$0xF298];
	_ =	sdelay $0x4  }
0x1f1: {  	[tilespmem:s2+$0xF298] =	vst v0  }
0x1f2: {  	v0 =	vld [tilespmem:s0+$0xF2A8];
	_ =	sdelay $0x4  }
0x1f3: {  	s6 =	sadd.s32 $0x1, s6;
	[tilespmem:s2+$0xF2A8] =	vst v0  }
.LBB3_33:
0x1f4: {  	s11 =	sadd.s32 $0x1, s11  }
0x1f5: {  	p1 =	sne.s32 s11, $0x20  }
.Ltmp25:
0x1f6: {  	_ = 	snop;
	(pc) =	sbr.rel @!p1 .LBB3_34-.Ltmp25, $1  }
0x1f7: {  	_ =	sdelay $0x3  }
.LBB3_26:
0x1f8: {  	v0 =	vld.msk [tilespmem:s11+$0xF218], $0x1;
	_ =	sdelay $0x4  }
0x1f9: {  	(v2sf) =	vpush v0, $0x0;
	_ =	sdelay $0xe  }
0x1fa: {  	s12 =	spop (v2sf)  }
0x1fb: {  	p1 =	seq.s32 s12, $0xFFFFFFFF  }
.Ltmp26:
0x1fc: {  	_ = 	snop;
	(pc) =	sbr.rel @p1 .LBB3_33-.Ltmp26, $1  }
0x1fd: {  	_ =	sdelay $0x3  }
0x1fe: {  	p1 =	slt.s32 s6, $0x1  }
.Ltmp27:
0x1ff: {  	_ = 	snop;
	(pc) =	sbr.rel @p1 .LBB3_32-.Ltmp27, $1  }
0x200: {  	_ =	sdelay $0x3  }
0x201: {  	s13 =	simm.s32 $0xF218;
	p1 =	por $0x0, $0x0  }
0x202: {  	v1 =	vld.msk @!p1 [tilespmem:s13+$0x0], $0x1;
	_ =	sdelay $0x4  }
0x203: {  	(v2sf) =	vpush @!p1 v1, $0x0;
	_ =	sdelay $0xd  }
0x204: {  	p3 =	sne.s32 s6, $0x1  }
.Ltmp28:
0x205: {  	s0 =	spop @!p1 (v2sf);
	(pc) =	sbr.rel @!p3 .LBB3_30-.Ltmp28, $4  }
0x206: {  	p2 =	seq.s32 @!p1 s12, s0  }
0x207: {  	s14 =	simm.s32 $0x0;
	p2 =	por !p2, p1  }
0x208: {  	s2 =	simm.s32 $0xFFFFFFFF;
	s14 =	simm.s32 @p2 $0xFFFFFFFF  }
0x209: {  	s0 =	simm.s32 $0x1;
	s14 =	smov.u32 @p1 s2  }
.LBB3_29:
0x20a: {  	s2 =	smov.u32 s14;
	p1 =	sne.s32 s14, $0xFFFFFFFF  }
0x20b: {  	s13 =	sadd.s32 $0x1, s13;
	s14 =	smov.u32 s0;
	s0 =	sadd.s32 $0x1, s0  }
0x20c: {  	p2 =	sne.s32 s6, s0;
	v1 =	vld.msk @!p1 [tilespmem:s13+$0x0], $0x1;
	_ =	sdelay $0x4  }
0x20d: {  	(v2sf) =	vpush @!p1 v1, $0x0;
	_ =	sdelay $0xe  }
.Ltmp29:
0x20e: {  	s3 =	spop @!p1 (v2sf);
	(pc) =	sbr.rel @p2 .LBB3_29-.Ltmp29, $4  }
0x20f: {  	p3 =	seq.s32 @!p1 s12, s3  }
0x210: {  	p3 =	por !p3, p1  }
0x211: {  	s14 =	simm.s32 @p3 $0xFFFFFFFF  }
0x212: {  	s14 =	smov.u32 @p1 s2  }
.LBB3_30:
0x213: {  	p1 =	seq.s32 s14, $0xFFFFFFFF  }
.Ltmp30:
0x214: {  	_ = 	snop;
	(pc) =	sbr.rel @p1 .LBB3_32-.Ltmp30, $1  }
0x215: {  	_ =	sdelay $0x3  }
0x216: {  	s0 =	sshll.u32 s11, $0x7  }
0x217: {  	s2 =	sshll.u32 s14, $0x9;
	s0 =	sand.u32 $0x3FFFFF80, s0  }
0x218: {  	s2 =	sshra.s32 s2, $0x2;
	v0 =	vld [tilespmem:s0+$0xF238]  }
0x219: {  	v1 =	vld [tilespmem:s2+$0xF238];
	_ =	sdelay $0x4  }
0x21a: {  	v0 =	vmax.f32 v0, v1  }
0x21b: {  	v57 =	vld [tilespmem:s2+$0xF248];
	[tilespmem:s2+$0xF238] =	vst v0  }
0x21c: {  	v0 =	vld [tilespmem:s0+$0xF248];
	_ =	sdelay $0x4  }
0x21d: {  	v0 =	vmax.f32 v0, v57  }
0x21e: {  	v58 =	vld [tilespmem:s2+$0xF258];
	[tilespmem:s2+$0xF248] =	vst v0  }
0x21f: {  	v0 =	vld [tilespmem:s0+$0xF258];
	_ =	sdelay $0x4  }
0x220: {  	v0 =	vmax.f32 v0, v58  }
0x221: {  	v59 =	vld [tilespmem:s2+$0xF268];
	[tilespmem:s2+$0xF258] =	vst v0  }
0x222: {  	v0 =	vld [tilespmem:s0+$0xF268];
	_ =	sdelay $0x4  }
0x223: {  	v0 =	vmax.f32 v0, v59  }
0x224: {  	v60 =	vld [tilespmem:s2+$0xF278];
	[tilespmem:s2+$0xF268] =	vst v0  }
0x225: {  	v0 =	vld [tilespmem:s0+$0xF278];
	_ =	sdelay $0x4  }
0x226: {  	v0 =	vmax.f32 v0, v60  }
0x227: {  	v61 =	vld [tilespmem:s2+$0xF288];
	[tilespmem:s2+$0xF278] =	vst v0  }
0x228: {  	v0 =	vld [tilespmem:s0+$0xF288];
	_ =	sdelay $0x4  }
0x229: {  	v0 =	vmax.f32 v0, v61  }
0x22a: {  	v62 =	vld [tilespmem:s2+$0xF298];
	[tilespmem:s2+$0xF288] =	vst v0  }
0x22b: {  	v0 =	vld [tilespmem:s0+$0xF298];
	_ =	sdelay $0x4  }
0x22c: {  	v0 =	vmax.f32 v0, v62  }
0x22d: {  	v63 =	vld [tilespmem:s2+$0xF2A8];
	[tilespmem:s2+$0xF298] =	vst v0  }
0x22e: {  	v0 =	vld [tilespmem:s0+$0xF2A8];
	_ =	sdelay $0x1  }
.Ltmp31:
0x22f: {  	_ = 	snop;
	(pc) =	sbr.rel .LBB3_33-.Ltmp31, $3  }
0x230: {  	_ =	sdelay $0x1  }
0x231: {  	v0 =	vmax.f32 v0, v63  }
0x232: {  	[tilespmem:s2+$0xF2A8] =	vst v0  }
.LBB3_34:
0x233: {  	s0 =	simm.s32 $0x6;
	p1 =	seq.s32 s6, $0x0  }
0x234: {  	[sflag:s0] =	ssyncpa.u1 $0x1;
	v0 =	vimm.s32 @p1 $0xFFFFFFFF  }
0x235: {  	s9 =	sadd.s32 $0xFFFFFFFF, s6;
	[tilespmem:$0x10238] =	vst @p1 v0  }
0x236: {  	v0 =	vld.msk @!p1 [tilespmem:s9+$0xF218], $0x1;
	_ =	sdelay $0x1  }
0x237: {  	v1 =	vld.msk @!p1 [tilespmem:$0xF218], $0x1;
	_ =	sdelay $0x2  }
0x238: {  	p2 =	seq.s32 @!p1 s9, $0x0;
	v0 =	vbroadcast @!p1 v0, $0x0  }
0x239: {  	vm0 =	vmmov @!p1 $0x1;
	p2 =	por !p2, p1  }
0x23a: {  	v1 =	vnsel @!p1 vm0, $0xFFFFFFFF, v1;
	vm0 =	vcmask @!p1 $0x308;
	v0 =	vpsel !p2, $0xFFFFFFFF, v0  }
0x23b: {  	p2 =	sne.s32 @!p1 s8, s7;
	v0 =	vsel @!p1 vm0, v1, v0  }
0x23c: {  	s0 =	simm.s32 @!p1 $0xF238;
	s2 =	simm.s32 @!p1 $0x0;
	p3 =	por !p2, p1;
	[tilespmem:$0x10238] =	vst @!p1 v0  }
0x23d: {  	[spmem:s2] =	stream.linear.scatter @!p1 [tilespmem:s0], [sflag:$0x1], $0x80, $0x38;
	[tilespmem:$0x1F6F8] =	vst v63  }
0x23e: {  	s0 =	sshll.u32 @!p3 s9, $0x9  }
0x23f: {  	s0 =	sshra.s32 @!p3 s0, $0x2  }
0x240: {  	s2 =	simm.s32 @!p3 $0x80;
	s0 =	sadd.s32 @!p3 $0xF238, s0  }
0x241: {  	[spmem:s2] =	stream.linear.scatter @!p3 [tilespmem:s0], [sflag:$0x1], $0x80, $0x38;
	[tilespmem:$0x1F6F8] =	vst v63  }
0x242: {  	s0 =	simm.s32 @!p3 $0x1  }
0x243: {  	_ =	swait.ge @!p3 [sflag:s0], $0x100  }
0x244: {  	p1 =	por p2, p1;
	[sflag:s0] =	ssyncset.done @!p3 $0x0  }
0x245: {  	[sflag:s0] =	ssyncadd.s32 @!p3 $0xFFFFFF00;
	s0 =	simm.s32 @!p1 $0x1  }
0x246: {  	_ =	swait.ge @!p1 [sflag:s0], $0x80  }
0x247: {  	s29 =	simm.s32 $0x10238;
	[sflag:s0] =	ssyncset.done @!p1 $0x0  }
0x248: {  	s30 =	simm.s32 $0x1000;
	s31 =	simm.s32 $0x1;
	[sflag:s0] =	ssyncadd.s32 @!p1 $0xFFFFFF80  }
0x249: {  	[spmem:s30] =	stream.linear.scatter [tilespmem:s29], [sflag:$0x1], $0x10, $0x38;
	[tilespmem:$0x1F6F8] =	vst v63  }
0x24a: {  	_ =	swait.ge [sflag:s31], $0x10  }
0x24b: {  	[sflag:s31] =	ssyncset.done $0x0  }
0x24c: {  	p1 =	seq.s32 s15, $0x0;
	s8 =	rddreg [dreg:$0x1];
	[sflag:s31] =	ssyncadd.s32 $0xFFFFFFF0  }
0x24d: {  	s2 =	sshll.u32 @p1 s8, $0xE;
	s7 =	rddreg [dreg:$0x2]  }
0x24e: {  	s0 =	sadd.s32 @p1 $0x15C3C, s2;
	s2 =	sshll.u32 @p1 s7, $0x11  }
0x24f: {  	_ =	sfence.stream.spmem;
	s0 =	sor.u32 @p1 s2, s0  }
0x250: {  	[sflag:s0] =	ssyncadd.remote.s32 @p1 $0x1;
	s0 =	simm.s32 @p1 $0x4  }
0x251: {  	s3 =	simm.s32 @!p1 $0x3C;
	s2 =	sand.u32 $0xFFFFFFFE, s8;
	_ =	swait.ge @p1 [sflag:s0], $0x22  }
0x252: {  	s4 =	simm.s32 @!p1 $0x0;
	s2 =	sadd.s32 @!p1 $0x4, s2;
	[sflag:s0] =	ssyncset.done @p1 $0x0  }
0x253: {  	s5 =	simm.s32 @!p1 $0x100;
	[sflag:s0] =	ssyncadd.s32 @p1 $0xFFFFFFDE;
	s0 =	sshll.u32 @!p1 s2, $0x1A  }
0x254: {  	s2 =	sshll.u32 @!p1 s2, $0xD;
	s0 =	sor.u32 @!p1 s0, s7;
	_ =	swait.eq @!p1 [sflag:s3], $0x1  }
0x255: {  	s2 =	sor.u32 @!p1 $0x1C04, s2;
	s3 =	simm.s32 @!p1 $0x1C03;
	s0 =	sor.u32 @!p1 $0x80004000, s0  }
0x256: {  	[spmem:s5], [sflag:s2] =	dma.general @!p1 [spmem:s4], [sflag:s3], length:$0x20, [dreg:$0x0], stride_count:$0x0, ici_dest:s0, dma_misc:DstOpCode:WRITE  }
0x257: {  	p2 =	slt.s32 s9, $0x2;
	s4 =	simm.s32 @!p1 $0x200;
	s5 =	simm.s32 @!p1 $0x202  }
0x258: {  	[spmem:s5], [sflag:s2] =	dma.general @!p1 [spmem:s4], [sflag:s3], length:$0x2, [dreg:$0x0], stride_count:$0x0, ici_dest:s0, dma_misc:DstOpCode:WRITE  }
.Ltmp32:
0x259: {  	s0 =	simm.s32 @!p1 $0x3;
	(pc) =	sbr.rel @p2 .LBB3_38-.Ltmp32, $4  }
0x25a: {  	s2 =	sshll.u32 @!p1 s8, $0xE;
	_ =	swait.ge @!p1 [sflag:s0], $0x22  }
0x25b: {  	s3 =	sshll.u32 @!p1 s7, $0x11;
	s2 =	sadd.s32 @!p1 $0x11C3C, s2;
	[sflag:s0] =	ssyncset.done @!p1 $0x0  }
0x25c: {  	[sflag:s0] =	ssyncadd.s32 @!p1 $0xFFFFFFDE;
	s0 =	sor.u32 @!p1 s3, s2  }
0x25d: {  	[sflag:s0] =	ssyncadd.remote.s32 @!p1 $0xFFFFFFFF;
	s0 =	simm.s32 $0x0  }
0x25e: {  	s0 =	simm.s32 $0xF219  }
0x25f: {  	v0 =	vld.msk [tilespmem:s0+$0x0], $0x1;
	_ =	sdelay $0x4  }
0x260: {  	(v2sf) =	vpush v0, $0x0;
	_ =	sdelay $0xb  }
0x261: {  	s31 =	sadd.s32 $0xFFFFFFFE, s6  }
0x262: {  	s0 =	sadd.s32 $0xFFFFFFFF, s31  }
0x263: {  	p2 =	sne.s32 s0, $0x0  }
.Ltmp33:
0x264: {  	s2 =	spop (v2sf);
	(pc) =	sbr.rel @!p2 .LBB3_37-.Ltmp33, $4  }
0x265: {  	s4 =	simm.s32 $0xF2B8;
	s7 =	simm.s32 $0x0;
	p1 =	sgt.u32 s2, $0xFFFF0  }
0x266: {  	s5 =	simm.s32 $0x0;
	s6 =	simm.s32 $0xF21A;
	s3 =	sand.u32 @!p1 $0xFFFF8, s2  }
0x267: {  	s2 =	sand.u32 @!p1 $0x7, s2;
	s7 =	simm.s32 @!p1 $0x200;
	s3 =	sadd.s32 @!p1 s1, s3  }
0x268: {  	[hbm4b:s3+s2] =	stream.linear.scatter @!p1 [tilespmem:s4], [sflag:$0x5], $0x80, $0x38;
	[tilespmem:$0x1F6F8] =	vst v63  }
.LBB3_36:
0x269: {  	v0 =	vld.msk [tilespmem:s6+$0x0], $0x1;
	s0 =	sadd.s32 $0xFFFFFFFF, s0;
	s5 =	sadd.s32 s5, s7  }
0x26a: {  	p1 =	sne.s32 s0, $0x0;
	_ =	sdelay $0x3  }
0x26b: {  	(v2sf) =	vpush v0, $0x0;
	_ =	sdelay $0xe  }
.Ltmp34:
0x26c: {  	s2 =	spop (v2sf);
	(pc) =	sbr.rel @p1 .LBB3_36-.Ltmp34, $4  }
0x26d: {  	s7 =	simm.s32 $0x0;
	p2 =	sgt.u32 s2, $0xFFFF0  }
0x26e: {  	s4 =	sadd.s32 $0x80, s4;
	s7 =	simm.s32 @!p2 $0x200;
	s3 =	sand.u32 @!p2 $0xFFFF8, s2  }
0x26f: {  	s6 =	sadd.s32 $0x1, s6;
	s2 =	sand.u32 @!p2 $0x7, s2;
	s3 =	sadd.s32 @!p2 s1, s3  }
0x270: {  	[hbm4b:s3+s2] =	stream.linear.scatter @!p2 [tilespmem:s4], [sflag:$0x5], $0x80, $0x38;
	[tilespmem:$0x1F6F8] =	vst v63  }
.LBB3_37:
0x271: {  	s0 =	sadd.s32 s5, s7  }
0x272: {  	s0 =	sshrl.u32 s0, $0x2  }
.LBB3_38:
0x273: {  	s2 =	simm.s32 $0x5  }
0x274: {  	_ =	swait.ge [sflag:s2], s0  }
0x275: {  	s31 =	ssub.s32 $0x0, s0;
	[sflag:s2] =	ssyncset.done $0x0  }
0x276: {  	[sflag:s2] =	ssyncadd.s32 s31  }
0x277: {  	[sflag:s2] =	ssyncpa.u1 $0x1  }
.LBB3_39:
0x278: {  	s0 =	sor.u32 s15, s16  }
0x279: {  	p1 =	sne.s32 s0, $0x0  }
.Ltmp35:
0x27a: {  	_ = 	snop;
	(pc) =	sbr.rel @p1 .LBB3_54-.Ltmp35, $3  }
0x27b: {  	_ =	sdelay $0x1  }
0x27c: {  	[bflag:$0x0] =	sbarrier.arrive $0xFFFF  }
0x27d: {  	_ =	sfence  }
0x27e: {  	s0 =	simm.s32 $0x7  }
0x27f: {  	s2 =	simm.s32 $0x1000;
	s3 =	simm.s32 $0xF218;
	[sflag:s0] =	ssyncpa.u1 $0x0  }
0x280: {  	[tilespmem:s3], [sflag:$0x7] =	stream.linear.gather [spmem:s2], $0x20, $0x38;
	[tilespmem:$0x1F6F8] =	vst v63  }
0x281: {  	s30 =	simm.s32 $0xF238;
	s2 =	simm.s32 $0x0  }
0x282: {  	[tilespmem:s30], [sflag:$0x7] =	stream.linear.gather [spmem:s2], $0x1000, $0x38;
	[tilespmem:$0x1F6F8] =	vst v63  }
.Ltmp36:
0x283: {  	_ = 	snop;
	(pc) =	sbr.rel .LBB3_41-.Ltmp36, $4  }
0x284: {  	_ =	swait.ge [sflag:s0], $0x1020  }
0x285: {  	[sflag:s0] =	ssyncset.done $0x0  }
0x286: {  	s31 =	simm.s32 $0x8;
	[sflag:s0] =	ssyncadd.s32 $0xFFFFEFE0  }
0x287: {  	s3 =	simm.s32 $0x0;
	[sflag:s31] =	ssyncpa.u1 $0x0  }
.LBB3_47:
0x288: {  	p1 =	slt.u32 s4, $0xFFFF1  }
0x289: {  	s0 =	sand.u32 @p1 $0xFFFF8, s4  }
0x28a: {  	s4 =	sand.u32 @p1 $0x7, s4;
	s5 =	simm.s32 @p1 $0xF188;
	s0 =	sadd.s32 @p1 s1, s0  }
0x28b: {  	[tilespmem:s5], [sflag:$0x8] =	stream.linear.gather @p1 [hbm4b:s0+s4], $0x80, $0x38;
	[tilespmem:$0x1F6F8] =	vst v63  }
0x28c: {  	s0 =	simm.s32 @p1 $0x8  }
0x28d: {  	_ =	swait.ge @p1 [sflag:s0], $0x80  }
0x28e: {  	[sflag:s0] =	ssyncset.done @p1 $0x0  }
0x28f: {  	[sflag:s0] =	ssyncadd.s32 @p1 $0xFFFFFF80;
	s0 =	sshll.u32 @p1 s3, $0x9  }
0x290: {  	s4 =	sshrl.u32 @p1 s0, $0x2;
	v1 =	vld @p1 [tilespmem:$0xF188]  }
0x291: {  	v2 =	vld @p1 [tilespmem:s4+$0xF238];
	_ =	sdelay $0x4  }
0x292: {  	v1 =	vmax.f32 @p1 v1, v2  }
0x293: {  	v2 =	vld @p1 [tilespmem:s4+$0xF248];
	[tilespmem:s4+$0xF238] =	vst @p1 v1  }
0x294: {  	v1 =	vld @p1 [tilespmem:$0xF198];
	_ =	sdelay $0x4  }
0x295: {  	v1 =	vmax.f32 @p1 v1, v2  }
0x296: {  	v2 =	vld @p1 [tilespmem:s4+$0xF258];
	[tilespmem:s4+$0xF248] =	vst @p1 v1  }
0x297: {  	v1 =	vld @p1 [tilespmem:$0xF1A8];
	_ =	sdelay $0x4  }
0x298: {  	v1 =	vmax.f32 @p1 v1, v2  }
0x299: {  	v2 =	vld @p1 [tilespmem:s4+$0xF268];
	[tilespmem:s4+$0xF258] =	vst @p1 v1  }
0x29a: {  	v1 =	vld @p1 [tilespmem:$0xF1B8];
	_ =	sdelay $0x4  }
0x29b: {  	v1 =	vmax.f32 @p1 v1, v2  }
0x29c: {  	v2 =	vld @p1 [tilespmem:s4+$0xF278];
	[tilespmem:s4+$0xF268] =	vst @p1 v1  }
0x29d: {  	v1 =	vld @p1 [tilespmem:$0xF1C8];
	_ =	sdelay $0x4  }
0x29e: {  	v1 =	vmax.f32 @p1 v1, v2  }
0x29f: {  	v2 =	vld @p1 [tilespmem:s4+$0xF288];
	[tilespmem:s4+$0xF278] =	vst @p1 v1  }
0x2a0: {  	v1 =	vld @p1 [tilespmem:$0xF1D8];
	_ =	sdelay $0x4  }
0x2a1: {  	v1 =	vmax.f32 @p1 v1, v2  }
0x2a2: {  	v2 =	vld @p1 [tilespmem:s4+$0xF298];
	[tilespmem:s4+$0xF288] =	vst @p1 v1  }
0x2a3: {  	v1 =	vld @p1 [tilespmem:$0xF1E8];
	_ =	sdelay $0x4  }
0x2a4: {  	v1 =	vmax.f32 @p1 v1, v2  }
0x2a5: {  	v2 =	vld @p1 [tilespmem:s4+$0xF2A8];
	[tilespmem:s4+$0xF298] =	vst @p1 v1  }
0x2a6: {  	v1 =	vld @p1 [tilespmem:$0xF1F8];
	_ =	sdelay $0x4  }
0x2a7: {  	s5 =	sshll.u32 @!p1 s3, $0x9;
	v1 =	vmax.f32 @p1 v1, v2  }
0x2a8: {  	s5 =	smov.u32 @p1 s0;
	[tilespmem:s4+$0xF2A8] =	vst @p1 v1  }
0x2a9: {  	s0 =	sshrl.u32 s5, $0x2;
	[tilespmem:s2+$0xF218] =	vst.msk $0x1, v0  }
0x2aa: {  	v0 =	vld [tilespmem:s0+$0xF238];
	_ =	sdelay $0x2  }
0x2ab: {  	s31 =	sshll.u32 s2, $0x9  }
0x2ac: {  	s4 =	sshra.s32 s31, $0x2  }
0x2ad: {  	[tilespmem:s4+$0xF238] =	vst v0  }
0x2ae: {  	v0 =	vld [tilespmem:s0+$0xF248];
	_ =	sdelay $0x4  }
0x2af: {  	[tilespmem:s4+$0xF248] =	vst v0  }
0x2b0: {  	v0 =	vld [tilespmem:s0+$0xF258];
	_ =	sdelay $0x4  }
0x2b1: {  	[tilespmem:s4+$0xF258] =	vst v0  }
0x2b2: {  	v0 =	vld [tilespmem:s0+$0xF268];
	_ =	sdelay $0x4  }
0x2b3: {  	[tilespmem:s4+$0xF268] =	vst v0  }
0x2b4: {  	v0 =	vld [tilespmem:s0+$0xF278];
	_ =	sdelay $0x4  }
0x2b5: {  	[tilespmem:s4+$0xF278] =	vst v0  }
0x2b6: {  	v0 =	vld [tilespmem:s0+$0xF288];
	_ =	sdelay $0x4  }
0x2b7: {  	[tilespmem:s4+$0xF288] =	vst v0  }
0x2b8: {  	v0 =	vld [tilespmem:s0+$0xF298];
	_ =	sdelay $0x4  }
0x2b9: {  	[tilespmem:s4+$0xF298] =	vst v0  }
0x2ba: {  	v0 =	vld [tilespmem:s0+$0xF2A8];
	_ =	sdelay $0x4  }
0x2bb: {  	s2 =	sadd.s32 $0x1, s2;
	[tilespmem:s4+$0xF2A8] =	vst v0  }
.LBB3_48:
0x2bc: {  	s3 =	sadd.s32 $0x1, s3  }
0x2bd: {  	p1 =	sne.s32 s3, $0x20  }
.Ltmp37:
0x2be: {  	_ = 	snop;
	(pc) =	sbr.rel @!p1 .LBB3_49-.Ltmp37, $1  }
0x2bf: {  	_ =	sdelay $0x3  }
.LBB3_41:
0x2c0: {  	v0 =	vld.msk [tilespmem:s3+$0xF218], $0x1;
	_ =	sdelay $0x4  }
0x2c1: {  	(v2sf) =	vpush v0, $0x0;
	_ =	sdelay $0xe  }
0x2c2: {  	s4 =	spop (v2sf)  }
0x2c3: {  	p1 =	seq.s32 s4, $0xFFFFFFFF  }
.Ltmp38:
0x2c4: {  	_ = 	snop;
	(pc) =	sbr.rel @p1 .LBB3_48-.Ltmp38, $1  }
0x2c5: {  	_ =	sdelay $0x3  }
0x2c6: {  	p1 =	slt.s32 s2, $0x1  }
.Ltmp39:
0x2c7: {  	_ = 	snop;
	(pc) =	sbr.rel @p1 .LBB3_47-.Ltmp39, $1  }
0x2c8: {  	_ =	sdelay $0x3  }
0x2c9: {  	s5 =	simm.s32 $0xF218;
	p1 =	por $0x0, $0x0  }
0x2ca: {  	v1 =	vld.msk @!p1 [tilespmem:s5+$0x0], $0x1;
	_ =	sdelay $0x4  }
0x2cb: {  	(v2sf) =	vpush @!p1 v1, $0x0;
	_ =	sdelay $0xd  }
0x2cc: {  	p3 =	sne.s32 s2, $0x1  }
.Ltmp40:
0x2cd: {  	s0 =	spop @!p1 (v2sf);
	(pc) =	sbr.rel @!p3 .LBB3_45-.Ltmp40, $4  }
0x2ce: {  	p2 =	seq.s32 @!p1 s4, s0  }
0x2cf: {  	s6 =	simm.s32 $0x0;
	p2 =	por !p2, p1  }
0x2d0: {  	s7 =	simm.s32 $0xFFFFFFFF;
	s6 =	simm.s32 @p2 $0xFFFFFFFF  }
0x2d1: {  	s0 =	simm.s32 $0x1;
	s6 =	smov.u32 @p1 s7  }
.LBB3_44:
0x2d2: {  	s7 =	smov.u32 s6;
	p1 =	sne.s32 s6, $0xFFFFFFFF  }
0x2d3: {  	s5 =	sadd.s32 $0x1, s5;
	s6 =	smov.u32 s0;
	s0 =	sadd.s32 $0x1, s0  }
0x2d4: {  	p2 =	sne.s32 s2, s0;
	v1 =	vld.msk @!p1 [tilespmem:s5+$0x0], $0x1;
	_ =	sdelay $0x4  }
0x2d5: {  	(v2sf) =	vpush @!p1 v1, $0x0;
	_ =	sdelay $0xe  }
.Ltmp41:
0x2d6: {  	s8 =	spop @!p1 (v2sf);
	(pc) =	sbr.rel @p2 .LBB3_44-.Ltmp41, $4  }
0x2d7: {  	p3 =	seq.s32 @!p1 s4, s8  }
0x2d8: {  	p3 =	por !p3, p1  }
0x2d9: {  	s6 =	simm.s32 @p3 $0xFFFFFFFF  }
0x2da: {  	s6 =	smov.u32 @p1 s7  }
.LBB3_45:
0x2db: {  	p1 =	seq.s32 s6, $0xFFFFFFFF  }
.Ltmp42:
0x2dc: {  	_ = 	snop;
	(pc) =	sbr.rel @p1 .LBB3_47-.Ltmp42, $1  }
0x2dd: {  	_ =	sdelay $0x3  }
0x2de: {  	s0 =	sshll.u32 s3, $0x7  }
0x2df: {  	s4 =	sshll.u32 s6, $0x9;
	s0 =	sand.u32 $0x3FFFFF80, s0  }
0x2e0: {  	s4 =	sshra.s32 s4, $0x2;
	v0 =	vld [tilespmem:s0+$0xF238]  }
0x2e1: {  	v1 =	vld [tilespmem:s4+$0xF238];
	_ =	sdelay $0x4  }
0x2e2: {  	v0 =	vmax.f32 v0, v1  }
0x2e3: {  	v57 =	vld [tilespmem:s4+$0xF248];
	[tilespmem:s4+$0xF238] =	vst v0  }
0x2e4: {  	v0 =	vld [tilespmem:s0+$0xF248];
	_ =	sdelay $0x4  }
0x2e5: {  	v0 =	vmax.f32 v0, v57  }
0x2e6: {  	v58 =	vld [tilespmem:s4+$0xF258];
	[tilespmem:s4+$0xF248] =	vst v0  }
0x2e7: {  	v0 =	vld [tilespmem:s0+$0xF258];
	_ =	sdelay $0x4  }
0x2e8: {  	v0 =	vmax.f32 v0, v58  }
0x2e9: {  	v59 =	vld [tilespmem:s4+$0xF268];
	[tilespmem:s4+$0xF258] =	vst v0  }
0x2ea: {  	v0 =	vld [tilespmem:s0+$0xF268];
	_ =	sdelay $0x4  }
0x2eb: {  	v0 =	vmax.f32 v0, v59  }
0x2ec: {  	v60 =	vld [tilespmem:s4+$0xF278];
	[tilespmem:s4+$0xF268] =	vst v0  }
0x2ed: {  	v0 =	vld [tilespmem:s0+$0xF278];
	_ =	sdelay $0x4  }
0x2ee: {  	v0 =	vmax.f32 v0, v60  }
0x2ef: {  	v61 =	vld [tilespmem:s4+$0xF288];
	[tilespmem:s4+$0xF278] =	vst v0  }
0x2f0: {  	v0 =	vld [tilespmem:s0+$0xF288];
	_ =	sdelay $0x4  }
0x2f1: {  	v0 =	vmax.f32 v0, v61  }
0x2f2: {  	v62 =	vld [tilespmem:s4+$0xF298];
	[tilespmem:s4+$0xF288] =	vst v0  }
0x2f3: {  	v0 =	vld [tilespmem:s0+$0xF298];
	_ =	sdelay $0x4  }
0x2f4: {  	v0 =	vmax.f32 v0, v62  }
0x2f5: {  	v63 =	vld [tilespmem:s4+$0xF2A8];
	[tilespmem:s4+$0xF298] =	vst v0  }
0x2f6: {  	v0 =	vld [tilespmem:s0+$0xF2A8];
	_ =	sdelay $0x1  }
.Ltmp43:
0x2f7: {  	_ = 	snop;
	(pc) =	sbr.rel .LBB3_48-.Ltmp43, $3  }
0x2f8: {  	_ =	sdelay $0x1  }
0x2f9: {  	v0 =	vmax.f32 v0, v63  }
0x2fa: {  	[tilespmem:s4+$0xF2A8] =	vst v0  }
.LBB3_49:
0x2fb: {  	p1 =	slt.s32 s2, $0x1  }
.Ltmp44:
0x2fc: {  	_ = 	snop;
	(pc) =	sbr.rel @p1 .LBB3_53-.Ltmp44, $3  }
0x2fd: {  	_ =	sdelay $0x1  }
0x2fe: {  	s0 =	simm.s32 $0x8  }
0x2ff: {  	s3 =	simm.s32 $0x0;
	[sflag:s0] =	ssyncpa.u1 $0x1  }
0x300: {  	s0 =	simm.s32 $0xF218  }
0x301: {  	v0 =	vld.msk [tilespmem:s0+$0x0], $0x1;
	_ =	sdelay $0x4  }
0x302: {  	(v2sf) =	vpush v0, $0x0;
	_ =	sdelay $0xe  }
0x303: {  	s0 =	sadd.s32 $0xFFFFFFFF, s2;
	s5 =	spop (v2sf)  }
0x304: {  	p2 =	sne.s32 s0, $0x0;
	p1 =	sgt.u32 s5, $0xFFFF0  }
.Ltmp45:
0x305: {  	s6 =	sand.u32 @!p1 $0xFFFF8, s5;
	(pc) =	sbr.rel @!p2 .LBB3_52-.Ltmp45, $4  }
0x306: {  	s4 =	simm.s32 $0xF238;
	s5 =	sand.u32 @!p1 $0x7, s5;
	s2 =	sadd.s32 @!p1 s1, s6  }
0x307: {  	[hbm4b:s2+s5] =	stream.linear.scatter @!p1 [tilespmem:s4], [sflag:$0x7], $0x80, $0x38;
	[tilespmem:$0x1F6F8] =	vst v63  }
0x308: {  	s5 =	simm.s32 $0x0  }
0x309: {  	s2 =	simm.s32 $0xF219;
	s5 =	simm.s32 @!p1 $0x200  }
.LBB3_51:
0x30a: {  	v0 =	vld.msk [tilespmem:s2+$0x0], $0x1;
	s0 =	sadd.s32 $0xFFFFFFFF, s0;
	s3 =	sadd.s32 s3, s5  }
0x30b: {  	p1 =	sne.s32 s0, $0x0;
	_ =	sdelay $0x3  }
0x30c: {  	(v2sf) =	vpush v0, $0x0;
	_ =	sdelay $0xe  }
.Ltmp46:
0x30d: {  	s6 =	spop (v2sf);
	(pc) =	sbr.rel @p1 .LBB3_51-.Ltmp46, $4  }
0x30e: {  	s5 =	simm.s32 $0x0;
	p2 =	sgt.u32 s6, $0xFFFF0  }
0x30f: {  	s4 =	sadd.s32 $0x80, s4;
	s5 =	simm.s32 @!p2 $0x200;
	s7 =	sand.u32 @!p2 $0xFFFF8, s6  }
0x310: {  	s2 =	sadd.s32 $0x1, s2;
	s6 =	sand.u32 @!p2 $0x7, s6;
	s7 =	sadd.s32 @!p2 s1, s7  }
0x311: {  	[hbm4b:s7+s6] =	stream.linear.scatter @!p2 [tilespmem:s4], [sflag:$0x7], $0x80, $0x38;
	[tilespmem:$0x1F6F8] =	vst v63  }
.LBB3_52:
0x312: {  	s0 =	sadd.s32 s3, s5  }
0x313: {  	s3 =	sshrl.u32 s0, $0x2  }
.LBB3_53:
0x314: {  	s0 =	simm.s32 $0x7  }
0x315: {  	_ =	swait.ge [sflag:s0], s3  }
0x316: {  	s1 =	ssub.s32 $0x0, s3;
	[sflag:s0] =	ssyncset.done $0x0  }
0x317: {  	[sflag:s0] =	ssyncadd.s32 s1  }
0x318: {  	[sflag:s0] =	ssyncpa.u1 $0x1  }
.LBB3_54:
0x319: {  	_ =	sfence;
	s0 =	simm.s32 $0x1  }
0x31a: {  	[sflag:s0] =	ssyncpa.u1 $0x1  }
0x31b: {  	_ =	strace $0x90000056  }
0x31c: {  	[bflag:$0x2] =	sbarrier.arrive $0xFFFF  }
0x31d: {  	s0 =	rddreg [dreg:$0x3]  }
0x31e: {  	s0 =	sadd.s32 @!p0 $0x100000, s0  }
0x31f: {  	[sflag:s0] =	ssyncadd.tile.s32 @!p0 $0x1;
	_ =	shalt  }
.Lfunc_end3:
_tile_overlayer_lowered:
.L_overlay_start_3:
0x320: {  	(tag) =	ssettag $0x3  }
0x321: {  	s0 =	rddreg [dreg:$0x0];
	s2 =	stileid.u32  }
0x322: {  	s1 =	rddreg [dreg:$0x1];
	p0 =	sne.s32 s2, $0x0  }
0x323: {  	s3 =	rddreg [dreg:$0x2];
	[bflag:$0x3] =	sbarrier.arrive $0xFFFF;
	s2 =	simm.s32 @!p0 $0x1C01  }
0x324: {  	[timem:s3], [sflag:s2] =	dma.local @!p0 [hbm:s0], s1  }
0x325: {  	s0 =	simm.s32 @!p0 $0x1  }
0x326: {  	_ =	swait.ge @!p0 [sflag:s0], s1  }
0x327: {  	s1 =	ssub.s32 @!p0 $0x0, s1;
	[sflag:s0] =	ssyncset.done @!p0 $0x0  }
0x328: {  	[sflag:s0] =	ssyncadd.s32 @!p0 s1  }
0x329: {  	[bflag:$0x3] =	sbarrier.arrive $0xFFFF  }
0x32a: {  	_ =	shalt  }

// kernel: scatter_offload_async_start.2
scs
__scs_entry_jumppad:
0x0: {  	(pc) =	sbr.rel $0x88, $3  }
0x1: {  	(tag) =	ssettag $0x0;
	lr =	simm.s32 $0x1  }
0x2: {  	[smem:$0x3F8E] =	sst lr;
	_ =	strace $0xD0000000  }
0x3: {  	_ = 	snop  }
0x4: {  	_ = 	snop  }
0x5: {  	_ = 	snop  }
0x6: {  	_ = 	snop  }
0x7: {  	_ = 	snop  }
__scs_overlays_trampoline_lowered:
0x8: {  	[smem:$0x3F9D] =	sst s0  }
0x9: {  	[smem:$0x3F9E] =	sst s1  }
0xa: {  	[smem:$0x3F9F] =	sst s2  }
0xb: {  	[smem:$0x3FA0] =	sst s3  }
0xc: {  	[smem:$0x3FA1] =	sst s4  }
0xd: {  	[smem:$0x3FA2] =	sst s5  }
0xe: {  	[smem:$0x3FA3] =	sst s6  }
0xf: {  	[smem:$0x3FA4] =	sst s7  }
0x10: {  	[smem:$0x3FA5] =	sst s8  }
0x11: {  	[smem:$0x3FA6] =	sst s9;
	s0 =	simm.s32 @!p0 $0x0  }
0x12: {  	s1 =	sld [smem:$0x3F8C];
	s0 =	simm.s32 @p0 $0x1  }
0x13: {  	[smem:$0x3FA7] =	sst s0;
	s0 =	simm.s32 @!p1 $0x0  }
0x14: {  	s2 =	sld [smem:$0x3F8B];
	s0 =	simm.s32 @p1 $0x1  }
0x15: {  	[smem:$0x3FA8] =	sst s0;
	s0 =	simm.s32 @!p2 $0x0  }
0x16: {  	s3 =	sld [smem:$0x3FDB];
	s0 =	simm.s32 @p2 $0x1  }
0x17: {  	s4 =	simm.s32 $0x1BF5;
	[smem:$0x3FAA] =	sst s0  }
0x18: {  	s0 =	sld [smem:$0x3F8D];
	_ =	swait.ge [sflag:s4], $0x0  }
0x19: {  	s7 =	sld [smem:$0x3F8E]  }
0x1a: {  	s8 =	sadd.s32 $0xFFFFE003, lr  }
0x1b: {  	s9 =	sadd.s32 $0xFFFFFEF7, lr;
	s5 =	simm.s32 $0xFFFFFFFF;
	p2 =	slt.u32 s8, $0xFFFFF086  }
0x1c: {  	p1 =	slt.u32 s9, $0xF7A;
	s5 =	simm.s32 @!p2 $0x0  }
0x1d: {  	s5 =	simm.s32 @p1 $0x1;
	p0 =	seq.s32 s7, s2  }
0x1e: {  	s7 =	smul.u32 @!p0 $0xF7A, s2;
	p2 =	seq.s32 @!p0 s5, $0x0  }
0x1f: {  	s9 =	smul.u32 $0xF7A, s1;
	s8 =	simm.s32 @!p0 $0x1BF5;
	p2 =	por !p2, p0  }
0x20: {  	[sflag:s8] =	ssyncset.s32 @!p0 $0xFFFFF086;
	s6 =	sadd.s32 @!p0 s3, s7;
	s7 =	simm.s32 @!p0 $0x108  }
0x21: {  	s3 =	sadd.s32 s3, s9;
	s6 =	sadd.s32 @!p0 $0x88, s6;
	s7 =	simm.s32 @p2 $0x1082  }
0x22: {  	[simem:s7], [sflag:s8] =	dma.local @!p0 [hbm:s6], $0xF7A  }
0x23: {  	s9 =	sor.u32 $0xD0000000, s2;
	s6 =	simm.s32 $0x108;
	_ =	swait.ge @!p0 [sflag:s8], $0x0  }
0x24: {  	s3 =	sadd.s32 $0x88, s3;
	s6 =	simm.s32 @!p1 $0x1082;
	[sflag:s4] =	ssyncset.s32 $0xFFFFF086  }
0x25: {  	[simem:s6], [sflag:s4] =	dma.local [hbm:s3], $0xF7A  }
0x26: {  	[smem:$0x3F8E] =	sst s1;
	(tag) =	ssettag s2;
	_ =	strace s9  }
0x27: {  	s1 =	sld [smem:$0x3F9E]  }
0x28: {  	s2 =	sld [smem:$0x3F9F]  }
0x29: {  	s4 =	sld [smem:$0x3FA1]  }
0x2a: {  	p0 =	seq.s32 s5, $0x0;
	s5 =	sld [smem:$0x3FA2]  }
0x2b: {  	s6 =	sld [smem:$0x3FA3]  }
0x2c: {  	s7 =	sld [smem:$0x3FA4]  }
0x2d: {  	s3 =	simm.s32 $0x108;
	s8 =	sld [smem:$0x3FA5]  }
0x2e: {  	s3 =	simm.s32 @!p0 $0x1082;
	s9 =	sld [smem:$0x3FA6]  }
0x2f: {  	lr =	sadd.s32 s0, s3;
	s0 =	sld [smem:$0x3F9D]  }
0x30: {  	s3 =	sld [smem:$0x3FA0]  }
0x31: {  	[smem:$0x3FA9] =	sst s10  }
0x32: {  	s10 =	sld [smem:$0x3FA7];
	_ =	sdelay $0x3  }
0x33: {  	p0 =	seq.s32 s10, $0x1;
	s10 =	sld [smem:$0x3FA9];
	_ =	sdelay $0x3  }
0x34: {  	[smem:$0x3FA9] =	sst s10  }
0x35: {  	s10 =	sld [smem:$0x3FA8];
	_ =	sdelay $0x3  }
0x36: {  	p1 =	seq.s32 s10, $0x1;
	s10 =	sld [smem:$0x3FA9];
	_ =	sdelay $0x3  }
0x37: {  	[smem:$0x3FA9] =	sst s10  }
0x38: {  	s10 =	sld [smem:$0x3FAA]  }
0x39: {  	_ = 	snop;
	(pc) =	sbr.ind lr, $3  }
0x3a: {  	_ = 	snop  }
0x3b: {  	_ = 	snop  }
0x3c: {  	p2 =	seq.s32 s10, $0x1;
	s10 =	sld [smem:$0x3FA9]  }
0x3d: {  	_ =	shalt  }
0x3e: {  	_ =	shalt  }
0x3f: {  	_ =	shalt  }
0x40: {  	_ =	shalt  }
0x41: {  	_ =	shalt  }
0x42: {  	_ =	shalt  }
0x43: {  	_ =	shalt  }
0x44: {  	_ =	shalt  }
0x45: {  	_ =	shalt  }
0x46: {  	_ =	shalt  }
0x47: {  	_ =	shalt  }
0x48: {  	_ =	shalt  }
0x49: {  	_ =	shalt  }
0x4a: {  	_ =	shalt  }
0x4b: {  	_ =	shalt  }
0x4c: {  	_ =	shalt  }
0x4d: {  	_ =	shalt  }
0x4e: {  	_ =	shalt  }
0x4f: {  	_ =	shalt  }
0x50: {  	_ =	shalt  }
0x51: {  	_ =	shalt  }
0x52: {  	_ =	shalt  }
0x53: {  	_ =	shalt  }
0x54: {  	_ =	shalt  }
0x55: {  	_ =	shalt  }
0x56: {  	_ =	shalt  }
0x57: {  	_ =	shalt  }
0x58: {  	_ =	shalt  }
0x59: {  	_ =	shalt  }
0x5a: {  	_ =	shalt  }
0x5b: {  	_ =	shalt  }
0x5c: {  	_ =	shalt  }
0x5d: {  	_ =	shalt  }
0x5e: {  	_ =	shalt  }
0x5f: {  	_ =	shalt  }
0x60: {  	_ =	shalt  }
0x61: {  	_ =	shalt  }
0x62: {  	_ =	shalt  }
0x63: {  	_ =	shalt  }
0x64: {  	_ =	shalt  }
0x65: {  	_ =	shalt  }
0x66: {  	_ =	shalt  }
0x67: {  	_ =	shalt  }
0x68: {  	_ =	shalt  }
0x69: {  	_ =	shalt  }
0x6a: {  	_ =	shalt  }
0x6b: {  	_ =	shalt  }
0x6c: {  	_ =	shalt  }
0x6d: {  	_ =	shalt  }
0x6e: {  	_ =	shalt  }
0x6f: {  	_ =	shalt  }
0x70: {  	_ =	shalt  }
0x71: {  	_ =	shalt  }
0x72: {  	_ =	shalt  }
0x73: {  	_ =	shalt  }
0x74: {  	_ =	shalt  }
0x75: {  	_ =	shalt  }
0x76: {  	_ =	shalt  }
0x77: {  	_ =	shalt  }
0x78: {  	_ =	shalt  }
0x79: {  	_ =	shalt  }
0x7a: {  	_ =	shalt  }
0x7b: {  	_ =	shalt  }
0x7c: {  	_ =	shalt  }
0x7d: {  	_ =	shalt  }
0x7e: {  	_ =	shalt  }
0x7f: {  	_ =	shalt  }
0x80: {  	_ =	shalt  }
0x81: {  	_ =	shalt  }
0x82: {  	_ =	shalt  }
0x83: {  	_ =	shalt  }
0x84: {  	_ =	shalt  }
0x85: {  	_ =	shalt  }
0x86: {  	_ =	shalt  }
0x87: {  	_ =	shalt  }
.Lfunc_end0:
.L_simem_size_0:
called_computation.2_lowered:
.L_overlay_start_0:
0x88: {  	s2 =	sld [smem:$0x3FD9]  }
0x89: {  	s3 =	sld [smem:$0x3FFE];
	_ =	sdelay $0x1  }
0x8a: {  	s1 =	srdreg.scid  }
0x8b: {  	s0 =	sand.u32 $0x1, s1  }
0x8c: {  	s12 =	sshll.u32 s0, $0xA;
	s2 =	sadd.s32 s3, s2  }
0x8d: {  	s2 =	sadd.s32 s2, s12  }
0x8e: {  	[smem:$0x3FB5] =	sst s2  }
0x8f: {  	_ = 	snop  }
0x90: {  	(tm) =	ssettm $0x1  }
0x91: {  	s13 =	sld [smem:$0x3FFB];
	_ =	sdelay $0x3  }
0x92: {  	_ =	strace s13  }
0x93: {  	s2 =	sld [smem:$0x3FFC];
	_ =	sdelay $0x3  }
0x94: {  	_ =	strace s2  }
0x95: {  	s2 =	sld [smem:$0x3FFD];
	_ =	sdelay $0x3  }
0x96: {  	_ =	strace s2  }
0x97: {  	_ =	strace $0x8FFFFFFF  }
0x98: {  	s14 =	sld [smem:$0x3FDB];
	_ =	sdelay $0x1  }
0x99: {  	s15 =	simm.s32 $_scs_section_size  }
0x9a: {  	s4 =	simm.s32 $_size__tile_overlayer_lowered;
	s5 =	simm.s32 $_tile_overlayer_lowered  }
0x9b: {  	s19 =	simm.s32 $0x1BFF;
	s17 =	sshll.u32 s5, $0x1;
	s6 =	sadd.s32 s15, s14  }
0x9c: {  	s20 =	simm.s32 $0x0;
	s16 =	sshll.u32 s4, $0x1;
	s18 =	sadd.s32 s17, s6  }
0x9d: {  	[timem:s20], [sflag:s19] =	dma.local [hbm:s18], s16  }
0x9e: {  	_ =	swait.ge [sflag:s19], s16  }
0x9f: {  	s3 =	ssub.s32 $0x0, s16;
	[sflag:s19] =	ssyncset.done $0x0  }
0xa0: {  	[sflag:s19] =	ssyncadd.s32 s3;
	_ =	sdelay $0x1  }
0xa1: {  	s21 =	simm.s32 $0x1B8B  }
0xa2: {  	_ =	swait.ge [sflag:s21], $0x1  }
0xa3: {  	[sflag:s21] =	ssyncset.done $0x0  }
0xa4: {  	[sflag:s21] =	ssyncadd.s32 $0xFFFFFFFF  }
0xa5: {  	s3 =	sld [smem:$0x0]  }
0xa6: {  	s4 =	sand.u32 $0xFFFFFFFE, s1  }
0xa7: {  	p0 =	sne.s32 s1, s4  }
0xa8: {  	s4 =	sshll.u32 @p0 s4, $0xE  }
0xa9: {  	s5 =	sadd.s32 @p0 $0x11B8D, s4;
	s7 =	sshll.u32 @p0 s3, $0x11  }
0xaa: {  	s5 =	sor.u32 @p0 s7, s5  }
0xab: {  	[sflag:s5] =	ssyncadd.remote.s32 @p0 $0x1;
	_ =	sdelay $0x1  }
0xac: {  	s5 =	simm.s32 @p0 $0x1B8D  }
0xad: {  	_ =	swait.eq @p0 [sflag:s5], $0x1  }
0xae: {  	[sflag:s5] =	ssyncadd.s32 @p0 $0xFFFFFFFF  }
0xaf: {  	s7 =	sshll.u32 @!p0 s1, $0xE  }
0xb0: {  	s7 =	sor.u32 @!p0 $0x4000, s7;
	s5 =	simm.s32 @!p0 $0x1B8D  }
0xb1: {  	s9 =	sshll.u32 @!p0 s3, $0x11;
	s8 =	sadd.s32 @!p0 $0x11B8D, s7;
	_ =	swait.eq @!p0 [sflag:s5], $0x1  }
0xb2: {  	[sflag:s5] =	ssyncadd.s32 @!p0 $0xFFFFFFFF;
	s5 =	sor.u32 @!p0 s9, s8  }
0xb3: {  	s23 =	simm.s32 $0x1B8E;
	s22 =	sld [smem:$0x3FFE];
	[sflag:s5] =	ssyncadd.remote.s32 @!p0 $0x1  }
0xb4: {  	s24 =	simm.s32 $execute0_lowered;
	[smem:$0x3FD2] =	sst s23  }
0xb5: {  	s8 =	sshll.u32 s24, $0x1;
	_ =	strace $0x8000004C;
	[dreg:$0x1] =	wrdreg $0xFFFFFFFF  }
0xb6: {  	s25 =	simm.s32 $_size_execute0_lowered;
	s8 =	sadd.s32 s6, s8;
	[dreg:$0x0] =	wrdreg $0x0  }
0xb7: {  	s9 =	sshll.u32 s25, $0x1;
	[dreg:$0x2] =	wrdreg s8  }
0xb8: {  	[dreg:$0x3] =	wrdreg s9  }
0xb9: {  	[dreg:$0x4] =	wrdreg $0xC0  }
0xba: {  	s26 =	simm.s32 $execute1_lowered;
	_ =	task [dreg:s20], $0x5FFFF  }
0xbb: {  	s8 =	sshll.u32 s26, $0x1;
	[dreg:$0x1] =	wrdreg $0xFFFFFFFF  }
0xbc: {  	s6 =	sadd.s32 s6, s8;
	[dreg:$0x0] =	wrdreg $0x60  }
0xbd: {  	[dreg:$0x2] =	wrdreg s6  }
0xbe: {  	[dreg:$0x3] =	wrdreg s22  }
0xbf: {  	[dreg:$0x4] =	wrdreg $0xE  }
0xc0: {  	_ =	task.clear_ibuf [dreg:s20], $0x5FFFF;
	_ =	strace $0x9000004C  }
0xc1: {  	s28 =	simm.s32 $0xE;
	_ =	strace $0x8000004E  }
0xc2: {  	_ =	swait.ge [sflag:s28], $0x1  }
0xc3: {  	[sflag:s28] =	ssyncadd.s32 $0xFFFFFFFF  }
0xc4: {  	_ =	strace $0x9000004E  }
0xc5: {  	s6 =	sld [smem:$0x0];
	_ =	sdelay $0x3  }
0xc6: {  	s4 =	sadd.s32 @p0 $0x11BF3, s4;
	s8 =	sshll.u32 @p0 s6, $0x11  }
0xc7: {  	s4 =	sor.u32 @p0 s8, s4  }
0xc8: {  	[sflag:s4] =	ssyncadd.remote.s32 @p0 $0x1;
	_ =	sdelay $0x1  }
0xc9: {  	s4 =	simm.s32 @p0 $0x1BF3  }
0xca: {  	_ =	swait.eq @p0 [sflag:s4], $0x1  }
0xcb: {  	[sflag:s4] =	ssyncadd.s32 @p0 $0xFFFFFFFF;
	_ =	sdelay $0x1  }
0xcc: {  	s4 =	simm.s32 @!p0 $0x1BF3  }
0xcd: {  	s7 =	sadd.s32 @!p0 $0x11BF3, s7;
	s6 =	sshll.u32 @!p0 s6, $0x11;
	_ =	swait.eq @!p0 [sflag:s4], $0x1  }
0xce: {  	[sflag:s4] =	ssyncadd.s32 @!p0 $0xFFFFFFFF;
	s4 =	sor.u32 @!p0 s6, s7  }
0xcf: {  	[sflag:s4] =	ssyncadd.remote.s32 @!p0 $0x1  }
0xd0: {  	_ =	strace $0x8000004F;
	[dreg:$0x1] =	wrdreg $0xFFFFFFFF  }
0xd1: {  	[dreg:$0x0] =	wrdreg $0x2030  }
0xd2: {  	[dreg:$0x2] =	wrdreg s22  }
0xd3: {  	[dreg:$0x3] =	wrdreg s1  }
0xd4: {  	[dreg:$0x4] =	wrdreg s3  }
0xd5: {  	[dreg:$0x5] =	wrdreg $0xF  }
0xd6: {  	_ =	task.clear_ibuf [dreg:s20], $0x6FFFF;
	_ =	strace $0x9000004F  }
0xd7: {  	s29 =	simm.s32 $0xF;
	_ =	strace $0x80000051  }
0xd8: {  	_ =	swait.ge [sflag:s29], $0x1  }
0xd9: {  	[sflag:s29] =	ssyncadd.s32 $0xFFFFFFFF  }
0xda: {  	_ =	strace $0x90000051  }
0xdb: {  	_ =	sfence  }
0xdc: {  	s30 =	sld [smem:$0x0];
	_ =	sdelay $0x2  }
0xdd: {  	s31 =	sshll.u32 s1, $0xD;
	s1 =	sshrl.u32 s1, $0x2  }
0xde: {  	s4 =	sand.u32 $0x4000, s31;
	s1 =	sadd.s32 s1, s30  }
0xdf: {  	s0 =	sor.u32 s4, s0;
	s1 =	sshll.u32 s1, $0x11  }
0xe0: {  	s0 =	sor.u32 s1, s0  }
0xe1: {  	s0 =	sadd.s32 $0x8F2B, s0  }
0xe2: {  	[sflag:s0] =	ssyncadd.remote.s32 $0x1  }
0xe3: {  	_ =	sfence.sel $0xFFFF  }
0xe4: {  	[dreg:$0x0] =	wrdreg $0xFFFFFFFF;
	(pc) =	sbr.abs _section_cstart, $3  }
0xe5: {  	[dreg:$0x1] =	wrdreg $0xFFFFFFFF  }
0xe6: {  	_ =	task.clear_ibuf [dreg:s20], $0x2FFFF;
	_ =	strace $0x9FFFFFFF  }
0xe7: {  	(tm) =	ssettm $0x7FFFFFFF  }
tec
execute0_lowered:
.L_overlay_start_1:
0x0: {  	(tag) =	ssettag $0x1  }
0x1: {  	s2 =	rddreg [dreg:$0x0]  }
0x2: {  	s4 =	rddreg [dreg:$0x1]  }
0x3: {  	s0 =	rddreg [dreg:$0x2];
	s3 =	stileid.u32;
	[bflag:$0x3] =	sbarrier.arrive $0xFFFF  }
0x4: {  	s1 =	simm.s32 $_size_execute1_lowered;
	s29 =	srdreg.scid;
	p0 =	sne.s32 s3, $0x0  }
0x5: {  	s1 =	sshll.u32 s1, $0x1;
	s5 =	simm.s32 @!p0 $0x1C3F;
	s6 =	simm.s32 @!p0 $0x4060  }
0x6: {  	[timem:s6], [sflag:s5] =	dma.local @!p0 [hbm:s2], s1  }
0x7: {  	s2 =	sshll.u32 s29, $0x7  }
0x8: {  	s7 =	simm.s32 $0x1;
	s3 =	sshll.u32 s3, $0x8;
	s2 =	sand.u32 $0x80, s2  }
0x9: {  	s8 =	simm.s32 $0x2;
	s9 =	simm.s32 $0x0;
	s2 =	sor.u32 s3, s2  }
0xa: {  	s12 =	simm.s32 $0x0;
	s11 =	simm.s32 $0x0;
	s30 =	ssub.s32 $0x10000, s2  }
.Ltmp0:
0xb: {  	s5 =	simm.s32 $0x1;
	s31 =	sand.u32 $0xF80, s30;
	(pc) =	sbr.rel .LBB2_1-.Ltmp0, $4  }
0xc: {  	_ =	strace $0x8000004D;
	s3 =	sadd.s32 $0x43800, s4;
	p1 =	sne.s32 s31, $0x0  }
0xd: {  	[sflag:s5] =	ssyncpa.u1 $0x0;
	s6 =	sshrl.u32 s30, $0xC;
	s7 =	simm.s32 @!p1 $0x0  }
0xe: {  	s4 =	sadd.s32 $0x458400, s4;
	[sflag:s8] =	ssyncpa.u1 $0x0;
	s6 =	sadd.s32 s7, s6  }
0xf: {  	s8 =	simm.s32 $0x0;
	s10 =	smov.u32 s2;
	s7 =	sadd.s32 $0x1, s6  }
.LBB2_4:
0x10: {  	_ =	sdelay $0x3  }
0x11: {  	[tilespmem:v0+s14+$0xFFFFFFA0 ss:$0x1] =	vst.idx.msk $0xffff, v6  }
0x12: {  	v56 =	vld.idx.msk [tilespmem:v1+s15+$0x30 ss:$0x1], $0xffff;
	[tilespmem:v0+s14+$0xFFFFFFB0 ss:$0x1] =	vst.idx.msk $0xffff, v4  }
0x13: {  	v57 =	vld.idx.msk [tilespmem:v1+s15+$0xFFFFFFC0 ss:$0x1], $0xffff;
	[tilespmem:v0+s14+$0xFFFFFFC0 ss:$0x1] =	vst.idx.msk $0xffff, v2  }
0x14: {  	v58 =	vld.idx.msk [tilespmem:v1+s15+$0xFFFFFFD0 ss:$0x1], $0xffff;
	[tilespmem:v0+s14+$0xFFFFFFD0 ss:$0x1] =	vst.idx.msk $0xffff, v3  }
0x15: {  	v59 =	vld.idx.msk [tilespmem:v1+s15+$0xFFFFFFE0 ss:$0x1], $0xffff;
	[tilespmem:v0+s14+$0xFFFFFFE0 ss:$0x1] =	vst.idx.msk $0xffff, v5  }
0x16: {  	v60 =	vld.idx.msk [tilespmem:v1+s15+$0xFFFFFFF0 ss:$0x1], $0xffff;
	[tilespmem:v0+s14+$0xFFFFFFF0 ss:$0x1] =	vst.idx.msk $0xffff, v7  }
0x17: {  	v61 =	vld.idx.msk [tilespmem:v1+s15+$0x0 ss:$0x1], $0xffff;
	[tilespmem:v0+s15+$0x0 ss:$0x1] =	vst.idx.msk $0xffff, v56  }
0x18: {  	v62 =	vld.idx.msk [tilespmem:v1+s15+$0x10 ss:$0x1], $0xffff;
	[tilespmem:v0+s15+$0xFFFFFF90 ss:$0x1] =	vst.idx.msk $0xffff, v57  }
0x19: {  	v63 =	vld.idx.msk [tilespmem:v1+s15+$0x20 ss:$0x1], $0xffff;
	[tilespmem:v0+s15+$0xFFFFFFA0 ss:$0x1] =	vst.idx.msk $0xffff, v58  }
0x1a: {  	[tilespmem:v0+s15+$0xFFFFFFB0 ss:$0x1] =	vst.idx.msk $0xffff, v59  }
0x1b: {  	[tilespmem:v0+s15+$0xFFFFFFC0 ss:$0x1] =	vst.idx.msk $0xffff, v60  }
0x1c: {  	s12 =	sshll.u32 s12, $0x4;
	[tilespmem:v0+s15+$0xFFFFFFD0 ss:$0x1] =	vst.idx.msk $0xffff, v61  }
0x1d: {  	s12 =	sand.u32 $0xFFFF0, s12;
	[tilespmem:v0+s15+$0xFFFFFFE0 ss:$0x1] =	vst.idx.msk $0xffff, v62  }
0x1e: {  	s12 =	sadd.s32 s4, s12;
	[tilespmem:v0+s15+$0xFFFFFFF0 ss:$0x1] =	vst.idx.msk $0xffff, v63  }
0x1f: {  	[hbm4b:s12+s8] =	stream.linear.scatter [tilespmem:s13], [sflag:$0x2], $0x4000, $0x38;
	[tilespmem:$0x10000] =	vst v63  }
.LBB2_5:
0x20: {  	s14 =	sadd.s32 $0x1000, s10  }
0x21: {  	p2 =	sgt.s32 s14, $0xFFFF  }
0x22: {  	s14 =	smov.u32 @p2 s2;
	p2 =	sne.s32 s11, s7  }
.Ltmp1:
0x23: {  	p1 =	slt.u32 s11, $0x2;
	(pc) =	sbr.rel @!p2 .LBB2_6-.Ltmp1, $4  }
0x24: {  	s13 =	simm.s32 @!p1 $0x2  }
0x25: {  	s15 =	sadd.s32 $0x1, s11;
	_ =	swait.ge @!p1 [sflag:s13], $0x4000  }
0x26: {  	s12 =	smov.u32 s10;
	s9 =	sadd.s32 $0x4000, s9;
	[sflag:s13] =	ssyncset.done @!p1 $0x0  }
0x27: {  	s11 =	smov.u32 s15;
	s10 =	smov.u32 s14;
	[sflag:s13] =	ssyncadd.s32 @!p1 $0xFFFFC000  }
.LBB2_1:
0x28: {  	p1 =	sge.u32 s11, s6  }
0x29: {  	s13 =	sxor.u32 @!p1 $0xFFFFFFFF, s11;
	s14 =	sshll.u32 @!p1 s10, $0x4  }
0x2a: {  	s31 =	sadd.s32 $0xFFFFFFFF, s11;
	s13 =	sshll.u32 @!p1 s13, $0xE;
	s14 =	sand.u32 @!p1 $0xFFFF0, s14  }
0x2b: {  	s15 =	simm.s32 @!p1 $0x0;
	s13 =	sand.u32 @!p1 $0x4000, s13;
	s14 =	sadd.s32 @!p1 s3, s14  }
0x2c: {  	[tilespmem:s13], [sflag:$0x1] =	stream.linear.gather @!p1 [hbm4b:s14+s15], $0x4000, $0x38;
	[tilespmem:$0x10000] =	vst v63  }
0x2d: {  	p1 =	sge.u32 s31, s6  }
.Ltmp2:
0x2e: {  	_ = 	snop;
	(pc) =	sbr.rel @p1 .LBB2_5-.Ltmp2, $1  }
0x2f: {  	_ =	sdelay $0x3  }
0x30: {  	s13 =	sand.u32 $0x4000, s9  }
0x31: {  	s14 =	sor.u32 $0x40, s13  }
0x32: {  	v1 =	vmov s14;
	_ =	sdelay $0x1  }
0x33: {  	_ =	swait.ge [sflag:s5], $0x4000  }
0x34: {  	[sflag:s5] =	ssyncset.done $0x0  }
0x35: {  	[sflag:s5] =	ssyncadd.s32 $0xFFFFC000;
	s14 =	simm.s32 $0x0  }
0x36: {  	s13 =	sor.u32 $0x8070, s13;
	v7 =	vld.idx.msk [tilespmem:v1+s14+$0x30 ss:$0x1], $0xffff  }
0x37: {  	v0 =	vmov s13;
	v8 =	vld.idx.msk [tilespmem:v1+s14+$0xFFFFFFC0 ss:$0x1], $0xffff  }
0x38: {  	v6 =	vld.idx.msk [tilespmem:v1+s14+$0xFFFFFFD0 ss:$0x1], $0xffff  }
0x39: {  	v4 =	vld.idx.msk [tilespmem:v1+s14+$0xFFFFFFE0 ss:$0x1], $0xffff  }
0x3a: {  	v2 =	vld.idx.msk [tilespmem:v1+s14+$0xFFFFFFF0 ss:$0x1], $0xffff  }
0x3b: {  	s31 =	sshll.u32 s11, $0xE;
	v3 =	vld.idx.msk [tilespmem:v1+s14+$0x0 ss:$0x1], $0xffff  }
0x3c: {  	s13 =	sand.u32 $0x4000, s31;
	v5 =	vld.idx.msk [tilespmem:v1+s14+$0x10 ss:$0x1], $0xffff;
	[tilespmem:v0+s14+$0x0 ss:$0x1] =	vst.idx.msk $0xffff, v7  }
0x3d: {  	s15 =	simm.s32 $0x80;
	s16 =	simm.s32 $0x400;
	s13 =	sor.u32 $0x8000, s13;
	[tilespmem:v0+s14+$0xFFFFFF90 ss:$0x1] =	vst.idx.msk $0xffff, v8;
	v7 =	vld.idx.msk [tilespmem:v1+s14+$0x20 ss:$0x1], $0xffff  }
.LBB2_3:
0x3e: {  	p1 =	sne.s32 s16, $0xFE00;
	v8 =	vld.idx.msk [tilespmem:v1+s15+$0x30 ss:$0x1], $0xffff;
	[tilespmem:v0+s14+$0xFFFFFFA0 ss:$0x1] =	vst.idx.msk $0xffff, v6  }
0x3f: {  	v9 =	vld.idx.msk [tilespmem:v1+s15+$0xFFFFFFC0 ss:$0x1], $0xffff;
	[tilespmem:v0+s14+$0xFFFFFFB0 ss:$0x1] =	vst.idx.msk $0xffff, v4  }
0x40: {  	v6 =	vld.idx.msk [tilespmem:v1+s15+$0xFFFFFFD0 ss:$0x1], $0xffff;
	[tilespmem:v0+s14+$0xFFFFFFC0 ss:$0x1] =	vst.idx.msk $0xffff, v2  }
.Ltmp3:
0x41: {  	v4 =	vld.idx.msk [tilespmem:v1+s15+$0xFFFFFFE0 ss:$0x1], $0xffff;
	[tilespmem:v0+s14+$0xFFFFFFD0 ss:$0x1] =	vst.idx.msk $0xffff, v3;
	(pc) =	sbr.rel @p1 .LBB2_3-.Ltmp3, $4  }
0x42: {  	v2 =	vld.idx.msk [tilespmem:v1+s15+$0xFFFFFFF0 ss:$0x1], $0xffff;
	[tilespmem:v0+s14+$0xFFFFFFE0 ss:$0x1] =	vst.idx.msk $0xffff, v5  }
0x43: {  	v3 =	vld.idx.msk [tilespmem:v1+s15+$0x0 ss:$0x1], $0xffff;
	[tilespmem:v0+s14+$0xFFFFFFF0 ss:$0x1] =	vst.idx.msk $0xffff, v7;
	s14 =	smov.u32 s15  }
0x44: {  	v5 =	vld.idx.msk [tilespmem:v1+s14+$0x10 ss:$0x1], $0xffff;
	[tilespmem:v0+s14+$0x0 ss:$0x1] =	vst.idx.msk $0xffff, v8  }
0x45: {  	s15 =	sshra.s32 s16, $0x2;
	s16 =	sadd.s32 $0x200, s16;
	[tilespmem:v0+s14+$0xFFFFFF90 ss:$0x1] =	vst.idx.msk $0xffff, v9;
	v7 =	vld.idx.msk [tilespmem:v1+s14+$0x20 ss:$0x1], $0xffff  }
.Ltmp4:
0x46: {  	_ = 	snop;
	(pc) =	sbr.rel .LBB2_4-.Ltmp4, $1  }
0x47: {  	_ =	sdelay $0x3  }
.LBB2_6:
0x48: {  	_ =	sfence.sel $0x180000  }
0x49: {  	s2 =	simm.s32 $0x1;
	[bflag:$0x0] =	sbarrier.arrive $0xFFFF  }
0x4a: {  	s31 =	simm.s32 $0x2;
	[sflag:s2] =	ssyncpa.u1 $0x1  }
0x4b: {  	[sflag:s31] =	ssyncpa.u1 $0x1  }
0x4c: {  	_ =	strace $0x9000004D  }
0x4d: {  	s0 =	sadd.s32 @!p0 $0x100000, s0;
	[bflag:$0x2] =	sbarrier.arrive $0xFFFF  }
0x4e: {  	[sflag:s0] =	ssyncadd.tile.s32 @!p0 $0x1;
	s0 =	simm.s32 @!p0 $0x3F  }
0x4f: {  	_ =	swait.ge @!p0 [sflag:s0], s1  }
0x50: {  	s1 =	ssub.s32 @!p0 $0x0, s1;
	[sflag:s0] =	ssyncset.done @!p0 $0x0  }
0x51: {  	[sflag:s0] =	ssyncadd.s32 @!p0 s1  }
0x52: {  	[bflag:$0x3] =	sbarrier.arrive $0xFFFF  }
0x53: {  	_ =	shalt  }
.Lfunc_end2:
execute1_lowered:
.L_overlay_start_2:
0x54: {  	(tag) =	ssettag $0x2  }
0x55: {  	s0 =	rddreg [dreg:$0x0]  }
0x56: {  	s2 =	rddreg [dreg:$0x1];
	_ =	strace $0x80000050;
	s1 =	simm.s32 $0x1  }
0x57: {  	s9 =	simm.s32 $0x108;
	v0 =	vimm.s32 $0x0;
	[sflag:s1] =	ssyncpa.u1 $0x0  }
0x58: {  	[tilespmem:s9+$0x70] =	vst v0  }
0x59: {  	[tilespmem:s9+$0x60] =	vst v0  }
0x5a: {  	[tilespmem:s9+$0x50] =	vst v0  }
0x5b: {  	[tilespmem:s9+$0x40] =	vst v0  }
0x5c: {  	s1 =	sadd.s32 $0x458400, s0;
	[tilespmem:s9+$0x30] =	vst v0  }
0x5d: {  	s15 =	sadd.s32 $0x37000, s0;
	s6 =	sadd.s32 $0x5DEE00, s0;
	[tilespmem:s9+$0x20] =	vst v0  }
0x5e: {  	s14 =	sadd.s32 $0x2E00, s0;
	s5 =	sand.u32 $0x1, s2;
	s0 =	simm.s32 $0x40;
	[tilespmem:s9+$0x10] =	vst v0  }
.LBB3_1:
0x5f: {  	s0 =	sadd.s32 $0x40, s0;
	[tilespmem:s9+$0x0] =	vst v0;
	s9 =	sadd.s32 $0x80, s9  }
0x60: {  	p0 =	slt.u32 s0, $0x3C40;
	[tilespmem:s9+$0x70] =	vst v0  }
0x61: {  	[tilespmem:s9+$0x60] =	vst v0  }
.Ltmp5:
0x62: {  	[tilespmem:s9+$0x50] =	vst v0;
	(pc) =	sbr.rel @p0 .LBB3_1-.Ltmp5, $4  }
0x63: {  	[tilespmem:s9+$0x40] =	vst v0  }
0x64: {  	[tilespmem:s9+$0x30] =	vst v0  }
0x65: {  	[tilespmem:s9+$0x20] =	vst v0  }
0x66: {  	[tilespmem:s9+$0x10] =	vst v0  }
0x67: {  	s16 =	stileid.u32  }
0x68: {  	s0 =	simm.s32 $0x1;
	p0 =	sne.s32 s16, $0x0;
	s2 =	smul.u32 $0xD, s16  }
0x69: {  	s0 =	simm.s32 @!p0 $0x0  }
0x6a: {  	s0 =	sadd.s32 s0, s2  }
0x6b: {  	p1 =	seq.s32 s16, $0x0;
	s7 =	smul.u32 $0xF0, s0;
	s0 =	simm.s32 $0xD20  }
0x6c: {  	s0 =	simm.s32 @!p1 $0xC30  }
0x6d: {  	s0 =	sadd.s32 s0, s7  }
0x6e: {  	s8 =	smin.u32 s0, $0xC350  }
0x6f: {  	s0 =	ssub.s32 s8, s7  }
0x70: {  	p1 =	sgt.s32 s0, $0x0  }
0x71: {  	s3 =	simm.s32 $0x2;
	s10 =	simm.s32 $0x9;
	s0 =	simm.s32 @!p1 $0x0  }
0x72: {  	s4 =	simm.s32 $0xA;
	s11 =	simm.s32 $0xB;
	s29 =	smul.u32 $0x8889, s0  }
0x73: {  	[dreg:$0x4] =	wrdreg s5;
	s31 =	smul.u32 $0x186A, s5;
	s12 =	simm.s32 $0x1  }
0x74: {  	s22 =	simm.s32 $0x0;
	s18 =	simm.s32 $0xC;
	s2 =	sshrl.u32 s29, $0x17  }
0x75: {  	s20 =	simm.s32 $0x0;
	s21 =	simm.s32 $0x0;
	s30 =	smul.u32 $0xF0, s2  }
.Ltmp6:
0x76: {  	[tilespmem:s9+$0x0] =	vst v0;
	v0 =	vimm.s32 $0xFFFFFFFF;
	[sflag:s3] =	ssyncpa.u1 $0x0;
	s16 =	sshll.u32 s16, $0x8;
	(pc) =	sbr.rel .LBB3_3-.Ltmp6, $4  }
0x77: {  	[tilespmem:$0xF208] =	vst v0;
	[sflag:s10] =	ssyncpa.u1 $0x0;
	p1 =	sne.s32 s0, s30;
	s0 =	simm.s32 $0x1  }
0x78: {  	s14 =	sadd.s32 s31, s14;
	[sflag:s4] =	ssyncpa.u1 $0x0;
	s0 =	simm.s32 @!p1 $0x0  }
0x79: {  	s15 =	sadd.s32 s31, s15;
	[sflag:s11] =	ssyncpa.u1 $0x0;
	s13 =	sadd.s32 s2, s0  }
0x7a: {  	v0 =	vlaneseq.u32;
	s19 =	smov.u32 s7;
	p1 =	por $0x0, $0x0;
	s17 =	sadd.s32 $0x1, s13  }
.LBB3_18:
0x7b: {  	s0 =	sshrl.u32 s31, $0x2  }
.LBB3_20:
0x7c: {  	_ =	swait.ge [sflag:s18], s0  }
0x7d: {  	s31 =	ssub.s32 $0x0, s0;
	v1 =	vmov s24;
	vm0 =	veq.s32 v0, $0x0;
	[sflag:s18] =	ssyncset.done $0x0  }
0x7e: {  	vm15 =	veq.s32 v0, $0x2;
	v1 =	vsel vm0, s30, v1;
	[sflag:s18] =	ssyncadd.s32 s31  }
0x7f: {  	v1 =	vsel vm15, s22, v1;
	[sflag:s18] =	ssyncpa.u1 $0x1  }
0x80: {  	[tilespmem:$0xF208] =	vst v1  }
.LBB3_21:
0x81: {  	s0 =	sadd.s32 $0xF0, s19  }
0x82: {  	s2 =	smov.u32 s7;
	p2 =	slt.s32 s0, s8  }
0x83: {  	s2 =	smov.u32 @p2 s0;
	p2 =	sne.s32 s21, s17  }
.Ltmp7:
0x84: {  	_ = 	snop;
	(pc) =	sbr.rel @!p2 .LBB3_22-.Ltmp7, $3  }
0x85: {  	_ =	sdelay $0x1  }
0x86: {  	s22 =	smov.u32 s20;
	s31 =	sadd.s32 $0x1, s21;
	s20 =	smov.u32 s19  }
0x87: {  	p1 =	por !p1, !p1;
	s21 =	smov.u32 s31;
	s19 =	smov.u32 s2  }
.LBB3_3:
0x88: {  	p2 =	sge.u32 s21, s13  }
0x89: {  	s0 =	smulhi.u32 @!p2 $0xAAAAAAAB, s21  }
0x8a: {  	s2 =	smov.u32 s19;
	p3 =	sgt.s32 @!p2 s19, $0xC260  }
0x8b: {  	s3 =	sshra.s32 @!p2 s19, $0x1F;
	p3 =	por !p3, p2;
	s0 =	sshrl.u32 @!p2 s0, $0x1  }
0x8c: {  	s3 =	sand.u32 @!p2 s3, s19;
	s2 =	simm.s32 @p3 $0xC260;
	s0 =	smul.u32 @!p2 $0x3, s0  }
0x8d: {  	s2 =	ssub.s32 @!p2 s2, s3  }
0x8e: {  	s2 =	sadd.s32 @!p2 $0xFFFF3DA0, s2;
	s0 =	ssub.s32 @!p2 s21, s0  }
0x8f: {  	s3 =	sshll.u32 @!p2 s2, $0x2;
	p3 =	sgt.s32 @!p2 s2, $0xEF;
	s0 =	smul.u32 @!p2 $0x3C0, s0  }
0x90: {  	s4 =	sand.u32 @!p2 $0x7, s19;
	s2 =	ssub.s32 @!p2 $0x3C0, s3;
	p3 =	por !p3, p2  }
0x91: {  	s3 =	sshrl.u32 @!p2 s19, $0x3;
	s2 =	sshrl.u32 @!p2 s2, $0x2;
	s0 =	sshrl.u32 @!p2 s0, $0x2  }
0x92: {  	s3 =	sadd.s32 @!p2 s3, s14;
	s2 =	simm.s32 @!p3 $0x0;
	s0 =	sadd.s32 @!p2 $0x10248, s0  }
0x93: {  	[tilespmem:s0], [sflag:$0xA] =	stream.linear.gather @!p2 [hbm4b:s3+s4], s2, $0x38;
	[tilespmem:$0x1F6F8] =	vst v63  }
0x94: {  	s0 =	sadd.s32 $0xFFFFFFFF, s21  }
0x95: {  	p2 =	sge.u32 s0, s13  }
0x96: {  	p3 =	sgt.s32 @!p2 s20, $0xC260  }
0x97: {  	s2 =	smov.u32 s20;
	s3 =	sshra.s32 @!p2 s20, $0x1F;
	p3 =	por !p3, p2  }
0x98: {  	s3 =	sand.u32 @!p2 s3, s20;
	s2 =	simm.s32 @p3 $0xC260  }
0x99: {  	s2 =	ssub.s32 @!p2 s2, s3  }
0x9a: {  	s2 =	sadd.s32 @!p2 $0xFFFF3DA0, s2  }
0x9b: {  	s4 =	sand.u32 @!p2 $0x1, s0;
	s3 =	sshll.u32 @!p2 s2, $0x2  }
0x9c: {  	p3 =	sgt.s32 @!p2 s2, $0xEF;
	s2 =	ssub.s32 @!p2 $0x3C0, s3;
	s3 =	smulhi.u32 @!p2 $0xAAAAAAAB, s0  }
0x9d: {  	s23 =	smul.u32 @!p2 $0x3C0, s4;
	p3 =	por !p3, p2;
	s2 =	sshrl.u32 @!p2 s2, $0x2  }
0x9e: {  	s5 =	simm.s32 @!p2 $0xA;
	s2 =	simm.s32 @!p3 $0x0;
	s3 =	sshrl.u32 @!p2 s3, $0x1  }
0x9f: {  	s23 =	sshrl.u32 @!p2 s23, $0x2;
	_ =	swait.ge @!p2 [sflag:s5], s2;
	s3 =	smul.u32 @!p2 $0x3, s3  }
0xa0: {  	s23 =	sadd.s32 @!p2 $0x10518, s23;
	s24 =	ssub.s32 @!p2 $0x0, s2;
	[sflag:s5] =	ssyncset.done @!p2 $0x0  }
0xa1: {  	[sflag:s5] =	ssyncadd.s32 @!p2 s24;
	s5 =	sshrl.u32 @!p2 s20, $0x3;
	s0 =	ssub.s32 @!p2 s0, s3  }
0xa2: {  	s24 =	sand.u32 @!p2 $0x7, s20;
	s5 =	sadd.s32 @!p2 s5, s15;
	s0 =	smul.u32 @!p2 $0x3C0, s0  }
0xa3: {  	[tilespmem:s23], [sflag:$0xB] =	stream.linear.gather @!p2 [hbm4b:s5+s24], s2, $0x38;
	[tilespmem:$0x1F6F8] =	vst v63  }
0xa4: {  	s3 =	ssub.s32 @!p2 $0xC350, s20;
	s2 =	smul.u32 @!p2 $0x1E000, s4  }
0xa5: {  	p3 =	slt.s32 @!p2 s3, $0xF0  }
0xa6: {  	p3 =	por !p3, p2;
	s0 =	sshrl.u32 @!p2 s0, $0x2;
	s2 =	sshrl.u32 @!p2 s2, $0x2  }
0xa7: {  	s3 =	simm.s32 @p3 $0xF0;
	s0 =	sadd.s32 @!p2 $0x10248, s0;
	s2 =	sor.u32 @!p2 $0x106F8, s2  }
0xa8: {  	[tilespmem:s2], [sflag:$0x9] =	stream.indirect.gather @!p2 [hbm4b:s6+s3], $0x80, s0, s3, $0xb8;
	[tilespmem:$0x1F6F8] =	vst v63  }
0xa9: {  	p2 =	slt.u32 s21, $0x2  }
.Ltmp8:
0xaa: {  	_ = 	snop;
	(pc) =	sbr.rel @p2 .LBB3_21-.Ltmp8, $1  }
0xab: {  	_ =	sdelay $0x3  }
0xac: {  	p2 =	sgt.s32 s22, $0xC260  }
0xad: {  	s0 =	smov.u32 s22;
	s2 =	sshra.s32 s22, $0x1F;
	s3 =	ssub.s32 $0xC350, s22  }
0xae: {  	s0 =	simm.s32 @!p2 $0xC260;
	s2 =	sand.u32 s2, s22;
	p2 =	slt.s32 s3, $0xF0  }
0xaf: {  	s0 =	ssub.s32 s0, s2;
	s3 =	simm.s32 @!p2 $0xF0  }
0xb0: {  	s0 =	sadd.s32 $0xFFFF3DA0, s0;
	s25 =	sshll.u32 s3, $0x7  }
0xb1: {  	s26 =	sshll.u32 s0, $0x2;
	s2 =	sand.u32 $0x3FFFFF80, s25  }
0xb2: {  	p2 =	sgt.s32 s0, $0xEF;
	s29 =	ssub.s32 $0x3C0, s26;
	_ =	swait.ge [sflag:s10], s2  }
0xb3: {  	s2 =	ssub.s32 $0x0, s2;
	[sflag:s10] =	ssyncset.done $0x0;
	s0 =	sshrl.u32 s29, $0x2  }
0xb4: {  	[sflag:s10] =	ssyncadd.s32 s2;
	s0 =	simm.s32 @p2 $0x0  }
0xb5: {  	_ =	swait.ge [sflag:s11], s0  }
0xb6: {  	s0 =	ssub.s32 $0x0, s0;
	[sflag:s11] =	ssyncset.done $0x0  }
0xb7: {  	[sflag:s11] =	ssyncadd.s32 s0  }
0xb8: {  	v1 =	vld [tilespmem:$0xF208];
	_ =	sdelay $0x4  }
0xb9: {  	(v2sf) =	vpush v1, $0x0  }
0xba: {  	(v2sf) =	vpush v1, $0x1  }
0xbb: {  	(v2sf) =	vpush v1, $0x2;
	_ =	sdelay $0x3  }
0xbc: {  	s0 =	sadd.s32 $0xF0, s22  }
0xbd: {  	s2 =	ssub.s32 $0x186A0, s22;
	p2 =	slt.s32 s8, s0  }
0xbe: {  	s0 =	smov.u32 @p2 s8;
	p2 =	sgt.s32 s2, $0x0  }
0xbf: {  	s26 =	ssub.s32 s0, s22;
	s2 =	simm.s32 @!p2 $0x0  }
0xc0: {  	p2 =	slt.s32 s2, s26  }
0xc1: {  	s26 =	smov.u32 @p2 s2  }
0xc2: {  	s25 =	simm.s32 $0x1;
	p2 =	slt.s32 s26, $0x1  }
.Ltmp9:
0xc3: {  	s25 =	simm.s32 @!p1 $0x0;
	(pc) =	sbr.rel @p2 .LBB3_8-.Ltmp9, $4  }
0xc4: {  	s31 =	smul.u32 $0x3C0, s25  }
0xc5: {  	s28 =	spop (v2sf)  }
0xc6: {  	s0 =	sshrl.u32 s31, $0x2;
	s30 =	spop (v2sf)  }
0xc7: {  	s23 =	sadd.s32 $0x10518, s0;
	s22 =	spop (v2sf)  }
0xc8: {  	s0 =	smin.u32 s26, $0x10  }
0xc9: {  	v1 =	vmov s0  }
0xca: {  	p3 =	sgt.s32 s26, $0x10;
	vm1 =	vgt.u32 v1, v0  }
.Ltmp10:
0xcb: {  	_ = 	snop;
	(pc) =	sbr.rel @!p3 .LBB3_7-.Ltmp10, $2  }
0xcc: {  	_ =	sdelay $0x2  }
0xcd: {  	s4 =	simm.s32 $0x10;
	s24 =	sadd.s32 $0xFFFFFFF0, s26;
	s0 =	smov.u32 s23;
	vm0 =	vmmov vm1  }
.LBB3_6:
0xce: {  	s2 =	smin.u32 s24, $0x10;
	s4 =	sadd.s32 $0x10, s4;
	v1 =	vld.msk [tilespmem:s0+$0x0 ss:$0x1], vm1  }
0xcf: {  	v2 =	vmov s2;
	p3 =	slt.s32 s4, s26  }
0xd0: {  	vm1 =	vgt.u32 v2, v0  }
.Ltmp11:
0xd1: {  	(pc) =	sbr.rel @p3 .LBB3_6-.Ltmp11, $3  }
0xd2: {  	_ =	sdelay $0x1  }
0xd3: {  	v1 =	vshll.u32 v1, $0x4  }
0xd4: {  	s24 =	sadd.s32 $0xFFFFFFF0, s24;
	[tilespmem:s0+$0x0] =	vst.msk vm0, v1;
	s0 =	sadd.s32 $0x10, s0;
	vm0 =	vmmov vm1  }
.LBB3_7:
0xd5: {  	_ =	sdelay $0x4  }
0xd6: {  	v1 =	vld.msk [tilespmem:s0+$0x0 ss:$0x1], vm1;
	_ =	sdelay $0x4  }
0xd7: {  	v1 =	vshll.u32 v1, $0x4  }
0xd8: {  	[tilespmem:s0+$0x0] =	vst.msk vm0, v1  }
.LBB3_8:
0xd9: {  	s0 =	sand.u32 $0x1, s21  }
0xda: {  	s2 =	smul.u32 $0x7800, s0  }
0xdb: {  	p3 =	sne.s32 s30, $0xFFFFFFFF  }
0xdc: {  	v1 =	vld @!p3 [tilespmem:s2+$0x106F8];
	_ =	sdelay $0x2  }
0xdd: {  	s0 =	smul.u32 $0xF0, s0;
	_ =	sdelay $0x1  }
0xde: {  	v2 =	vld.msk @!p3 [tilespmem:s0+$0x10518], $0x1;
	[tilespmem:$0x108] =	vst @!p3 v1  }
0xdf: {  	v1 =	vld @!p3 [tilespmem:s2+$0x10708];
	_ =	sdelay $0x4  }
0xe0: {  	[tilespmem:$0x118] =	vst @!p3 v1  }
0xe1: {  	v1 =	vld @!p3 [tilespmem:s2+$0x10718];
	_ =	sdelay $0x4  }
0xe2: {  	[tilespmem:$0x128] =	vst @!p3 v1  }
0xe3: {  	v1 =	vld @!p3 [tilespmem:s2+$0x10728];
	_ =	sdelay $0x4  }
0xe4: {  	[tilespmem:$0x138] =	vst @!p3 v1  }
0xe5: {  	v1 =	vld @!p3 [tilespmem:s2+$0x10738];
	_ =	sdelay $0x4  }
0xe6: {  	[tilespmem:$0x148] =	vst @!p3 v1  }
0xe7: {  	(v2sf) =	vpush @!p3 v2, $0x0;
	v1 =	vld @!p3 [tilespmem:s2+$0x10748];
	_ =	sdelay $0x4  }
0xe8: {  	[tilespmem:$0x158] =	vst @!p3 v1  }
0xe9: {  	v1 =	vld @!p3 [tilespmem:s2+$0x10758];
	_ =	sdelay $0x4  }
0xea: {  	[tilespmem:$0x168] =	vst @!p3 v1  }
0xeb: {  	v1 =	vld @!p3 [tilespmem:s2+$0x10768]  }
.Ltmp12:
0xec: {  	_ = 	snop;
	(pc) =	sbr.rel @p2 .LBB3_19-.Ltmp12, $4  }
0xed: {  	_ = 	snop  }
0xee: {  	s29 =	spop @!p3 (v2sf)  }
0xef: {  	s22 =	simm.s32 @!p3 $0x0;
	s24 =	smov.u32 s29  }
0xf0: {  	s29 =	smov.u32 @p3 s28;
	s24 =	smov.u32 @p3 s30;
	[tilespmem:$0x178] =	vst @!p3 v1;
	[sflag:s18] =	ssyncpa.u1 $0x0  }
0xf1: {  	v1 =	vld.msk [tilespmem:s23+$0x0], $0x1;
	_ =	sdelay $0x4  }
0xf2: {  	(v2sf) =	vpush v1, $0x0;
	_ =	sdelay $0xe  }
0xf3: {  	s2 =	smul.u32 $0x1E000, s25;
	s0 =	spop (v2sf)  }
0xf4: {  	s26 =	ssub.s32 $0x0, s26;
	p2 =	seq.s32 s29, s0  }
0xf5: {  	s30 =	sadd.s32 $0x1, s26;
	s2 =	sshrl.u32 s2, $0x2;
	p3 =	sgt.s32 @!p2 s29, $0x0  }
0xf6: {  	s25 =	sor.u32 $0x10738, s2;
	s2 =	smov.u32 s29;
	p3 =	por !p3, p2  }
0xf7: {  	s2 =	simm.s32 @p3 $0x0;
	p3 =	seq.s32 s30, $0x0  }
.Ltmp13:
0xf8: {  	_ = 	snop;
	(pc) =	sbr.rel @p3 .LBB3_11-.Ltmp13, $4  }
0xf9: {  	_ = 	snop  }
0xfa: {  	s28 =	simm.s32 $0x0;
	s31 =	sadd.s32 $0x1, s23;
	s2 =	smin.u32 @!p2 s2, $0xFFFF0  }
0xfb: {  	s4 =	simm.s32 @!p2 $0x1;
	s5 =	simm.s32 @!p2 $0x7988;
	s3 =	sand.u32 @!p2 $0xFFFF8, s2  }
0xfc: {  	s4 =	smov.u32 @p2 s28;
	s2 =	sand.u32 @!p2 $0x7, s2;
	s3 =	sadd.s32 @!p2 s1, s3  }
.LBB3_10:
0xfd: {  	s9 =	smov.u32 s4  }
0xfe: {  	[tilespmem:s5], [sflag:$0x2] =	stream.linear.gather @!p2 [hbm4b:s3+s2], $0x80, $0x38;
	[tilespmem:$0x1F6F8] =	vst v63  }
0xff: {  	s30 =	sadd.s32 $0x1, s30;
	s2 =	smov.u32 s0;
	v1 =	vld.msk [tilespmem:s31+$0x0], $0x1  }
0x100: {  	p3 =	seq.s32 s30, $0x0;
	_ =	sdelay $0x3  }
0x101: {  	(v2sf) =	vpush v1, $0x0;
	_ =	sdelay $0xe  }
0x102: {  	s0 =	spop (v2sf)  }
0x103: {  	p2 =	seq.s32 s2, s0  }
0x104: {  	p4 =	sgt.s32 @!p2 s2, $0x0;
	s3 =	sshll.u32 @!p2 s4, $0x9;
	s4 =	sadd.s32 @!p2 $0x1, s4  }
.Ltmp14:
0x105: {  	p4 =	por !p4, p2;
	s3 =	sshra.s32 @!p2 s3, $0x2;
	(pc) =	sbr.rel @!p3 .LBB3_10-.Ltmp14, $4  }
0x106: {  	s4 =	smov.u32 @p2 s9;
	s2 =	simm.s32 @p4 $0x0;
	s5 =	sadd.s32 @!p2 $0x7988, s3  }
0x107: {  	s2 =	smin.u32 @!p2 s2, $0xFFFF0  }
0x108: {  	s3 =	sand.u32 @!p2 $0xFFFF8, s2;
	s2 =	sand.u32 @!p2 $0x7, s2  }
0x109: {  	s31 =	sadd.s32 $0x1, s31;
	s3 =	sadd.s32 @!p2 s1, s3  }
.LBB3_11:
0x10a: {  	[tilespmem:s5], [sflag:$0x2] =	stream.linear.gather @!p2 [hbm4b:s3+s2], $0x80, $0x38;
	[tilespmem:$0x1F6F8] =	vst v63  }
.Ltmp15:
0x10b: {  	s0 =	sshll.u32 s4, $0x7;
	(pc) =	sbr.rel .LBB3_12-.Ltmp15, $4  }
0x10c: {  	s30 =	simm.s32 $0x2;
	s0 =	sand.u32 $0x3FFFFF80, s0  }
0x10d: {  	_ =	swait.ge [sflag:s30], s0  }
0x10e: {  	s0 =	ssub.s32 $0x0, s0;
	[sflag:s30] =	ssyncset.done $0x0  }
0x10f: {  	s31 =	simm.s32 $0x0;
	[sflag:s30] =	ssyncadd.s32 s0  }
.LBB3_13:
0x110: {  	s0 =	sshra.s32 s0, $0x2;
	v1 =	vld [tilespmem:s25+$0xFFFFFFC0]  }
0x111: {  	v2 =	vld [tilespmem:s0+$0x108];
	_ =	sdelay $0x4  }
0x112: {  	v1 =	vmax.f32 v1, v2  }
0x113: {  	v2 =	vld [tilespmem:s0+$0x118];
	[tilespmem:s0+$0x108] =	vst v1  }
0x114: {  	v1 =	vld [tilespmem:s25+$0xFFFFFFD0];
	_ =	sdelay $0x4  }
0x115: {  	v1 =	vmax.f32 v1, v2  }
0x116: {  	v2 =	vld [tilespmem:s0+$0x128];
	[tilespmem:s0+$0x118] =	vst v1  }
0x117: {  	v1 =	vld [tilespmem:s25+$0xFFFFFFE0];
	_ =	sdelay $0x4  }
0x118: {  	v1 =	vmax.f32 v1, v2  }
0x119: {  	v2 =	vld [tilespmem:s0+$0x138];
	[tilespmem:s0+$0x128] =	vst v1  }
0x11a: {  	v1 =	vld [tilespmem:s25+$0xFFFFFFF0];
	_ =	sdelay $0x4  }
0x11b: {  	v1 =	vmax.f32 v1, v2  }
0x11c: {  	v2 =	vld [tilespmem:s0+$0x148];
	[tilespmem:s0+$0x138] =	vst v1  }
0x11d: {  	v1 =	vld [tilespmem:s25+$0x0];
	_ =	sdelay $0x4  }
0x11e: {  	v1 =	vmax.f32 v1, v2  }
0x11f: {  	v2 =	vld [tilespmem:s0+$0x158];
	[tilespmem:s0+$0x148] =	vst v1  }
0x120: {  	v1 =	vld [tilespmem:s25+$0x10];
	_ =	sdelay $0x4  }
0x121: {  	v1 =	vmax.f32 v1, v2  }
0x122: {  	v2 =	vld [tilespmem:s0+$0x168];
	[tilespmem:s0+$0x158] =	vst v1  }
0x123: {  	v1 =	vld [tilespmem:s25+$0x20];
	_ =	sdelay $0x4  }
0x124: {  	v1 =	vmax.f32 v1, v2  }
0x125: {  	v2 =	vld [tilespmem:s0+$0x178];
	[tilespmem:s0+$0x168] =	vst v1  }
0x126: {  	v1 =	vld [tilespmem:s25+$0x30];
	_ =	sdelay $0x4  }
0x127: {  	v1 =	vmax.f32 v1, v2  }
0x128: {  	[tilespmem:s0+$0x178] =	vst v1  }
.LBB3_17:
0x129: {  	s26 =	sadd.s32 $0x1, s26  }
0x12a: {  	p2 =	seq.s32 s26, $0x0  }
.Ltmp16:
0x12b: {  	_ = 	snop;
	(pc) =	sbr.rel @p2 .LBB3_18-.Ltmp16, $2  }
0x12c: {  	_ =	sdelay $0x2  }
0x12d: {  	s23 =	sadd.s32 $0x1, s23;
	s25 =	sadd.s32 $0x80, s25;
	s29 =	smov.u32 s30  }
.LBB3_12:
0x12e: {  	v1 =	vld.msk [tilespmem:s23+$0x0], $0x1;
	_ =	sdelay $0x4  }
0x12f: {  	(v2sf) =	vpush v1, $0x0;
	_ =	sdelay $0xe  }
0x130: {  	s30 =	spop (v2sf)  }
0x131: {  	p2 =	sne.s32 s29, s30  }
.Ltmp17:
0x132: {  	_ = 	snop;
	(pc) =	sbr.rel @!p2 .LBB3_13-.Ltmp17, $2  }
0x133: {  	_ =	sdelay $0x2  }
0x134: {  	s0 =	sshll.u32 s22, $0x9  }
0x135: {  	p2 =	seq.s32 s29, s24  }
.Ltmp18:
0x136: {  	_ = 	snop;
	(pc) =	sbr.rel @!p2 .LBB3_15-.Ltmp18, $1  }
0x137: {  	_ =	sdelay $0x3  }
0x138: {  	s0 =	sshra.s32 s0, $0x2  }
.Ltmp19:
0x139: {  	s0 =	sadd.s32 $0x108, s0;
	(pc) =	sbr.rel .LBB3_16-.Ltmp19, $4  }
0x13a: {  	[spmem:s16] =	stream.linear.scatter [tilespmem:s0], [sflag:$0x1], $0x80, $0x38;
	[tilespmem:$0x1F6F8] =	vst v63  }
0x13b: {  	_ =	swait.ge [sflag:s12], $0x80  }
0x13c: {  	[sflag:s12] =	ssyncset.done $0x0  }
0x13d: {  	[sflag:s12] =	ssyncadd.s32 $0xFFFFFF80  }
.LBB3_15:
0x13e: {  	s2 =	sshll.u32 s28, $0x9;
	s0 =	sshra.s32 s0, $0x2  }
0x13f: {  	s2 =	sshra.s32 s2, $0x2;
	v2 =	vld [tilespmem:s0+$0x108]  }
0x140: {  	v1 =	vld [tilespmem:s2+$0x7988];
	_ =	sdelay $0x4  }
0x141: {  	v1 =	vmax.f32 v1, v2  }
0x142: {  	v2 =	vld [tilespmem:s0+$0x118];
	[tilespmem:s0+$0x108] =	vst v1  }
0x143: {  	v1 =	vld [tilespmem:s2+$0x7998];
	_ =	sdelay $0x4  }
0x144: {  	v1 =	vmax.f32 v1, v2  }
0x145: {  	v2 =	vld [tilespmem:s0+$0x128];
	[tilespmem:s0+$0x118] =	vst v1  }
0x146: {  	v1 =	vld [tilespmem:s2+$0x79A8];
	_ =	sdelay $0x4  }
0x147: {  	v1 =	vmax.f32 v1, v2  }
0x148: {  	v2 =	vld [tilespmem:s0+$0x138];
	[tilespmem:s0+$0x128] =	vst v1  }
0x149: {  	v1 =	vld [tilespmem:s2+$0x79B8];
	_ =	sdelay $0x4  }
0x14a: {  	v1 =	vmax.f32 v1, v2  }
0x14b: {  	v2 =	vld [tilespmem:s0+$0x148];
	[tilespmem:s0+$0x138] =	vst v1  }
0x14c: {  	v1 =	vld [tilespmem:s2+$0x79C8];
	_ =	sdelay $0x4  }
0x14d: {  	v1 =	vmax.f32 v1, v2  }
0x14e: {  	v2 =	vld [tilespmem:s0+$0x158];
	[tilespmem:s0+$0x148] =	vst v1  }
0x14f: {  	v1 =	vld [tilespmem:s2+$0x79D8];
	_ =	sdelay $0x4  }
0x150: {  	v1 =	vmax.f32 v1, v2  }
0x151: {  	v2 =	vld [tilespmem:s0+$0x168];
	[tilespmem:s0+$0x158] =	vst v1  }
0x152: {  	v1 =	vld [tilespmem:s2+$0x79E8];
	_ =	sdelay $0x4  }
0x153: {  	v1 =	vmax.f32 v1, v2  }
0x154: {  	v2 =	vld [tilespmem:s0+$0x178];
	[tilespmem:s0+$0x168] =	vst v1  }
0x155: {  	v1 =	vld [tilespmem:s2+$0x79F8];
	_ =	sdelay $0x3  }
0x156: {  	p2 =	sgt.u32 s29, $0xFFFF0  }
0x157: {  	s2 =	sand.u32 @!p2 $0xFFFF8, s29;
	v1 =	vmax.f32 v1, v2  }
0x158: {  	s3 =	sadd.s32 $0x108, s0;
	[tilespmem:s0+$0x178] =	vst v1;
	s0 =	sadd.s32 @!p2 s1, s2;
	s2 =	sand.u32 @!p2 $0x7, s29  }
0x159: {  	[hbm4b:s0+s2] =	stream.linear.scatter @!p2 [tilespmem:s3], [sflag:$0xC], $0x80, $0x38;
	[tilespmem:$0x1F6F8] =	vst v63  }
0x15a: {  	s0 =	simm.s32 $0x0  }
0x15b: {  	s0 =	simm.s32 @!p2 $0x200  }
0x15c: {  	s31 =	sadd.s32 s0, s31  }
.LBB3_16:
0x15d: {  	s0 =	sadd.s32 $0x1, s22  }
0x15e: {  	s2 =	smulhi.u32 $0x88888889, s0;
	_ =	sdelay $0x1  }
0x15f: {  	v1 =	vld [tilespmem:s25+$0xFFFFFFC0];
	s2 =	sshrl.u32 s2, $0x7  }
0x160: {  	s2 =	smul.u32 $0xF0, s2;
	_ =	sdelay $0x1  }
0x161: {  	s22 =	ssub.s32 s0, s2  }
0x162: {  	s0 =	sshll.u32 s22, $0x7  }
0x163: {  	[tilespmem:s0+$0x108] =	vst v1  }
0x164: {  	v1 =	vld [tilespmem:s25+$0xFFFFFFD0];
	_ =	sdelay $0x4  }
0x165: {  	[tilespmem:s0+$0x118] =	vst v1  }
0x166: {  	v1 =	vld [tilespmem:s25+$0xFFFFFFE0];
	_ =	sdelay $0x4  }
0x167: {  	[tilespmem:s0+$0x128] =	vst v1  }
0x168: {  	v1 =	vld [tilespmem:s25+$0xFFFFFFF0];
	_ =	sdelay $0x4  }
0x169: {  	[tilespmem:s0+$0x138] =	vst v1  }
0x16a: {  	v1 =	vld [tilespmem:s25+$0x0];
	_ =	sdelay $0x4  }
0x16b: {  	[tilespmem:s0+$0x148] =	vst v1  }
0x16c: {  	v1 =	vld [tilespmem:s25+$0x10];
	_ =	sdelay $0x4  }
0x16d: {  	[tilespmem:s0+$0x158] =	vst v1  }
0x16e: {  	v1 =	vld [tilespmem:s25+$0x20];
	_ =	sdelay $0x4  }
0x16f: {  	[tilespmem:s0+$0x168] =	vst v1  }
0x170: {  	v1 =	vld [tilespmem:s25+$0x30]  }
.Ltmp20:
0x171: {  	_ = 	snop;
	(pc) =	sbr.rel .LBB3_17-.Ltmp20, $2  }
0x172: {  	_ =	sdelay $0x2  }
0x173: {  	s28 =	sadd.s32 $0x1, s28;
	[tilespmem:s0+$0x178] =	vst v1  }
.LBB3_19:
.Ltmp21:
0x174: {  	(pc) =	sbr.rel .LBB3_20-.Ltmp21, $4  }
0x175: {  	_ = 	snop  }
0x176: {  	s0 =	simm.s32 $0x2  }
0x177: {  	_ =	swait.ge [sflag:s0], $0x0  }
0x178: {  	s30 =	smov.u32 s29;
	[sflag:s0] =	ssyncset.done $0x0;
	s0 =	simm.s32 $0x0  }
.LBB3_22:
0x179: {  	_ =	sfence.sel $0x180000  }
0x17a: {  	s0 =	simm.s32 $0x9;
	[bflag:$0x0] =	sbarrier.arrive $0xFFFF  }
0x17b: {  	s24 =	simm.s32 $0xA;
	[sflag:s0] =	ssyncpa.u1 $0x1  }
0x17c: {  	s25 =	simm.s32 $0xB;
	[sflag:s24] =	ssyncpa.u1 $0x1  }
0x17d: {  	s26 =	simm.s32 $0x2;
	[sflag:s25] =	ssyncpa.u1 $0x1  }
0x17e: {  	[sflag:s26] =	ssyncpa.u1 $0x1  }
0x17f: {  	v0 =	vld [tilespmem:$0xF208];
	_ =	sdelay $0x4  }
0x180: {  	(v2sf) =	vpush v0, $0x0  }
0x181: {  	(v2sf) =	vpush v0, $0x1;
	_ =	sdelay $0x1  }
0x182: {  	(v2sf) =	vpush v0, $0x2;
	_ =	sdelay $0xb  }
0x183: {  	s0 =	spop (v2sf)  }
0x184: {  	s2 =	spop (v2sf)  }
0x185: {  	s3 =	smov.u32 s0;
	p1 =	sne.s32 s0, s2  }
0x186: {  	s4 =	spop (v2sf);
	s3 =	simm.s32 @!p1 $0xFFFFFFFF  }
0x187: {  	v2 =	vimm.s32 $0x1;
	v3 =	vlaneseq.u32;
	p1 =	seq.s32 s4, $0xFFFFFFFF;
	v1 =	vmov s3  }
0x188: {  	s16 =	stileid.u32;
	v0 =	vperm.xlane v0, v2;
	p2 =	sne.s32 @!p1 s0, s2;
	v1 =	vperm.xlane v1, v3  }
0x189: {  	vm0 =	vcmask $0x3F04;
	s6 =	simm.s32 $0xF208;
	s0 =	simm.s32 @!p1 $0x1;
	p2 =	por !p2, p1  }
0x18a: {  	s3 =	sshll.u32 s16, $0x1;
	s2 =	sshll.u32 @!p1 s4, $0x9;
	s0 =	simm.s32 @p2 $0x0;
	v0 =	vsel vm0, v1, v0  }
0x18b: {  	s5 =	sor.u32 $0x1000, s3;
	s2 =	sshra.s32 @!p1 s2, $0x2;
	s0 =	sor.u32 @!p1 s0, s3;
	[tilespmem:$0xF208] =	vst v0  }
0x18c: {  	[spmem:s5] =	stream.linear.scatter [tilespmem:s6], [sflag:$0x1], $0x2, $0x38;
	[tilespmem:$0x1F6F8] =	vst v63  }
0x18d: {  	s2 =	sadd.s32 @!p1 $0x108, s2;
	s0 =	sshll.u32 @!p1 s0, $0x7  }
0x18e: {  	[spmem:s0] =	stream.linear.scatter @!p1 [tilespmem:s2], [sflag:$0x1], $0x80, $0x38;
	[tilespmem:$0x1F6F8] =	vst v63  }
0x18f: {  	s0 =	simm.s32 @!p1 $0x82  }
0x190: {  	s28 =	simm.s32 $0x1;
	s0 =	simm.s32 @p1 $0x2  }
0x191: {  	_ =	swait.ge [sflag:s28], s0  }
0x192: {  	s0 =	ssub.s32 $0x0, s0;
	[sflag:s28] =	ssyncset.done $0x0  }
0x193: {  	[sflag:s28] =	ssyncadd.s32 s0  }
.Ltmp22:
0x194: {  	_ =	sfence.stream.spmem;
	(pc) =	sbr.rel @p0 .LBB3_39-.Ltmp22, $4  }
0x195: {  	s29 =	simm.s32 $0x3;
	[bflag:$0x0] =	sbarrier.arrive $0xFFFF  }
0x196: {  	s30 =	simm.s32 $0x4;
	[sflag:s29] =	ssyncpa.u1 $0x1  }
0x197: {  	s31 =	simm.s32 $0x3C;
	[sflag:s30] =	ssyncpa.u1 $0x1  }
0x198: {  	s15 =	rddreg [dreg:$0x4];
	[sflag:s31] =	ssyncpa.u1 $0x1  }
0x199: {  	_ =	sfence.stream.spmem;
	s0 =	simm.s32 $0x5  }
0x19a: {  	s2 =	simm.s32 $0x1000;
	s3 =	simm.s32 $0xF218;
	[sflag:s0] =	ssyncpa.u1 $0x0  }
0x19b: {  	[tilespmem:s3], [sflag:$0x5] =	stream.linear.gather [spmem:s2], $0x20, $0x38;
	[tilespmem:$0x1F6F8] =	vst v63  }
0x19c: {  	s26 =	simm.s32 $0x0;
	s28 =	simm.s32 $0xF238  }
0x19d: {  	[tilespmem:s28], [sflag:$0x5] =	stream.linear.gather [spmem:s26], $0x1000, $0x38;
	[tilespmem:$0x1F6F8] =	vst v63  }
0x19e: {  	_ =	swait.ge [sflag:s0], $0x1020  }
0x19f: {  	[sflag:s0] =	ssyncset.done $0x0  }
0x1a0: {  	s29 =	simm.s32 $0x0;
	[sflag:s0] =	ssyncadd.s32 $0xFFFFEFE0  }
0x1a1: {  	v0 =	vld.msk [tilespmem:s29+$0xF218], $0x1;
	_ =	sdelay $0x1  }
0x1a2: {  	s30 =	simm.s32 $0x1  }
0x1a3: {  	v1 =	vld.msk [tilespmem:s30+$0xF218], $0x1;
	_ =	sdelay $0x1  }
0x1a4: {  	(v2sf) =	vpush v0, $0x0;
	_ =	sdelay $0x2  }
0x1a5: {  	(v2sf) =	vpush v1, $0x0;
	_ =	sdelay $0x2  }
0x1a6: {  	s31 =	simm.s32 $0x2  }
0x1a7: {  	v0 =	vld.msk [tilespmem:s31+$0xF218], $0x1;
	_ =	sdelay $0x2  }
0x1a8: {  	s4 =	simm.s32 $0xFFFFFFFF;
	s5 =	simm.s32 $0xFFFFFFFF;
	s0 =	simm.s32 $0xC  }
.LBB3_24:
0x1a9: {  	s2 =	smov.u32 s5;
	s3 =	smov.u32 s4  }
0x1aa: {  	s4 =	sshra.s32 s0, $0x2;
	p1 =	sne.s32 s0, $0x7C;
	s0 =	sadd.s32 $0x4, s0;
	(v2sf) =	vpush v0, $0x0  }
0x1ab: {  	v0 =	vld.msk [tilespmem:s4+$0xF218], $0x1  }
.Ltmp23:
0x1ac: {  	(pc) =	sbr.rel @p1 .LBB3_24-.Ltmp23, $4  }
0x1ad: {  	s5 =	spop (v2sf)  }
0x1ae: {  	p2 =	sne.s32 s3, $0xFFFFFFFF;
	s4 =	smov.u32 s5  }
0x1af: {  	p3 =	seq.s32 s5, $0xFFFFFFFF;
	s4 =	smov.u32 @p2 s3  }
0x1b0: {  	s5 =	smov.u32 @p3 s2;
	s4 =	smov.u32 @p3 s3  }
0x1b1: {  	(v2sf) =	vpush v0, $0x0;
	_ =	sdelay $0x8  }
0x1b2: {  	s0 =	spop (v2sf)  }
0x1b3: {  	p1 =	sne.s32 s4, $0xFFFFFFFF;
	s2 =	smov.u32 s0  }
0x1b4: {  	s9 =	simm.s32 $0x6;
	p2 =	seq.s32 s0, $0xFFFFFFFF;
	s2 =	smov.u32 @p1 s4  }
0x1b5: {  	s6 =	simm.s32 $0x0;
	s2 =	smov.u32 @p2 s4;
	s3 =	spop (v2sf)  }
0x1b6: {  	s0 =	smov.u32 @p2 s5;
	p1 =	sne.s32 s2, $0xFFFFFFFF;
	s4 =	smov.u32 s3  }
.Ltmp24:
0x1b7: {  	p2 =	seq.s32 s3, $0xFFFFFFFF;
	s4 =	smov.u32 @p1 s2;
	(pc) =	sbr.rel .LBB3_26-.Ltmp24, $4  }
0x1b8: {  	s10 =	simm.s32 $0xF188;
	s4 =	smov.u32 @p2 s2;
	s7 =	spop (v2sf)  }
0x1b9: {  	s11 =	simm.s32 $0x0;
	p1 =	sne.s32 s4, $0xFFFFFFFF;
	s8 =	smov.u32 s7  }
0x1ba: {  	s3 =	smov.u32 @p2 s0;
	p2 =	seq.s32 s7, $0xFFFFFFFF;
	s8 =	smov.u32 @p1 s4  }
0x1bb: {  	[sflag:s9] =	ssyncpa.u1 $0x0;
	s7 =	smov.u32 @p2 s3;
	s8 =	smov.u32 @p2 s4  }
.LBB3_32:
0x1bc: {  	p1 =	sgt.u32 s12, $0xFFFF0  }
0x1bd: {  	p2 =	seq.s32 @!p1 s12, s8  }
0x1be: {  	p1 =	por p1, p2  }
0x1bf: {  	p2 =	sne.s32 @!p1 s12, s7  }
0x1c0: {  	p1 =	por p1, !p2  }
0x1c1: {  	s0 =	sshll.u32 @p1 s11, $0x9  }
0x1c2: {  	s0 =	sand.u32 @!p1 $0xFFFF8, s12  }
0x1c3: {  	s2 =	sand.u32 @!p1 $0x7, s12;
	s0 =	sadd.s32 @!p1 s1, s0  }
0x1c4: {  	[tilespmem:s10], [sflag:$0x6] =	stream.linear.gather @!p1 [hbm4b:s0+s2], $0x80, $0x38;
	[tilespmem:$0x1F6F8] =	vst v63  }
0x1c5: {  	_ =	swait.ge @!p1 [sflag:s9], $0x80  }
0x1c6: {  	[sflag:s9] =	ssyncset.done @!p1 $0x0  }
0x1c7: {  	s0 =	sshll.u32 @!p1 s11, $0x9;
	[sflag:s9] =	ssyncadd.s32 @!p1 $0xFFFFFF80  }
0x1c8: {  	s2 =	sshrl.u32 @!p1 s0, $0x2;
	v1 =	vld @!p1 [tilespmem:$0xF188]  }
0x1c9: {  	v2 =	vld @!p1 [tilespmem:s2+$0xF238];
	_ =	sdelay $0x4  }
0x1ca: {  	v1 =	vmax.f32 @!p1 v1, v2  }
0x1cb: {  	v2 =	vld @!p1 [tilespmem:s2+$0xF248];
	[tilespmem:s2+$0xF238] =	vst @!p1 v1  }
0x1cc: {  	v1 =	vld @!p1 [tilespmem:$0xF198];
	_ =	sdelay $0x4  }
0x1cd: {  	v1 =	vmax.f32 @!p1 v1, v2  }
0x1ce: {  	v2 =	vld @!p1 [tilespmem:s2+$0xF258];
	[tilespmem:s2+$0xF248] =	vst @!p1 v1  }
0x1cf: {  	v1 =	vld @!p1 [tilespmem:$0xF1A8];
	_ =	sdelay $0x4  }
0x1d0: {  	v1 =	vmax.f32 @!p1 v1, v2  }
0x1d1: {  	v2 =	vld @!p1 [tilespmem:s2+$0xF268];
	[tilespmem:s2+$0xF258] =	vst @!p1 v1  }
0x1d2: {  	v1 =	vld @!p1 [tilespmem:$0xF1B8];
	_ =	sdelay $0x4  }
0x1d3: {  	v1 =	vmax.f32 @!p1 v1, v2  }
0x1d4: {  	v2 =	vld @!p1 [tilespmem:s2+$0xF278];
	[tilespmem:s2+$0xF268] =	vst @!p1 v1  }
0x1d5: {  	v1 =	vld @!p1 [tilespmem:$0xF1C8];
	_ =	sdelay $0x4  }
0x1d6: {  	v1 =	vmax.f32 @!p1 v1, v2  }
0x1d7: {  	v2 =	vld @!p1 [tilespmem:s2+$0xF288];
	[tilespmem:s2+$0xF278] =	vst @!p1 v1  }
0x1d8: {  	v1 =	vld @!p1 [tilespmem:$0xF1D8];
	_ =	sdelay $0x4  }
0x1d9: {  	v1 =	vmax.f32 @!p1 v1, v2  }
0x1da: {  	v2 =	vld @!p1 [tilespmem:s2+$0xF298];
	[tilespmem:s2+$0xF288] =	vst @!p1 v1  }
0x1db: {  	v1 =	vld @!p1 [tilespmem:$0xF1E8];
	_ =	sdelay $0x4  }
0x1dc: {  	v1 =	vmax.f32 @!p1 v1, v2  }
0x1dd: {  	v2 =	vld @!p1 [tilespmem:s2+$0xF2A8];
	[tilespmem:s2+$0xF298] =	vst @!p1 v1  }
0x1de: {  	v1 =	vld @!p1 [tilespmem:$0xF1F8];
	_ =	sdelay $0x4  }
0x1df: {  	v1 =	vmax.f32 @!p1 v1, v2  }
0x1e0: {  	[tilespmem:s2+$0xF2A8] =	vst @!p1 v1  }
0x1e1: {  	s0 =	sshrl.u32 s0, $0x2;
	[tilespmem:s6+$0xF218] =	vst.msk $0x1, v0  }
0x1e2: {  	v0 =	vld [tilespmem:s0+$0xF238];
	_ =	sdelay $0x2  }
0x1e3: {  	s31 =	sshll.u32 s6, $0x9  }
0x1e4: {  	s2 =	sshra.s32 s31, $0x2  }
0x1e5: {  	[tilespmem:s2+$0xF238] =	vst v0  }
0x1e6: {  	v0 =	vld [tilespmem:s0+$0xF248];
	_ =	sdelay $0x4  }
0x1e7: {  	[tilespmem:s2+$0xF248] =	vst v0  }
0x1e8: {  	v0 =	vld [tilespmem:s0+$0xF258];
	_ =	sdelay $0x4  }
0x1e9: {  	[tilespmem:s2+$0xF258] =	vst v0  }
0x1ea: {  	v0 =	vld [tilespmem:s0+$0xF268];
	_ =	sdelay $0x4  }
0x1eb: {  	[tilespmem:s2+$0xF268] =	vst v0  }
0x1ec: {  	v0 =	vld [tilespmem:s0+$0xF278];
	_ =	sdelay $0x4  }
0x1ed: {  	[tilespmem:s2+$0xF278] =	vst v0  }
0x1ee: {  	v0 =	vld [tilespmem:s0+$0xF288];
	_ =	sdelay $0x4  }
0x1ef: {  	[tilespmem:s2+$0xF288] =	vst v0  }
0x1f0: {  	v0 =	vld [tilespmem:s0+$0xF298];
	_ =	sdelay $0x4  }
0x1f1: {  	[tilespmem:s2+$0xF298] =	vst v0  }
0x1f2: {  	v0 =	vld [tilespmem:s0+$0xF2A8];
	_ =	sdelay $0x4  }
0x1f3: {  	s6 =	sadd.s32 $0x1, s6;
	[tilespmem:s2+$0xF2A8] =	vst v0  }
.LBB3_33:
0x1f4: {  	s11 =	sadd.s32 $0x1, s11  }
0x1f5: {  	p1 =	sne.s32 s11, $0x20  }
.Ltmp25:
0x1f6: {  	_ = 	snop;
	(pc) =	sbr.rel @!p1 .LBB3_34-.Ltmp25, $1  }
0x1f7: {  	_ =	sdelay $0x3  }
.LBB3_26:
0x1f8: {  	v0 =	vld.msk [tilespmem:s11+$0xF218], $0x1;
	_ =	sdelay $0x4  }
0x1f9: {  	(v2sf) =	vpush v0, $0x0;
	_ =	sdelay $0xe  }
0x1fa: {  	s12 =	spop (v2sf)  }
0x1fb: {  	p1 =	seq.s32 s12, $0xFFFFFFFF  }
.Ltmp26:
0x1fc: {  	_ = 	snop;
	(pc) =	sbr.rel @p1 .LBB3_33-.Ltmp26, $1  }
0x1fd: {  	_ =	sdelay $0x3  }
0x1fe: {  	p1 =	slt.s32 s6, $0x1  }
.Ltmp27:
0x1ff: {  	_ = 	snop;
	(pc) =	sbr.rel @p1 .LBB3_32-.Ltmp27, $1  }
0x200: {  	_ =	sdelay $0x3  }
0x201: {  	s13 =	simm.s32 $0xF218;
	p1 =	por $0x0, $0x0  }
0x202: {  	v1 =	vld.msk @!p1 [tilespmem:s13+$0x0], $0x1;
	_ =	sdelay $0x4  }
0x203: {  	(v2sf) =	vpush @!p1 v1, $0x0;
	_ =	sdelay $0xd  }
0x204: {  	p3 =	sne.s32 s6, $0x1  }
.Ltmp28:
0x205: {  	s0 =	spop @!p1 (v2sf);
	(pc) =	sbr.rel @!p3 .LBB3_30-.Ltmp28, $4  }
0x206: {  	p2 =	seq.s32 @!p1 s12, s0  }
0x207: {  	s14 =	simm.s32 $0x0;
	p2 =	por !p2, p1  }
0x208: {  	s2 =	simm.s32 $0xFFFFFFFF;
	s14 =	simm.s32 @p2 $0xFFFFFFFF  }
0x209: {  	s0 =	simm.s32 $0x1;
	s14 =	smov.u32 @p1 s2  }
.LBB3_29:
0x20a: {  	s2 =	smov.u32 s14;
	p1 =	sne.s32 s14, $0xFFFFFFFF  }
0x20b: {  	s13 =	sadd.s32 $0x1, s13;
	s14 =	smov.u32 s0;
	s0 =	sadd.s32 $0x1, s0  }
0x20c: {  	p2 =	sne.s32 s6, s0;
	v1 =	vld.msk @!p1 [tilespmem:s13+$0x0], $0x1;
	_ =	sdelay $0x4  }
0x20d: {  	(v2sf) =	vpush @!p1 v1, $0x0;
	_ =	sdelay $0xe  }
.Ltmp29:
0x20e: {  	s3 =	spop @!p1 (v2sf);
	(pc) =	sbr.rel @p2 .LBB3_29-.Ltmp29, $4  }
0x20f: {  	p3 =	seq.s32 @!p1 s12, s3  }
0x210: {  	p3 =	por !p3, p1  }
0x211: {  	s14 =	simm.s32 @p3 $0xFFFFFFFF  }
0x212: {  	s14 =	smov.u32 @p1 s2  }
.LBB3_30:
0x213: {  	p1 =	seq.s32 s14, $0xFFFFFFFF  }
.Ltmp30:
0x214: {  	_ = 	snop;
	(pc) =	sbr.rel @p1 .LBB3_32-.Ltmp30, $1  }
0x215: {  	_ =	sdelay $0x3  }
0x216: {  	s0 =	sshll.u32 s11, $0x7  }
0x217: {  	s2 =	sshll.u32 s14, $0x9;
	s0 =	sand.u32 $0x3FFFFF80, s0  }
0x218: {  	s2 =	sshra.s32 s2, $0x2;
	v0 =	vld [tilespmem:s0+$0xF238]  }
0x219: {  	v1 =	vld [tilespmem:s2+$0xF238];
	_ =	sdelay $0x4  }
0x21a: {  	v0 =	vmax.f32 v0, v1  }
0x21b: {  	v57 =	vld [tilespmem:s2+$0xF248];
	[tilespmem:s2+$0xF238] =	vst v0  }
0x21c: {  	v0 =	vld [tilespmem:s0+$0xF248];
	_ =	sdelay $0x4  }
0x21d: {  	v0 =	vmax.f32 v0, v57  }
0x21e: {  	v58 =	vld [tilespmem:s2+$0xF258];
	[tilespmem:s2+$0xF248] =	vst v0  }
0x21f: {  	v0 =	vld [tilespmem:s0+$0xF258];
	_ =	sdelay $0x4  }
0x220: {  	v0 =	vmax.f32 v0, v58  }
0x221: {  	v59 =	vld [tilespmem:s2+$0xF268];
	[tilespmem:s2+$0xF258] =	vst v0  }
0x222: {  	v0 =	vld [tilespmem:s0+$0xF268];
	_ =	sdelay $0x4  }
0x223: {  	v0 =	vmax.f32 v0, v59  }
0x224: {  	v60 =	vld [tilespmem:s2+$0xF278];
	[tilespmem:s2+$0xF268] =	vst v0  }
0x225: {  	v0 =	vld [tilespmem:s0+$0xF278];
	_ =	sdelay $0x4  }
0x226: {  	v0 =	vmax.f32 v0, v60  }
0x227: {  	v61 =	vld [tilespmem:s2+$0xF288];
	[tilespmem:s2+$0xF278] =	vst v0  }
0x228: {  	v0 =	vld [tilespmem:s0+$0xF288];
	_ =	sdelay $0x4  }
0x229: {  	v0 =	vmax.f32 v0, v61  }
0x22a: {  	v62 =	vld [tilespmem:s2+$0xF298];
	[tilespmem:s2+$0xF288] =	vst v0  }
0x22b: {  	v0 =	vld [tilespmem:s0+$0xF298];
	_ =	sdelay $0x4  }
0x22c: {  	v0 =	vmax.f32 v0, v62  }
0x22d: {  	v63 =	vld [tilespmem:s2+$0xF2A8];
	[tilespmem:s2+$0xF298] =	vst v0  }
0x22e: {  	v0 =	vld [tilespmem:s0+$0xF2A8];
	_ =	sdelay $0x1  }
.Ltmp31:
0x22f: {  	_ = 	snop;
	(pc) =	sbr.rel .LBB3_33-.Ltmp31, $3  }
0x230: {  	_ =	sdelay $0x1  }
0x231: {  	v0 =	vmax.f32 v0, v63  }
0x232: {  	[tilespmem:s2+$0xF2A8] =	vst v0  }
.LBB3_34:
0x233: {  	s0 =	simm.s32 $0x6;
	p1 =	seq.s32 s6, $0x0  }
0x234: {  	[sflag:s0] =	ssyncpa.u1 $0x1;
	v0 =	vimm.s32 @p1 $0xFFFFFFFF  }
0x235: {  	s9 =	sadd.s32 $0xFFFFFFFF, s6;
	[tilespmem:$0x10238] =	vst @p1 v0  }
0x236: {  	v0 =	vld.msk @!p1 [tilespmem:s9+$0xF218], $0x1;
	_ =	sdelay $0x1  }
0x237: {  	v1 =	vld.msk @!p1 [tilespmem:$0xF218], $0x1;
	_ =	sdelay $0x2  }
0x238: {  	p2 =	seq.s32 @!p1 s9, $0x0;
	v0 =	vbroadcast @!p1 v0, $0x0  }
0x239: {  	vm0 =	vmmov @!p1 $0x1;
	p2 =	por !p2, p1  }
0x23a: {  	v1 =	vnsel @!p1 vm0, $0xFFFFFFFF, v1;
	vm0 =	vcmask @!p1 $0x308;
	v0 =	vpsel !p2, $0xFFFFFFFF, v0  }
0x23b: {  	p2 =	sne.s32 @!p1 s8, s7;
	v0 =	vsel @!p1 vm0, v1, v0  }
0x23c: {  	s0 =	simm.s32 @!p1 $0xF238;
	s2 =	simm.s32 @!p1 $0x0;
	p3 =	por !p2, p1;
	[tilespmem:$0x10238] =	vst @!p1 v0  }
0x23d: {  	[spmem:s2] =	stream.linear.scatter @!p1 [tilespmem:s0], [sflag:$0x1], $0x80, $0x38;
	[tilespmem:$0x1F6F8] =	vst v63  }
0x23e: {  	s0 =	sshll.u32 @!p3 s9, $0x9  }
0x23f: {  	s0 =	sshra.s32 @!p3 s0, $0x2  }
0x240: {  	s2 =	simm.s32 @!p3 $0x80;
	s0 =	sadd.s32 @!p3 $0xF238, s0  }
0x241: {  	[spmem:s2] =	stream.linear.scatter @!p3 [tilespmem:s0], [sflag:$0x1], $0x80, $0x38;
	[tilespmem:$0x1F6F8] =	vst v63  }
0x242: {  	s0 =	simm.s32 @!p3 $0x1  }
0x243: {  	_ =	swait.ge @!p3 [sflag:s0], $0x100  }
0x244: {  	p1 =	por p2, p1;
	[sflag:s0] =	ssyncset.done @!p3 $0x0  }
0x245: {  	[sflag:s0] =	ssyncadd.s32 @!p3 $0xFFFFFF00;
	s0 =	simm.s32 @!p1 $0x1  }
0x246: {  	_ =	swait.ge @!p1 [sflag:s0], $0x80  }
0x247: {  	s29 =	simm.s32 $0x10238;
	[sflag:s0] =	ssyncset.done @!p1 $0x0  }
0x248: {  	s30 =	simm.s32 $0x1000;
	s31 =	simm.s32 $0x1;
	[sflag:s0] =	ssyncadd.s32 @!p1 $0xFFFFFF80  }
0x249: {  	[spmem:s30] =	stream.linear.scatter [tilespmem:s29], [sflag:$0x1], $0x10, $0x38;
	[tilespmem:$0x1F6F8] =	vst v63  }
0x24a: {  	_ =	swait.ge [sflag:s31], $0x10  }
0x24b: {  	[sflag:s31] =	ssyncset.done $0x0  }
0x24c: {  	p1 =	seq.s32 s15, $0x0;
	s8 =	rddreg [dreg:$0x1];
	[sflag:s31] =	ssyncadd.s32 $0xFFFFFFF0  }
0x24d: {  	s2 =	sshll.u32 @p1 s8, $0xE;
	s7 =	rddreg [dreg:$0x2]  }
0x24e: {  	s0 =	sadd.s32 @p1 $0x15C3C, s2;
	s2 =	sshll.u32 @p1 s7, $0x11  }
0x24f: {  	_ =	sfence.stream.spmem;
	s0 =	sor.u32 @p1 s2, s0  }
0x250: {  	[sflag:s0] =	ssyncadd.remote.s32 @p1 $0x1;
	s0 =	simm.s32 @p1 $0x4  }
0x251: {  	s3 =	simm.s32 @!p1 $0x3C;
	s2 =	sand.u32 $0xFFFFFFFE, s8;
	_ =	swait.ge @p1 [sflag:s0], $0x22  }
0x252: {  	s4 =	simm.s32 @!p1 $0x0;
	s2 =	sadd.s32 @!p1 $0x4, s2;
	[sflag:s0] =	ssyncset.done @p1 $0x0  }
0x253: {  	s5 =	simm.s32 @!p1 $0x100;
	[sflag:s0] =	ssyncadd.s32 @p1 $0xFFFFFFDE;
	s0 =	sshll.u32 @!p1 s2, $0x1A  }
0x254: {  	s2 =	sshll.u32 @!p1 s2, $0xD;
	s0 =	sor.u32 @!p1 s0, s7;
	_ =	swait.eq @!p1 [sflag:s3], $0x1  }
0x255: {  	s2 =	sor.u32 @!p1 $0x1C04, s2;
	s3 =	simm.s32 @!p1 $0x1C03;
	s0 =	sor.u32 @!p1 $0x80004000, s0  }
0x256: {  	[spmem:s5], [sflag:s2] =	dma.general @!p1 [spmem:s4], [sflag:s3], length:$0x20, [dreg:$0x0], stride_count:$0x0, ici_dest:s0, dma_misc:DstOpCode:WRITE  }
0x257: {  	p2 =	slt.s32 s9, $0x2;
	s4 =	simm.s32 @!p1 $0x200;
	s5 =	simm.s32 @!p1 $0x202  }
0x258: {  	[spmem:s5], [sflag:s2] =	dma.general @!p1 [spmem:s4], [sflag:s3], length:$0x2, [dreg:$0x0], stride_count:$0x0, ici_dest:s0, dma_misc:DstOpCode:WRITE  }
.Ltmp32:
0x259: {  	s0 =	simm.s32 @!p1 $0x3;
	(pc) =	sbr.rel @p2 .LBB3_38-.Ltmp32, $4  }
0x25a: {  	s2 =	sshll.u32 @!p1 s8, $0xE;
	_ =	swait.ge @!p1 [sflag:s0], $0x22  }
0x25b: {  	s3 =	sshll.u32 @!p1 s7, $0x11;
	s2 =	sadd.s32 @!p1 $0x11C3C, s2;
	[sflag:s0] =	ssyncset.done @!p1 $0x0  }
0x25c: {  	[sflag:s0] =	ssyncadd.s32 @!p1 $0xFFFFFFDE;
	s0 =	sor.u32 @!p1 s3, s2  }
0x25d: {  	[sflag:s0] =	ssyncadd.remote.s32 @!p1 $0xFFFFFFFF;
	s0 =	simm.s32 $0x0  }
0x25e: {  	s0 =	simm.s32 $0xF219  }
0x25f: {  	v0 =	vld.msk [tilespmem:s0+$0x0], $0x1;
	_ =	sdelay $0x4  }
0x260: {  	(v2sf) =	vpush v0, $0x0;
	_ =	sdelay $0xb  }
0x261: {  	s31 =	sadd.s32 $0xFFFFFFFE, s6  }
0x262: {  	s0 =	sadd.s32 $0xFFFFFFFF, s31  }
0x263: {  	p2 =	sne.s32 s0, $0x0  }
.Ltmp33:
0x264: {  	s2 =	spop (v2sf);
	(pc) =	sbr.rel @!p2 .LBB3_37-.Ltmp33, $4  }
0x265: {  	s4 =	simm.s32 $0xF2B8;
	s7 =	simm.s32 $0x0;
	p1 =	sgt.u32 s2, $0xFFFF0  }
0x266: {  	s5 =	simm.s32 $0x0;
	s6 =	simm.s32 $0xF21A;
	s3 =	sand.u32 @!p1 $0xFFFF8, s2  }
0x267: {  	s2 =	sand.u32 @!p1 $0x7, s2;
	s7 =	simm.s32 @!p1 $0x200;
	s3 =	sadd.s32 @!p1 s1, s3  }
0x268: {  	[hbm4b:s3+s2] =	stream.linear.scatter @!p1 [tilespmem:s4], [sflag:$0x5], $0x80, $0x38;
	[tilespmem:$0x1F6F8] =	vst v63  }
.LBB3_36:
0x269: {  	v0 =	vld.msk [tilespmem:s6+$0x0], $0x1;
	s0 =	sadd.s32 $0xFFFFFFFF, s0;
	s5 =	sadd.s32 s5, s7  }
0x26a: {  	p1 =	sne.s32 s0, $0x0;
	_ =	sdelay $0x3  }
0x26b: {  	(v2sf) =	vpush v0, $0x0;
	_ =	sdelay $0xe  }
.Ltmp34:
0x26c: {  	s2 =	spop (v2sf);
	(pc) =	sbr.rel @p1 .LBB3_36-.Ltmp34, $4  }
0x26d: {  	s7 =	simm.s32 $0x0;
	p2 =	sgt.u32 s2, $0xFFFF0  }
0x26e: {  	s4 =	sadd.s32 $0x80, s4;
	s7 =	simm.s32 @!p2 $0x200;
	s3 =	sand.u32 @!p2 $0xFFFF8, s2  }
0x26f: {  	s6 =	sadd.s32 $0x1, s6;
	s2 =	sand.u32 @!p2 $0x7, s2;
	s3 =	sadd.s32 @!p2 s1, s3  }
0x270: {  	[hbm4b:s3+s2] =	stream.linear.scatter @!p2 [tilespmem:s4], [sflag:$0x5], $0x80, $0x38;
	[tilespmem:$0x1F6F8] =	vst v63  }
.LBB3_37:
0x271: {  	s0 =	sadd.s32 s5, s7  }
0x272: {  	s0 =	sshrl.u32 s0, $0x2  }
.LBB3_38:
0x273: {  	s2 =	simm.s32 $0x5  }
0x274: {  	_ =	swait.ge [sflag:s2], s0  }
0x275: {  	s31 =	ssub.s32 $0x0, s0;
	[sflag:s2] =	ssyncset.done $0x0  }
0x276: {  	[sflag:s2] =	ssyncadd.s32 s31  }
0x277: {  	[sflag:s2] =	ssyncpa.u1 $0x1  }
.LBB3_39:
0x278: {  	s0 =	sor.u32 s15, s16  }
0x279: {  	p1 =	sne.s32 s0, $0x0  }
.Ltmp35:
0x27a: {  	_ = 	snop;
	(pc) =	sbr.rel @p1 .LBB3_54-.Ltmp35, $3  }
0x27b: {  	_ =	sdelay $0x1  }
0x27c: {  	[bflag:$0x0] =	sbarrier.arrive $0xFFFF  }
0x27d: {  	_ =	sfence  }
0x27e: {  	s0 =	simm.s32 $0x7  }
0x27f: {  	s2 =	simm.s32 $0x1000;
	s3 =	simm.s32 $0xF218;
	[sflag:s0] =	ssyncpa.u1 $0x0  }
0x280: {  	[tilespmem:s3], [sflag:$0x7] =	stream.linear.gather [spmem:s2], $0x20, $0x38;
	[tilespmem:$0x1F6F8] =	vst v63  }
0x281: {  	s30 =	simm.s32 $0xF238;
	s2 =	simm.s32 $0x0  }
0x282: {  	[tilespmem:s30], [sflag:$0x7] =	stream.linear.gather [spmem:s2], $0x1000, $0x38;
	[tilespmem:$0x1F6F8] =	vst v63  }
.Ltmp36:
0x283: {  	_ = 	snop;
	(pc) =	sbr.rel .LBB3_41-.Ltmp36, $4  }
0x284: {  	_ =	swait.ge [sflag:s0], $0x1020  }
0x285: {  	[sflag:s0] =	ssyncset.done $0x0  }
0x286: {  	s31 =	simm.s32 $0x8;
	[sflag:s0] =	ssyncadd.s32 $0xFFFFEFE0  }
0x287: {  	s3 =	simm.s32 $0x0;
	[sflag:s31] =	ssyncpa.u1 $0x0  }
.LBB3_47:
0x288: {  	p1 =	slt.u32 s4, $0xFFFF1  }
0x289: {  	s0 =	sand.u32 @p1 $0xFFFF8, s4  }
0x28a: {  	s4 =	sand.u32 @p1 $0x7, s4;
	s5 =	simm.s32 @p1 $0xF188;
	s0 =	sadd.s32 @p1 s1, s0  }
0x28b: {  	[tilespmem:s5], [sflag:$0x8] =	stream.linear.gather @p1 [hbm4b:s0+s4], $0x80, $0x38;
	[tilespmem:$0x1F6F8] =	vst v63  }
0x28c: {  	s0 =	simm.s32 @p1 $0x8  }
0x28d: {  	_ =	swait.ge @p1 [sflag:s0], $0x80  }
0x28e: {  	[sflag:s0] =	ssyncset.done @p1 $0x0  }
0x28f: {  	[sflag:s0] =	ssyncadd.s32 @p1 $0xFFFFFF80;
	s0 =	sshll.u32 @p1 s3, $0x9  }
0x290: {  	s4 =	sshrl.u32 @p1 s0, $0x2;
	v1 =	vld @p1 [tilespmem:$0xF188]  }
0x291: {  	v2 =	vld @p1 [tilespmem:s4+$0xF238];
	_ =	sdelay $0x4  }
0x292: {  	v1 =	vmax.f32 @p1 v1, v2  }
0x293: {  	v2 =	vld @p1 [tilespmem:s4+$0xF248];
	[tilespmem:s4+$0xF238] =	vst @p1 v1  }
0x294: {  	v1 =	vld @p1 [tilespmem:$0xF198];
	_ =	sdelay $0x4  }
0x295: {  	v1 =	vmax.f32 @p1 v1, v2  }
0x296: {  	v2 =	vld @p1 [tilespmem:s4+$0xF258];
	[tilespmem:s4+$0xF248] =	vst @p1 v1  }
0x297: {  	v1 =	vld @p1 [tilespmem:$0xF1A8];
	_ =	sdelay $0x4  }
0x298: {  	v1 =	vmax.f32 @p1 v1, v2  }
0x299: {  	v2 =	vld @p1 [tilespmem:s4+$0xF268];
	[tilespmem:s4+$0xF258] =	vst @p1 v1  }
0x29a: {  	v1 =	vld @p1 [tilespmem:$0xF1B8];
	_ =	sdelay $0x4  }
0x29b: {  	v1 =	vmax.f32 @p1 v1, v2  }
0x29c: {  	v2 =	vld @p1 [tilespmem:s4+$0xF278];
	[tilespmem:s4+$0xF268] =	vst @p1 v1  }
0x29d: {  	v1 =	vld @p1 [tilespmem:$0xF1C8];
	_ =	sdelay $0x4  }
0x29e: {  	v1 =	vmax.f32 @p1 v1, v2  }
0x29f: {  	v2 =	vld @p1 [tilespmem:s4+$0xF288];
	[tilespmem:s4+$0xF278] =	vst @p1 v1  }
0x2a0: {  	v1 =	vld @p1 [tilespmem:$0xF1D8];
	_ =	sdelay $0x4  }
0x2a1: {  	v1 =	vmax.f32 @p1 v1, v2  }
0x2a2: {  	v2 =	vld @p1 [tilespmem:s4+$0xF298];
	[tilespmem:s4+$0xF288] =	vst @p1 v1  }
0x2a3: {  	v1 =	vld @p1 [tilespmem:$0xF1E8];
	_ =	sdelay $0x4  }
0x2a4: {  	v1 =	vmax.f32 @p1 v1, v2  }
0x2a5: {  	v2 =	vld @p1 [tilespmem:s4+$0xF2A8];
	[tilespmem:s4+$0xF298] =	vst @p1 v1  }
0x2a6: {  	v1 =	vld @p1 [tilespmem:$0xF1F8];
	_ =	sdelay $0x4  }
0x2a7: {  	s5 =	sshll.u32 @!p1 s3, $0x9;
	v1 =	vmax.f32 @p1 v1, v2  }
0x2a8: {  	s5 =	smov.u32 @p1 s0;
	[tilespmem:s4+$0xF2A8] =	vst @p1 v1  }
0x2a9: {  	s0 =	sshrl.u32 s5, $0x2;
	[tilespmem:s2+$0xF218] =	vst.msk $0x1, v0  }
0x2aa: {  	v0 =	vld [tilespmem:s0+$0xF238];
	_ =	sdelay $0x2  }
0x2ab: {  	s31 =	sshll.u32 s2, $0x9  }
0x2ac: {  	s4 =	sshra.s32 s31, $0x2  }
0x2ad: {  	[tilespmem:s4+$0xF238] =	vst v0  }
0x2ae: {  	v0 =	vld [tilespmem:s0+$0xF248];
	_ =	sdelay $0x4  }
0x2af: {  	[tilespmem:s4+$0xF248] =	vst v0  }
0x2b0: {  	v0 =	vld [tilespmem:s0+$0xF258];
	_ =	sdelay $0x4  }
0x2b1: {  	[tilespmem:s4+$0xF258] =	vst v0  }
0x2b2: {  	v0 =	vld [tilespmem:s0+$0xF268];
	_ =	sdelay $0x4  }
0x2b3: {  	[tilespmem:s4+$0xF268] =	vst v0  }
0x2b4: {  	v0 =	vld [tilespmem:s0+$0xF278];
	_ =	sdelay $0x4  }
0x2b5: {  	[tilespmem:s4+$0xF278] =	vst v0  }
0x2b6: {  	v0 =	vld [tilespmem:s0+$0xF288];
	_ =	sdelay $0x4  }
0x2b7: {  	[tilespmem:s4+$0xF288] =	vst v0  }
0x2b8: {  	v0 =	vld [tilespmem:s0+$0xF298];
	_ =	sdelay $0x4  }
0x2b9: {  	[tilespmem:s4+$0xF298] =	vst v0  }
0x2ba: {  	v0 =	vld [tilespmem:s0+$0xF2A8];
	_ =	sdelay $0x4  }
0x2bb: {  	s2 =	sadd.s32 $0x1, s2;
	[tilespmem:s4+$0xF2A8] =	vst v0  }
.LBB3_48:
0x2bc: {  	s3 =	sadd.s32 $0x1, s3  }
0x2bd: {  	p1 =	sne.s32 s3, $0x20  }
.Ltmp37:
0x2be: {  	_ = 	snop;
	(pc) =	sbr.rel @!p1 .LBB3_49-.Ltmp37, $1  }
0x2bf: {  	_ =	sdelay $0x3  }
.LBB3_41:
0x2c0: {  	v0 =	vld.msk [tilespmem:s3+$0xF218], $0x1;
	_ =	sdelay $0x4  }
0x2c1: {  	(v2sf) =	vpush v0, $0x0;
	_ =	sdelay $0xe  }
0x2c2: {  	s4 =	spop (v2sf)  }
0x2c3: {  	p1 =	seq.s32 s4, $0xFFFFFFFF  }
.Ltmp38:
0x2c4: {  	_ = 	snop;
	(pc) =	sbr.rel @p1 .LBB3_48-.Ltmp38, $1  }
0x2c5: {  	_ =	sdelay $0x3  }
0x2c6: {  	p1 =	slt.s32 s2, $0x1  }
.Ltmp39:
0x2c7: {  	_ = 	snop;
	(pc) =	sbr.rel @p1 .LBB3_47-.Ltmp39, $1  }
0x2c8: {  	_ =	sdelay $0x3  }
0x2c9: {  	s5 =	simm.s32 $0xF218;
	p1 =	por $0x0, $0x0  }
0x2ca: {  	v1 =	vld.msk @!p1 [tilespmem:s5+$0x0], $0x1;
	_ =	sdelay $0x4  }
0x2cb: {  	(v2sf) =	vpush @!p1 v1, $0x0;
	_ =	sdelay $0xd  }
0x2cc: {  	p3 =	sne.s32 s2, $0x1  }
.Ltmp40:
0x2cd: {  	s0 =	spop @!p1 (v2sf);
	(pc) =	sbr.rel @!p3 .LBB3_45-.Ltmp40, $4  }
0x2ce: {  	p2 =	seq.s32 @!p1 s4, s0  }
0x2cf: {  	s6 =	simm.s32 $0x0;
	p2 =	por !p2, p1  }
0x2d0: {  	s7 =	simm.s32 $0xFFFFFFFF;
	s6 =	simm.s32 @p2 $0xFFFFFFFF  }
0x2d1: {  	s0 =	simm.s32 $0x1;
	s6 =	smov.u32 @p1 s7  }
.LBB3_44:
0x2d2: {  	s7 =	smov.u32 s6;
	p1 =	sne.s32 s6, $0xFFFFFFFF  }
0x2d3: {  	s5 =	sadd.s32 $0x1, s5;
	s6 =	smov.u32 s0;
	s0 =	sadd.s32 $0x1, s0  }
0x2d4: {  	p2 =	sne.s32 s2, s0;
	v1 =	vld.msk @!p1 [tilespmem:s5+$0x0], $0x1;
	_ =	sdelay $0x4  }
0x2d5: {  	(v2sf) =	vpush @!p1 v1, $0x0;
	_ =	sdelay $0xe  }
.Ltmp41:
0x2d6: {  	s8 =	spop @!p1 (v2sf);
	(pc) =	sbr.rel @p2 .LBB3_44-.Ltmp41, $4  }
0x2d7: {  	p3 =	seq.s32 @!p1 s4, s8  }
0x2d8: {  	p3 =	por !p3, p1  }
0x2d9: {  	s6 =	simm.s32 @p3 $0xFFFFFFFF  }
0x2da: {  	s6 =	smov.u32 @p1 s7  }
.LBB3_45:
0x2db: {  	p1 =	seq.s32 s6, $0xFFFFFFFF  }
.Ltmp42:
0x2dc: {  	_ = 	snop;
	(pc) =	sbr.rel @p1 .LBB3_47-.Ltmp42, $1  }
0x2dd: {  	_ =	sdelay $0x3  }
0x2de: {  	s0 =	sshll.u32 s3, $0x7  }
0x2df: {  	s4 =	sshll.u32 s6, $0x9;
	s0 =	sand.u32 $0x3FFFFF80, s0  }
0x2e0: {  	s4 =	sshra.s32 s4, $0x2;
	v0 =	vld [tilespmem:s0+$0xF238]  }
0x2e1: {  	v1 =	vld [tilespmem:s4+$0xF238];
	_ =	sdelay $0x4  }
0x2e2: {  	v0 =	vmax.f32 v0, v1  }
0x2e3: {  	v57 =	vld [tilespmem:s4+$0xF248];
	[tilespmem:s4+$0xF238] =	vst v0  }
0x2e4: {  	v0 =	vld [tilespmem:s0+$0xF248];
	_ =	sdelay $0x4  }
0x2e5: {  	v0 =	vmax.f32 v0, v57  }
0x2e6: {  	v58 =	vld [tilespmem:s4+$0xF258];
	[tilespmem:s4+$0xF248] =	vst v0  }
0x2e7: {  	v0 =	vld [tilespmem:s0+$0xF258];
	_ =	sdelay $0x4  }
0x2e8: {  	v0 =	vmax.f32 v0, v58  }
0x2e9: {  	v59 =	vld [tilespmem:s4+$0xF268];
	[tilespmem:s4+$0xF258] =	vst v0  }
0x2ea: {  	v0 =	vld [tilespmem:s0+$0xF268];
	_ =	sdelay $0x4  }
0x2eb: {  	v0 =	vmax.f32 v0, v59  }
0x2ec: {  	v60 =	vld [tilespmem:s4+$0xF278];
	[tilespmem:s4+$0xF268] =	vst v0  }
0x2ed: {  	v0 =	vld [tilespmem:s0+$0xF278];
	_ =	sdelay $0x4  }
0x2ee: {  	v0 =	vmax.f32 v0, v60  }
0x2ef: {  	v61 =	vld [tilespmem:s4+$0xF288];
	[tilespmem:s4+$0xF278] =	vst v0  }
0x2f0: {  	v0 =	vld [tilespmem:s0+$0xF288];
	_ =	sdelay $0x4  }
0x2f1: {  	v0 =	vmax.f32 v0, v61  }
0x2f2: {  	v62 =	vld [tilespmem:s4+$0xF298];
	[tilespmem:s4+$0xF288] =	vst v0  }
0x2f3: {  	v0 =	vld [tilespmem:s0+$0xF298];
	_ =	sdelay $0x4  }
0x2f4: {  	v0 =	vmax.f32 v0, v62  }
0x2f5: {  	v63 =	vld [tilespmem:s4+$0xF2A8];
	[tilespmem:s4+$0xF298] =	vst v0  }
0x2f6: {  	v0 =	vld [tilespmem:s0+$0xF2A8];
	_ =	sdelay $0x1  }
.Ltmp43:
0x2f7: {  	_ = 	snop;
	(pc) =	sbr.rel .LBB3_48-.Ltmp43, $3  }
0x2f8: {  	_ =	sdelay $0x1  }
0x2f9: {  	v0 =	vmax.f32 v0, v63  }
0x2fa: {  	[tilespmem:s4+$0xF2A8] =	vst v0  }
.LBB3_49:
0x2fb: {  	p1 =	slt.s32 s2, $0x1  }
.Ltmp44:
0x2fc: {  	_ = 	snop;
	(pc) =	sbr.rel @p1 .LBB3_53-.Ltmp44, $3  }
0x2fd: {  	_ =	sdelay $0x1  }
0x2fe: {  	s0 =	simm.s32 $0x8  }
0x2ff: {  	s3 =	simm.s32 $0x0;
	[sflag:s0] =	ssyncpa.u1 $0x1  }
0x300: {  	s0 =	simm.s32 $0xF218  }
0x301: {  	v0 =	vld.msk [tilespmem:s0+$0x0], $0x1;
	_ =	sdelay $0x4  }
0x302: {  	(v2sf) =	vpush v0, $0x0;
	_ =	sdelay $0xe  }
0x303: {  	s0 =	sadd.s32 $0xFFFFFFFF, s2;
	s5 =	spop (v2sf)  }
0x304: {  	p2 =	sne.s32 s0, $0x0;
	p1 =	sgt.u32 s5, $0xFFFF0  }
.Ltmp45:
0x305: {  	s6 =	sand.u32 @!p1 $0xFFFF8, s5;
	(pc) =	sbr.rel @!p2 .LBB3_52-.Ltmp45, $4  }
0x306: {  	s4 =	simm.s32 $0xF238;
	s5 =	sand.u32 @!p1 $0x7, s5;
	s2 =	sadd.s32 @!p1 s1, s6  }
0x307: {  	[hbm4b:s2+s5] =	stream.linear.scatter @!p1 [tilespmem:s4], [sflag:$0x7], $0x80, $0x38;
	[tilespmem:$0x1F6F8] =	vst v63  }
0x308: {  	s5 =	simm.s32 $0x0  }
0x309: {  	s2 =	simm.s32 $0xF219;
	s5 =	simm.s32 @!p1 $0x200  }
.LBB3_51:
0x30a: {  	v0 =	vld.msk [tilespmem:s2+$0x0], $0x1;
	s0 =	sadd.s32 $0xFFFFFFFF, s0;
	s3 =	sadd.s32 s3, s5  }
0x30b: {  	p1 =	sne.s32 s0, $0x0;
	_ =	sdelay $0x3  }
0x30c: {  	(v2sf) =	vpush v0, $0x0;
	_ =	sdelay $0xe  }
.Ltmp46:
0x30d: {  	s6 =	spop (v2sf);
	(pc) =	sbr.rel @p1 .LBB3_51-.Ltmp46, $4  }
0x30e: {  	s5 =	simm.s32 $0x0;
	p2 =	sgt.u32 s6, $0xFFFF0  }
0x30f: {  	s4 =	sadd.s32 $0x80, s4;
	s5 =	simm.s32 @!p2 $0x200;
	s7 =	sand.u32 @!p2 $0xFFFF8, s6  }
0x310: {  	s2 =	sadd.s32 $0x1, s2;
	s6 =	sand.u32 @!p2 $0x7, s6;
	s7 =	sadd.s32 @!p2 s1, s7  }
0x311: {  	[hbm4b:s7+s6] =	stream.linear.scatter @!p2 [tilespmem:s4], [sflag:$0x7], $0x80, $0x38;
	[tilespmem:$0x1F6F8] =	vst v63  }
.LBB3_52:
0x312: {  	s0 =	sadd.s32 s3, s5  }
0x313: {  	s3 =	sshrl.u32 s0, $0x2  }
.LBB3_53:
0x314: {  	s0 =	simm.s32 $0x7  }
0x315: {  	_ =	swait.ge [sflag:s0], s3  }
0x316: {  	s1 =	ssub.s32 $0x0, s3;
	[sflag:s0] =	ssyncset.done $0x0  }
0x317: {  	[sflag:s0] =	ssyncadd.s32 s1  }
0x318: {  	[sflag:s0] =	ssyncpa.u1 $0x1  }
.LBB3_54:
0x319: {  	_ =	sfence;
	s0 =	simm.s32 $0x1  }
0x31a: {  	[sflag:s0] =	ssyncpa.u1 $0x1  }
0x31b: {  	_ =	strace $0x90000050  }
0x31c: {  	[bflag:$0x2] =	sbarrier.arrive $0xFFFF  }
0x31d: {  	s0 =	rddreg [dreg:$0x3]  }
0x31e: {  	s0 =	sadd.s32 @!p0 $0x100000, s0  }
0x31f: {  	[sflag:s0] =	ssyncadd.tile.s32 @!p0 $0x1;
	_ =	shalt  }
.Lfunc_end3:
_tile_overlayer_lowered:
.L_overlay_start_3:
0x320: {  	(tag) =	ssettag $0x3  }
0x321: {  	s0 =	rddreg [dreg:$0x0];
	s2 =	stileid.u32  }
0x322: {  	s1 =	rddreg [dreg:$0x1];
	p0 =	sne.s32 s2, $0x0  }
0x323: {  	s3 =	rddreg [dreg:$0x2];
	[bflag:$0x3] =	sbarrier.arrive $0xFFFF;
	s2 =	simm.s32 @!p0 $0x1C01  }
0x324: {  	[timem:s3], [sflag:s2] =	dma.local @!p0 [hbm:s0], s1  }
0x325: {  	s0 =	simm.s32 @!p0 $0x1  }
0x326: {  	_ =	swait.ge @!p0 [sflag:s0], s1  }
0x327: {  	s1 =	ssub.s32 @!p0 $0x0, s1;
	[sflag:s0] =	ssyncset.done @!p0 $0x0  }
0x328: {  	[sflag:s0] =	ssyncadd.s32 @!p0 s1  }
0x329: {  	[bflag:$0x3] =	sbarrier.arrive $0xFFFF  }
0x32a: {  	_ =	shalt  }

// kernel: scatter_offload_async_start.3
scs
__scs_entry_jumppad:
0x0: {  	(pc) =	sbr.rel $0x88, $3  }
0x1: {  	(tag) =	ssettag $0x0;
	lr =	simm.s32 $0x1  }
0x2: {  	[smem:$0x3F8E] =	sst lr;
	_ =	strace $0xD0000000  }
0x3: {  	_ = 	snop  }
0x4: {  	_ = 	snop  }
0x5: {  	_ = 	snop  }
0x6: {  	_ = 	snop  }
0x7: {  	_ = 	snop  }
__scs_overlays_trampoline_lowered:
0x8: {  	[smem:$0x3F9D] =	sst s0  }
0x9: {  	[smem:$0x3F9E] =	sst s1  }
0xa: {  	[smem:$0x3F9F] =	sst s2  }
0xb: {  	[smem:$0x3FA0] =	sst s3  }
0xc: {  	[smem:$0x3FA1] =	sst s4  }
0xd: {  	[smem:$0x3FA2] =	sst s5  }
0xe: {  	[smem:$0x3FA3] =	sst s6  }
0xf: {  	[smem:$0x3FA4] =	sst s7  }
0x10: {  	[smem:$0x3FA5] =	sst s8  }
0x11: {  	[smem:$0x3FA6] =	sst s9;
	s0 =	simm.s32 @!p0 $0x0  }
0x12: {  	s1 =	sld [smem:$0x3F8C];
	s0 =	simm.s32 @p0 $0x1  }
0x13: {  	[smem:$0x3FA7] =	sst s0;
	s0 =	simm.s32 @!p1 $0x0  }
0x14: {  	s2 =	sld [smem:$0x3F8B];
	s0 =	simm.s32 @p1 $0x1  }
0x15: {  	[smem:$0x3FA8] =	sst s0;
	s0 =	simm.s32 @!p2 $0x0  }
0x16: {  	s3 =	sld [smem:$0x3FDB];
	s0 =	simm.s32 @p2 $0x1  }
0x17: {  	s4 =	simm.s32 $0x1BF5;
	[smem:$0x3FAA] =	sst s0  }
0x18: {  	s0 =	sld [smem:$0x3F8D];
	_ =	swait.ge [sflag:s4], $0x0  }
0x19: {  	s7 =	sld [smem:$0x3F8E]  }
0x1a: {  	s8 =	sadd.s32 $0xFFFFE003, lr  }
0x1b: {  	s9 =	sadd.s32 $0xFFFFFEF7, lr;
	s5 =	simm.s32 $0xFFFFFFFF;
	p2 =	slt.u32 s8, $0xFFFFF086  }
0x1c: {  	p1 =	slt.u32 s9, $0xF7A;
	s5 =	simm.s32 @!p2 $0x0  }
0x1d: {  	s5 =	simm.s32 @p1 $0x1;
	p0 =	seq.s32 s7, s2  }
0x1e: {  	s7 =	smul.u32 @!p0 $0xF7A, s2;
	p2 =	seq.s32 @!p0 s5, $0x0  }
0x1f: {  	s9 =	smul.u32 $0xF7A, s1;
	s8 =	simm.s32 @!p0 $0x1BF5;
	p2 =	por !p2, p0  }
0x20: {  	[sflag:s8] =	ssyncset.s32 @!p0 $0xFFFFF086;
	s6 =	sadd.s32 @!p0 s3, s7;
	s7 =	simm.s32 @!p0 $0x108  }
0x21: {  	s3 =	sadd.s32 s3, s9;
	s6 =	sadd.s32 @!p0 $0x88, s6;
	s7 =	simm.s32 @p2 $0x1082  }
0x22: {  	[simem:s7], [sflag:s8] =	dma.local @!p0 [hbm:s6], $0xF7A  }
0x23: {  	s9 =	sor.u32 $0xD0000000, s2;
	s6 =	simm.s32 $0x108;
	_ =	swait.ge @!p0 [sflag:s8], $0x0  }
0x24: {  	s3 =	sadd.s32 $0x88, s3;
	s6 =	simm.s32 @!p1 $0x1082;
	[sflag:s4] =	ssyncset.s32 $0xFFFFF086  }
0x25: {  	[simem:s6], [sflag:s4] =	dma.local [hbm:s3], $0xF7A  }
0x26: {  	[smem:$0x3F8E] =	sst s1;
	(tag) =	ssettag s2;
	_ =	strace s9  }
0x27: {  	s1 =	sld [smem:$0x3F9E]  }
0x28: {  	s2 =	sld [smem:$0x3F9F]  }
0x29: {  	s4 =	sld [smem:$0x3FA1]  }
0x2a: {  	p0 =	seq.s32 s5, $0x0;
	s5 =	sld [smem:$0x3FA2]  }
0x2b: {  	s6 =	sld [smem:$0x3FA3]  }
0x2c: {  	s7 =	sld [smem:$0x3FA4]  }
0x2d: {  	s3 =	simm.s32 $0x108;
	s8 =	sld [smem:$0x3FA5]  }
0x2e: {  	s3 =	simm.s32 @!p0 $0x1082;
	s9 =	sld [smem:$0x3FA6]  }
0x2f: {  	lr =	sadd.s32 s0, s3;
	s0 =	sld [smem:$0x3F9D]  }
0x30: {  	s3 =	sld [smem:$0x3FA0]  }
0x31: {  	[smem:$0x3FA9] =	sst s10  }
0x32: {  	s10 =	sld [smem:$0x3FA7];
	_ =	sdelay $0x3  }
0x33: {  	p0 =	seq.s32 s10, $0x1;
	s10 =	sld [smem:$0x3FA9];
	_ =	sdelay $0x3  }
0x34: {  	[smem:$0x3FA9] =	sst s10  }
0x35: {  	s10 =	sld [smem:$0x3FA8];
	_ =	sdelay $0x3  }
0x36: {  	p1 =	seq.s32 s10, $0x1;
	s10 =	sld [smem:$0x3FA9];
	_ =	sdelay $0x3  }
0x37: {  	[smem:$0x3FA9] =	sst s10  }
0x38: {  	s10 =	sld [smem:$0x3FAA]  }
0x39: {  	_ = 	snop;
	(pc) =	sbr.ind lr, $3  }
0x3a: {  	_ = 	snop  }
0x3b: {  	_ = 	snop  }
0x3c: {  	p2 =	seq.s32 s10, $0x1;
	s10 =	sld [smem:$0x3FA9]  }
0x3d: {  	_ =	shalt  }
0x3e: {  	_ =	shalt  }
0x3f: {  	_ =	shalt  }
0x40: {  	_ =	shalt  }
0x41: {  	_ =	shalt  }
0x42: {  	_ =	shalt  }
0x43: {  	_ =	shalt  }
0x44: {  	_ =	shalt  }
0x45: {  	_ =	shalt  }
0x46: {  	_ =	shalt  }
0x47: {  	_ =	shalt  }
0x48: {  	_ =	shalt  }
0x49: {  	_ =	shalt  }
0x4a: {  	_ =	shalt  }
0x4b: {  	_ =	shalt  }
0x4c: {  	_ =	shalt  }
0x4d: {  	_ =	shalt  }
0x4e: {  	_ =	shalt  }
0x4f: {  	_ =	shalt  }
0x50: {  	_ =	shalt  }
0x51: {  	_ =	shalt  }
0x52: {  	_ =	shalt  }
0x53: {  	_ =	shalt  }
0x54: {  	_ =	shalt  }
0x55: {  	_ =	shalt  }
0x56: {  	_ =	shalt  }
0x57: {  	_ =	shalt  }
0x58: {  	_ =	shalt  }
0x59: {  	_ =	shalt  }
0x5a: {  	_ =	shalt  }
0x5b: {  	_ =	shalt  }
0x5c: {  	_ =	shalt  }
0x5d: {  	_ =	shalt  }
0x5e: {  	_ =	shalt  }
0x5f: {  	_ =	shalt  }
0x60: {  	_ =	shalt  }
0x61: {  	_ =	shalt  }
0x62: {  	_ =	shalt  }
0x63: {  	_ =	shalt  }
0x64: {  	_ =	shalt  }
0x65: {  	_ =	shalt  }
0x66: {  	_ =	shalt  }
0x67: {  	_ =	shalt  }
0x68: {  	_ =	shalt  }
0x69: {  	_ =	shalt  }
0x6a: {  	_ =	shalt  }
0x6b: {  	_ =	shalt  }
0x6c: {  	_ =	shalt  }
0x6d: {  	_ =	shalt  }
0x6e: {  	_ =	shalt  }
0x6f: {  	_ =	shalt  }
0x70: {  	_ =	shalt  }
0x71: {  	_ =	shalt  }
0x72: {  	_ =	shalt  }
0x73: {  	_ =	shalt  }
0x74: {  	_ =	shalt  }
0x75: {  	_ =	shalt  }
0x76: {  	_ =	shalt  }
0x77: {  	_ =	shalt  }
0x78: {  	_ =	shalt  }
0x79: {  	_ =	shalt  }
0x7a: {  	_ =	shalt  }
0x7b: {  	_ =	shalt  }
0x7c: {  	_ =	shalt  }
0x7d: {  	_ =	shalt  }
0x7e: {  	_ =	shalt  }
0x7f: {  	_ =	shalt  }
0x80: {  	_ =	shalt  }
0x81: {  	_ =	shalt  }
0x82: {  	_ =	shalt  }
0x83: {  	_ =	shalt  }
0x84: {  	_ =	shalt  }
0x85: {  	_ =	shalt  }
0x86: {  	_ =	shalt  }
0x87: {  	_ =	shalt  }
.Lfunc_end0:
.L_simem_size_0:
called_computation.3_lowered:
.L_overlay_start_0:
0x88: {  	s2 =	sld [smem:$0x3FD9]  }
0x89: {  	s3 =	sld [smem:$0x3FFE];
	_ =	sdelay $0x1  }
0x8a: {  	s1 =	srdreg.scid  }
0x8b: {  	s0 =	sand.u32 $0x1, s1  }
0x8c: {  	s15 =	sshll.u32 s0, $0xA;
	s2 =	sadd.s32 s3, s2  }
0x8d: {  	s2 =	sadd.s32 s2, s15  }
0x8e: {  	[smem:$0x3FB5] =	sst s2  }
0x8f: {  	_ = 	snop  }
0x90: {  	(tm) =	ssettm $0x1  }
0x91: {  	s16 =	sld [smem:$0x3FFB];
	_ =	sdelay $0x3  }
0x92: {  	_ =	strace s16  }
0x93: {  	s2 =	sld [smem:$0x3FFC];
	_ =	sdelay $0x3  }
0x94: {  	_ =	strace s2  }
0x95: {  	s2 =	sld [smem:$0x3FFD];
	_ =	sdelay $0x3  }
0x96: {  	_ =	strace s2  }
0x97: {  	_ =	strace $0x8FFFFFFF  }
0x98: {  	s17 =	sld [smem:$0x3FDB];
	_ =	sdelay $0x1  }
0x99: {  	s18 =	simm.s32 $_scs_section_size  }
0x9a: {  	s4 =	simm.s32 $_size__tile_overlayer_lowered;
	s5 =	simm.s32 $_tile_overlayer_lowered  }
0x9b: {  	s6 =	simm.s32 $0x1BFF;
	s19 =	sshll.u32 s5, $0x1;
	s3 =	sadd.s32 s18, s17  }
0x9c: {  	s20 =	simm.s32 $0x0;
	s4 =	sshll.u32 s4, $0x1;
	s5 =	sadd.s32 s19, s3  }
0x9d: {  	[timem:s20], [sflag:s6] =	dma.local [hbm:s5], s4  }
0x9e: {  	_ =	swait.ge [sflag:s6], s4  }
0x9f: {  	s4 =	ssub.s32 $0x0, s4;
	[sflag:s6] =	ssyncset.done $0x0  }
0xa0: {  	[sflag:s6] =	ssyncadd.s32 s4;
	_ =	sdelay $0x1  }
0xa1: {  	s21 =	simm.s32 $0x1B8B  }
0xa2: {  	_ =	swait.ge [sflag:s21], $0x1  }
0xa3: {  	[sflag:s21] =	ssyncset.done $0x0  }
0xa4: {  	s22 =	sld [smem:$0x3FFE];
	[sflag:s21] =	ssyncadd.s32 $0xFFFFFFFF  }
0xa5: {  	s24 =	simm.s32 $0x1B8E;
	s23 =	sld [smem:$0x0]  }
0xa6: {  	s25 =	simm.s32 $execute0_lowered;
	[smem:$0x3FD2] =	sst s24  }
0xa7: {  	s6 =	sshll.u32 s25, $0x1;
	_ =	strace $0x80000046;
	[dreg:$0x1] =	wrdreg $0xFFFFFFFF  }
0xa8: {  	s7 =	simm.s32 $_size_execute0_lowered;
	s6 =	sadd.s32 s3, s6;
	[dreg:$0x0] =	wrdreg $0x0  }
0xa9: {  	s7 =	sshll.u32 s7, $0x1;
	[dreg:$0x2] =	wrdreg s6  }
0xaa: {  	[dreg:$0x3] =	wrdreg s7  }
0xab: {  	[dreg:$0x4] =	wrdreg $0xC0  }
0xac: {  	s26 =	simm.s32 $execute1_lowered;
	_ =	task [dreg:s20], $0x5FFFF  }
0xad: {  	s6 =	sshll.u32 s26, $0x1;
	[dreg:$0x1] =	wrdreg $0xFFFFFFFF  }
0xae: {  	s3 =	sadd.s32 s3, s6;
	[dreg:$0x0] =	wrdreg $0x60  }
0xaf: {  	[dreg:$0x2] =	wrdreg s3  }
0xb0: {  	[dreg:$0x3] =	wrdreg s22  }
0xb1: {  	[dreg:$0x4] =	wrdreg $0xD  }
0xb2: {  	_ =	task.clear_ibuf [dreg:s20], $0x5FFFF;
	_ =	strace $0x90000046  }
0xb3: {  	s28 =	simm.s32 $0xD;
	_ =	strace $0x80000048  }
0xb4: {  	_ =	swait.ge [sflag:s28], $0x1  }
0xb5: {  	[sflag:s28] =	ssyncadd.s32 $0xFFFFFFFF  }
0xb6: {  	_ =	strace $0x90000048  }
0xb7: {  	s3 =	sld [smem:$0x0]  }
0xb8: {  	s6 =	sand.u32 $0xFFFFFFFE, s1  }
0xb9: {  	p0 =	sne.s32 s1, s6  }
0xba: {  	s6 =	sshll.u32 @p0 s6, $0xE  }
0xbb: {  	s6 =	sadd.s32 @p0 $0x11BF3, s6;
	s7 =	sshll.u32 @p0 s3, $0x11  }
0xbc: {  	s6 =	sor.u32 @p0 s7, s6  }
0xbd: {  	[sflag:s6] =	ssyncadd.remote.s32 @p0 $0x1;
	_ =	sdelay $0x1  }
0xbe: {  	s6 =	simm.s32 @p0 $0x1BF3  }
0xbf: {  	_ =	swait.eq @p0 [sflag:s6], $0x1  }
0xc0: {  	[sflag:s6] =	ssyncadd.s32 @p0 $0xFFFFFFFF  }
0xc1: {  	s7 =	sshll.u32 @!p0 s1, $0xE  }
0xc2: {  	s7 =	sor.u32 @!p0 $0x4000, s7;
	s6 =	simm.s32 @!p0 $0x1BF3  }
0xc3: {  	s3 =	sshll.u32 @!p0 s3, $0x11;
	s7 =	sadd.s32 @!p0 $0x11BF3, s7;
	_ =	swait.eq @!p0 [sflag:s6], $0x1  }
0xc4: {  	s3 =	sor.u32 @!p0 s3, s7;
	[sflag:s6] =	ssyncadd.s32 @!p0 $0xFFFFFFFF  }
0xc5: {  	[sflag:s3] =	ssyncadd.remote.s32 @!p0 $0x1  }
0xc6: {  	_ =	strace $0x80000049;
	[dreg:$0x1] =	wrdreg $0xFFFFFFFF  }
0xc7: {  	[dreg:$0x0] =	wrdreg $0x2030  }
0xc8: {  	[dreg:$0x2] =	wrdreg s22  }
0xc9: {  	[dreg:$0x3] =	wrdreg s1  }
0xca: {  	[dreg:$0x4] =	wrdreg s23  }
0xcb: {  	[dreg:$0x5] =	wrdreg $0x10  }
0xcc: {  	_ =	task.clear_ibuf [dreg:s20], $0x6FFFF;
	_ =	strace $0x90000049  }
0xcd: {  	s29 =	simm.s32 $0x10;
	_ =	strace $0x8000004B  }
0xce: {  	_ =	swait.ge [sflag:s29], $0x1  }
0xcf: {  	[sflag:s29] =	ssyncadd.s32 $0xFFFFFFFF  }
0xd0: {  	_ =	strace $0x9000004B  }
0xd1: {  	_ =	sfence  }
0xd2: {  	s30 =	sld [smem:$0x0];
	_ =	sdelay $0x2  }
0xd3: {  	s31 =	sshll.u32 s1, $0xD;
	s1 =	sshrl.u32 s1, $0x2  }
0xd4: {  	s4 =	sand.u32 $0x4000, s31;
	s1 =	sadd.s32 s1, s30  }
0xd5: {  	s0 =	sor.u32 s4, s0;
	s1 =	sshll.u32 s1, $0x11  }
0xd6: {  	s0 =	sor.u32 s1, s0  }
0xd7: {  	s0 =	sadd.s32 $0x8F2B, s0  }
0xd8: {  	[sflag:s0] =	ssyncadd.remote.s32 $0x1  }
0xd9: {  	_ =	sfence.sel $0xFFFF  }
0xda: {  	[dreg:$0x0] =	wrdreg $0xFFFFFFFF;
	(pc) =	sbr.abs _section_cstart, $3  }
0xdb: {  	[dreg:$0x1] =	wrdreg $0xFFFFFFFF  }
0xdc: {  	_ =	task.clear_ibuf [dreg:s20], $0x2FFFF;
	_ =	strace $0x9FFFFFFF  }
0xdd: {  	(tm) =	ssettm $0x7FFFFFFF  }
tec
execute0_lowered:
.L_overlay_start_1:
0x0: {  	(tag) =	ssettag $0x1  }
0x1: {  	s2 =	rddreg [dreg:$0x0]  }
0x2: {  	s4 =	rddreg [dreg:$0x1]  }
0x3: {  	s0 =	rddreg [dreg:$0x2];
	s3 =	stileid.u32;
	[bflag:$0x3] =	sbarrier.arrive $0xFFFF  }
0x4: {  	s1 =	simm.s32 $_size_execute1_lowered;
	s29 =	srdreg.scid;
	p0 =	sne.s32 s3, $0x0  }
0x5: {  	s1 =	sshll.u32 s1, $0x1;
	s5 =	simm.s32 @!p0 $0x1C3F;
	s6 =	simm.s32 @!p0 $0x4060  }
0x6: {  	[timem:s6], [sflag:s5] =	dma.local @!p0 [hbm:s2], s1  }
0x7: {  	s2 =	sshll.u32 s29, $0x7  }
0x8: {  	s7 =	simm.s32 $0x1;
	s3 =	sshll.u32 s3, $0x8;
	s2 =	sand.u32 $0x80, s2  }
0x9: {  	s8 =	simm.s32 $0x2;
	s9 =	simm.s32 $0x0;
	s2 =	sor.u32 s3, s2  }
0xa: {  	s12 =	simm.s32 $0x0;
	s11 =	simm.s32 $0x0;
	s30 =	ssub.s32 $0x10000, s2  }
.Ltmp0:
0xb: {  	s5 =	simm.s32 $0x1;
	s31 =	sand.u32 $0xF80, s30;
	(pc) =	sbr.rel .LBB2_1-.Ltmp0, $4  }
0xc: {  	_ =	strace $0x80000047;
	s3 =	sadd.s32 $0x43800, s4;
	p1 =	sne.s32 s31, $0x0  }
0xd: {  	[sflag:s5] =	ssyncpa.u1 $0x0;
	s6 =	sshrl.u32 s30, $0xC;
	s7 =	simm.s32 @!p1 $0x0  }
0xe: {  	s4 =	sadd.s32 $0x358400, s4;
	[sflag:s8] =	ssyncpa.u1 $0x0;
	s6 =	sadd.s32 s7, s6  }
0xf: {  	s8 =	simm.s32 $0x0;
	s10 =	smov.u32 s2;
	s7 =	sadd.s32 $0x1, s6  }
.LBB2_4:
0x10: {  	_ =	sdelay $0x3  }
0x11: {  	[tilespmem:v0+s14+$0xFFFFFFA0 ss:$0x1] =	vst.idx.msk $0xffff, v6  }
0x12: {  	v56 =	vld.idx.msk [tilespmem:v1+s15+$0x30 ss:$0x1], $0xffff;
	[tilespmem:v0+s14+$0xFFFFFFB0 ss:$0x1] =	vst.idx.msk $0xffff, v4  }
0x13: {  	v57 =	vld.idx.msk [tilespmem:v1+s15+$0xFFFFFFC0 ss:$0x1], $0xffff;
	[tilespmem:v0+s14+$0xFFFFFFC0 ss:$0x1] =	vst.idx.msk $0xffff, v2  }
0x14: {  	v58 =	vld.idx.msk [tilespmem:v1+s15+$0xFFFFFFD0 ss:$0x1], $0xffff;
	[tilespmem:v0+s14+$0xFFFFFFD0 ss:$0x1] =	vst.idx.msk $0xffff, v3  }
0x15: {  	v59 =	vld.idx.msk [tilespmem:v1+s15+$0xFFFFFFE0 ss:$0x1], $0xffff;
	[tilespmem:v0+s14+$0xFFFFFFE0 ss:$0x1] =	vst.idx.msk $0xffff, v5  }
0x16: {  	v60 =	vld.idx.msk [tilespmem:v1+s15+$0xFFFFFFF0 ss:$0x1], $0xffff;
	[tilespmem:v0+s14+$0xFFFFFFF0 ss:$0x1] =	vst.idx.msk $0xffff, v7  }
0x17: {  	v61 =	vld.idx.msk [tilespmem:v1+s15+$0x0 ss:$0x1], $0xffff;
	[tilespmem:v0+s15+$0x0 ss:$0x1] =	vst.idx.msk $0xffff, v56  }
0x18: {  	v62 =	vld.idx.msk [tilespmem:v1+s15+$0x10 ss:$0x1], $0xffff;
	[tilespmem:v0+s15+$0xFFFFFF90 ss:$0x1] =	vst.idx.msk $0xffff, v57  }
0x19: {  	v63 =	vld.idx.msk [tilespmem:v1+s15+$0x20 ss:$0x1], $0xffff;
	[tilespmem:v0+s15+$0xFFFFFFA0 ss:$0x1] =	vst.idx.msk $0xffff, v58  }
0x1a: {  	[tilespmem:v0+s15+$0xFFFFFFB0 ss:$0x1] =	vst.idx.msk $0xffff, v59  }
0x1b: {  	[tilespmem:v0+s15+$0xFFFFFFC0 ss:$0x1] =	vst.idx.msk $0xffff, v60  }
0x1c: {  	s12 =	sshll.u32 s12, $0x4;
	[tilespmem:v0+s15+$0xFFFFFFD0 ss:$0x1] =	vst.idx.msk $0xffff, v61  }
0x1d: {  	s12 =	sand.u32 $0xFFFF0, s12;
	[tilespmem:v0+s15+$0xFFFFFFE0 ss:$0x1] =	vst.idx.msk $0xffff, v62  }
0x1e: {  	s12 =	sadd.s32 s4, s12;
	[tilespmem:v0+s15+$0xFFFFFFF0 ss:$0x1] =	vst.idx.msk $0xffff, v63  }
0x1f: {  	[hbm4b:s12+s8] =	stream.linear.scatter [tilespmem:s13], [sflag:$0x2], $0x4000, $0x38;
	[tilespmem:$0x10000] =	vst v63  }
.LBB2_5:
0x20: {  	s14 =	sadd.s32 $0x1000, s10  }
0x21: {  	p2 =	sgt.s32 s14, $0xFFFF  }
0x22: {  	s14 =	smov.u32 @p2 s2;
	p2 =	sne.s32 s11, s7  }
.Ltmp1:
0x23: {  	p1 =	slt.u32 s11, $0x2;
	(pc) =	sbr.rel @!p2 .LBB2_6-.Ltmp1, $4  }
0x24: {  	s13 =	simm.s32 @!p1 $0x2  }
0x25: {  	s15 =	sadd.s32 $0x1, s11;
	_ =	swait.ge @!p1 [sflag:s13], $0x4000  }
0x26: {  	s12 =	smov.u32 s10;
	s9 =	sadd.s32 $0x4000, s9;
	[sflag:s13] =	ssyncset.done @!p1 $0x0  }
0x27: {  	s11 =	smov.u32 s15;
	s10 =	smov.u32 s14;
	[sflag:s13] =	ssyncadd.s32 @!p1 $0xFFFFC000  }
.LBB2_1:
0x28: {  	p1 =	sge.u32 s11, s6  }
0x29: {  	s13 =	sxor.u32 @!p1 $0xFFFFFFFF, s11;
	s14 =	sshll.u32 @!p1 s10, $0x4  }
0x2a: {  	s31 =	sadd.s32 $0xFFFFFFFF, s11;
	s13 =	sshll.u32 @!p1 s13, $0xE;
	s14 =	sand.u32 @!p1 $0xFFFF0, s14  }
0x2b: {  	s15 =	simm.s32 @!p1 $0x0;
	s13 =	sand.u32 @!p1 $0x4000, s13;
	s14 =	sadd.s32 @!p1 s3, s14  }
0x2c: {  	[tilespmem:s13], [sflag:$0x1] =	stream.linear.gather @!p1 [hbm4b:s14+s15], $0x4000, $0x38;
	[tilespmem:$0x10000] =	vst v63  }
0x2d: {  	p1 =	sge.u32 s31, s6  }
.Ltmp2:
0x2e: {  	_ = 	snop;
	(pc) =	sbr.rel @p1 .LBB2_5-.Ltmp2, $1  }
0x2f: {  	_ =	sdelay $0x3  }
0x30: {  	s13 =	sand.u32 $0x4000, s9  }
0x31: {  	s14 =	sor.u32 $0x40, s13  }
0x32: {  	v1 =	vmov s14;
	_ =	sdelay $0x1  }
0x33: {  	_ =	swait.ge [sflag:s5], $0x4000  }
0x34: {  	[sflag:s5] =	ssyncset.done $0x0  }
0x35: {  	[sflag:s5] =	ssyncadd.s32 $0xFFFFC000;
	s14 =	simm.s32 $0x0  }
0x36: {  	s13 =	sor.u32 $0x8070, s13;
	v7 =	vld.idx.msk [tilespmem:v1+s14+$0x30 ss:$0x1], $0xffff  }
0x37: {  	v0 =	vmov s13;
	v8 =	vld.idx.msk [tilespmem:v1+s14+$0xFFFFFFC0 ss:$0x1], $0xffff  }
0x38: {  	v6 =	vld.idx.msk [tilespmem:v1+s14+$0xFFFFFFD0 ss:$0x1], $0xffff  }
0x39: {  	v4 =	vld.idx.msk [tilespmem:v1+s14+$0xFFFFFFE0 ss:$0x1], $0xffff  }
0x3a: {  	v2 =	vld.idx.msk [tilespmem:v1+s14+$0xFFFFFFF0 ss:$0x1], $0xffff  }
0x3b: {  	s31 =	sshll.u32 s11, $0xE;
	v3 =	vld.idx.msk [tilespmem:v1+s14+$0x0 ss:$0x1], $0xffff  }
0x3c: {  	s13 =	sand.u32 $0x4000, s31;
	v5 =	vld.idx.msk [tilespmem:v1+s14+$0x10 ss:$0x1], $0xffff;
	[tilespmem:v0+s14+$0x0 ss:$0x1] =	vst.idx.msk $0xffff, v7  }
0x3d: {  	s15 =	simm.s32 $0x80;
	s16 =	simm.s32 $0x400;
	s13 =	sor.u32 $0x8000, s13;
	[tilespmem:v0+s14+$0xFFFFFF90 ss:$0x1] =	vst.idx.msk $0xffff, v8;
	v7 =	vld.idx.msk [tilespmem:v1+s14+$0x20 ss:$0x1], $0xffff  }
.LBB2_3:
0x3e: {  	p1 =	sne.s32 s16, $0xFE00;
	v8 =	vld.idx.msk [tilespmem:v1+s15+$0x30 ss:$0x1], $0xffff;
	[tilespmem:v0+s14+$0xFFFFFFA0 ss:$0x1] =	vst.idx.msk $0xffff, v6  }
0x3f: {  	v9 =	vld.idx.msk [tilespmem:v1+s15+$0xFFFFFFC0 ss:$0x1], $0xffff;
	[tilespmem:v0+s14+$0xFFFFFFB0 ss:$0x1] =	vst.idx.msk $0xffff, v4  }
0x40: {  	v6 =	vld.idx.msk [tilespmem:v1+s15+$0xFFFFFFD0 ss:$0x1], $0xffff;
	[tilespmem:v0+s14+$0xFFFFFFC0 ss:$0x1] =	vst.idx.msk $0xffff, v2  }
.Ltmp3:
0x41: {  	v4 =	vld.idx.msk [tilespmem:v1+s15+$0xFFFFFFE0 ss:$0x1], $0xffff;
	[tilespmem:v0+s14+$0xFFFFFFD0 ss:$0x1] =	vst.idx.msk $0xffff, v3;
	(pc) =	sbr.rel @p1 .LBB2_3-.Ltmp3, $4  }
0x42: {  	v2 =	vld.idx.msk [tilespmem:v1+s15+$0xFFFFFFF0 ss:$0x1], $0xffff;
	[tilespmem:v0+s14+$0xFFFFFFE0 ss:$0x1] =	vst.idx.msk $0xffff, v5  }
0x43: {  	v3 =	vld.idx.msk [tilespmem:v1+s15+$0x0 ss:$0x1], $0xffff;
	[tilespmem:v0+s14+$0xFFFFFFF0 ss:$0x1] =	vst.idx.msk $0xffff, v7;
	s14 =	smov.u32 s15  }
0x44: {  	v5 =	vld.idx.msk [tilespmem:v1+s14+$0x10 ss:$0x1], $0xffff;
	[tilespmem:v0+s14+$0x0 ss:$0x1] =	vst.idx.msk $0xffff, v8  }
0x45: {  	s15 =	sshra.s32 s16, $0x2;
	s16 =	sadd.s32 $0x200, s16;
	[tilespmem:v0+s14+$0xFFFFFF90 ss:$0x1] =	vst.idx.msk $0xffff, v9;
	v7 =	vld.idx.msk [tilespmem:v1+s14+$0x20 ss:$0x1], $0xffff  }
.Ltmp4:
0x46: {  	_ = 	snop;
	(pc) =	sbr.rel .LBB2_4-.Ltmp4, $1  }
0x47: {  	_ =	sdelay $0x3  }
.LBB2_6:
0x48: {  	_ =	sfence.sel $0x180000  }
0x49: {  	s2 =	simm.s32 $0x1;
	[bflag:$0x0] =	sbarrier.arrive $0xFFFF  }
0x4a: {  	s31 =	simm.s32 $0x2;
	[sflag:s2] =	ssyncpa.u1 $0x1  }
0x4b: {  	[sflag:s31] =	ssyncpa.u1 $0x1  }
0x4c: {  	_ =	strace $0x90000047  }
0x4d: {  	s0 =	sadd.s32 @!p0 $0x100000, s0;
	[bflag:$0x2] =	sbarrier.arrive $0xFFFF  }
0x4e: {  	[sflag:s0] =	ssyncadd.tile.s32 @!p0 $0x1;
	s0 =	simm.s32 @!p0 $0x3F  }
0x4f: {  	_ =	swait.ge @!p0 [sflag:s0], s1  }
0x50: {  	s1 =	ssub.s32 @!p0 $0x0, s1;
	[sflag:s0] =	ssyncset.done @!p0 $0x0  }
0x51: {  	[sflag:s0] =	ssyncadd.s32 @!p0 s1  }
0x52: {  	[bflag:$0x3] =	sbarrier.arrive $0xFFFF  }
0x53: {  	_ =	shalt  }
.Lfunc_end2:
execute1_lowered:
.L_overlay_start_2:
0x54: {  	(tag) =	ssettag $0x2  }
0x55: {  	s0 =	rddreg [dreg:$0x0]  }
0x56: {  	s2 =	rddreg [dreg:$0x1];
	_ =	strace $0x8000004A;
	s1 =	simm.s32 $0x1  }
0x57: {  	s9 =	simm.s32 $0x108;
	v0 =	vimm.s32 $0x0;
	[sflag:s1] =	ssyncpa.u1 $0x0  }
0x58: {  	[tilespmem:s9+$0x70] =	vst v0  }
0x59: {  	[tilespmem:s9+$0x60] =	vst v0  }
0x5a: {  	[tilespmem:s9+$0x50] =	vst v0  }
0x5b: {  	[tilespmem:s9+$0x40] =	vst v0  }
0x5c: {  	s1 =	sadd.s32 $0x358400, s0;
	[tilespmem:s9+$0x30] =	vst v0  }
0x5d: {  	s15 =	sadd.s32 $0x1CA200, s0;
	s6 =	sadd.s32 $0x1D1A00, s0;
	[tilespmem:s9+$0x20] =	vst v0  }
0x5e: {  	s14 =	sadd.s32 $0x1CD400, s0;
	s5 =	sand.u32 $0x1, s2;
	s0 =	simm.s32 $0x40;
	[tilespmem:s9+$0x10] =	vst v0  }
.LBB3_1:
0x5f: {  	s0 =	sadd.s32 $0x40, s0;
	[tilespmem:s9+$0x0] =	vst v0;
	s9 =	sadd.s32 $0x80, s9  }
0x60: {  	p0 =	slt.u32 s0, $0x3C40;
	[tilespmem:s9+$0x70] =	vst v0  }
0x61: {  	[tilespmem:s9+$0x60] =	vst v0  }
.Ltmp5:
0x62: {  	[tilespmem:s9+$0x50] =	vst v0;
	(pc) =	sbr.rel @p0 .LBB3_1-.Ltmp5, $4  }
0x63: {  	[tilespmem:s9+$0x40] =	vst v0  }
0x64: {  	[tilespmem:s9+$0x30] =	vst v0  }
0x65: {  	[tilespmem:s9+$0x20] =	vst v0  }
0x66: {  	[tilespmem:s9+$0x10] =	vst v0  }
0x67: {  	s16 =	stileid.u32  }
0x68: {  	s0 =	simm.s32 $0x1;
	p0 =	sne.s32 s16, $0x0;
	s2 =	smul.u32 $0xD, s16  }
0x69: {  	s0 =	simm.s32 @!p0 $0x0  }
0x6a: {  	s0 =	sadd.s32 s0, s2  }
0x6b: {  	p1 =	seq.s32 s16, $0x0;
	s7 =	smul.u32 $0xF0, s0;
	s0 =	simm.s32 $0xD20  }
0x6c: {  	s0 =	simm.s32 @!p1 $0xC30  }
0x6d: {  	s0 =	sadd.s32 s0, s7  }
0x6e: {  	s8 =	smin.u32 s0, $0xC350  }
0x6f: {  	s0 =	ssub.s32 s8, s7  }
0x70: {  	p1 =	sgt.s32 s0, $0x0  }
0x71: {  	s3 =	simm.s32 $0x2;
	s10 =	simm.s32 $0x9;
	s0 =	simm.s32 @!p1 $0x0  }
0x72: {  	s4 =	simm.s32 $0xA;
	s11 =	simm.s32 $0xB;
	s29 =	smul.u32 $0x8889, s0  }
0x73: {  	[dreg:$0x4] =	wrdreg s5;
	s31 =	smul.u32 $0x186A, s5;
	s12 =	simm.s32 $0x1  }
0x74: {  	s22 =	simm.s32 $0x0;
	s18 =	simm.s32 $0xC;
	s2 =	sshrl.u32 s29, $0x17  }
0x75: {  	s20 =	simm.s32 $0x0;
	s21 =	simm.s32 $0x0;
	s30 =	smul.u32 $0xF0, s2  }
.Ltmp6:
0x76: {  	[tilespmem:s9+$0x0] =	vst v0;
	v0 =	vimm.s32 $0xFFFFFFFF;
	[sflag:s3] =	ssyncpa.u1 $0x0;
	s16 =	sshll.u32 s16, $0x8;
	(pc) =	sbr.rel .LBB3_3-.Ltmp6, $4  }
0x77: {  	[tilespmem:$0xF208] =	vst v0;
	[sflag:s10] =	ssyncpa.u1 $0x0;
	p1 =	sne.s32 s0, s30;
	s0 =	simm.s32 $0x1  }
0x78: {  	s14 =	sadd.s32 s31, s14;
	[sflag:s4] =	ssyncpa.u1 $0x0;
	s0 =	simm.s32 @!p1 $0x0  }
0x79: {  	s15 =	sadd.s32 s31, s15;
	[sflag:s11] =	ssyncpa.u1 $0x0;
	s13 =	sadd.s32 s2, s0  }
0x7a: {  	v0 =	vlaneseq.u32;
	s19 =	smov.u32 s7;
	p1 =	por $0x0, $0x0;
	s17 =	sadd.s32 $0x1, s13  }
.LBB3_18:
0x7b: {  	s0 =	sshrl.u32 s31, $0x2  }
.LBB3_20:
0x7c: {  	_ =	swait.ge [sflag:s18], s0  }
0x7d: {  	s31 =	ssub.s32 $0x0, s0;
	v1 =	vmov s24;
	vm0 =	veq.s32 v0, $0x0;
	[sflag:s18] =	ssyncset.done $0x0  }
0x7e: {  	vm15 =	veq.s32 v0, $0x2;
	v1 =	vsel vm0, s30, v1;
	[sflag:s18] =	ssyncadd.s32 s31  }
0x7f: {  	v1 =	vsel vm15, s22, v1;
	[sflag:s18] =	ssyncpa.u1 $0x1  }
0x80: {  	[tilespmem:$0xF208] =	vst v1  }
.LBB3_21:
0x81: {  	s0 =	sadd.s32 $0xF0, s19  }
0x82: {  	s2 =	smov.u32 s7;
	p2 =	slt.s32 s0, s8  }
0x83: {  	s2 =	smov.u32 @p2 s0;
	p2 =	sne.s32 s21, s17  }
.Ltmp7:
0x84: {  	_ = 	snop;
	(pc) =	sbr.rel @!p2 .LBB3_22-.Ltmp7, $3  }
0x85: {  	_ =	sdelay $0x1  }
0x86: {  	s22 =	smov.u32 s20;
	s31 =	sadd.s32 $0x1, s21;
	s20 =	smov.u32 s19  }
0x87: {  	p1 =	por !p1, !p1;
	s21 =	smov.u32 s31;
	s19 =	smov.u32 s2  }
.LBB3_3:
0x88: {  	p2 =	sge.u32 s21, s13  }
0x89: {  	s0 =	smulhi.u32 @!p2 $0xAAAAAAAB, s21  }
0x8a: {  	s2 =	smov.u32 s19;
	p3 =	sgt.s32 @!p2 s19, $0xC260  }
0x8b: {  	s3 =	sshra.s32 @!p2 s19, $0x1F;
	p3 =	por !p3, p2;
	s0 =	sshrl.u32 @!p2 s0, $0x1  }
0x8c: {  	s3 =	sand.u32 @!p2 s3, s19;
	s2 =	simm.s32 @p3 $0xC260;
	s0 =	smul.u32 @!p2 $0x3, s0  }
0x8d: {  	s2 =	ssub.s32 @!p2 s2, s3  }
0x8e: {  	s2 =	sadd.s32 @!p2 $0xFFFF3DA0, s2;
	s0 =	ssub.s32 @!p2 s21, s0  }
0x8f: {  	s3 =	sshll.u32 @!p2 s2, $0x2;
	p3 =	sgt.s32 @!p2 s2, $0xEF;
	s0 =	smul.u32 @!p2 $0x3C0, s0  }
0x90: {  	s4 =	sand.u32 @!p2 $0x7, s19;
	s2 =	ssub.s32 @!p2 $0x3C0, s3;
	p3 =	por !p3, p2  }
0x91: {  	s3 =	sshrl.u32 @!p2 s19, $0x3;
	s2 =	sshrl.u32 @!p2 s2, $0x2;
	s0 =	sshrl.u32 @!p2 s0, $0x2  }
0x92: {  	s3 =	sadd.s32 @!p2 s3, s14;
	s2 =	simm.s32 @!p3 $0x0;
	s0 =	sadd.s32 @!p2 $0x10248, s0  }
0x93: {  	[tilespmem:s0], [sflag:$0xA] =	stream.linear.gather @!p2 [hbm4b:s3+s4], s2, $0x38;
	[tilespmem:$0x1F6F8] =	vst v63  }
0x94: {  	s0 =	sadd.s32 $0xFFFFFFFF, s21  }
0x95: {  	p2 =	sge.u32 s0, s13  }
0x96: {  	p3 =	sgt.s32 @!p2 s20, $0xC260  }
0x97: {  	s2 =	smov.u32 s20;
	s3 =	sshra.s32 @!p2 s20, $0x1F;
	p3 =	por !p3, p2  }
0x98: {  	s3 =	sand.u32 @!p2 s3, s20;
	s2 =	simm.s32 @p3 $0xC260  }
0x99: {  	s2 =	ssub.s32 @!p2 s2, s3  }
0x9a: {  	s2 =	sadd.s32 @!p2 $0xFFFF3DA0, s2  }
0x9b: {  	s4 =	sand.u32 @!p2 $0x1, s0;
	s3 =	sshll.u32 @!p2 s2, $0x2  }
0x9c: {  	p3 =	sgt.s32 @!p2 s2, $0xEF;
	s2 =	ssub.s32 @!p2 $0x3C0, s3;
	s3 =	smulhi.u32 @!p2 $0xAAAAAAAB, s0  }
0x9d: {  	s23 =	smul.u32 @!p2 $0x3C0, s4;
	p3 =	por !p3, p2;
	s2 =	sshrl.u32 @!p2 s2, $0x2  }
0x9e: {  	s5 =	simm.s32 @!p2 $0xA;
	s2 =	simm.s32 @!p3 $0x0;
	s3 =	sshrl.u32 @!p2 s3, $0x1  }
0x9f: {  	s23 =	sshrl.u32 @!p2 s23, $0x2;
	_ =	swait.ge @!p2 [sflag:s5], s2;
	s3 =	smul.u32 @!p2 $0x3, s3  }
0xa0: {  	s23 =	sadd.s32 @!p2 $0x10518, s23;
	s24 =	ssub.s32 @!p2 $0x0, s2;
	[sflag:s5] =	ssyncset.done @!p2 $0x0  }
0xa1: {  	[sflag:s5] =	ssyncadd.s32 @!p2 s24;
	s5 =	sshrl.u32 @!p2 s20, $0x3;
	s0 =	ssub.s32 @!p2 s0, s3  }
0xa2: {  	s24 =	sand.u32 @!p2 $0x7, s20;
	s5 =	sadd.s32 @!p2 s5, s15;
	s0 =	smul.u32 @!p2 $0x3C0, s0  }
0xa3: {  	[tilespmem:s23], [sflag:$0xB] =	stream.linear.gather @!p2 [hbm4b:s5+s24], s2, $0x38;
	[tilespmem:$0x1F6F8] =	vst v63  }
0xa4: {  	s3 =	ssub.s32 @!p2 $0xC350, s20;
	s2 =	smul.u32 @!p2 $0x1E000, s4  }
0xa5: {  	p3 =	slt.s32 @!p2 s3, $0xF0  }
0xa6: {  	p3 =	por !p3, p2;
	s0 =	sshrl.u32 @!p2 s0, $0x2;
	s2 =	sshrl.u32 @!p2 s2, $0x2  }
0xa7: {  	s3 =	simm.s32 @p3 $0xF0;
	s0 =	sadd.s32 @!p2 $0x10248, s0;
	s2 =	sor.u32 @!p2 $0x106F8, s2  }
0xa8: {  	[tilespmem:s2], [sflag:$0x9] =	stream.indirect.gather @!p2 [hbm4b:s6+s3], $0x80, s0, s3, $0xb8;
	[tilespmem:$0x1F6F8] =	vst v63  }
0xa9: {  	p2 =	slt.u32 s21, $0x2  }
.Ltmp8:
0xaa: {  	_ = 	snop;
	(pc) =	sbr.rel @p2 .LBB3_21-.Ltmp8, $1  }
0xab: {  	_ =	sdelay $0x3  }
0xac: {  	p2 =	sgt.s32 s22, $0xC260  }
0xad: {  	s0 =	smov.u32 s22;
	s2 =	sshra.s32 s22, $0x1F;
	s3 =	ssub.s32 $0xC350, s22  }
0xae: {  	s0 =	simm.s32 @!p2 $0xC260;
	s2 =	sand.u32 s2, s22;
	p2 =	slt.s32 s3, $0xF0  }
0xaf: {  	s0 =	ssub.s32 s0, s2;
	s3 =	simm.s32 @!p2 $0xF0  }
0xb0: {  	s0 =	sadd.s32 $0xFFFF3DA0, s0;
	s25 =	sshll.u32 s3, $0x7  }
0xb1: {  	s26 =	sshll.u32 s0, $0x2;
	s2 =	sand.u32 $0x3FFFFF80, s25  }
0xb2: {  	p2 =	sgt.s32 s0, $0xEF;
	s29 =	ssub.s32 $0x3C0, s26;
	_ =	swait.ge [sflag:s10], s2  }
0xb3: {  	s2 =	ssub.s32 $0x0, s2;
	[sflag:s10] =	ssyncset.done $0x0;
	s0 =	sshrl.u32 s29, $0x2  }
0xb4: {  	[sflag:s10] =	ssyncadd.s32 s2;
	s0 =	simm.s32 @p2 $0x0  }
0xb5: {  	_ =	swait.ge [sflag:s11], s0  }
0xb6: {  	s0 =	ssub.s32 $0x0, s0;
	[sflag:s11] =	ssyncset.done $0x0  }
0xb7: {  	[sflag:s11] =	ssyncadd.s32 s0  }
0xb8: {  	v1 =	vld [tilespmem:$0xF208];
	_ =	sdelay $0x4  }
0xb9: {  	(v2sf) =	vpush v1, $0x0  }
0xba: {  	(v2sf) =	vpush v1, $0x1  }
0xbb: {  	(v2sf) =	vpush v1, $0x2;
	_ =	sdelay $0x3  }
0xbc: {  	s0 =	sadd.s32 $0xF0, s22  }
0xbd: {  	s2 =	ssub.s32 $0x186A0, s22;
	p2 =	slt.s32 s8, s0  }
0xbe: {  	s0 =	smov.u32 @p2 s8;
	p2 =	sgt.s32 s2, $0x0  }
0xbf: {  	s26 =	ssub.s32 s0, s22;
	s2 =	simm.s32 @!p2 $0x0  }
0xc0: {  	p2 =	slt.s32 s2, s26  }
0xc1: {  	s26 =	smov.u32 @p2 s2  }
0xc2: {  	s25 =	simm.s32 $0x1;
	p2 =	slt.s32 s26, $0x1  }
.Ltmp9:
0xc3: {  	s25 =	simm.s32 @!p1 $0x0;
	(pc) =	sbr.rel @p2 .LBB3_8-.Ltmp9, $4  }
0xc4: {  	s31 =	smul.u32 $0x3C0, s25  }
0xc5: {  	s28 =	spop (v2sf)  }
0xc6: {  	s0 =	sshrl.u32 s31, $0x2;
	s30 =	spop (v2sf)  }
0xc7: {  	s23 =	sadd.s32 $0x10518, s0;
	s22 =	spop (v2sf)  }
0xc8: {  	s0 =	smin.u32 s26, $0x10  }
0xc9: {  	v1 =	vmov s0  }
0xca: {  	p3 =	sgt.s32 s26, $0x10;
	vm1 =	vgt.u32 v1, v0  }
.Ltmp10:
0xcb: {  	_ = 	snop;
	(pc) =	sbr.rel @!p3 .LBB3_7-.Ltmp10, $2  }
0xcc: {  	_ =	sdelay $0x2  }
0xcd: {  	s4 =	simm.s32 $0x10;
	s24 =	sadd.s32 $0xFFFFFFF0, s26;
	s0 =	smov.u32 s23;
	vm0 =	vmmov vm1  }
.LBB3_6:
0xce: {  	s2 =	smin.u32 s24, $0x10;
	s4 =	sadd.s32 $0x10, s4;
	v1 =	vld.msk [tilespmem:s0+$0x0 ss:$0x1], vm1  }
0xcf: {  	v2 =	vmov s2;
	p3 =	slt.s32 s4, s26  }
0xd0: {  	vm1 =	vgt.u32 v2, v0  }
.Ltmp11:
0xd1: {  	(pc) =	sbr.rel @p3 .LBB3_6-.Ltmp11, $3  }
0xd2: {  	_ =	sdelay $0x1  }
0xd3: {  	v1 =	vshll.u32 v1, $0x4  }
0xd4: {  	s24 =	sadd.s32 $0xFFFFFFF0, s24;
	[tilespmem:s0+$0x0] =	vst.msk vm0, v1;
	s0 =	sadd.s32 $0x10, s0;
	vm0 =	vmmov vm1  }
.LBB3_7:
0xd5: {  	_ =	sdelay $0x4  }
0xd6: {  	v1 =	vld.msk [tilespmem:s0+$0x0 ss:$0x1], vm1;
	_ =	sdelay $0x4  }
0xd7: {  	v1 =	vshll.u32 v1, $0x4  }
0xd8: {  	[tilespmem:s0+$0x0] =	vst.msk vm0, v1  }
.LBB3_8:
0xd9: {  	s0 =	sand.u32 $0x1, s21  }
0xda: {  	s2 =	smul.u32 $0x7800, s0  }
0xdb: {  	p3 =	sne.s32 s30, $0xFFFFFFFF  }
0xdc: {  	v1 =	vld @!p3 [tilespmem:s2+$0x106F8];
	_ =	sdelay $0x2  }
0xdd: {  	s0 =	smul.u32 $0xF0, s0;
	_ =	sdelay $0x1  }
0xde: {  	v2 =	vld.msk @!p3 [tilespmem:s0+$0x10518], $0x1;
	[tilespmem:$0x108] =	vst @!p3 v1  }
0xdf: {  	v1 =	vld @!p3 [tilespmem:s2+$0x10708];
	_ =	sdelay $0x4  }
0xe0: {  	[tilespmem:$0x118] =	vst @!p3 v1  }
0xe1: {  	v1 =	vld @!p3 [tilespmem:s2+$0x10718];
	_ =	sdelay $0x4  }
0xe2: {  	[tilespmem:$0x128] =	vst @!p3 v1  }
0xe3: {  	v1 =	vld @!p3 [tilespmem:s2+$0x10728];
	_ =	sdelay $0x4  }
0xe4: {  	[tilespmem:$0x138] =	vst @!p3 v1  }
0xe5: {  	v1 =	vld @!p3 [tilespmem:s2+$0x10738];
	_ =	sdelay $0x4  }
0xe6: {  	[tilespmem:$0x148] =	vst @!p3 v1  }
0xe7: {  	(v2sf) =	vpush @!p3 v2, $0x0;
	v1 =	vld @!p3 [tilespmem:s2+$0x10748];
	_ =	sdelay $0x4  }
0xe8: {  	[tilespmem:$0x158] =	vst @!p3 v1  }
0xe9: {  	v1 =	vld @!p3 [tilespmem:s2+$0x10758];
	_ =	sdelay $0x4  }
0xea: {  	[tilespmem:$0x168] =	vst @!p3 v1  }
0xeb: {  	v1 =	vld @!p3 [tilespmem:s2+$0x10768]  }
.Ltmp12:
0xec: {  	_ = 	snop;
	(pc) =	sbr.rel @p2 .LBB3_19-.Ltmp12, $4  }
0xed: {  	_ = 	snop  }
0xee: {  	s29 =	spop @!p3 (v2sf)  }
0xef: {  	s22 =	simm.s32 @!p3 $0x0;
	s24 =	smov.u32 s29  }
0xf0: {  	s29 =	smov.u32 @p3 s28;
	s24 =	smov.u32 @p3 s30;
	[tilespmem:$0x178] =	vst @!p3 v1;
	[sflag:s18] =	ssyncpa.u1 $0x0  }
0xf1: {  	v1 =	vld.msk [tilespmem:s23+$0x0], $0x1;
	_ =	sdelay $0x4  }
0xf2: {  	(v2sf) =	vpush v1, $0x0;
	_ =	sdelay $0xe  }
0xf3: {  	s2 =	smul.u32 $0x1E000, s25;
	s0 =	spop (v2sf)  }
0xf4: {  	s26 =	ssub.s32 $0x0, s26;
	p2 =	seq.s32 s29, s0  }
0xf5: {  	s30 =	sadd.s32 $0x1, s26;
	s2 =	sshrl.u32 s2, $0x2;
	p3 =	sgt.s32 @!p2 s29, $0x0  }
0xf6: {  	s25 =	sor.u32 $0x10738, s2;
	s2 =	smov.u32 s29;
	p3 =	por !p3, p2  }
0xf7: {  	s2 =	simm.s32 @p3 $0x0;
	p3 =	seq.s32 s30, $0x0  }
.Ltmp13:
0xf8: {  	_ = 	snop;
	(pc) =	sbr.rel @p3 .LBB3_11-.Ltmp13, $4  }
0xf9: {  	_ = 	snop  }
0xfa: {  	s28 =	simm.s32 $0x0;
	s31 =	sadd.s32 $0x1, s23;
	s2 =	smin.u32 @!p2 s2, $0xFFFF0  }
0xfb: {  	s4 =	simm.s32 @!p2 $0x1;
	s5 =	simm.s32 @!p2 $0x7988;
	s3 =	sand.u32 @!p2 $0xFFFF8, s2  }
0xfc: {  	s4 =	smov.u32 @p2 s28;
	s2 =	sand.u32 @!p2 $0x7, s2;
	s3 =	sadd.s32 @!p2 s1, s3  }
.LBB3_10:
0xfd: {  	s9 =	smov.u32 s4  }
0xfe: {  	[tilespmem:s5], [sflag:$0x2] =	stream.linear.gather @!p2 [hbm4b:s3+s2], $0x80, $0x38;
	[tilespmem:$0x1F6F8] =	vst v63  }
0xff: {  	s30 =	sadd.s32 $0x1, s30;
	s2 =	smov.u32 s0;
	v1 =	vld.msk [tilespmem:s31+$0x0], $0x1  }
0x100: {  	p3 =	seq.s32 s30, $0x0;
	_ =	sdelay $0x3  }
0x101: {  	(v2sf) =	vpush v1, $0x0;
	_ =	sdelay $0xe  }
0x102: {  	s0 =	spop (v2sf)  }
0x103: {  	p2 =	seq.s32 s2, s0  }
0x104: {  	p4 =	sgt.s32 @!p2 s2, $0x0;
	s3 =	sshll.u32 @!p2 s4, $0x9;
	s4 =	sadd.s32 @!p2 $0x1, s4  }
.Ltmp14:
0x105: {  	p4 =	por !p4, p2;
	s3 =	sshra.s32 @!p2 s3, $0x2;
	(pc) =	sbr.rel @!p3 .LBB3_10-.Ltmp14, $4  }
0x106: {  	s4 =	smov.u32 @p2 s9;
	s2 =	simm.s32 @p4 $0x0;
	s5 =	sadd.s32 @!p2 $0x7988, s3  }
0x107: {  	s2 =	smin.u32 @!p2 s2, $0xFFFF0  }
0x108: {  	s3 =	sand.u32 @!p2 $0xFFFF8, s2;
	s2 =	sand.u32 @!p2 $0x7, s2  }
0x109: {  	s31 =	sadd.s32 $0x1, s31;
	s3 =	sadd.s32 @!p2 s1, s3  }
.LBB3_11:
0x10a: {  	[tilespmem:s5], [sflag:$0x2] =	stream.linear.gather @!p2 [hbm4b:s3+s2], $0x80, $0x38;
	[tilespmem:$0x1F6F8] =	vst v63  }
.Ltmp15:
0x10b: {  	s0 =	sshll.u32 s4, $0x7;
	(pc) =	sbr.rel .LBB3_12-.Ltmp15, $4  }
0x10c: {  	s30 =	simm.s32 $0x2;
	s0 =	sand.u32 $0x3FFFFF80, s0  }
0x10d: {  	_ =	swait.ge [sflag:s30], s0  }
0x10e: {  	s0 =	ssub.s32 $0x0, s0;
	[sflag:s30] =	ssyncset.done $0x0  }
0x10f: {  	s31 =	simm.s32 $0x0;
	[sflag:s30] =	ssyncadd.s32 s0  }
.LBB3_13:
0x110: {  	s0 =	sshra.s32 s0, $0x2;
	v1 =	vld [tilespmem:s25+$0xFFFFFFC0]  }
0x111: {  	v2 =	vld [tilespmem:s0+$0x108];
	_ =	sdelay $0x4  }
0x112: {  	v1 =	vmax.f32 v1, v2  }
0x113: {  	v2 =	vld [tilespmem:s0+$0x118];
	[tilespmem:s0+$0x108] =	vst v1  }
0x114: {  	v1 =	vld [tilespmem:s25+$0xFFFFFFD0];
	_ =	sdelay $0x4  }
0x115: {  	v1 =	vmax.f32 v1, v2  }
0x116: {  	v2 =	vld [tilespmem:s0+$0x128];
	[tilespmem:s0+$0x118] =	vst v1  }
0x117: {  	v1 =	vld [tilespmem:s25+$0xFFFFFFE0];
	_ =	sdelay $0x4  }
0x118: {  	v1 =	vmax.f32 v1, v2  }
0x119: {  	v2 =	vld [tilespmem:s0+$0x138];
	[tilespmem:s0+$0x128] =	vst v1  }
0x11a: {  	v1 =	vld [tilespmem:s25+$0xFFFFFFF0];
	_ =	sdelay $0x4  }
0x11b: {  	v1 =	vmax.f32 v1, v2  }
0x11c: {  	v2 =	vld [tilespmem:s0+$0x148];
	[tilespmem:s0+$0x138] =	vst v1  }
0x11d: {  	v1 =	vld [tilespmem:s25+$0x0];
	_ =	sdelay $0x4  }
0x11e: {  	v1 =	vmax.f32 v1, v2  }
0x11f: {  	v2 =	vld [tilespmem:s0+$0x158];
	[tilespmem:s0+$0x148] =	vst v1  }
0x120: {  	v1 =	vld [tilespmem:s25+$0x10];
	_ =	sdelay $0x4  }
0x121: {  	v1 =	vmax.f32 v1, v2  }
0x122: {  	v2 =	vld [tilespmem:s0+$0x168];
	[tilespmem:s0+$0x158] =	vst v1  }
0x123: {  	v1 =	vld [tilespmem:s25+$0x20];
	_ =	sdelay $0x4  }
0x124: {  	v1 =	vmax.f32 v1, v2  }
0x125: {  	v2 =	vld [tilespmem:s0+$0x178];
	[tilespmem:s0+$0x168] =	vst v1  }
0x126: {  	v1 =	vld [tilespmem:s25+$0x30];
	_ =	sdelay $0x4  }
0x127: {  	v1 =	vmax.f32 v1, v2  }
0x128: {  	[tilespmem:s0+$0x178] =	vst v1  }
.LBB3_17:
0x129: {  	s26 =	sadd.s32 $0x1, s26  }
0x12a: {  	p2 =	seq.s32 s26, $0x0  }
.Ltmp16:
0x12b: {  	_ = 	snop;
	(pc) =	sbr.rel @p2 .LBB3_18-.Ltmp16, $2  }
0x12c: {  	_ =	sdelay $0x2  }
0x12d: {  	s23 =	sadd.s32 $0x1, s23;
	s25 =	sadd.s32 $0x80, s25;
	s29 =	smov.u32 s30  }
.LBB3_12:
0x12e: {  	v1 =	vld.msk [tilespmem:s23+$0x0], $0x1;
	_ =	sdelay $0x4  }
0x12f: {  	(v2sf) =	vpush v1, $0x0;
	_ =	sdelay $0xe  }
0x130: {  	s30 =	spop (v2sf)  }
0x131: {  	p2 =	sne.s32 s29, s30  }
.Ltmp17:
0x132: {  	_ = 	snop;
	(pc) =	sbr.rel @!p2 .LBB3_13-.Ltmp17, $2  }
0x133: {  	_ =	sdelay $0x2  }
0x134: {  	s0 =	sshll.u32 s22, $0x9  }
0x135: {  	p2 =	seq.s32 s29, s24  }
.Ltmp18:
0x136: {  	_ = 	snop;
	(pc) =	sbr.rel @!p2 .LBB3_15-.Ltmp18, $1  }
0x137: {  	_ =	sdelay $0x3  }
0x138: {  	s0 =	sshra.s32 s0, $0x2  }
.Ltmp19:
0x139: {  	s0 =	sadd.s32 $0x108, s0;
	(pc) =	sbr.rel .LBB3_16-.Ltmp19, $4  }
0x13a: {  	[spmem:s16] =	stream.linear.scatter [tilespmem:s0], [sflag:$0x1], $0x80, $0x38;
	[tilespmem:$0x1F6F8] =	vst v63  }
0x13b: {  	_ =	swait.ge [sflag:s12], $0x80  }
0x13c: {  	[sflag:s12] =	ssyncset.done $0x0  }
0x13d: {  	[sflag:s12] =	ssyncadd.s32 $0xFFFFFF80  }
.LBB3_15:
0x13e: {  	s2 =	sshll.u32 s28, $0x9;
	s0 =	sshra.s32 s0, $0x2  }
0x13f: {  	s2 =	sshra.s32 s2, $0x2;
	v2 =	vld [tilespmem:s0+$0x108]  }
0x140: {  	v1 =	vld [tilespmem:s2+$0x7988];
	_ =	sdelay $0x4  }
0x141: {  	v1 =	vmax.f32 v1, v2  }
0x142: {  	v2 =	vld [tilespmem:s0+$0x118];
	[tilespmem:s0+$0x108] =	vst v1  }
0x143: {  	v1 =	vld [tilespmem:s2+$0x7998];
	_ =	sdelay $0x4  }
0x144: {  	v1 =	vmax.f32 v1, v2  }
0x145: {  	v2 =	vld [tilespmem:s0+$0x128];
	[tilespmem:s0+$0x118] =	vst v1  }
0x146: {  	v1 =	vld [tilespmem:s2+$0x79A8];
	_ =	sdelay $0x4  }
0x147: {  	v1 =	vmax.f32 v1, v2  }
0x148: {  	v2 =	vld [tilespmem:s0+$0x138];
	[tilespmem:s0+$0x128] =	vst v1  }
0x149: {  	v1 =	vld [tilespmem:s2+$0x79B8];
	_ =	sdelay $0x4  }
0x14a: {  	v1 =	vmax.f32 v1, v2  }
0x14b: {  	v2 =	vld [tilespmem:s0+$0x148];
	[tilespmem:s0+$0x138] =	vst v1  }
0x14c: {  	v1 =	vld [tilespmem:s2+$0x79C8];
	_ =	sdelay $0x4  }
0x14d: {  	v1 =	vmax.f32 v1, v2  }
0x14e: {  	v2 =	vld [tilespmem:s0+$0x158];
	[tilespmem:s0+$0x148] =	vst v1  }
0x14f: {  	v1 =	vld [tilespmem:s2+$0x79D8];
	_ =	sdelay $0x4  }
0x150: {  	v1 =	vmax.f32 v1, v2  }
0x151: {  	v2 =	vld [tilespmem:s0+$0x168];
	[tilespmem:s0+$0x158] =	vst v1  }
0x152: {  	v1 =	vld [tilespmem:s2+$0x79E8];
	_ =	sdelay $0x4  }
0x153: {  	v1 =	vmax.f32 v1, v2  }
0x154: {  	v2 =	vld [tilespmem:s0+$0x178];
	[tilespmem:s0+$0x168] =	vst v1  }
0x155: {  	v1 =	vld [tilespmem:s2+$0x79F8];
	_ =	sdelay $0x3  }
0x156: {  	p2 =	sgt.u32 s29, $0xFFFF0  }
0x157: {  	s2 =	sand.u32 @!p2 $0xFFFF8, s29;
	v1 =	vmax.f32 v1, v2  }
0x158: {  	s3 =	sadd.s32 $0x108, s0;
	[tilespmem:s0+$0x178] =	vst v1;
	s0 =	sadd.s32 @!p2 s1, s2;
	s2 =	sand.u32 @!p2 $0x7, s29  }
0x159: {  	[hbm4b:s0+s2] =	stream.linear.scatter @!p2 [tilespmem:s3], [sflag:$0xC], $0x80, $0x38;
	[tilespmem:$0x1F6F8] =	vst v63  }
0x15a: {  	s0 =	simm.s32 $0x0  }
0x15b: {  	s0 =	simm.s32 @!p2 $0x200  }
0x15c: {  	s31 =	sadd.s32 s0, s31  }
.LBB3_16:
0x15d: {  	s0 =	sadd.s32 $0x1, s22  }
0x15e: {  	s2 =	smulhi.u32 $0x88888889, s0;
	_ =	sdelay $0x1  }
0x15f: {  	v1 =	vld [tilespmem:s25+$0xFFFFFFC0];
	s2 =	sshrl.u32 s2, $0x7  }
0x160: {  	s2 =	smul.u32 $0xF0, s2;
	_ =	sdelay $0x1  }
0x161: {  	s22 =	ssub.s32 s0, s2  }
0x162: {  	s0 =	sshll.u32 s22, $0x7  }
0x163: {  	[tilespmem:s0+$0x108] =	vst v1  }
0x164: {  	v1 =	vld [tilespmem:s25+$0xFFFFFFD0];
	_ =	sdelay $0x4  }
0x165: {  	[tilespmem:s0+$0x118] =	vst v1  }
0x166: {  	v1 =	vld [tilespmem:s25+$0xFFFFFFE0];
	_ =	sdelay $0x4  }
0x167: {  	[tilespmem:s0+$0x128] =	vst v1  }
0x168: {  	v1 =	vld [tilespmem:s25+$0xFFFFFFF0];
	_ =	sdelay $0x4  }
0x169: {  	[tilespmem:s0+$0x138] =	vst v1  }
0x16a: {  	v1 =	vld [tilespmem:s25+$0x0];
	_ =	sdelay $0x4  }
0x16b: {  	[tilespmem:s0+$0x148] =	vst v1  }
0x16c: {  	v1 =	vld [tilespmem:s25+$0x10];
	_ =	sdelay $0x4  }
0x16d: {  	[tilespmem:s0+$0x158] =	vst v1  }
0x16e: {  	v1 =	vld [tilespmem:s25+$0x20];
	_ =	sdelay $0x4  }
0x16f: {  	[tilespmem:s0+$0x168] =	vst v1  }
0x170: {  	v1 =	vld [tilespmem:s25+$0x30]  }
.Ltmp20:
0x171: {  	_ = 	snop;
	(pc) =	sbr.rel .LBB3_17-.Ltmp20, $2  }
0x172: {  	_ =	sdelay $0x2  }
0x173: {  	s28 =	sadd.s32 $0x1, s28;
	[tilespmem:s0+$0x178] =	vst v1  }
.LBB3_19:
.Ltmp21:
0x174: {  	(pc) =	sbr.rel .LBB3_20-.Ltmp21, $4  }
0x175: {  	_ = 	snop  }
0x176: {  	s0 =	simm.s32 $0x2  }
0x177: {  	_ =	swait.ge [sflag:s0], $0x0  }
0x178: {  	s30 =	smov.u32 s29;
	[sflag:s0] =	ssyncset.done $0x0;
	s0 =	simm.s32 $0x0  }
.LBB3_22:
0x179: {  	_ =	sfence.sel $0x180000  }
0x17a: {  	s0 =	simm.s32 $0x9;
	[bflag:$0x0] =	sbarrier.arrive $0xFFFF  }
0x17b: {  	s24 =	simm.s32 $0xA;
	[sflag:s0] =	ssyncpa.u1 $0x1  }
0x17c: {  	s25 =	simm.s32 $0xB;
	[sflag:s24] =	ssyncpa.u1 $0x1  }
0x17d: {  	s26 =	simm.s32 $0x2;
	[sflag:s25] =	ssyncpa.u1 $0x1  }
0x17e: {  	[sflag:s26] =	ssyncpa.u1 $0x1  }
0x17f: {  	v0 =	vld [tilespmem:$0xF208];
	_ =	sdelay $0x4  }
0x180: {  	(v2sf) =	vpush v0, $0x0  }
0x181: {  	(v2sf) =	vpush v0, $0x1;
	_ =	sdelay $0x1  }
0x182: {  	(v2sf) =	vpush v0, $0x2;
	_ =	sdelay $0xb  }
0x183: {  	s0 =	spop (v2sf)  }
0x184: {  	s2 =	spop (v2sf)  }
0x185: {  	s3 =	smov.u32 s0;
	p1 =	sne.s32 s0, s2  }
0x186: {  	s4 =	spop (v2sf);
	s3 =	simm.s32 @!p1 $0xFFFFFFFF  }
0x187: {  	v2 =	vimm.s32 $0x1;
	v3 =	vlaneseq.u32;
	p1 =	seq.s32 s4, $0xFFFFFFFF;
	v1 =	vmov s3  }
0x188: {  	s16 =	stileid.u32;
	v0 =	vperm.xlane v0, v2;
	p2 =	sne.s32 @!p1 s0, s2;
	v1 =	vperm.xlane v1, v3  }
0x189: {  	vm0 =	vcmask $0x3F04;
	s6 =	simm.s32 $0xF208;
	s0 =	simm.s32 @!p1 $0x1;
	p2 =	por !p2, p1  }
0x18a: {  	s3 =	sshll.u32 s16, $0x1;
	s2 =	sshll.u32 @!p1 s4, $0x9;
	s0 =	simm.s32 @p2 $0x0;
	v0 =	vsel vm0, v1, v0  }
0x18b: {  	s5 =	sor.u32 $0x1000, s3;
	s2 =	sshra.s32 @!p1 s2, $0x2;
	s0 =	sor.u32 @!p1 s0, s3;
	[tilespmem:$0xF208] =	vst v0  }
0x18c: {  	[spmem:s5] =	stream.linear.scatter [tilespmem:s6], [sflag:$0x1], $0x2, $0x38;
	[tilespmem:$0x1F6F8] =	vst v63  }
0x18d: {  	s2 =	sadd.s32 @!p1 $0x108, s2;
	s0 =	sshll.u32 @!p1 s0, $0x7  }
0x18e: {  	[spmem:s0] =	stream.linear.scatter @!p1 [tilespmem:s2], [sflag:$0x1], $0x80, $0x38;
	[tilespmem:$0x1F6F8] =	vst v63  }
0x18f: {  	s0 =	simm.s32 @!p1 $0x82  }
0x190: {  	s28 =	simm.s32 $0x1;
	s0 =	simm.s32 @p1 $0x2  }
0x191: {  	_ =	swait.ge [sflag:s28], s0  }
0x192: {  	s0 =	ssub.s32 $0x0, s0;
	[sflag:s28] =	ssyncset.done $0x0  }
0x193: {  	[sflag:s28] =	ssyncadd.s32 s0  }
.Ltmp22:
0x194: {  	_ =	sfence.stream.spmem;
	(pc) =	sbr.rel @p0 .LBB3_39-.Ltmp22, $4  }
0x195: {  	s29 =	simm.s32 $0x3;
	[bflag:$0x0] =	sbarrier.arrive $0xFFFF  }
0x196: {  	s30 =	simm.s32 $0x4;
	[sflag:s29] =	ssyncpa.u1 $0x1  }
0x197: {  	s31 =	simm.s32 $0x3C;
	[sflag:s30] =	ssyncpa.u1 $0x1  }
0x198: {  	s15 =	rddreg [dreg:$0x4];
	[sflag:s31] =	ssyncpa.u1 $0x1  }
0x199: {  	_ =	sfence.stream.spmem;
	s0 =	simm.s32 $0x5  }
0x19a: {  	s2 =	simm.s32 $0x1000;
	s3 =	simm.s32 $0xF218;
	[sflag:s0] =	ssyncpa.u1 $0x0  }
0x19b: {  	[tilespmem:s3], [sflag:$0x5] =	stream.linear.gather [spmem:s2], $0x20, $0x38;
	[tilespmem:$0x1F6F8] =	vst v63  }
0x19c: {  	s26 =	simm.s32 $0x0;
	s28 =	simm.s32 $0xF238  }
0x19d: {  	[tilespmem:s28], [sflag:$0x5] =	stream.linear.gather [spmem:s26], $0x1000, $0x38;
	[tilespmem:$0x1F6F8] =	vst v63  }
0x19e: {  	_ =	swait.ge [sflag:s0], $0x1020  }
0x19f: {  	[sflag:s0] =	ssyncset.done $0x0  }
0x1a0: {  	s29 =	simm.s32 $0x0;
	[sflag:s0] =	ssyncadd.s32 $0xFFFFEFE0  }
0x1a1: {  	v0 =	vld.msk [tilespmem:s29+$0xF218], $0x1;
	_ =	sdelay $0x1  }
0x1a2: {  	s30 =	simm.s32 $0x1  }
0x1a3: {  	v1 =	vld.msk [tilespmem:s30+$0xF218], $0x1;
	_ =	sdelay $0x1  }
0x1a4: {  	(v2sf) =	vpush v0, $0x0;
	_ =	sdelay $0x2  }
0x1a5: {  	(v2sf) =	vpush v1, $0x0;
	_ =	sdelay $0x2  }
0x1a6: {  	s31 =	simm.s32 $0x2  }
0x1a7: {  	v0 =	vld.msk [tilespmem:s31+$0xF218], $0x1;
	_ =	sdelay $0x2  }
0x1a8: {  	s4 =	simm.s32 $0xFFFFFFFF;
	s5 =	simm.s32 $0xFFFFFFFF;
	s0 =	simm.s32 $0xC  }
.LBB3_24:
0x1a9: {  	s2 =	smov.u32 s5;
	s3 =	smov.u32 s4  }
0x1aa: {  	s4 =	sshra.s32 s0, $0x2;
	p1 =	sne.s32 s0, $0x7C;
	s0 =	sadd.s32 $0x4, s0;
	(v2sf) =	vpush v0, $0x0  }
0x1ab: {  	v0 =	vld.msk [tilespmem:s4+$0xF218], $0x1  }
.Ltmp23:
0x1ac: {  	(pc) =	sbr.rel @p1 .LBB3_24-.Ltmp23, $4  }
0x1ad: {  	s5 =	spop (v2sf)  }
0x1ae: {  	p2 =	sne.s32 s3, $0xFFFFFFFF;
	s4 =	smov.u32 s5  }
0x1af: {  	p3 =	seq.s32 s5, $0xFFFFFFFF;
	s4 =	smov.u32 @p2 s3  }
0x1b0: {  	s5 =	smov.u32 @p3 s2;
	s4 =	smov.u32 @p3 s3  }
0x1b1: {  	(v2sf) =	vpush v0, $0x0;
	_ =	sdelay $0x8  }
0x1b2: {  	s0 =	spop (v2sf)  }
0x1b3: {  	p1 =	sne.s32 s4, $0xFFFFFFFF;
	s2 =	smov.u32 s0  }
0x1b4: {  	s9 =	simm.s32 $0x6;
	p2 =	seq.s32 s0, $0xFFFFFFFF;
	s2 =	smov.u32 @p1 s4  }
0x1b5: {  	s6 =	simm.s32 $0x0;
	s2 =	smov.u32 @p2 s4;
	s3 =	spop (v2sf)  }
0x1b6: {  	s0 =	smov.u32 @p2 s5;
	p1 =	sne.s32 s2, $0xFFFFFFFF;
	s4 =	smov.u32 s3  }
.Ltmp24:
0x1b7: {  	p2 =	seq.s32 s3, $0xFFFFFFFF;
	s4 =	smov.u32 @p1 s2;
	(pc) =	sbr.rel .LBB3_26-.Ltmp24, $4  }
0x1b8: {  	s10 =	simm.s32 $0xF188;
	s4 =	smov.u32 @p2 s2;
	s7 =	spop (v2sf)  }
0x1b9: {  	s11 =	simm.s32 $0x0;
	p1 =	sne.s32 s4, $0xFFFFFFFF;
	s8 =	smov.u32 s7  }
0x1ba: {  	s3 =	smov.u32 @p2 s0;
	p2 =	seq.s32 s7, $0xFFFFFFFF;
	s8 =	smov.u32 @p1 s4  }
0x1bb: {  	[sflag:s9] =	ssyncpa.u1 $0x0;
	s7 =	smov.u32 @p2 s3;
	s8 =	smov.u32 @p2 s4  }
.LBB3_32:
0x1bc: {  	p1 =	sgt.u32 s12, $0xFFFF0  }
0x1bd: {  	p2 =	seq.s32 @!p1 s12, s8  }
0x1be: {  	p1 =	por p1, p2  }
0x1bf: {  	p2 =	sne.s32 @!p1 s12, s7  }
0x1c0: {  	p1 =	por p1, !p2  }
0x1c1: {  	s0 =	sshll.u32 @p1 s11, $0x9  }
0x1c2: {  	s0 =	sand.u32 @!p1 $0xFFFF8, s12  }
0x1c3: {  	s2 =	sand.u32 @!p1 $0x7, s12;
	s0 =	sadd.s32 @!p1 s1, s0  }
0x1c4: {  	[tilespmem:s10], [sflag:$0x6] =	stream.linear.gather @!p1 [hbm4b:s0+s2], $0x80, $0x38;
	[tilespmem:$0x1F6F8] =	vst v63  }
0x1c5: {  	_ =	swait.ge @!p1 [sflag:s9], $0x80  }
0x1c6: {  	[sflag:s9] =	ssyncset.done @!p1 $0x0  }
0x1c7: {  	s0 =	sshll.u32 @!p1 s11, $0x9;
	[sflag:s9] =	ssyncadd.s32 @!p1 $0xFFFFFF80  }
0x1c8: {  	s2 =	sshrl.u32 @!p1 s0, $0x2;
	v1 =	vld @!p1 [tilespmem:$0xF188]  }
0x1c9: {  	v2 =	vld @!p1 [tilespmem:s2+$0xF238];
	_ =	sdelay $0x4  }
0x1ca: {  	v1 =	vmax.f32 @!p1 v1, v2  }
0x1cb: {  	v2 =	vld @!p1 [tilespmem:s2+$0xF248];
	[tilespmem:s2+$0xF238] =	vst @!p1 v1  }
0x1cc: {  	v1 =	vld @!p1 [tilespmem:$0xF198];
	_ =	sdelay $0x4  }
0x1cd: {  	v1 =	vmax.f32 @!p1 v1, v2  }
0x1ce: {  	v2 =	vld @!p1 [tilespmem:s2+$0xF258];
	[tilespmem:s2+$0xF248] =	vst @!p1 v1  }
0x1cf: {  	v1 =	vld @!p1 [tilespmem:$0xF1A8];
	_ =	sdelay $0x4  }
0x1d0: {  	v1 =	vmax.f32 @!p1 v1, v2  }
0x1d1: {  	v2 =	vld @!p1 [tilespmem:s2+$0xF268];
	[tilespmem:s2+$0xF258] =	vst @!p1 v1  }
0x1d2: {  	v1 =	vld @!p1 [tilespmem:$0xF1B8];
	_ =	sdelay $0x4  }
0x1d3: {  	v1 =	vmax.f32 @!p1 v1, v2  }
0x1d4: {  	v2 =	vld @!p1 [tilespmem:s2+$0xF278];
	[tilespmem:s2+$0xF268] =	vst @!p1 v1  }
0x1d5: {  	v1 =	vld @!p1 [tilespmem:$0xF1C8];
	_ =	sdelay $0x4  }
0x1d6: {  	v1 =	vmax.f32 @!p1 v1, v2  }
0x1d7: {  	v2 =	vld @!p1 [tilespmem:s2+$0xF288];
	[tilespmem:s2+$0xF278] =	vst @!p1 v1  }
0x1d8: {  	v1 =	vld @!p1 [tilespmem:$0xF1D8];
	_ =	sdelay $0x4  }
0x1d9: {  	v1 =	vmax.f32 @!p1 v1, v2  }
0x1da: {  	v2 =	vld @!p1 [tilespmem:s2+$0xF298];
	[tilespmem:s2+$0xF288] =	vst @!p1 v1  }
0x1db: {  	v1 =	vld @!p1 [tilespmem:$0xF1E8];
	_ =	sdelay $0x4  }
0x1dc: {  	v1 =	vmax.f32 @!p1 v1, v2  }
0x1dd: {  	v2 =	vld @!p1 [tilespmem:s2+$0xF2A8];
	[tilespmem:s2+$0xF298] =	vst @!p1 v1  }
0x1de: {  	v1 =	vld @!p1 [tilespmem:$0xF1F8];
	_ =	sdelay $0x4  }
0x1df: {  	v1 =	vmax.f32 @!p1 v1, v2  }
0x1e0: {  	[tilespmem:s2+$0xF2A8] =	vst @!p1 v1  }
0x1e1: {  	s0 =	sshrl.u32 s0, $0x2;
	[tilespmem:s6+$0xF218] =	vst.msk $0x1, v0  }
0x1e2: {  	v0 =	vld [tilespmem:s0+$0xF238];
	_ =	sdelay $0x2  }
0x1e3: {  	s31 =	sshll.u32 s6, $0x9  }
0x1e4: {  	s2 =	sshra.s32 s31, $0x2  }
0x1e5: {  	[tilespmem:s2+$0xF238] =	vst v0  }
0x1e6: {  	v0 =	vld [tilespmem:s0+$0xF248];
	_ =	sdelay $0x4  }
0x1e7: {  	[tilespmem:s2+$0xF248] =	vst v0  }
0x1e8: {  	v0 =	vld [tilespmem:s0+$0xF258];
	_ =	sdelay $0x4  }
0x1e9: {  	[tilespmem:s2+$0xF258] =	vst v0  }
0x1ea: {  	v0 =	vld [tilespmem:s0+$0xF268];
	_ =	sdelay $0x4  }
0x1eb: {  	[tilespmem:s2+$0xF268] =	vst v0  }
0x1ec: {  	v0 =	vld [tilespmem:s0+$0xF278];
	_ =	sdelay $0x4  }
0x1ed: {  	[tilespmem:s2+$0xF278] =	vst v0  }
0x1ee: {  	v0 =	vld [tilespmem:s0+$0xF288];
	_ =	sdelay $0x4  }
0x1ef: {  	[tilespmem:s2+$0xF288] =	vst v0  }
0x1f0: {  	v0 =	vld [tilespmem:s0+$0xF298];
	_ =	sdelay $0x4  }
0x1f1: {  	[tilespmem:s2+$0xF298] =	vst v0  }
0x1f2: {  	v0 =	vld [tilespmem:s0+$0xF2A8];
	_ =	sdelay $0x4  }
0x1f3: {  	s6 =	sadd.s32 $0x1, s6;
	[tilespmem:s2+$0xF2A8] =	vst v0  }
.LBB3_33:
0x1f4: {  	s11 =	sadd.s32 $0x1, s11  }
0x1f5: {  	p1 =	sne.s32 s11, $0x20  }
.Ltmp25:
0x1f6: {  	_ = 	snop;
	(pc) =	sbr.rel @!p1 .LBB3_34-.Ltmp25, $1  }
0x1f7: {  	_ =	sdelay $0x3  }
.LBB3_26:
0x1f8: {  	v0 =	vld.msk [tilespmem:s11+$0xF218], $0x1;
	_ =	sdelay $0x4  }
0x1f9: {  	(v2sf) =	vpush v0, $0x0;
	_ =	sdelay $0xe  }
0x1fa: {  	s12 =	spop (v2sf)  }
0x1fb: {  	p1 =	seq.s32 s12, $0xFFFFFFFF  }
.Ltmp26:
0x1fc: {  	_ = 	snop;
	(pc) =	sbr.rel @p1 .LBB3_33-.Ltmp26, $1  }
0x1fd: {  	_ =	sdelay $0x3  }
0x1fe: {  	p1 =	slt.s32 s6, $0x1  }
.Ltmp27:
0x1ff: {  	_ = 	snop;
	(pc) =	sbr.rel @p1 .LBB3_32-.Ltmp27, $1  }
0x200: {  	_ =	sdelay $0x3  }
0x201: {  	s13 =	simm.s32 $0xF218;
	p1 =	por $0x0, $0x0  }
0x202: {  	v1 =	vld.msk @!p1 [tilespmem:s13+$0x0], $0x1;
	_ =	sdelay $0x4  }
0x203: {  	(v2sf) =	vpush @!p1 v1, $0x0;
	_ =	sdelay $0xd  }
0x204: {  	p3 =	sne.s32 s6, $0x1  }
.Ltmp28:
0x205: {  	s0 =	spop @!p1 (v2sf);
	(pc) =	sbr.rel @!p3 .LBB3_30-.Ltmp28, $4  }
0x206: {  	p2 =	seq.s32 @!p1 s12, s0  }
0x207: {  	s14 =	simm.s32 $0x0;
	p2 =	por !p2, p1  }
0x208: {  	s2 =	simm.s32 $0xFFFFFFFF;
	s14 =	simm.s32 @p2 $0xFFFFFFFF  }
0x209: {  	s0 =	simm.s32 $0x1;
	s14 =	smov.u32 @p1 s2  }
.LBB3_29:
0x20a: {  	s2 =	smov.u32 s14;
	p1 =	sne.s32 s14, $0xFFFFFFFF  }
0x20b: {  	s13 =	sadd.s32 $0x1, s13;
	s14 =	smov.u32 s0;
	s0 =	sadd.s32 $0x1, s0  }
0x20c: {  	p2 =	sne.s32 s6, s0;
	v1 =	vld.msk @!p1 [tilespmem:s13+$0x0], $0x1;
	_ =	sdelay $0x4  }
0x20d: {  	(v2sf) =	vpush @!p1 v1, $0x0;
	_ =	sdelay $0xe  }
.Ltmp29:
0x20e: {  	s3 =	spop @!p1 (v2sf);
	(pc) =	sbr.rel @p2 .LBB3_29-.Ltmp29, $4  }
0x20f: {  	p3 =	seq.s32 @!p1 s12, s3  }
0x210: {  	p3 =	por !p3, p1  }
0x211: {  	s14 =	simm.s32 @p3 $0xFFFFFFFF  }
0x212: {  	s14 =	smov.u32 @p1 s2  }
.LBB3_30:
0x213: {  	p1 =	seq.s32 s14, $0xFFFFFFFF  }
.Ltmp30:
0x214: {  	_ = 	snop;
	(pc) =	sbr.rel @p1 .LBB3_32-.Ltmp30, $1  }
0x215: {  	_ =	sdelay $0x3  }
0x216: {  	s0 =	sshll.u32 s11, $0x7  }
0x217: {  	s2 =	sshll.u32 s14, $0x9;
	s0 =	sand.u32 $0x3FFFFF80, s0  }
0x218: {  	s2 =	sshra.s32 s2, $0x2;
	v0 =	vld [tilespmem:s0+$0xF238]  }
0x219: {  	v1 =	vld [tilespmem:s2+$0xF238];
	_ =	sdelay $0x4  }
0x21a: {  	v0 =	vmax.f32 v0, v1  }
0x21b: {  	v57 =	vld [tilespmem:s2+$0xF248];
	[tilespmem:s2+$0xF238] =	vst v0  }
0x21c: {  	v0 =	vld [tilespmem:s0+$0xF248];
	_ =	sdelay $0x4  }
0x21d: {  	v0 =	vmax.f32 v0, v57  }
0x21e: {  	v58 =	vld [tilespmem:s2+$0xF258];
	[tilespmem:s2+$0xF248] =	vst v0  }
0x21f: {  	v0 =	vld [tilespmem:s0+$0xF258];
	_ =	sdelay $0x4  }
0x220: {  	v0 =	vmax.f32 v0, v58  }
0x221: {  	v59 =	vld [tilespmem:s2+$0xF268];
	[tilespmem:s2+$0xF258] =	vst v0  }
0x222: {  	v0 =	vld [tilespmem:s0+$0xF268];
	_ =	sdelay $0x4  }
0x223: {  	v0 =	vmax.f32 v0, v59  }
0x224: {  	v60 =	vld [tilespmem:s2+$0xF278];
	[tilespmem:s2+$0xF268] =	vst v0  }
0x225: {  	v0 =	vld [tilespmem:s0+$0xF278];
	_ =	sdelay $0x4  }
0x226: {  	v0 =	vmax.f32 v0, v60  }
0x227: {  	v61 =	vld [tilespmem:s2+$0xF288];
	[tilespmem:s2+$0xF278] =	vst v0  }
0x228: {  	v0 =	vld [tilespmem:s0+$0xF288];
	_ =	sdelay $0x4  }
0x229: {  	v0 =	vmax.f32 v0, v61  }
0x22a: {  	v62 =	vld [tilespmem:s2+$0xF298];
	[tilespmem:s2+$0xF288] =	vst v0  }
0x22b: {  	v0 =	vld [tilespmem:s0+$0xF298];
	_ =	sdelay $0x4  }
0x22c: {  	v0 =	vmax.f32 v0, v62  }
0x22d: {  	v63 =	vld [tilespmem:s2+$0xF2A8];
	[tilespmem:s2+$0xF298] =	vst v0  }
0x22e: {  	v0 =	vld [tilespmem:s0+$0xF2A8];
	_ =	sdelay $0x1  }
.Ltmp31:
0x22f: {  	_ = 	snop;
	(pc) =	sbr.rel .LBB3_33-.Ltmp31, $3  }
0x230: {  	_ =	sdelay $0x1  }
0x231: {  	v0 =	vmax.f32 v0, v63  }
0x232: {  	[tilespmem:s2+$0xF2A8] =	vst v0  }
.LBB3_34:
0x233: {  	s0 =	simm.s32 $0x6;
	p1 =	seq.s32 s6, $0x0  }
0x234: {  	[sflag:s0] =	ssyncpa.u1 $0x1;
	v0 =	vimm.s32 @p1 $0xFFFFFFFF  }
0x235: {  	s9 =	sadd.s32 $0xFFFFFFFF, s6;
	[tilespmem:$0x10238] =	vst @p1 v0  }
0x236: {  	v0 =	vld.msk @!p1 [tilespmem:s9+$0xF218], $0x1;
	_ =	sdelay $0x1  }
0x237: {  	v1 =	vld.msk @!p1 [tilespmem:$0xF218], $0x1;
	_ =	sdelay $0x2  }
0x238: {  	p2 =	seq.s32 @!p1 s9, $0x0;
	v0 =	vbroadcast @!p1 v0, $0x0  }
0x239: {  	vm0 =	vmmov @!p1 $0x1;
	p2 =	por !p2, p1  }
0x23a: {  	v1 =	vnsel @!p1 vm0, $0xFFFFFFFF, v1;
	vm0 =	vcmask @!p1 $0x308;
	v0 =	vpsel !p2, $0xFFFFFFFF, v0  }
0x23b: {  	p2 =	sne.s32 @!p1 s8, s7;
	v0 =	vsel @!p1 vm0, v1, v0  }
0x23c: {  	s0 =	simm.s32 @!p1 $0xF238;
	s2 =	simm.s32 @!p1 $0x0;
	p3 =	por !p2, p1;
	[tilespmem:$0x10238] =	vst @!p1 v0  }
0x23d: {  	[spmem:s2] =	stream.linear.scatter @!p1 [tilespmem:s0], [sflag:$0x1], $0x80, $0x38;
	[tilespmem:$0x1F6F8] =	vst v63  }
0x23e: {  	s0 =	sshll.u32 @!p3 s9, $0x9  }
0x23f: {  	s0 =	sshra.s32 @!p3 s0, $0x2  }
0x240: {  	s2 =	simm.s32 @!p3 $0x80;
	s0 =	sadd.s32 @!p3 $0xF238, s0  }
0x241: {  	[spmem:s2] =	stream.linear.scatter @!p3 [tilespmem:s0], [sflag:$0x1], $0x80, $0x38;
	[tilespmem:$0x1F6F8] =	vst v63  }
0x242: {  	s0 =	simm.s32 @!p3 $0x1  }
0x243: {  	_ =	swait.ge @!p3 [sflag:s0], $0x100  }
0x244: {  	p1 =	por p2, p1;
	[sflag:s0] =	ssyncset.done @!p3 $0x0  }
0x245: {  	[sflag:s0] =	ssyncadd.s32 @!p3 $0xFFFFFF00;
	s0 =	simm.s32 @!p1 $0x1  }
0x246: {  	_ =	swait.ge @!p1 [sflag:s0], $0x80  }
0x247: {  	s29 =	simm.s32 $0x10238;
	[sflag:s0] =	ssyncset.done @!p1 $0x0  }
0x248: {  	s30 =	simm.s32 $0x1000;
	s31 =	simm.s32 $0x1;
	[sflag:s0] =	ssyncadd.s32 @!p1 $0xFFFFFF80  }
0x249: {  	[spmem:s30] =	stream.linear.scatter [tilespmem:s29], [sflag:$0x1], $0x10, $0x38;
	[tilespmem:$0x1F6F8] =	vst v63  }
0x24a: {  	_ =	swait.ge [sflag:s31], $0x10  }
0x24b: {  	[sflag:s31] =	ssyncset.done $0x0  }
0x24c: {  	p1 =	seq.s32 s15, $0x0;
	s8 =	rddreg [dreg:$0x1];
	[sflag:s31] =	ssyncadd.s32 $0xFFFFFFF0  }
0x24d: {  	s2 =	sshll.u32 @p1 s8, $0xE;
	s7 =	rddreg [dreg:$0x2]  }
0x24e: {  	s0 =	sadd.s32 @p1 $0x15C3C, s2;
	s2 =	sshll.u32 @p1 s7, $0x11  }
0x24f: {  	_ =	sfence.stream.spmem;
	s0 =	sor.u32 @p1 s2, s0  }
0x250: {  	[sflag:s0] =	ssyncadd.remote.s32 @p1 $0x1;
	s0 =	simm.s32 @p1 $0x4  }
0x251: {  	s3 =	simm.s32 @!p1 $0x3C;
	s2 =	sand.u32 $0xFFFFFFFE, s8;
	_ =	swait.ge @p1 [sflag:s0], $0x22  }
0x252: {  	s4 =	simm.s32 @!p1 $0x0;
	s2 =	sadd.s32 @!p1 $0x4, s2;
	[sflag:s0] =	ssyncset.done @p1 $0x0  }
0x253: {  	s5 =	simm.s32 @!p1 $0x100;
	[sflag:s0] =	ssyncadd.s32 @p1 $0xFFFFFFDE;
	s0 =	sshll.u32 @!p1 s2, $0x1A  }
0x254: {  	s2 =	sshll.u32 @!p1 s2, $0xD;
	s0 =	sor.u32 @!p1 s0, s7;
	_ =	swait.eq @!p1 [sflag:s3], $0x1  }
0x255: {  	s2 =	sor.u32 @!p1 $0x1C04, s2;
	s3 =	simm.s32 @!p1 $0x1C03;
	s0 =	sor.u32 @!p1 $0x80004000, s0  }
0x256: {  	[spmem:s5], [sflag:s2] =	dma.general @!p1 [spmem:s4], [sflag:s3], length:$0x20, [dreg:$0x0], stride_count:$0x0, ici_dest:s0, dma_misc:DstOpCode:WRITE  }
0x257: {  	p2 =	slt.s32 s9, $0x2;
	s4 =	simm.s32 @!p1 $0x200;
	s5 =	simm.s32 @!p1 $0x202  }
0x258: {  	[spmem:s5], [sflag:s2] =	dma.general @!p1 [spmem:s4], [sflag:s3], length:$0x2, [dreg:$0x0], stride_count:$0x0, ici_dest:s0, dma_misc:DstOpCode:WRITE  }
.Ltmp32:
0x259: {  	s0 =	simm.s32 @!p1 $0x3;
	(pc) =	sbr.rel @p2 .LBB3_38-.Ltmp32, $4  }
0x25a: {  	s2 =	sshll.u32 @!p1 s8, $0xE;
	_ =	swait.ge @!p1 [sflag:s0], $0x22  }
0x25b: {  	s3 =	sshll.u32 @!p1 s7, $0x11;
	s2 =	sadd.s32 @!p1 $0x11C3C, s2;
	[sflag:s0] =	ssyncset.done @!p1 $0x0  }
0x25c: {  	[sflag:s0] =	ssyncadd.s32 @!p1 $0xFFFFFFDE;
	s0 =	sor.u32 @!p1 s3, s2  }
0x25d: {  	[sflag:s0] =	ssyncadd.remote.s32 @!p1 $0xFFFFFFFF;
	s0 =	simm.s32 $0x0  }
0x25e: {  	s0 =	simm.s32 $0xF219  }
0x25f: {  	v0 =	vld.msk [tilespmem:s0+$0x0], $0x1;
	_ =	sdelay $0x4  }
0x260: {  	(v2sf) =	vpush v0, $0x0;
	_ =	sdelay $0xb  }
0x261: {  	s31 =	sadd.s32 $0xFFFFFFFE, s6  }
0x262: {  	s0 =	sadd.s32 $0xFFFFFFFF, s31  }
0x263: {  	p2 =	sne.s32 s0, $0x0  }
.Ltmp33:
0x264: {  	s2 =	spop (v2sf);
	(pc) =	sbr.rel @!p2 .LBB3_37-.Ltmp33, $4  }
0x265: {  	s4 =	simm.s32 $0xF2B8;
	s7 =	simm.s32 $0x0;
	p1 =	sgt.u32 s2, $0xFFFF0  }
0x266: {  	s5 =	simm.s32 $0x0;
	s6 =	simm.s32 $0xF21A;
	s3 =	sand.u32 @!p1 $0xFFFF8, s2  }
0x267: {  	s2 =	sand.u32 @!p1 $0x7, s2;
	s7 =	simm.s32 @!p1 $0x200;
	s3 =	sadd.s32 @!p1 s1, s3  }
0x268: {  	[hbm4b:s3+s2] =	stream.linear.scatter @!p1 [tilespmem:s4], [sflag:$0x5], $0x80, $0x38;
	[tilespmem:$0x1F6F8] =	vst v63  }
.LBB3_36:
0x269: {  	v0 =	vld.msk [tilespmem:s6+$0x0], $0x1;
	s0 =	sadd.s32 $0xFFFFFFFF, s0;
	s5 =	sadd.s32 s5, s7  }
0x26a: {  	p1 =	sne.s32 s0, $0x0;
	_ =	sdelay $0x3  }
0x26b: {  	(v2sf) =	vpush v0, $0x0;
	_ =	sdelay $0xe  }
.Ltmp34:
0x26c: {  	s2 =	spop (v2sf);
	(pc) =	sbr.rel @p1 .LBB3_36-.Ltmp34, $4  }
0x26d: {  	s7 =	simm.s32 $0x0;
	p2 =	sgt.u32 s2, $0xFFFF0  }
0x26e: {  	s4 =	sadd.s32 $0x80, s4;
	s7 =	simm.s32 @!p2 $0x200;
	s3 =	sand.u32 @!p2 $0xFFFF8, s2  }
0x26f: {  	s6 =	sadd.s32 $0x1, s6;
	s2 =	sand.u32 @!p2 $0x7, s2;
	s3 =	sadd.s32 @!p2 s1, s3  }
0x270: {  	[hbm4b:s3+s2] =	stream.linear.scatter @!p2 [tilespmem:s4], [sflag:$0x5], $0x80, $0x38;
	[tilespmem:$0x1F6F8] =	vst v63  }
.LBB3_37:
0x271: {  	s0 =	sadd.s32 s5, s7  }
0x272: {  	s0 =	sshrl.u32 s0, $0x2  }
.LBB3_38:
0x273: {  	s2 =	simm.s32 $0x5  }
0x274: {  	_ =	swait.ge [sflag:s2], s0  }
0x275: {  	s31 =	ssub.s32 $0x0, s0;
	[sflag:s2] =	ssyncset.done $0x0  }
0x276: {  	[sflag:s2] =	ssyncadd.s32 s31  }
0x277: {  	[sflag:s2] =	ssyncpa.u1 $0x1  }
.LBB3_39:
0x278: {  	s0 =	sor.u32 s15, s16  }
0x279: {  	p1 =	sne.s32 s0, $0x0  }
.Ltmp35:
0x27a: {  	_ = 	snop;
	(pc) =	sbr.rel @p1 .LBB3_54-.Ltmp35, $3  }
0x27b: {  	_ =	sdelay $0x1  }
0x27c: {  	[bflag:$0x0] =	sbarrier.arrive $0xFFFF  }
0x27d: {  	_ =	sfence  }
0x27e: {  	s0 =	simm.s32 $0x7  }
0x27f: {  	s2 =	simm.s32 $0x1000;
	s3 =	simm.s32 $0xF218;
	[sflag:s0] =	ssyncpa.u1 $0x0  }
0x280: {  	[tilespmem:s3], [sflag:$0x7] =	stream.linear.gather [spmem:s2], $0x20, $0x38;
	[tilespmem:$0x1F6F8] =	vst v63  }
0x281: {  	s30 =	simm.s32 $0xF238;
	s2 =	simm.s32 $0x0  }
0x282: {  	[tilespmem:s30], [sflag:$0x7] =	stream.linear.gather [spmem:s2], $0x1000, $0x38;
	[tilespmem:$0x1F6F8] =	vst v63  }
.Ltmp36:
0x283: {  	_ = 	snop;
	(pc) =	sbr.rel .LBB3_41-.Ltmp36, $4  }
0x284: {  	_ =	swait.ge [sflag:s0], $0x1020  }
0x285: {  	[sflag:s0] =	ssyncset.done $0x0  }
0x286: {  	s31 =	simm.s32 $0x8;
	[sflag:s0] =	ssyncadd.s32 $0xFFFFEFE0  }
0x287: {  	s3 =	simm.s32 $0x0;
	[sflag:s31] =	ssyncpa.u1 $0x0  }
.LBB3_47:
0x288: {  	p1 =	slt.u32 s4, $0xFFFF1  }
0x289: {  	s0 =	sand.u32 @p1 $0xFFFF8, s4  }
0x28a: {  	s4 =	sand.u32 @p1 $0x7, s4;
	s5 =	simm.s32 @p1 $0xF188;
	s0 =	sadd.s32 @p1 s1, s0  }
0x28b: {  	[tilespmem:s5], [sflag:$0x8] =	stream.linear.gather @p1 [hbm4b:s0+s4], $0x80, $0x38;
	[tilespmem:$0x1F6F8] =	vst v63  }
0x28c: {  	s0 =	simm.s32 @p1 $0x8  }
0x28d: {  	_ =	swait.ge @p1 [sflag:s0], $0x80  }
0x28e: {  	[sflag:s0] =	ssyncset.done @p1 $0x0  }
0x28f: {  	[sflag:s0] =	ssyncadd.s32 @p1 $0xFFFFFF80;
	s0 =	sshll.u32 @p1 s3, $0x9  }
0x290: {  	s4 =	sshrl.u32 @p1 s0, $0x2;
	v1 =	vld @p1 [tilespmem:$0xF188]  }
0x291: {  	v2 =	vld @p1 [tilespmem:s4+$0xF238];
	_ =	sdelay $0x4  }
0x292: {  	v1 =	vmax.f32 @p1 v1, v2  }
0x293: {  	v2 =	vld @p1 [tilespmem:s4+$0xF248];
	[tilespmem:s4+$0xF238] =	vst @p1 v1  }
0x294: {  	v1 =	vld @p1 [tilespmem:$0xF198];
	_ =	sdelay $0x4  }
0x295: {  	v1 =	vmax.f32 @p1 v1, v2  }
0x296: {  	v2 =	vld @p1 [tilespmem:s4+$0xF258];
	[tilespmem:s4+$0xF248] =	vst @p1 v1  }
0x297: {  	v1 =	vld @p1 [tilespmem:$0xF1A8];
	_ =	sdelay $0x4  }
0x298: {  	v1 =	vmax.f32 @p1 v1, v2  }
0x299: {  	v2 =	vld @p1 [tilespmem:s4+$0xF268];
	[tilespmem:s4+$0xF258] =	vst @p1 v1  }
0x29a: {  	v1 =	vld @p1 [tilespmem:$0xF1B8];
	_ =	sdelay $0x4  }
0x29b: {  	v1 =	vmax.f32 @p1 v1, v2  }
0x29c: {  	v2 =	vld @p1 [tilespmem:s4+$0xF278];
	[tilespmem:s4+$0xF268] =	vst @p1 v1  }
0x29d: {  	v1 =	vld @p1 [tilespmem:$0xF1C8];
	_ =	sdelay $0x4  }
0x29e: {  	v1 =	vmax.f32 @p1 v1, v2  }
0x29f: {  	v2 =	vld @p1 [tilespmem:s4+$0xF288];
	[tilespmem:s4+$0xF278] =	vst @p1 v1  }
0x2a0: {  	v1 =	vld @p1 [tilespmem:$0xF1D8];
	_ =	sdelay $0x4  }
0x2a1: {  	v1 =	vmax.f32 @p1 v1, v2  }
0x2a2: {  	v2 =	vld @p1 [tilespmem:s4+$0xF298];
	[tilespmem:s4+$0xF288] =	vst @p1 v1  }
0x2a3: {  	v1 =	vld @p1 [tilespmem:$0xF1E8];
	_ =	sdelay $0x4  }
0x2a4: {  	v1 =	vmax.f32 @p1 v1, v2  }
0x2a5: {  	v2 =	vld @p1 [tilespmem:s4+$0xF2A8];
	[tilespmem:s4+$0xF298] =	vst @p1 v1  }
0x2a6: {  	v1 =	vld @p1 [tilespmem:$0xF1F8];
	_ =	sdelay $0x4  }
0x2a7: {  	s5 =	sshll.u32 @!p1 s3, $0x9;
	v1 =	vmax.f32 @p1 v1, v2  }
0x2a8: {  	s5 =	smov.u32 @p1 s0;
	[tilespmem:s4+$0xF2A8] =	vst @p1 v1  }
0x2a9: {  	s0 =	sshrl.u32 s5, $0x2;
	[tilespmem:s2+$0xF218] =	vst.msk $0x1, v0  }
0x2aa: {  	v0 =	vld [tilespmem:s0+$0xF238];
	_ =	sdelay $0x2  }
0x2ab: {  	s31 =	sshll.u32 s2, $0x9  }
0x2ac: {  	s4 =	sshra.s32 s31, $0x2  }
0x2ad: {  	[tilespmem:s4+$0xF238] =	vst v0  }
0x2ae: {  	v0 =	vld [tilespmem:s0+$0xF248];
	_ =	sdelay $0x4  }
0x2af: {  	[tilespmem:s4+$0xF248] =	vst v0  }
0x2b0: {  	v0 =	vld [tilespmem:s0+$0xF258];
	_ =	sdelay $0x4  }
0x2b1: {  	[tilespmem:s4+$0xF258] =	vst v0  }
0x2b2: {  	v0 =	vld [tilespmem:s0+$0xF268];
	_ =	sdelay $0x4  }
0x2b3: {  	[tilespmem:s4+$0xF268] =	vst v0  }
0x2b4: {  	v0 =	vld [tilespmem:s0+$0xF278];
	_ =	sdelay $0x4  }
0x2b5: {  	[tilespmem:s4+$0xF278] =	vst v0  }
0x2b6: {  	v0 =	vld [tilespmem:s0+$0xF288];
	_ =	sdelay $0x4  }
0x2b7: {  	[tilespmem:s4+$0xF288] =	vst v0  }
0x2b8: {  	v0 =	vld [tilespmem:s0+$0xF298];
	_ =	sdelay $0x4  }
0x2b9: {  	[tilespmem:s4+$0xF298] =	vst v0  }
0x2ba: {  	v0 =	vld [tilespmem:s0+$0xF2A8];
	_ =	sdelay $0x4  }
0x2bb: {  	s2 =	sadd.s32 $0x1, s2;
	[tilespmem:s4+$0xF2A8] =	vst v0  }
.LBB3_48:
0x2bc: {  	s3 =	sadd.s32 $0x1, s3  }
0x2bd: {  	p1 =	sne.s32 s3, $0x20  }
.Ltmp37:
0x2be: {  	_ = 	snop;
	(pc) =	sbr.rel @!p1 .LBB3_49-.Ltmp37, $1  }
0x2bf: {  	_ =	sdelay $0x3  }
.LBB3_41:
0x2c0: {  	v0 =	vld.msk [tilespmem:s3+$0xF218], $0x1;
	_ =	sdelay $0x4  }
0x2c1: {  	(v2sf) =	vpush v0, $0x0;
	_ =	sdelay $0xe  }
0x2c2: {  	s4 =	spop (v2sf)  }
0x2c3: {  	p1 =	seq.s32 s4, $0xFFFFFFFF  }
.Ltmp38:
0x2c4: {  	_ = 	snop;
	(pc) =	sbr.rel @p1 .LBB3_48-.Ltmp38, $1  }
0x2c5: {  	_ =	sdelay $0x3  }
0x2c6: {  	p1 =	slt.s32 s2, $0x1  }
.Ltmp39:
0x2c7: {  	_ = 	snop;
	(pc) =	sbr.rel @p1 .LBB3_47-.Ltmp39, $1  }
0x2c8: {  	_ =	sdelay $0x3  }
0x2c9: {  	s5 =	simm.s32 $0xF218;
	p1 =	por $0x0, $0x0  }
0x2ca: {  	v1 =	vld.msk @!p1 [tilespmem:s5+$0x0], $0x1;
	_ =	sdelay $0x4  }
0x2cb: {  	(v2sf) =	vpush @!p1 v1, $0x0;
	_ =	sdelay $0xd  }
0x2cc: {  	p3 =	sne.s32 s2, $0x1  }
.Ltmp40:
0x2cd: {  	s0 =	spop @!p1 (v2sf);
	(pc) =	sbr.rel @!p3 .LBB3_45-.Ltmp40, $4  }
0x2ce: {  	p2 =	seq.s32 @!p1 s4, s0  }
0x2cf: {  	s6 =	simm.s32 $0x0;
	p2 =	por !p2, p1  }
0x2d0: {  	s7 =	simm.s32 $0xFFFFFFFF;
	s6 =	simm.s32 @p2 $0xFFFFFFFF  }
0x2d1: {  	s0 =	simm.s32 $0x1;
	s6 =	smov.u32 @p1 s7  }
.LBB3_44:
0x2d2: {  	s7 =	smov.u32 s6;
	p1 =	sne.s32 s6, $0xFFFFFFFF  }
0x2d3: {  	s5 =	sadd.s32 $0x1, s5;
	s6 =	smov.u32 s0;
	s0 =	sadd.s32 $0x1, s0  }
0x2d4: {  	p2 =	sne.s32 s2, s0;
	v1 =	vld.msk @!p1 [tilespmem:s5+$0x0], $0x1;
	_ =	sdelay $0x4  }
0x2d5: {  	(v2sf) =	vpush @!p1 v1, $0x0;
	_ =	sdelay $0xe  }
.Ltmp41:
0x2d6: {  	s8 =	spop @!p1 (v2sf);
	(pc) =	sbr.rel @p2 .LBB3_44-.Ltmp41, $4  }
0x2d7: {  	p3 =	seq.s32 @!p1 s4, s8  }
0x2d8: {  	p3 =	por !p3, p1  }
0x2d9: {  	s6 =	simm.s32 @p3 $0xFFFFFFFF  }
0x2da: {  	s6 =	smov.u32 @p1 s7  }
.LBB3_45:
0x2db: {  	p1 =	seq.s32 s6, $0xFFFFFFFF  }
.Ltmp42:
0x2dc: {  	_ = 	snop;
	(pc) =	sbr.rel @p1 .LBB3_47-.Ltmp42, $1  }
0x2dd: {  	_ =	sdelay $0x3  }
0x2de: {  	s0 =	sshll.u32 s3, $0x7  }
0x2df: {  	s4 =	sshll.u32 s6, $0x9;
	s0 =	sand.u32 $0x3FFFFF80, s0  }
0x2e0: {  	s4 =	sshra.s32 s4, $0x2;
	v0 =	vld [tilespmem:s0+$0xF238]  }
0x2e1: {  	v1 =	vld [tilespmem:s4+$0xF238];
	_ =	sdelay $0x4  }
0x2e2: {  	v0 =	vmax.f32 v0, v1  }
0x2e3: {  	v57 =	vld [tilespmem:s4+$0xF248];
	[tilespmem:s4+$0xF238] =	vst v0  }
0x2e4: {  	v0 =	vld [tilespmem:s0+$0xF248];
	_ =	sdelay $0x4  }
0x2e5: {  	v0 =	vmax.f32 v0, v57  }
0x2e6: {  	v58 =	vld [tilespmem:s4+$0xF258];
	[tilespmem:s4+$0xF248] =	vst v0  }
0x2e7: {  	v0 =	vld [tilespmem:s0+$0xF258];
	_ =	sdelay $0x4  }
0x2e8: {  	v0 =	vmax.f32 v0, v58  }
0x2e9: {  	v59 =	vld [tilespmem:s4+$0xF268];
	[tilespmem:s4+$0xF258] =	vst v0  }
0x2ea: {  	v0 =	vld [tilespmem:s0+$0xF268];
	_ =	sdelay $0x4  }
0x2eb: {  	v0 =	vmax.f32 v0, v59  }
0x2ec: {  	v60 =	vld [tilespmem:s4+$0xF278];
	[tilespmem:s4+$0xF268] =	vst v0  }
0x2ed: {  	v0 =	vld [tilespmem:s0+$0xF278];
	_ =	sdelay $0x4  }
0x2ee: {  	v0 =	vmax.f32 v0, v60  }
0x2ef: {  	v61 =	vld [tilespmem:s4+$0xF288];
	[tilespmem:s4+$0xF278] =	vst v0  }
0x2f0: {  	v0 =	vld [tilespmem:s0+$0xF288];
	_ =	sdelay $0x4  }
0x2f1: {  	v0 =	vmax.f32 v0, v61  }
0x2f2: {  	v62 =	vld [tilespmem:s4+$0xF298];
	[tilespmem:s4+$0xF288] =	vst v0  }
0x2f3: {  	v0 =	vld [tilespmem:s0+$0xF298];
	_ =	sdelay $0x4  }
0x2f4: {  	v0 =	vmax.f32 v0, v62  }
0x2f5: {  	v63 =	vld [tilespmem:s4+$0xF2A8];
	[tilespmem:s4+$0xF298] =	vst v0  }
0x2f6: {  	v0 =	vld [tilespmem:s0+$0xF2A8];
	_ =	sdelay $0x1  }
.Ltmp43:
0x2f7: {  	_ = 	snop;
	(pc) =	sbr.rel .LBB3_48-.Ltmp43, $3  }
0x2f8: {  	_ =	sdelay $0x1  }
0x2f9: {  	v0 =	vmax.f32 v0, v63  }
0x2fa: {  	[tilespmem:s4+$0xF2A8] =	vst v0  }
.LBB3_49:
0x2fb: {  	p1 =	slt.s32 s2, $0x1  }
.Ltmp44:
0x2fc: {  	_ = 	snop;
	(pc) =	sbr.rel @p1 .LBB3_53-.Ltmp44, $3  }
0x2fd: {  	_ =	sdelay $0x1  }
0x2fe: {  	s0 =	simm.s32 $0x8  }
0x2ff: {  	s3 =	simm.s32 $0x0;
	[sflag:s0] =	ssyncpa.u1 $0x1  }
0x300: {  	s0 =	simm.s32 $0xF218  }
0x301: {  	v0 =	vld.msk [tilespmem:s0+$0x0], $0x1;
	_ =	sdelay $0x4  }
0x302: {  	(v2sf) =	vpush v0, $0x0;
	_ =	sdelay $0xe  }
0x303: {  	s0 =	sadd.s32 $0xFFFFFFFF, s2;
	s5 =	spop (v2sf)  }
0x304: {  	p2 =	sne.s32 s0, $0x0;
	p1 =	sgt.u32 s5, $0xFFFF0  }
.Ltmp45:
0x305: {  	s6 =	sand.u32 @!p1 $0xFFFF8, s5;
	(pc) =	sbr.rel @!p2 .LBB3_52-.Ltmp45, $4  }
0x306: {  	s4 =	simm.s32 $0xF238;
	s5 =	sand.u32 @!p1 $0x7, s5;
	s2 =	sadd.s32 @!p1 s1, s6  }
0x307: {  	[hbm4b:s2+s5] =	stream.linear.scatter @!p1 [tilespmem:s4], [sflag:$0x7], $0x80, $0x38;
	[tilespmem:$0x1F6F8] =	vst v63  }
0x308: {  	s5 =	simm.s32 $0x0  }
0x309: {  	s2 =	simm.s32 $0xF219;
	s5 =	simm.s32 @!p1 $0x200  }
.LBB3_51:
0x30a: {  	v0 =	vld.msk [tilespmem:s2+$0x0], $0x1;
	s0 =	sadd.s32 $0xFFFFFFFF, s0;
	s3 =	sadd.s32 s3, s5  }
0x30b: {  	p1 =	sne.s32 s0, $0x0;
	_ =	sdelay $0x3  }
0x30c: {  	(v2sf) =	vpush v0, $0x0;
	_ =	sdelay $0xe  }
.Ltmp46:
0x30d: {  	s6 =	spop (v2sf);
	(pc) =	sbr.rel @p1 .LBB3_51-.Ltmp46, $4  }
0x30e: {  	s5 =	simm.s32 $0x0;
	p2 =	sgt.u32 s6, $0xFFFF0  }
0x30f: {  	s4 =	sadd.s32 $0x80, s4;
	s5 =	simm.s32 @!p2 $0x200;
	s7 =	sand.u32 @!p2 $0xFFFF8, s6  }
0x310: {  	s2 =	sadd.s32 $0x1, s2;
	s6 =	sand.u32 @!p2 $0x7, s6;
	s7 =	sadd.s32 @!p2 s1, s7  }
0x311: {  	[hbm4b:s7+s6] =	stream.linear.scatter @!p2 [tilespmem:s4], [sflag:$0x7], $0x80, $0x38;
	[tilespmem:$0x1F6F8] =	vst v63  }
.LBB3_52:
0x312: {  	s0 =	sadd.s32 s3, s5  }
0x313: {  	s3 =	sshrl.u32 s0, $0x2  }
.LBB3_53:
0x314: {  	s0 =	simm.s32 $0x7  }
0x315: {  	_ =	swait.ge [sflag:s0], s3  }
0x316: {  	s1 =	ssub.s32 $0x0, s3;
	[sflag:s0] =	ssyncset.done $0x0  }
0x317: {  	[sflag:s0] =	ssyncadd.s32 s1  }
0x318: {  	[sflag:s0] =	ssyncpa.u1 $0x1  }
.LBB3_54:
0x319: {  	_ =	sfence;
	s0 =	simm.s32 $0x1  }
0x31a: {  	[sflag:s0] =	ssyncpa.u1 $0x1  }
0x31b: {  	_ =	strace $0x9000004A  }
0x31c: {  	[bflag:$0x2] =	sbarrier.arrive $0xFFFF  }
0x31d: {  	s0 =	rddreg [dreg:$0x3]  }
0x31e: {  	s0 =	sadd.s32 @!p0 $0x100000, s0  }
0x31f: {  	[sflag:s0] =	ssyncadd.tile.s32 @!p0 $0x1;
	_ =	shalt  }
.Lfunc_end3:
_tile_overlayer_lowered:
.L_overlay_start_3:
0x320: {  	(tag) =	ssettag $0x3  }
0x321: {  	s0 =	rddreg [dreg:$0x0];
	s2 =	stileid.u32  }
0x322: {  	s1 =	rddreg [dreg:$0x1];
	p0 =	sne.s32 s2, $0x0  }
0x323: {  	s3 =	rddreg [dreg:$0x2];
	[bflag:$0x3] =	sbarrier.arrive $0xFFFF;
	s2 =	simm.s32 @!p0 $0x1C01  }
0x324: {  	[timem:s3], [sflag:s2] =	dma.local @!p0 [hbm:s0], s1  }
0x325: {  	s0 =	simm.s32 @!p0 $0x1  }
0x326: {  	_ =	swait.ge @!p0 [sflag:s0], s1  }
0x327: {  	s1 =	ssub.s32 @!p0 $0x0, s1;
	[sflag:s0] =	ssyncset.done @!p0 $0x0  }
0x328: {  	[sflag:s0] =	ssyncadd.s32 @!p0 s1  }
0x329: {  	[bflag:$0x3] =	sbarrier.arrive $0xFFFF  }
0x32a: {  	_ =	shalt  }

// kernel: scatter_offload_async_start
scs
__scs_entry_jumppad:
0x0: {  	(pc) =	sbr.rel $0x88, $3  }
0x1: {  	(tag) =	ssettag $0x0;
	lr =	simm.s32 $0x1  }
0x2: {  	[smem:$0x3F8E] =	sst lr;
	_ =	strace $0xD0000000  }
0x3: {  	_ = 	snop  }
0x4: {  	_ = 	snop  }
0x5: {  	_ = 	snop  }
0x6: {  	_ = 	snop  }
0x7: {  	_ = 	snop  }
__scs_overlays_trampoline_lowered:
0x8: {  	[smem:$0x3F9D] =	sst s0  }
0x9: {  	[smem:$0x3F9E] =	sst s1  }
0xa: {  	[smem:$0x3F9F] =	sst s2  }
0xb: {  	[smem:$0x3FA0] =	sst s3  }
0xc: {  	[smem:$0x3FA1] =	sst s4  }
0xd: {  	[smem:$0x3FA2] =	sst s5  }
0xe: {  	[smem:$0x3FA3] =	sst s6  }
0xf: {  	[smem:$0x3FA4] =	sst s7  }
0x10: {  	[smem:$0x3FA5] =	sst s8  }
0x11: {  	[smem:$0x3FA6] =	sst s9;
	s0 =	simm.s32 @!p0 $0x0  }
0x12: {  	s1 =	sld [smem:$0x3F8C];
	s0 =	simm.s32 @p0 $0x1  }
0x13: {  	[smem:$0x3FA7] =	sst s0;
	s0 =	simm.s32 @!p1 $0x0  }
0x14: {  	s2 =	sld [smem:$0x3F8B];
	s0 =	simm.s32 @p1 $0x1  }
0x15: {  	[smem:$0x3FA8] =	sst s0;
	s0 =	simm.s32 @!p2 $0x0  }
0x16: {  	s3 =	sld [smem:$0x3FDB];
	s0 =	simm.s32 @p2 $0x1  }
0x17: {  	s4 =	simm.s32 $0x1BF5;
	[smem:$0x3FAA] =	sst s0  }
0x18: {  	s0 =	sld [smem:$0x3F8D];
	_ =	swait.ge [sflag:s4], $0x0  }
0x19: {  	s7 =	sld [smem:$0x3F8E]  }
0x1a: {  	s8 =	sadd.s32 $0xFFFFE003, lr  }
0x1b: {  	s9 =	sadd.s32 $0xFFFFFEF7, lr;
	s5 =	simm.s32 $0xFFFFFFFF;
	p2 =	slt.u32 s8, $0xFFFFF086  }
0x1c: {  	p1 =	slt.u32 s9, $0xF7A;
	s5 =	simm.s32 @!p2 $0x0  }
0x1d: {  	s5 =	simm.s32 @p1 $0x1;
	p0 =	seq.s32 s7, s2  }
0x1e: {  	s7 =	smul.u32 @!p0 $0xF7A, s2;
	p2 =	seq.s32 @!p0 s5, $0x0  }
0x1f: {  	s9 =	smul.u32 $0xF7A, s1;
	s8 =	simm.s32 @!p0 $0x1BF5;
	p2 =	por !p2, p0  }
0x20: {  	[sflag:s8] =	ssyncset.s32 @!p0 $0xFFFFF086;
	s6 =	sadd.s32 @!p0 s3, s7;
	s7 =	simm.s32 @!p0 $0x108  }
0x21: {  	s3 =	sadd.s32 s3, s9;
	s6 =	sadd.s32 @!p0 $0x88, s6;
	s7 =	simm.s32 @p2 $0x1082  }
0x22: {  	[simem:s7], [sflag:s8] =	dma.local @!p0 [hbm:s6], $0xF7A  }
0x23: {  	s9 =	sor.u32 $0xD0000000, s2;
	s6 =	simm.s32 $0x108;
	_ =	swait.ge @!p0 [sflag:s8], $0x0  }
0x24: {  	s3 =	sadd.s32 $0x88, s3;
	s6 =	simm.s32 @!p1 $0x1082;
	[sflag:s4] =	ssyncset.s32 $0xFFFFF086  }
0x25: {  	[simem:s6], [sflag:s4] =	dma.local [hbm:s3], $0xF7A  }
0x26: {  	[smem:$0x3F8E] =	sst s1;
	(tag) =	ssettag s2;
	_ =	strace s9  }
0x27: {  	s1 =	sld [smem:$0x3F9E]  }
0x28: {  	s2 =	sld [smem:$0x3F9F]  }
0x29: {  	s4 =	sld [smem:$0x3FA1]  }
0x2a: {  	p0 =	seq.s32 s5, $0x0;
	s5 =	sld [smem:$0x3FA2]  }
0x2b: {  	s6 =	sld [smem:$0x3FA3]  }
0x2c: {  	s7 =	sld [smem:$0x3FA4]  }
0x2d: {  	s3 =	simm.s32 $0x108;
	s8 =	sld [smem:$0x3FA5]  }
0x2e: {  	s3 =	simm.s32 @!p0 $0x1082;
	s9 =	sld [smem:$0x3FA6]  }
0x2f: {  	lr =	sadd.s32 s0, s3;
	s0 =	sld [smem:$0x3F9D]  }
0x30: {  	s3 =	sld [smem:$0x3FA0]  }
0x31: {  	[smem:$0x3FA9] =	sst s10  }
0x32: {  	s10 =	sld [smem:$0x3FA7];
	_ =	sdelay $0x3  }
0x33: {  	p0 =	seq.s32 s10, $0x1;
	s10 =	sld [smem:$0x3FA9];
	_ =	sdelay $0x3  }
0x34: {  	[smem:$0x3FA9] =	sst s10  }
0x35: {  	s10 =	sld [smem:$0x3FA8];
	_ =	sdelay $0x3  }
0x36: {  	p1 =	seq.s32 s10, $0x1;
	s10 =	sld [smem:$0x3FA9];
	_ =	sdelay $0x3  }
0x37: {  	[smem:$0x3FA9] =	sst s10  }
0x38: {  	s10 =	sld [smem:$0x3FAA]  }
0x39: {  	_ = 	snop;
	(pc) =	sbr.ind lr, $3  }
0x3a: {  	_ = 	snop  }
0x3b: {  	_ = 	snop  }
0x3c: {  	p2 =	seq.s32 s10, $0x1;
	s10 =	sld [smem:$0x3FA9]  }
0x3d: {  	_ =	shalt  }
0x3e: {  	_ =	shalt  }
0x3f: {  	_ =	shalt  }
0x40: {  	_ =	shalt  }
0x41: {  	_ =	shalt  }
0x42: {  	_ =	shalt  }
0x43: {  	_ =	shalt  }
0x44: {  	_ =	shalt  }
0x45: {  	_ =	shalt  }
0x46: {  	_ =	shalt  }
0x47: {  	_ =	shalt  }
0x48: {  	_ =	shalt  }
0x49: {  	_ =	shalt  }
0x4a: {  	_ =	shalt  }
0x4b: {  	_ =	shalt  }
0x4c: {  	_ =	shalt  }
0x4d: {  	_ =	shalt  }
0x4e: {  	_ =	shalt  }
0x4f: {  	_ =	shalt  }
0x50: {  	_ =	shalt  }
0x51: {  	_ =	shalt  }
0x52: {  	_ =	shalt  }
0x53: {  	_ =	shalt  }
0x54: {  	_ =	shalt  }
0x55: {  	_ =	shalt  }
0x56: {  	_ =	shalt  }
0x57: {  	_ =	shalt  }
0x58: {  	_ =	shalt  }
0x59: {  	_ =	shalt  }
0x5a: {  	_ =	shalt  }
0x5b: {  	_ =	shalt  }
0x5c: {  	_ =	shalt  }
0x5d: {  	_ =	shalt  }
0x5e: {  	_ =	shalt  }
0x5f: {  	_ =	shalt  }
0x60: {  	_ =	shalt  }
0x61: {  	_ =	shalt  }
0x62: {  	_ =	shalt  }
0x63: {  	_ =	shalt  }
0x64: {  	_ =	shalt  }
0x65: {  	_ =	shalt  }
0x66: {  	_ =	shalt  }
0x67: {  	_ =	shalt  }
0x68: {  	_ =	shalt  }
0x69: {  	_ =	shalt  }
0x6a: {  	_ =	shalt  }
0x6b: {  	_ =	shalt  }
0x6c: {  	_ =	shalt  }
0x6d: {  	_ =	shalt  }
0x6e: {  	_ =	shalt  }
0x6f: {  	_ =	shalt  }
0x70: {  	_ =	shalt  }
0x71: {  	_ =	shalt  }
0x72: {  	_ =	shalt  }
0x73: {  	_ =	shalt  }
0x74: {  	_ =	shalt  }
0x75: {  	_ =	shalt  }
0x76: {  	_ =	shalt  }
0x77: {  	_ =	shalt  }
0x78: {  	_ =	shalt  }
0x79: {  	_ =	shalt  }
0x7a: {  	_ =	shalt  }
0x7b: {  	_ =	shalt  }
0x7c: {  	_ =	shalt  }
0x7d: {  	_ =	shalt  }
0x7e: {  	_ =	shalt  }
0x7f: {  	_ =	shalt  }
0x80: {  	_ =	shalt  }
0x81: {  	_ =	shalt  }
0x82: {  	_ =	shalt  }
0x83: {  	_ =	shalt  }
0x84: {  	_ =	shalt  }
0x85: {  	_ =	shalt  }
0x86: {  	_ =	shalt  }
0x87: {  	_ =	shalt  }
.Lfunc_end0:
.L_simem_size_0:
called_computation_lowered:
.L_overlay_start_0:
0x88: {  	s2 =	sld [smem:$0x3FD9]  }
0x89: {  	s3 =	sld [smem:$0x3FFE];
	_ =	sdelay $0x1  }
0x8a: {  	s1 =	srdreg.scid  }
0x8b: {  	s0 =	sand.u32 $0x1, s1  }
0x8c: {  	s12 =	sshll.u32 s0, $0xA;
	s2 =	sadd.s32 s3, s2  }
0x8d: {  	s2 =	sadd.s32 s2, s12  }
0x8e: {  	[smem:$0x3FB5] =	sst s2  }
0x8f: {  	_ = 	snop  }
0x90: {  	s13 =	sld [smem:$0x3FD0];
	(tm) =	ssettm $0x1  }
0x91: {  	s14 =	sld [smem:$0x3FFB];
	_ =	sdelay $0x3  }
0x92: {  	_ =	strace s14  }
0x93: {  	s2 =	sld [smem:$0x3FFC];
	_ =	sdelay $0x3  }
0x94: {  	_ =	strace s2  }
0x95: {  	s2 =	sld [smem:$0x3FFD];
	_ =	sdelay $0x3  }
0x96: {  	_ =	strace s2  }
0x97: {  	_ =	strace $0x8FFFFFFF  }
0x98: {  	s15 =	sld [smem:$0x3FDB];
	_ =	sdelay $0x1  }
0x99: {  	s4 =	simm.s32 $_scs_section_size  }
0x9a: {  	s5 =	simm.s32 $_size__tile_overlayer_lowered;
	s6 =	simm.s32 $_tile_overlayer_lowered  }
0x9b: {  	s19 =	simm.s32 $0x1BFF;
	s17 =	sshll.u32 s6, $0x1;
	s7 =	sadd.s32 s4, s15  }
0x9c: {  	s20 =	simm.s32 $0x0;
	s16 =	sshll.u32 s5, $0x1;
	s18 =	sadd.s32 s17, s7  }
0x9d: {  	[timem:s20], [sflag:s19] =	dma.local [hbm:s18], s16  }
0x9e: {  	_ =	swait.ge [sflag:s19], s16  }
0x9f: {  	s4 =	ssub.s32 $0x0, s16;
	[sflag:s19] =	ssyncset.done $0x0  }
0xa0: {  	[sflag:s19] =	ssyncadd.s32 s4;
	_ =	sdelay $0x1  }
0xa1: {  	s21 =	simm.s32 $0x1B8B  }
0xa2: {  	_ =	swait.ge [sflag:s21], $0x1  }
0xa3: {  	[sflag:s21] =	ssyncset.done $0x0  }
0xa4: {  	[sflag:s21] =	ssyncadd.s32 $0xFFFFFFFF  }
0xa5: {  	s4 =	sld [smem:$0x0]  }
0xa6: {  	s5 =	sand.u32 $0xFFFFFFFE, s1  }
0xa7: {  	p0 =	sne.s32 s1, s5  }
0xa8: {  	s5 =	sshll.u32 @p0 s5, $0xE  }
0xa9: {  	s6 =	sadd.s32 @p0 $0x11B8D, s5;
	s8 =	sshll.u32 @p0 s4, $0x11  }
0xaa: {  	s6 =	sor.u32 @p0 s8, s6  }
0xab: {  	[sflag:s6] =	ssyncadd.remote.s32 @p0 $0x1;
	_ =	sdelay $0x1  }
0xac: {  	s6 =	simm.s32 @p0 $0x1B8D  }
0xad: {  	_ =	swait.eq @p0 [sflag:s6], $0x1  }
0xae: {  	[sflag:s6] =	ssyncadd.s32 @p0 $0xFFFFFFFF  }
0xaf: {  	s8 =	sshll.u32 @!p0 s1, $0xE  }
0xb0: {  	s8 =	sor.u32 @!p0 $0x4000, s8;
	s6 =	simm.s32 @!p0 $0x1B8D  }
0xb1: {  	s10 =	sshll.u32 @!p0 s4, $0x11;
	s9 =	sadd.s32 @!p0 $0x11B8D, s8;
	_ =	swait.eq @!p0 [sflag:s6], $0x1  }
0xb2: {  	[sflag:s6] =	ssyncadd.s32 @!p0 $0xFFFFFFFF;
	s6 =	sor.u32 @!p0 s10, s9  }
0xb3: {  	s23 =	simm.s32 $0x1B8E;
	s22 =	sld [smem:$0x3FFE];
	[sflag:s6] =	ssyncadd.remote.s32 @!p0 $0x1  }
0xb4: {  	s24 =	simm.s32 $execute0_lowered;
	[smem:$0x3FD2] =	sst s23  }
0xb5: {  	s9 =	sshll.u32 s24, $0x1;
	_ =	strace $0x80000058;
	[dreg:$0x1] =	wrdreg $0xFFFFFFFF  }
0xb6: {  	s25 =	simm.s32 $_size_execute0_lowered;
	s9 =	sadd.s32 s7, s9;
	[dreg:$0x0] =	wrdreg $0x0  }
0xb7: {  	s10 =	sshll.u32 s25, $0x1;
	[dreg:$0x2] =	wrdreg s9  }
0xb8: {  	[dreg:$0x3] =	wrdreg s10  }
0xb9: {  	[dreg:$0x4] =	wrdreg $0xC0  }
0xba: {  	s26 =	simm.s32 $execute1_lowered;
	_ =	task [dreg:s20], $0x5FFFF  }
0xbb: {  	s9 =	sshll.u32 s26, $0x1;
	[dreg:$0x1] =	wrdreg $0xFFFFFFFF  }
0xbc: {  	s7 =	sadd.s32 s7, s9;
	[dreg:$0x0] =	wrdreg $0x60  }
0xbd: {  	[dreg:$0x2] =	wrdreg s7  }
0xbe: {  	[dreg:$0x3] =	wrdreg s22  }
0xbf: {  	[dreg:$0x4] =	wrdreg s13  }
0xc0: {  	[dreg:$0x5] =	wrdreg $0x9  }
0xc1: {  	_ =	task.clear_ibuf [dreg:s20], $0x6FFFF;
	_ =	strace $0x90000058  }
0xc2: {  	s28 =	simm.s32 $0x9;
	_ =	strace $0x8000005A  }
0xc3: {  	_ =	swait.ge [sflag:s28], $0x1  }
0xc4: {  	[sflag:s28] =	ssyncadd.s32 $0xFFFFFFFF  }
0xc5: {  	_ =	strace $0x9000005A  }
0xc6: {  	s7 =	sld [smem:$0x0];
	_ =	sdelay $0x3  }
0xc7: {  	s5 =	sadd.s32 @p0 $0x11BF3, s5;
	s9 =	sshll.u32 @p0 s7, $0x11  }
0xc8: {  	s5 =	sor.u32 @p0 s9, s5  }
0xc9: {  	[sflag:s5] =	ssyncadd.remote.s32 @p0 $0x1;
	_ =	sdelay $0x1  }
0xca: {  	s5 =	simm.s32 @p0 $0x1BF3  }
0xcb: {  	_ =	swait.eq @p0 [sflag:s5], $0x1  }
0xcc: {  	[sflag:s5] =	ssyncadd.s32 @p0 $0xFFFFFFFF;
	_ =	sdelay $0x1  }
0xcd: {  	s5 =	simm.s32 @!p0 $0x1BF3  }
0xce: {  	s8 =	sadd.s32 @!p0 $0x11BF3, s8;
	s7 =	sshll.u32 @!p0 s7, $0x11;
	_ =	swait.eq @!p0 [sflag:s5], $0x1  }
0xcf: {  	[sflag:s5] =	ssyncadd.s32 @!p0 $0xFFFFFFFF;
	s5 =	sor.u32 @!p0 s7, s8  }
0xd0: {  	[sflag:s5] =	ssyncadd.remote.s32 @!p0 $0x1  }
0xd1: {  	_ =	strace $0x8000005B;
	[dreg:$0x1] =	wrdreg $0xFFFFFFFF  }
0xd2: {  	[dreg:$0x0] =	wrdreg $0x2030  }
0xd3: {  	[dreg:$0x2] =	wrdreg s13  }
0xd4: {  	[dreg:$0x3] =	wrdreg s22  }
0xd5: {  	[dreg:$0x4] =	wrdreg s1  }
0xd6: {  	[dreg:$0x5] =	wrdreg s4  }
0xd7: {  	[dreg:$0x6] =	wrdreg $0xA  }
0xd8: {  	_ =	task.clear_ibuf [dreg:s20], $0x7FFFF;
	_ =	strace $0x9000005B  }
0xd9: {  	s29 =	simm.s32 $0xA;
	_ =	strace $0x8000005D  }
0xda: {  	_ =	swait.ge [sflag:s29], $0x1  }
0xdb: {  	[sflag:s29] =	ssyncadd.s32 $0xFFFFFFFF  }
0xdc: {  	_ =	strace $0x9000005D  }
0xdd: {  	_ =	sfence  }
0xde: {  	s30 =	sld [smem:$0x0];
	_ =	sdelay $0x2  }
0xdf: {  	s31 =	sshll.u32 s1, $0xD;
	s1 =	sshrl.u32 s1, $0x2  }
0xe0: {  	s4 =	sand.u32 $0x4000, s31;
	s1 =	sadd.s32 s1, s30  }
0xe1: {  	s0 =	sor.u32 s4, s0;
	s1 =	sshll.u32 s1, $0x11  }
0xe2: {  	s0 =	sor.u32 s1, s0  }
0xe3: {  	s0 =	sadd.s32 $0x8F2B, s0  }
0xe4: {  	[sflag:s0] =	ssyncadd.remote.s32 $0x1  }
0xe5: {  	_ =	sfence.sel $0xFFFF  }
0xe6: {  	[dreg:$0x0] =	wrdreg $0xFFFFFFFF;
	(pc) =	sbr.abs _section_cstart, $3  }
0xe7: {  	[dreg:$0x1] =	wrdreg $0xFFFFFFFF  }
0xe8: {  	_ =	task.clear_ibuf [dreg:s20], $0x2FFFF;
	_ =	strace $0x9FFFFFFF  }
0xe9: {  	(tm) =	ssettm $0x7FFFFFFF  }
tec
execute0_lowered:
.L_overlay_start_1:
0x0: {  	(tag) =	ssettag $0x1  }
0x1: {  	s3 =	rddreg [dreg:$0x0]  }
0x2: {  	s4 =	rddreg [dreg:$0x1]  }
0x3: {  	s2 =	rddreg [dreg:$0x2]  }
0x4: {  	s0 =	rddreg [dreg:$0x3];
	s5 =	stileid.u32;
	[bflag:$0x3] =	sbarrier.arrive $0xFFFF  }
0x5: {  	s1 =	simm.s32 $_size_execute1_lowered;
	s29 =	srdreg.scid;
	p0 =	sne.s32 s5, $0x0  }
0x6: {  	s1 =	sshll.u32 s1, $0x1;
	s6 =	simm.s32 @!p0 $0x1C3F;
	s7 =	simm.s32 @!p0 $0x4060  }
0x7: {  	[timem:s7], [sflag:s6] =	dma.local @!p0 [hbm:s3], s1  }
0x8: {  	s3 =	sshll.u32 s29, $0x7  }
0x9: {  	s5 =	sshll.u32 s5, $0x8;
	s3 =	sand.u32 $0x80, s3  }
0xa: {  	s8 =	simm.s32 $0x2;
	s9 =	simm.s32 $0x0;
	s3 =	sor.u32 s5, s3  }
0xb: {  	s12 =	simm.s32 $0x0;
	s11 =	simm.s32 $0x0;
	s30 =	ssub.s32 $0x10000, s3  }
.Ltmp0:
0xc: {  	s4 =	sadd.s32 $0x43800, s4;
	s31 =	sand.u32 $0xF80, s30;
	(pc) =	sbr.rel .LBB2_1-.Ltmp0, $4  }
0xd: {  	s7 =	simm.s32 $0x1;
	_ =	strace $0x80000059;
	p1 =	sne.s32 s31, $0x0  }
0xe: {  	s5 =	simm.s32 $0x1;
	s6 =	sshrl.u32 s30, $0xC;
	s7 =	simm.s32 @!p1 $0x0  }
0xf: {  	[sflag:s5] =	ssyncpa.u1 $0x0;
	s10 =	smov.u32 s3;
	s6 =	sadd.s32 s7, s6  }
0x10: {  	[sflag:s8] =	ssyncpa.u1 $0x0;
	s8 =	simm.s32 $0x0;
	s7 =	sadd.s32 $0x1, s6  }
.LBB2_4:
0x11: {  	_ =	sdelay $0x3  }
0x12: {  	[tilespmem:v0+s14+$0xFFFFFFA0 ss:$0x1] =	vst.idx.msk $0xffff, v6  }
0x13: {  	v56 =	vld.idx.msk [tilespmem:v1+s15+$0x30 ss:$0x1], $0xffff;
	[tilespmem:v0+s14+$0xFFFFFFB0 ss:$0x1] =	vst.idx.msk $0xffff, v4  }
0x14: {  	v57 =	vld.idx.msk [tilespmem:v1+s15+$0xFFFFFFC0 ss:$0x1], $0xffff;
	[tilespmem:v0+s14+$0xFFFFFFC0 ss:$0x1] =	vst.idx.msk $0xffff, v2  }
0x15: {  	v58 =	vld.idx.msk [tilespmem:v1+s15+$0xFFFFFFD0 ss:$0x1], $0xffff;
	[tilespmem:v0+s14+$0xFFFFFFD0 ss:$0x1] =	vst.idx.msk $0xffff, v3  }
0x16: {  	v59 =	vld.idx.msk [tilespmem:v1+s15+$0xFFFFFFE0 ss:$0x1], $0xffff;
	[tilespmem:v0+s14+$0xFFFFFFE0 ss:$0x1] =	vst.idx.msk $0xffff, v5  }
0x17: {  	v60 =	vld.idx.msk [tilespmem:v1+s15+$0xFFFFFFF0 ss:$0x1], $0xffff;
	[tilespmem:v0+s14+$0xFFFFFFF0 ss:$0x1] =	vst.idx.msk $0xffff, v7  }
0x18: {  	v61 =	vld.idx.msk [tilespmem:v1+s15+$0x0 ss:$0x1], $0xffff;
	[tilespmem:v0+s15+$0x0 ss:$0x1] =	vst.idx.msk $0xffff, v56  }
0x19: {  	v62 =	vld.idx.msk [tilespmem:v1+s15+$0x10 ss:$0x1], $0xffff;
	[tilespmem:v0+s15+$0xFFFFFF90 ss:$0x1] =	vst.idx.msk $0xffff, v57  }
0x1a: {  	v63 =	vld.idx.msk [tilespmem:v1+s15+$0x20 ss:$0x1], $0xffff;
	[tilespmem:v0+s15+$0xFFFFFFA0 ss:$0x1] =	vst.idx.msk $0xffff, v58  }
0x1b: {  	[tilespmem:v0+s15+$0xFFFFFFB0 ss:$0x1] =	vst.idx.msk $0xffff, v59  }
0x1c: {  	[tilespmem:v0+s15+$0xFFFFFFC0 ss:$0x1] =	vst.idx.msk $0xffff, v60  }
0x1d: {  	s12 =	sshll.u32 s12, $0x4;
	[tilespmem:v0+s15+$0xFFFFFFD0 ss:$0x1] =	vst.idx.msk $0xffff, v61  }
0x1e: {  	s12 =	sand.u32 $0xFFFF0, s12;
	[tilespmem:v0+s15+$0xFFFFFFE0 ss:$0x1] =	vst.idx.msk $0xffff, v62  }
0x1f: {  	s12 =	sadd.s32 s2, s12;
	[tilespmem:v0+s15+$0xFFFFFFF0 ss:$0x1] =	vst.idx.msk $0xffff, v63  }
0x20: {  	[hbm4b:s12+s8] =	stream.linear.scatter [tilespmem:s13], [sflag:$0x2], $0x4000, $0x38;
	[tilespmem:$0x10000] =	vst v63  }
.LBB2_5:
0x21: {  	s14 =	sadd.s32 $0x1000, s10  }
0x22: {  	p2 =	sgt.s32 s14, $0xFFFF  }
0x23: {  	s14 =	smov.u32 @p2 s3;
	p2 =	sne.s32 s11, s7  }
.Ltmp1:
0x24: {  	p1 =	slt.u32 s11, $0x2;
	(pc) =	sbr.rel @!p2 .LBB2_6-.Ltmp1, $4  }
0x25: {  	s13 =	simm.s32 @!p1 $0x2  }
0x26: {  	s15 =	sadd.s32 $0x1, s11;
	_ =	swait.ge @!p1 [sflag:s13], $0x4000  }
0x27: {  	s12 =	smov.u32 s10;
	s9 =	sadd.s32 $0x4000, s9;
	[sflag:s13] =	ssyncset.done @!p1 $0x0  }
0x28: {  	s11 =	smov.u32 s15;
	s10 =	smov.u32 s14;
	[sflag:s13] =	ssyncadd.s32 @!p1 $0xFFFFC000  }
.LBB2_1:
0x29: {  	p1 =	sge.u32 s11, s6  }
0x2a: {  	s13 =	sxor.u32 @!p1 $0xFFFFFFFF, s11;
	s14 =	sshll.u32 @!p1 s10, $0x4  }
0x2b: {  	s31 =	sadd.s32 $0xFFFFFFFF, s11;
	s13 =	sshll.u32 @!p1 s13, $0xE;
	s14 =	sand.u32 @!p1 $0xFFFF0, s14  }
0x2c: {  	s15 =	simm.s32 @!p1 $0x0;
	s13 =	sand.u32 @!p1 $0x4000, s13;
	s14 =	sadd.s32 @!p1 s4, s14  }
0x2d: {  	[tilespmem:s13], [sflag:$0x1] =	stream.linear.gather @!p1 [hbm4b:s14+s15], $0x4000, $0x38;
	[tilespmem:$0x10000] =	vst v63  }
0x2e: {  	p1 =	sge.u32 s31, s6  }
.Ltmp2:
0x2f: {  	_ = 	snop;
	(pc) =	sbr.rel @p1 .LBB2_5-.Ltmp2, $1  }
0x30: {  	_ =	sdelay $0x3  }
0x31: {  	s13 =	sand.u32 $0x4000, s9  }
0x32: {  	s14 =	sor.u32 $0x40, s13  }
0x33: {  	v1 =	vmov s14;
	_ =	sdelay $0x1  }
0x34: {  	_ =	swait.ge [sflag:s5], $0x4000  }
0x35: {  	[sflag:s5] =	ssyncset.done $0x0  }
0x36: {  	[sflag:s5] =	ssyncadd.s32 $0xFFFFC000;
	s14 =	simm.s32 $0x0  }
0x37: {  	s13 =	sor.u32 $0x8070, s13;
	v7 =	vld.idx.msk [tilespmem:v1+s14+$0x30 ss:$0x1], $0xffff  }
0x38: {  	v0 =	vmov s13;
	v8 =	vld.idx.msk [tilespmem:v1+s14+$0xFFFFFFC0 ss:$0x1], $0xffff  }
0x39: {  	v6 =	vld.idx.msk [tilespmem:v1+s14+$0xFFFFFFD0 ss:$0x1], $0xffff  }
0x3a: {  	v4 =	vld.idx.msk [tilespmem:v1+s14+$0xFFFFFFE0 ss:$0x1], $0xffff  }
0x3b: {  	v2 =	vld.idx.msk [tilespmem:v1+s14+$0xFFFFFFF0 ss:$0x1], $0xffff  }
0x3c: {  	s31 =	sshll.u32 s11, $0xE;
	v3 =	vld.idx.msk [tilespmem:v1+s14+$0x0 ss:$0x1], $0xffff  }
0x3d: {  	s13 =	sand.u32 $0x4000, s31;
	v5 =	vld.idx.msk [tilespmem:v1+s14+$0x10 ss:$0x1], $0xffff;
	[tilespmem:v0+s14+$0x0 ss:$0x1] =	vst.idx.msk $0xffff, v7  }
0x3e: {  	s15 =	simm.s32 $0x80;
	s16 =	simm.s32 $0x400;
	s13 =	sor.u32 $0x8000, s13;
	[tilespmem:v0+s14+$0xFFFFFF90 ss:$0x1] =	vst.idx.msk $0xffff, v8;
	v7 =	vld.idx.msk [tilespmem:v1+s14+$0x20 ss:$0x1], $0xffff  }
.LBB2_3:
0x3f: {  	p1 =	sne.s32 s16, $0xFE00;
	v8 =	vld.idx.msk [tilespmem:v1+s15+$0x30 ss:$0x1], $0xffff;
	[tilespmem:v0+s14+$0xFFFFFFA0 ss:$0x1] =	vst.idx.msk $0xffff, v6  }
0x40: {  	v9 =	vld.idx.msk [tilespmem:v1+s15+$0xFFFFFFC0 ss:$0x1], $0xffff;
	[tilespmem:v0+s14+$0xFFFFFFB0 ss:$0x1] =	vst.idx.msk $0xffff, v4  }
0x41: {  	v6 =	vld.idx.msk [tilespmem:v1+s15+$0xFFFFFFD0 ss:$0x1], $0xffff;
	[tilespmem:v0+s14+$0xFFFFFFC0 ss:$0x1] =	vst.idx.msk $0xffff, v2  }
.Ltmp3:
0x42: {  	v4 =	vld.idx.msk [tilespmem:v1+s15+$0xFFFFFFE0 ss:$0x1], $0xffff;
	[tilespmem:v0+s14+$0xFFFFFFD0 ss:$0x1] =	vst.idx.msk $0xffff, v3;
	(pc) =	sbr.rel @p1 .LBB2_3-.Ltmp3, $4  }
0x43: {  	v2 =	vld.idx.msk [tilespmem:v1+s15+$0xFFFFFFF0 ss:$0x1], $0xffff;
	[tilespmem:v0+s14+$0xFFFFFFE0 ss:$0x1] =	vst.idx.msk $0xffff, v5  }
0x44: {  	v3 =	vld.idx.msk [tilespmem:v1+s15+$0x0 ss:$0x1], $0xffff;
	[tilespmem:v0+s14+$0xFFFFFFF0 ss:$0x1] =	vst.idx.msk $0xffff, v7;
	s14 =	smov.u32 s15  }
0x45: {  	v5 =	vld.idx.msk [tilespmem:v1+s14+$0x10 ss:$0x1], $0xffff;
	[tilespmem:v0+s14+$0x0 ss:$0x1] =	vst.idx.msk $0xffff, v8  }
0x46: {  	s15 =	sshra.s32 s16, $0x2;
	s16 =	sadd.s32 $0x200, s16;
	[tilespmem:v0+s14+$0xFFFFFF90 ss:$0x1] =	vst.idx.msk $0xffff, v9;
	v7 =	vld.idx.msk [tilespmem:v1+s14+$0x20 ss:$0x1], $0xffff  }
.Ltmp4:
0x47: {  	_ = 	snop;
	(pc) =	sbr.rel .LBB2_4-.Ltmp4, $1  }
0x48: {  	_ =	sdelay $0x3  }
.LBB2_6:
0x49: {  	_ =	sfence.sel $0x180000  }
0x4a: {  	s2 =	simm.s32 $0x1;
	[bflag:$0x0] =	sbarrier.arrive $0xFFFF  }
0x4b: {  	s31 =	simm.s32 $0x2;
	[sflag:s2] =	ssyncpa.u1 $0x1  }
0x4c: {  	[sflag:s31] =	ssyncpa.u1 $0x1  }
0x4d: {  	_ =	strace $0x90000059  }
0x4e: {  	s0 =	sadd.s32 @!p0 $0x100000, s0;
	[bflag:$0x2] =	sbarrier.arrive $0xFFFF  }
0x4f: {  	[sflag:s0] =	ssyncadd.tile.s32 @!p0 $0x1;
	s0 =	simm.s32 @!p0 $0x3F  }
0x50: {  	_ =	swait.ge @!p0 [sflag:s0], s1  }
0x51: {  	s1 =	ssub.s32 @!p0 $0x0, s1;
	[sflag:s0] =	ssyncset.done @!p0 $0x0  }
0x52: {  	[sflag:s0] =	ssyncadd.s32 @!p0 s1  }
0x53: {  	[bflag:$0x3] =	sbarrier.arrive $0xFFFF  }
0x54: {  	_ =	shalt  }
.Lfunc_end2:
execute1_lowered:
.L_overlay_start_2:
0x55: {  	(tag) =	ssettag $0x2  }
0x56: {  	s1 =	rddreg [dreg:$0x0]  }
0x57: {  	s0 =	rddreg [dreg:$0x1]  }
0x58: {  	s3 =	rddreg [dreg:$0x2];
	_ =	strace $0x8000005C;
	s2 =	simm.s32 $0x1  }
0x59: {  	s9 =	simm.s32 $0x108;
	v0 =	vimm.s32 $0x0;
	[sflag:s2] =	ssyncpa.u1 $0x0  }
0x5a: {  	[tilespmem:s9+$0x70] =	vst v0  }
0x5b: {  	[tilespmem:s9+$0x60] =	vst v0  }
0x5c: {  	[tilespmem:s9+$0x50] =	vst v0  }
0x5d: {  	[tilespmem:s9+$0x40] =	vst v0  }
0x5e: {  	[tilespmem:s9+$0x30] =	vst v0  }
0x5f: {  	s15 =	sadd.s32 $0x6000, s0;
	s6 =	sadd.s32 $0xBF9600, s0;
	[tilespmem:s9+$0x20] =	vst v0  }
0x60: {  	s14 =	sadd.s32 $0x9200, s0;
	s5 =	sand.u32 $0x1, s3;
	s0 =	simm.s32 $0x40;
	[tilespmem:s9+$0x10] =	vst v0  }
.LBB3_1:
0x61: {  	s0 =	sadd.s32 $0x40, s0;
	[tilespmem:s9+$0x0] =	vst v0;
	s9 =	sadd.s32 $0x80, s9  }
0x62: {  	p0 =	slt.u32 s0, $0x3C40;
	[tilespmem:s9+$0x70] =	vst v0  }
0x63: {  	[tilespmem:s9+$0x60] =	vst v0  }
.Ltmp5:
0x64: {  	[tilespmem:s9+$0x50] =	vst v0;
	(pc) =	sbr.rel @p0 .LBB3_1-.Ltmp5, $4  }
0x65: {  	[tilespmem:s9+$0x40] =	vst v0  }
0x66: {  	[tilespmem:s9+$0x30] =	vst v0  }
0x67: {  	[tilespmem:s9+$0x20] =	vst v0  }
0x68: {  	[tilespmem:s9+$0x10] =	vst v0  }
0x69: {  	s16 =	stileid.u32  }
0x6a: {  	s0 =	simm.s32 $0x1;
	p0 =	sne.s32 s16, $0x0;
	s2 =	smul.u32 $0xD, s16  }
0x6b: {  	s0 =	simm.s32 @!p0 $0x0  }
0x6c: {  	s0 =	sadd.s32 s0, s2  }
0x6d: {  	p1 =	seq.s32 s16, $0x0;
	s7 =	smul.u32 $0xF0, s0;
	s0 =	simm.s32 $0xD20  }
0x6e: {  	s0 =	simm.s32 @!p1 $0xC30  }
0x6f: {  	s0 =	sadd.s32 s0, s7  }
0x70: {  	s8 =	smin.u32 s0, $0xC350  }
0x71: {  	s0 =	ssub.s32 s8, s7  }
0x72: {  	p1 =	sgt.s32 s0, $0x0  }
0x73: {  	s3 =	simm.s32 $0x2;
	s10 =	simm.s32 $0x9;
	s0 =	simm.s32 @!p1 $0x0  }
0x74: {  	s4 =	simm.s32 $0xA;
	s11 =	simm.s32 $0xB;
	s29 =	smul.u32 $0x8889, s0  }
0x75: {  	[dreg:$0x5] =	wrdreg s5;
	s31 =	smul.u32 $0x186A, s5;
	s12 =	simm.s32 $0x1  }
0x76: {  	s22 =	simm.s32 $0x0;
	s18 =	simm.s32 $0xC;
	s2 =	sshrl.u32 s29, $0x17  }
0x77: {  	s20 =	simm.s32 $0x0;
	s21 =	simm.s32 $0x0;
	s30 =	smul.u32 $0xF0, s2  }
.Ltmp6:
0x78: {  	[tilespmem:s9+$0x0] =	vst v0;
	v0 =	vimm.s32 $0xFFFFFFFF;
	[sflag:s3] =	ssyncpa.u1 $0x0;
	s16 =	sshll.u32 s16, $0x8;
	(pc) =	sbr.rel .LBB3_3-.Ltmp6, $4  }
0x79: {  	[tilespmem:$0xF208] =	vst v0;
	[sflag:s10] =	ssyncpa.u1 $0x0;
	p1 =	sne.s32 s0, s30;
	s0 =	simm.s32 $0x1  }
0x7a: {  	s14 =	sadd.s32 s31, s14;
	[sflag:s4] =	ssyncpa.u1 $0x0;
	s0 =	simm.s32 @!p1 $0x0  }
0x7b: {  	s15 =	sadd.s32 s31, s15;
	[sflag:s11] =	ssyncpa.u1 $0x0;
	s13 =	sadd.s32 s2, s0  }
0x7c: {  	v0 =	vlaneseq.u32;
	s19 =	smov.u32 s7;
	p1 =	por $0x0, $0x0;
	s17 =	sadd.s32 $0x1, s13  }
.LBB3_18:
0x7d: {  	s0 =	sshrl.u32 s31, $0x2  }
.LBB3_20:
0x7e: {  	_ =	swait.ge [sflag:s18], s0  }
0x7f: {  	s31 =	ssub.s32 $0x0, s0;
	v1 =	vmov s24;
	vm0 =	veq.s32 v0, $0x0;
	[sflag:s18] =	ssyncset.done $0x0  }
0x80: {  	vm15 =	veq.s32 v0, $0x2;
	v1 =	vsel vm0, s30, v1;
	[sflag:s18] =	ssyncadd.s32 s31  }
0x81: {  	v1 =	vsel vm15, s22, v1;
	[sflag:s18] =	ssyncpa.u1 $0x1  }
0x82: {  	[tilespmem:$0xF208] =	vst v1  }
.LBB3_21:
0x83: {  	s0 =	sadd.s32 $0xF0, s19  }
0x84: {  	s2 =	smov.u32 s7;
	p2 =	slt.s32 s0, s8  }
0x85: {  	s2 =	smov.u32 @p2 s0;
	p2 =	sne.s32 s21, s17  }
.Ltmp7:
0x86: {  	_ = 	snop;
	(pc) =	sbr.rel @!p2 .LBB3_22-.Ltmp7, $3  }
0x87: {  	_ =	sdelay $0x1  }
0x88: {  	s22 =	smov.u32 s20;
	s31 =	sadd.s32 $0x1, s21;
	s20 =	smov.u32 s19  }
0x89: {  	p1 =	por !p1, !p1;
	s21 =	smov.u32 s31;
	s19 =	smov.u32 s2  }
.LBB3_3:
0x8a: {  	p2 =	sge.u32 s21, s13  }
0x8b: {  	s0 =	smulhi.u32 @!p2 $0xAAAAAAAB, s21  }
0x8c: {  	s2 =	smov.u32 s19;
	p3 =	sgt.s32 @!p2 s19, $0xC260  }
0x8d: {  	s3 =	sshra.s32 @!p2 s19, $0x1F;
	p3 =	por !p3, p2;
	s0 =	sshrl.u32 @!p2 s0, $0x1  }
0x8e: {  	s3 =	sand.u32 @!p2 s3, s19;
	s2 =	simm.s32 @p3 $0xC260;
	s0 =	smul.u32 @!p2 $0x3, s0  }
0x8f: {  	s2 =	ssub.s32 @!p2 s2, s3  }
0x90: {  	s2 =	sadd.s32 @!p2 $0xFFFF3DA0, s2;
	s0 =	ssub.s32 @!p2 s21, s0  }
0x91: {  	s3 =	sshll.u32 @!p2 s2, $0x2;
	p3 =	sgt.s32 @!p2 s2, $0xEF;
	s0 =	smul.u32 @!p2 $0x3C0, s0  }
0x92: {  	s4 =	sand.u32 @!p2 $0x7, s19;
	s2 =	ssub.s32 @!p2 $0x3C0, s3;
	p3 =	por !p3, p2  }
0x93: {  	s3 =	sshrl.u32 @!p2 s19, $0x3;
	s2 =	sshrl.u32 @!p2 s2, $0x2;
	s0 =	sshrl.u32 @!p2 s0, $0x2  }
0x94: {  	s3 =	sadd.s32 @!p2 s3, s14;
	s2 =	simm.s32 @!p3 $0x0;
	s0 =	sadd.s32 @!p2 $0x10248, s0  }
0x95: {  	[tilespmem:s0], [sflag:$0xA] =	stream.linear.gather @!p2 [hbm4b:s3+s4], s2, $0x38;
	[tilespmem:$0x1F6F8] =	vst v63  }
0x96: {  	s0 =	sadd.s32 $0xFFFFFFFF, s21  }
0x97: {  	p2 =	sge.u32 s0, s13  }
0x98: {  	p3 =	sgt.s32 @!p2 s20, $0xC260  }
0x99: {  	s2 =	smov.u32 s20;
	s3 =	sshra.s32 @!p2 s20, $0x1F;
	p3 =	por !p3, p2  }
0x9a: {  	s3 =	sand.u32 @!p2 s3, s20;
	s2 =	simm.s32 @p3 $0xC260  }
0x9b: {  	s2 =	ssub.s32 @!p2 s2, s3  }
0x9c: {  	s2 =	sadd.s32 @!p2 $0xFFFF3DA0, s2  }
0x9d: {  	s4 =	sand.u32 @!p2 $0x1, s0;
	s3 =	sshll.u32 @!p2 s2, $0x2  }
0x9e: {  	p3 =	sgt.s32 @!p2 s2, $0xEF;
	s2 =	ssub.s32 @!p2 $0x3C0, s3;
	s3 =	smulhi.u32 @!p2 $0xAAAAAAAB, s0  }
0x9f: {  	s23 =	smul.u32 @!p2 $0x3C0, s4;
	p3 =	por !p3, p2;
	s2 =	sshrl.u32 @!p2 s2, $0x2  }
0xa0: {  	s5 =	simm.s32 @!p2 $0xA;
	s2 =	simm.s32 @!p3 $0x0;
	s3 =	sshrl.u32 @!p2 s3, $0x1  }
0xa1: {  	s23 =	sshrl.u32 @!p2 s23, $0x2;
	_ =	swait.ge @!p2 [sflag:s5], s2;
	s3 =	smul.u32 @!p2 $0x3, s3  }
0xa2: {  	s23 =	sadd.s32 @!p2 $0x10518, s23;
	s24 =	ssub.s32 @!p2 $0x0, s2;
	[sflag:s5] =	ssyncset.done @!p2 $0x0  }
0xa3: {  	[sflag:s5] =	ssyncadd.s32 @!p2 s24;
	s5 =	sshrl.u32 @!p2 s20, $0x3;
	s0 =	ssub.s32 @!p2 s0, s3  }
0xa4: {  	s24 =	sand.u32 @!p2 $0x7, s20;
	s5 =	sadd.s32 @!p2 s5, s15;
	s0 =	smul.u32 @!p2 $0x3C0, s0  }
0xa5: {  	[tilespmem:s23], [sflag:$0xB] =	stream.linear.gather @!p2 [hbm4b:s5+s24], s2, $0x38;
	[tilespmem:$0x1F6F8] =	vst v63  }
0xa6: {  	s3 =	ssub.s32 @!p2 $0xC350, s20;
	s2 =	smul.u32 @!p2 $0x1E000, s4  }
0xa7: {  	p3 =	slt.s32 @!p2 s3, $0xF0  }
0xa8: {  	p3 =	por !p3, p2;
	s0 =	sshrl.u32 @!p2 s0, $0x2;
	s2 =	sshrl.u32 @!p2 s2, $0x2  }
0xa9: {  	s3 =	simm.s32 @p3 $0xF0;
	s0 =	sadd.s32 @!p2 $0x10248, s0;
	s2 =	sor.u32 @!p2 $0x106F8, s2  }
0xaa: {  	[tilespmem:s2], [sflag:$0x9] =	stream.indirect.gather @!p2 [hbm4b:s6+s3], $0x80, s0, s3, $0xb8;
	[tilespmem:$0x1F6F8] =	vst v63  }
0xab: {  	p2 =	slt.u32 s21, $0x2  }
.Ltmp8:
0xac: {  	_ = 	snop;
	(pc) =	sbr.rel @p2 .LBB3_21-.Ltmp8, $1  }
0xad: {  	_ =	sdelay $0x3  }
0xae: {  	p2 =	sgt.s32 s22, $0xC260  }
0xaf: {  	s0 =	smov.u32 s22;
	s2 =	sshra.s32 s22, $0x1F;
	s3 =	ssub.s32 $0xC350, s22  }
0xb0: {  	s0 =	simm.s32 @!p2 $0xC260;
	s2 =	sand.u32 s2, s22;
	p2 =	slt.s32 s3, $0xF0  }
0xb1: {  	s0 =	ssub.s32 s0, s2;
	s3 =	simm.s32 @!p2 $0xF0  }
0xb2: {  	s0 =	sadd.s32 $0xFFFF3DA0, s0;
	s25 =	sshll.u32 s3, $0x7  }
0xb3: {  	s26 =	sshll.u32 s0, $0x2;
	s2 =	sand.u32 $0x3FFFFF80, s25  }
0xb4: {  	p2 =	sgt.s32 s0, $0xEF;
	s29 =	ssub.s32 $0x3C0, s26;
	_ =	swait.ge [sflag:s10], s2  }
0xb5: {  	s2 =	ssub.s32 $0x0, s2;
	[sflag:s10] =	ssyncset.done $0x0;
	s0 =	sshrl.u32 s29, $0x2  }
0xb6: {  	[sflag:s10] =	ssyncadd.s32 s2;
	s0 =	simm.s32 @p2 $0x0  }
0xb7: {  	_ =	swait.ge [sflag:s11], s0  }
0xb8: {  	s0 =	ssub.s32 $0x0, s0;
	[sflag:s11] =	ssyncset.done $0x0  }
0xb9: {  	[sflag:s11] =	ssyncadd.s32 s0  }
0xba: {  	v1 =	vld [tilespmem:$0xF208];
	_ =	sdelay $0x4  }
0xbb: {  	(v2sf) =	vpush v1, $0x0  }
0xbc: {  	(v2sf) =	vpush v1, $0x1  }
0xbd: {  	(v2sf) =	vpush v1, $0x2;
	_ =	sdelay $0x3  }
0xbe: {  	s0 =	sadd.s32 $0xF0, s22  }
0xbf: {  	s2 =	ssub.s32 $0x186A0, s22;
	p2 =	slt.s32 s8, s0  }
0xc0: {  	s0 =	smov.u32 @p2 s8;
	p2 =	sgt.s32 s2, $0x0  }
0xc1: {  	s26 =	ssub.s32 s0, s22;
	s2 =	simm.s32 @!p2 $0x0  }
0xc2: {  	p2 =	slt.s32 s2, s26  }
0xc3: {  	s26 =	smov.u32 @p2 s2  }
0xc4: {  	s25 =	simm.s32 $0x1;
	p2 =	slt.s32 s26, $0x1  }
.Ltmp9:
0xc5: {  	s25 =	simm.s32 @!p1 $0x0;
	(pc) =	sbr.rel @p2 .LBB3_8-.Ltmp9, $4  }
0xc6: {  	s31 =	smul.u32 $0x3C0, s25  }
0xc7: {  	s28 =	spop (v2sf)  }
0xc8: {  	s0 =	sshrl.u32 s31, $0x2;
	s30 =	spop (v2sf)  }
0xc9: {  	s23 =	sadd.s32 $0x10518, s0;
	s22 =	spop (v2sf)  }
0xca: {  	s0 =	smin.u32 s26, $0x10  }
0xcb: {  	v1 =	vmov s0  }
0xcc: {  	p3 =	sgt.s32 s26, $0x10;
	vm1 =	vgt.u32 v1, v0  }
.Ltmp10:
0xcd: {  	_ = 	snop;
	(pc) =	sbr.rel @!p3 .LBB3_7-.Ltmp10, $2  }
0xce: {  	_ =	sdelay $0x2  }
0xcf: {  	s4 =	simm.s32 $0x10;
	s24 =	sadd.s32 $0xFFFFFFF0, s26;
	s0 =	smov.u32 s23;
	vm0 =	vmmov vm1  }
.LBB3_6:
0xd0: {  	s2 =	smin.u32 s24, $0x10;
	s4 =	sadd.s32 $0x10, s4;
	v1 =	vld.msk [tilespmem:s0+$0x0 ss:$0x1], vm1  }
0xd1: {  	v2 =	vmov s2;
	p3 =	slt.s32 s4, s26  }
0xd2: {  	vm1 =	vgt.u32 v2, v0  }
.Ltmp11:
0xd3: {  	(pc) =	sbr.rel @p3 .LBB3_6-.Ltmp11, $3  }
0xd4: {  	_ =	sdelay $0x1  }
0xd5: {  	v1 =	vshll.u32 v1, $0x4  }
0xd6: {  	s24 =	sadd.s32 $0xFFFFFFF0, s24;
	[tilespmem:s0+$0x0] =	vst.msk vm0, v1;
	s0 =	sadd.s32 $0x10, s0;
	vm0 =	vmmov vm1  }
.LBB3_7:
0xd7: {  	_ =	sdelay $0x4  }
0xd8: {  	v1 =	vld.msk [tilespmem:s0+$0x0 ss:$0x1], vm1;
	_ =	sdelay $0x4  }
0xd9: {  	v1 =	vshll.u32 v1, $0x4  }
0xda: {  	[tilespmem:s0+$0x0] =	vst.msk vm0, v1  }
.LBB3_8:
0xdb: {  	s0 =	sand.u32 $0x1, s21  }
0xdc: {  	s2 =	smul.u32 $0x7800, s0  }
0xdd: {  	p3 =	sne.s32 s30, $0xFFFFFFFF  }
0xde: {  	v1 =	vld @!p3 [tilespmem:s2+$0x106F8];
	_ =	sdelay $0x2  }
0xdf: {  	s0 =	smul.u32 $0xF0, s0;
	_ =	sdelay $0x1  }
0xe0: {  	v2 =	vld.msk @!p3 [tilespmem:s0+$0x10518], $0x1;
	[tilespmem:$0x108] =	vst @!p3 v1  }
0xe1: {  	v1 =	vld @!p3 [tilespmem:s2+$0x10708];
	_ =	sdelay $0x4  }
0xe2: {  	[tilespmem:$0x118] =	vst @!p3 v1  }
0xe3: {  	v1 =	vld @!p3 [tilespmem:s2+$0x10718];
	_ =	sdelay $0x4  }
0xe4: {  	[tilespmem:$0x128] =	vst @!p3 v1  }
0xe5: {  	v1 =	vld @!p3 [tilespmem:s2+$0x10728];
	_ =	sdelay $0x4  }
0xe6: {  	[tilespmem:$0x138] =	vst @!p3 v1  }
0xe7: {  	v1 =	vld @!p3 [tilespmem:s2+$0x10738];
	_ =	sdelay $0x4  }
0xe8: {  	[tilespmem:$0x148] =	vst @!p3 v1  }
0xe9: {  	(v2sf) =	vpush @!p3 v2, $0x0;
	v1 =	vld @!p3 [tilespmem:s2+$0x10748];
	_ =	sdelay $0x4  }
0xea: {  	[tilespmem:$0x158] =	vst @!p3 v1  }
0xeb: {  	v1 =	vld @!p3 [tilespmem:s2+$0x10758];
	_ =	sdelay $0x4  }
0xec: {  	[tilespmem:$0x168] =	vst @!p3 v1  }
0xed: {  	v1 =	vld @!p3 [tilespmem:s2+$0x10768]  }
.Ltmp12:
0xee: {  	_ = 	snop;
	(pc) =	sbr.rel @p2 .LBB3_19-.Ltmp12, $4  }
0xef: {  	_ = 	snop  }
0xf0: {  	s29 =	spop @!p3 (v2sf)  }
0xf1: {  	s22 =	simm.s32 @!p3 $0x0;
	s24 =	smov.u32 s29  }
0xf2: {  	s29 =	smov.u32 @p3 s28;
	s24 =	smov.u32 @p3 s30;
	[tilespmem:$0x178] =	vst @!p3 v1;
	[sflag:s18] =	ssyncpa.u1 $0x0  }
0xf3: {  	v1 =	vld.msk [tilespmem:s23+$0x0], $0x1;
	_ =	sdelay $0x4  }
0xf4: {  	(v2sf) =	vpush v1, $0x0;
	_ =	sdelay $0xe  }
0xf5: {  	s2 =	smul.u32 $0x1E000, s25;
	s0 =	spop (v2sf)  }
0xf6: {  	s26 =	ssub.s32 $0x0, s26;
	p2 =	seq.s32 s29, s0  }
0xf7: {  	s30 =	sadd.s32 $0x1, s26;
	s2 =	sshrl.u32 s2, $0x2;
	p3 =	sgt.s32 @!p2 s29, $0x0  }
0xf8: {  	s25 =	sor.u32 $0x10738, s2;
	s2 =	smov.u32 s29;
	p3 =	por !p3, p2  }
0xf9: {  	s2 =	simm.s32 @p3 $0x0;
	p3 =	seq.s32 s30, $0x0  }
.Ltmp13:
0xfa: {  	_ = 	snop;
	(pc) =	sbr.rel @p3 .LBB3_11-.Ltmp13, $4  }
0xfb: {  	_ = 	snop  }
0xfc: {  	s28 =	simm.s32 $0x0;
	s31 =	sadd.s32 $0x1, s23;
	s2 =	smin.u32 @!p2 s2, $0xFFFF0  }
0xfd: {  	s4 =	simm.s32 @!p2 $0x1;
	s5 =	simm.s32 @!p2 $0x7988;
	s3 =	sand.u32 @!p2 $0xFFFF8, s2  }
0xfe: {  	s4 =	smov.u32 @p2 s28;
	s2 =	sand.u32 @!p2 $0x7, s2;
	s3 =	sadd.s32 @!p2 s1, s3  }
.LBB3_10:
0xff: {  	s9 =	smov.u32 s4  }
0x100: {  	[tilespmem:s5], [sflag:$0x2] =	stream.linear.gather @!p2 [hbm4b:s3+s2], $0x80, $0x38;
	[tilespmem:$0x1F6F8] =	vst v63  }
0x101: {  	s30 =	sadd.s32 $0x1, s30;
	s2 =	smov.u32 s0;
	v1 =	vld.msk [tilespmem:s31+$0x0], $0x1  }
0x102: {  	p3 =	seq.s32 s30, $0x0;
	_ =	sdelay $0x3  }
0x103: {  	(v2sf) =	vpush v1, $0x0;
	_ =	sdelay $0xe  }
0x104: {  	s0 =	spop (v2sf)  }
0x105: {  	p2 =	seq.s32 s2, s0  }
0x106: {  	p4 =	sgt.s32 @!p2 s2, $0x0;
	s3 =	sshll.u32 @!p2 s4, $0x9;
	s4 =	sadd.s32 @!p2 $0x1, s4  }
.Ltmp14:
0x107: {  	p4 =	por !p4, p2;
	s3 =	sshra.s32 @!p2 s3, $0x2;
	(pc) =	sbr.rel @!p3 .LBB3_10-.Ltmp14, $4  }
0x108: {  	s4 =	smov.u32 @p2 s9;
	s2 =	simm.s32 @p4 $0x0;
	s5 =	sadd.s32 @!p2 $0x7988, s3  }
0x109: {  	s2 =	smin.u32 @!p2 s2, $0xFFFF0  }
0x10a: {  	s3 =	sand.u32 @!p2 $0xFFFF8, s2;
	s2 =	sand.u32 @!p2 $0x7, s2  }
0x10b: {  	s31 =	sadd.s32 $0x1, s31;
	s3 =	sadd.s32 @!p2 s1, s3  }
.LBB3_11:
0x10c: {  	[tilespmem:s5], [sflag:$0x2] =	stream.linear.gather @!p2 [hbm4b:s3+s2], $0x80, $0x38;
	[tilespmem:$0x1F6F8] =	vst v63  }
.Ltmp15:
0x10d: {  	s0 =	sshll.u32 s4, $0x7;
	(pc) =	sbr.rel .LBB3_12-.Ltmp15, $4  }
0x10e: {  	s30 =	simm.s32 $0x2;
	s0 =	sand.u32 $0x3FFFFF80, s0  }
0x10f: {  	_ =	swait.ge [sflag:s30], s0  }
0x110: {  	s0 =	ssub.s32 $0x0, s0;
	[sflag:s30] =	ssyncset.done $0x0  }
0x111: {  	s31 =	simm.s32 $0x0;
	[sflag:s30] =	ssyncadd.s32 s0  }
.LBB3_13:
0x112: {  	s0 =	sshra.s32 s0, $0x2;
	v1 =	vld [tilespmem:s25+$0xFFFFFFC0]  }
0x113: {  	v2 =	vld [tilespmem:s0+$0x108];
	_ =	sdelay $0x4  }
0x114: {  	v1 =	vmax.f32 v1, v2  }
0x115: {  	v2 =	vld [tilespmem:s0+$0x118];
	[tilespmem:s0+$0x108] =	vst v1  }
0x116: {  	v1 =	vld [tilespmem:s25+$0xFFFFFFD0];
	_ =	sdelay $0x4  }
0x117: {  	v1 =	vmax.f32 v1, v2  }
0x118: {  	v2 =	vld [tilespmem:s0+$0x128];
	[tilespmem:s0+$0x118] =	vst v1  }
0x119: {  	v1 =	vld [tilespmem:s25+$0xFFFFFFE0];
	_ =	sdelay $0x4  }
0x11a: {  	v1 =	vmax.f32 v1, v2  }
0x11b: {  	v2 =	vld [tilespmem:s0+$0x138];
	[tilespmem:s0+$0x128] =	vst v1  }
0x11c: {  	v1 =	vld [tilespmem:s25+$0xFFFFFFF0];
	_ =	sdelay $0x4  }
0x11d: {  	v1 =	vmax.f32 v1, v2  }
0x11e: {  	v2 =	vld [tilespmem:s0+$0x148];
	[tilespmem:s0+$0x138] =	vst v1  }
0x11f: {  	v1 =	vld [tilespmem:s25+$0x0];
	_ =	sdelay $0x4  }
0x120: {  	v1 =	vmax.f32 v1, v2  }
0x121: {  	v2 =	vld [tilespmem:s0+$0x158];
	[tilespmem:s0+$0x148] =	vst v1  }
0x122: {  	v1 =	vld [tilespmem:s25+$0x10];
	_ =	sdelay $0x4  }
0x123: {  	v1 =	vmax.f32 v1, v2  }
0x124: {  	v2 =	vld [tilespmem:s0+$0x168];
	[tilespmem:s0+$0x158] =	vst v1  }
0x125: {  	v1 =	vld [tilespmem:s25+$0x20];
	_ =	sdelay $0x4  }
0x126: {  	v1 =	vmax.f32 v1, v2  }
0x127: {  	v2 =	vld [tilespmem:s0+$0x178];
	[tilespmem:s0+$0x168] =	vst v1  }
0x128: {  	v1 =	vld [tilespmem:s25+$0x30];
	_ =	sdelay $0x4  }
0x129: {  	v1 =	vmax.f32 v1, v2  }
0x12a: {  	[tilespmem:s0+$0x178] =	vst v1  }
.LBB3_17:
0x12b: {  	s26 =	sadd.s32 $0x1, s26  }
0x12c: {  	p2 =	seq.s32 s26, $0x0  }
.Ltmp16:
0x12d: {  	_ = 	snop;
	(pc) =	sbr.rel @p2 .LBB3_18-.Ltmp16, $2  }
0x12e: {  	_ =	sdelay $0x2  }
0x12f: {  	s23 =	sadd.s32 $0x1, s23;
	s25 =	sadd.s32 $0x80, s25;
	s29 =	smov.u32 s30  }
.LBB3_12:
0x130: {  	v1 =	vld.msk [tilespmem:s23+$0x0], $0x1;
	_ =	sdelay $0x4  }
0x131: {  	(v2sf) =	vpush v1, $0x0;
	_ =	sdelay $0xe  }
0x132: {  	s30 =	spop (v2sf)  }
0x133: {  	p2 =	sne.s32 s29, s30  }
.Ltmp17:
0x134: {  	_ = 	snop;
	(pc) =	sbr.rel @!p2 .LBB3_13-.Ltmp17, $2  }
0x135: {  	_ =	sdelay $0x2  }
0x136: {  	s0 =	sshll.u32 s22, $0x9  }
0x137: {  	p2 =	seq.s32 s29, s24  }
.Ltmp18:
0x138: {  	_ = 	snop;
	(pc) =	sbr.rel @!p2 .LBB3_15-.Ltmp18, $1  }
0x139: {  	_ =	sdelay $0x3  }
0x13a: {  	s0 =	sshra.s32 s0, $0x2  }
.Ltmp19:
0x13b: {  	s0 =	sadd.s32 $0x108, s0;
	(pc) =	sbr.rel .LBB3_16-.Ltmp19, $4  }
0x13c: {  	[spmem:s16] =	stream.linear.scatter [tilespmem:s0], [sflag:$0x1], $0x80, $0x38;
	[tilespmem:$0x1F6F8] =	vst v63  }
0x13d: {  	_ =	swait.ge [sflag:s12], $0x80  }
0x13e: {  	[sflag:s12] =	ssyncset.done $0x0  }
0x13f: {  	[sflag:s12] =	ssyncadd.s32 $0xFFFFFF80  }
.LBB3_15:
0x140: {  	s2 =	sshll.u32 s28, $0x9;
	s0 =	sshra.s32 s0, $0x2  }
0x141: {  	s2 =	sshra.s32 s2, $0x2;
	v2 =	vld [tilespmem:s0+$0x108]  }
0x142: {  	v1 =	vld [tilespmem:s2+$0x7988];
	_ =	sdelay $0x4  }
0x143: {  	v1 =	vmax.f32 v1, v2  }
0x144: {  	v2 =	vld [tilespmem:s0+$0x118];
	[tilespmem:s0+$0x108] =	vst v1  }
0x145: {  	v1 =	vld [tilespmem:s2+$0x7998];
	_ =	sdelay $0x4  }
0x146: {  	v1 =	vmax.f32 v1, v2  }
0x147: {  	v2 =	vld [tilespmem:s0+$0x128];
	[tilespmem:s0+$0x118] =	vst v1  }
0x148: {  	v1 =	vld [tilespmem:s2+$0x79A8];
	_ =	sdelay $0x4  }
0x149: {  	v1 =	vmax.f32 v1, v2  }
0x14a: {  	v2 =	vld [tilespmem:s0+$0x138];
	[tilespmem:s0+$0x128] =	vst v1  }
0x14b: {  	v1 =	vld [tilespmem:s2+$0x79B8];
	_ =	sdelay $0x4  }
0x14c: {  	v1 =	vmax.f32 v1, v2  }
0x14d: {  	v2 =	vld [tilespmem:s0+$0x148];
	[tilespmem:s0+$0x138] =	vst v1  }
0x14e: {  	v1 =	vld [tilespmem:s2+$0x79C8];
	_ =	sdelay $0x4  }
0x14f: {  	v1 =	vmax.f32 v1, v2  }
0x150: {  	v2 =	vld [tilespmem:s0+$0x158];
	[tilespmem:s0+$0x148] =	vst v1  }
0x151: {  	v1 =	vld [tilespmem:s2+$0x79D8];
	_ =	sdelay $0x4  }
0x152: {  	v1 =	vmax.f32 v1, v2  }
0x153: {  	v2 =	vld [tilespmem:s0+$0x168];
	[tilespmem:s0+$0x158] =	vst v1  }
0x154: {  	v1 =	vld [tilespmem:s2+$0x79E8];
	_ =	sdelay $0x4  }
0x155: {  	v1 =	vmax.f32 v1, v2  }
0x156: {  	v2 =	vld [tilespmem:s0+$0x178];
	[tilespmem:s0+$0x168] =	vst v1  }
0x157: {  	v1 =	vld [tilespmem:s2+$0x79F8];
	_ =	sdelay $0x3  }
0x158: {  	p2 =	sgt.u32 s29, $0xFFFF0  }
0x159: {  	s2 =	sand.u32 @!p2 $0xFFFF8, s29;
	v1 =	vmax.f32 v1, v2  }
0x15a: {  	s3 =	sadd.s32 $0x108, s0;
	[tilespmem:s0+$0x178] =	vst v1;
	s0 =	sadd.s32 @!p2 s1, s2;
	s2 =	sand.u32 @!p2 $0x7, s29  }
0x15b: {  	[hbm4b:s0+s2] =	stream.linear.scatter @!p2 [tilespmem:s3], [sflag:$0xC], $0x80, $0x38;
	[tilespmem:$0x1F6F8] =	vst v63  }
0x15c: {  	s0 =	simm.s32 $0x0  }
0x15d: {  	s0 =	simm.s32 @!p2 $0x200  }
0x15e: {  	s31 =	sadd.s32 s0, s31  }
.LBB3_16:
0x15f: {  	s0 =	sadd.s32 $0x1, s22  }
0x160: {  	s2 =	smulhi.u32 $0x88888889, s0;
	_ =	sdelay $0x1  }
0x161: {  	v1 =	vld [tilespmem:s25+$0xFFFFFFC0];
	s2 =	sshrl.u32 s2, $0x7  }
0x162: {  	s2 =	smul.u32 $0xF0, s2;
	_ =	sdelay $0x1  }
0x163: {  	s22 =	ssub.s32 s0, s2  }
0x164: {  	s0 =	sshll.u32 s22, $0x7  }
0x165: {  	[tilespmem:s0+$0x108] =	vst v1  }
0x166: {  	v1 =	vld [tilespmem:s25+$0xFFFFFFD0];
	_ =	sdelay $0x4  }
0x167: {  	[tilespmem:s0+$0x118] =	vst v1  }
0x168: {  	v1 =	vld [tilespmem:s25+$0xFFFFFFE0];
	_ =	sdelay $0x4  }
0x169: {  	[tilespmem:s0+$0x128] =	vst v1  }
0x16a: {  	v1 =	vld [tilespmem:s25+$0xFFFFFFF0];
	_ =	sdelay $0x4  }
0x16b: {  	[tilespmem:s0+$0x138] =	vst v1  }
0x16c: {  	v1 =	vld [tilespmem:s25+$0x0];
	_ =	sdelay $0x4  }
0x16d: {  	[tilespmem:s0+$0x148] =	vst v1  }
0x16e: {  	v1 =	vld [tilespmem:s25+$0x10];
	_ =	sdelay $0x4  }
0x16f: {  	[tilespmem:s0+$0x158] =	vst v1  }
0x170: {  	v1 =	vld [tilespmem:s25+$0x20];
	_ =	sdelay $0x4  }
0x171: {  	[tilespmem:s0+$0x168] =	vst v1  }
0x172: {  	v1 =	vld [tilespmem:s25+$0x30]  }
.Ltmp20:
0x173: {  	_ = 	snop;
	(pc) =	sbr.rel .LBB3_17-.Ltmp20, $2  }
0x174: {  	_ =	sdelay $0x2  }
0x175: {  	s28 =	sadd.s32 $0x1, s28;
	[tilespmem:s0+$0x178] =	vst v1  }
.LBB3_19:
.Ltmp21:
0x176: {  	(pc) =	sbr.rel .LBB3_20-.Ltmp21, $4  }
0x177: {  	_ = 	snop  }
0x178: {  	s0 =	simm.s32 $0x2  }
0x179: {  	_ =	swait.ge [sflag:s0], $0x0  }
0x17a: {  	s30 =	smov.u32 s29;
	[sflag:s0] =	ssyncset.done $0x0;
	s0 =	simm.s32 $0x0  }
.LBB3_22:
0x17b: {  	_ =	sfence.sel $0x180000  }
0x17c: {  	s0 =	simm.s32 $0x9;
	[bflag:$0x0] =	sbarrier.arrive $0xFFFF  }
0x17d: {  	s24 =	simm.s32 $0xA;
	[sflag:s0] =	ssyncpa.u1 $0x1  }
0x17e: {  	s25 =	simm.s32 $0xB;
	[sflag:s24] =	ssyncpa.u1 $0x1  }
0x17f: {  	s26 =	simm.s32 $0x2;
	[sflag:s25] =	ssyncpa.u1 $0x1  }
0x180: {  	[sflag:s26] =	ssyncpa.u1 $0x1  }
0x181: {  	v0 =	vld [tilespmem:$0xF208];
	_ =	sdelay $0x4  }
0x182: {  	(v2sf) =	vpush v0, $0x0  }
0x183: {  	(v2sf) =	vpush v0, $0x1;
	_ =	sdelay $0x1  }
0x184: {  	(v2sf) =	vpush v0, $0x2;
	_ =	sdelay $0xb  }
0x185: {  	s0 =	spop (v2sf)  }
0x186: {  	s2 =	spop (v2sf)  }
0x187: {  	s3 =	smov.u32 s0;
	p1 =	sne.s32 s0, s2  }
0x188: {  	s4 =	spop (v2sf);
	s3 =	simm.s32 @!p1 $0xFFFFFFFF  }
0x189: {  	v2 =	vimm.s32 $0x1;
	v3 =	vlaneseq.u32;
	p1 =	seq.s32 s4, $0xFFFFFFFF;
	v1 =	vmov s3  }
0x18a: {  	s16 =	stileid.u32;
	v0 =	vperm.xlane v0, v2;
	p2 =	sne.s32 @!p1 s0, s2;
	v1 =	vperm.xlane v1, v3  }
0x18b: {  	vm0 =	vcmask $0x3F04;
	s6 =	simm.s32 $0xF208;
	s0 =	simm.s32 @!p1 $0x1;
	p2 =	por !p2, p1  }
0x18c: {  	s3 =	sshll.u32 s16, $0x1;
	s2 =	sshll.u32 @!p1 s4, $0x9;
	s0 =	simm.s32 @p2 $0x0;
	v0 =	vsel vm0, v1, v0  }
0x18d: {  	s5 =	sor.u32 $0x1000, s3;
	s2 =	sshra.s32 @!p1 s2, $0x2;
	s0 =	sor.u32 @!p1 s0, s3;
	[tilespmem:$0xF208] =	vst v0  }
0x18e: {  	[spmem:s5] =	stream.linear.scatter [tilespmem:s6], [sflag:$0x1], $0x2, $0x38;
	[tilespmem:$0x1F6F8] =	vst v63  }
0x18f: {  	s2 =	sadd.s32 @!p1 $0x108, s2;
	s0 =	sshll.u32 @!p1 s0, $0x7  }
0x190: {  	[spmem:s0] =	stream.linear.scatter @!p1 [tilespmem:s2], [sflag:$0x1], $0x80, $0x38;
	[tilespmem:$0x1F6F8] =	vst v63  }
0x191: {  	s0 =	simm.s32 @!p1 $0x82  }
0x192: {  	s28 =	simm.s32 $0x1;
	s0 =	simm.s32 @p1 $0x2  }
0x193: {  	_ =	swait.ge [sflag:s28], s0  }
0x194: {  	s0 =	ssub.s32 $0x0, s0;
	[sflag:s28] =	ssyncset.done $0x0  }
0x195: {  	[sflag:s28] =	ssyncadd.s32 s0  }
.Ltmp22:
0x196: {  	_ =	sfence.stream.spmem;
	(pc) =	sbr.rel @p0 .LBB3_39-.Ltmp22, $4  }
0x197: {  	s29 =	simm.s32 $0x3;
	[bflag:$0x0] =	sbarrier.arrive $0xFFFF  }
0x198: {  	s30 =	simm.s32 $0x4;
	[sflag:s29] =	ssyncpa.u1 $0x1  }
0x199: {  	s31 =	simm.s32 $0x3C;
	[sflag:s30] =	ssyncpa.u1 $0x1  }
0x19a: {  	s15 =	rddreg [dreg:$0x5];
	[sflag:s31] =	ssyncpa.u1 $0x1  }
0x19b: {  	_ =	sfence.stream.spmem;
	s0 =	simm.s32 $0x5  }
0x19c: {  	s2 =	simm.s32 $0x1000;
	s3 =	simm.s32 $0xF218;
	[sflag:s0] =	ssyncpa.u1 $0x0  }
0x19d: {  	[tilespmem:s3], [sflag:$0x5] =	stream.linear.gather [spmem:s2], $0x20, $0x38;
	[tilespmem:$0x1F6F8] =	vst v63  }
0x19e: {  	s26 =	simm.s32 $0x0;
	s28 =	simm.s32 $0xF238  }
0x19f: {  	[tilespmem:s28], [sflag:$0x5] =	stream.linear.gather [spmem:s26], $0x1000, $0x38;
	[tilespmem:$0x1F6F8] =	vst v63  }
0x1a0: {  	_ =	swait.ge [sflag:s0], $0x1020  }
0x1a1: {  	[sflag:s0] =	ssyncset.done $0x0  }
0x1a2: {  	s29 =	simm.s32 $0x0;
	[sflag:s0] =	ssyncadd.s32 $0xFFFFEFE0  }
0x1a3: {  	v0 =	vld.msk [tilespmem:s29+$0xF218], $0x1;
	_ =	sdelay $0x1  }
0x1a4: {  	s30 =	simm.s32 $0x1  }
0x1a5: {  	v1 =	vld.msk [tilespmem:s30+$0xF218], $0x1;
	_ =	sdelay $0x1  }
0x1a6: {  	(v2sf) =	vpush v0, $0x0;
	_ =	sdelay $0x2  }
0x1a7: {  	(v2sf) =	vpush v1, $0x0;
	_ =	sdelay $0x2  }
0x1a8: {  	s31 =	simm.s32 $0x2  }
0x1a9: {  	v0 =	vld.msk [tilespmem:s31+$0xF218], $0x1;
	_ =	sdelay $0x2  }
0x1aa: {  	s4 =	simm.s32 $0xFFFFFFFF;
	s5 =	simm.s32 $0xFFFFFFFF;
	s0 =	simm.s32 $0xC  }
.LBB3_24:
0x1ab: {  	s2 =	smov.u32 s5;
	s3 =	smov.u32 s4  }
0x1ac: {  	s4 =	sshra.s32 s0, $0x2;
	p1 =	sne.s32 s0, $0x7C;
	s0 =	sadd.s32 $0x4, s0;
	(v2sf) =	vpush v0, $0x0  }
0x1ad: {  	v0 =	vld.msk [tilespmem:s4+$0xF218], $0x1  }
.Ltmp23:
0x1ae: {  	(pc) =	sbr.rel @p1 .LBB3_24-.Ltmp23, $4  }
0x1af: {  	s5 =	spop (v2sf)  }
0x1b0: {  	p2 =	sne.s32 s3, $0xFFFFFFFF;
	s4 =	smov.u32 s5  }
0x1b1: {  	p3 =	seq.s32 s5, $0xFFFFFFFF;
	s4 =	smov.u32 @p2 s3  }
0x1b2: {  	s5 =	smov.u32 @p3 s2;
	s4 =	smov.u32 @p3 s3  }
0x1b3: {  	(v2sf) =	vpush v0, $0x0;
	_ =	sdelay $0x8  }
0x1b4: {  	s0 =	spop (v2sf)  }
0x1b5: {  	p1 =	sne.s32 s4, $0xFFFFFFFF;
	s2 =	smov.u32 s0  }
0x1b6: {  	s9 =	simm.s32 $0x6;
	p2 =	seq.s32 s0, $0xFFFFFFFF;
	s2 =	smov.u32 @p1 s4  }
0x1b7: {  	s6 =	simm.s32 $0x0;
	s2 =	smov.u32 @p2 s4;
	s3 =	spop (v2sf)  }
0x1b8: {  	s0 =	smov.u32 @p2 s5;
	p1 =	sne.s32 s2, $0xFFFFFFFF;
	s4 =	smov.u32 s3  }
.Ltmp24:
0x1b9: {  	p2 =	seq.s32 s3, $0xFFFFFFFF;
	s4 =	smov.u32 @p1 s2;
	(pc) =	sbr.rel .LBB3_26-.Ltmp24, $4  }
0x1ba: {  	s10 =	simm.s32 $0xF188;
	s4 =	smov.u32 @p2 s2;
	s7 =	spop (v2sf)  }
0x1bb: {  	s11 =	simm.s32 $0x0;
	p1 =	sne.s32 s4, $0xFFFFFFFF;
	s8 =	smov.u32 s7  }
0x1bc: {  	s3 =	smov.u32 @p2 s0;
	p2 =	seq.s32 s7, $0xFFFFFFFF;
	s8 =	smov.u32 @p1 s4  }
0x1bd: {  	[sflag:s9] =	ssyncpa.u1 $0x0;
	s7 =	smov.u32 @p2 s3;
	s8 =	smov.u32 @p2 s4  }
.LBB3_32:
0x1be: {  	p1 =	sgt.u32 s12, $0xFFFF0  }
0x1bf: {  	p2 =	seq.s32 @!p1 s12, s8  }
0x1c0: {  	p1 =	por p1, p2  }
0x1c1: {  	p2 =	sne.s32 @!p1 s12, s7  }
0x1c2: {  	p1 =	por p1, !p2  }
0x1c3: {  	s0 =	sshll.u32 @p1 s11, $0x9  }
0x1c4: {  	s0 =	sand.u32 @!p1 $0xFFFF8, s12  }
0x1c5: {  	s2 =	sand.u32 @!p1 $0x7, s12;
	s0 =	sadd.s32 @!p1 s1, s0  }
0x1c6: {  	[tilespmem:s10], [sflag:$0x6] =	stream.linear.gather @!p1 [hbm4b:s0+s2], $0x80, $0x38;
	[tilespmem:$0x1F6F8] =	vst v63  }
0x1c7: {  	_ =	swait.ge @!p1 [sflag:s9], $0x80  }
0x1c8: {  	[sflag:s9] =	ssyncset.done @!p1 $0x0  }
0x1c9: {  	s0 =	sshll.u32 @!p1 s11, $0x9;
	[sflag:s9] =	ssyncadd.s32 @!p1 $0xFFFFFF80  }
0x1ca: {  	s2 =	sshrl.u32 @!p1 s0, $0x2;
	v1 =	vld @!p1 [tilespmem:$0xF188]  }
0x1cb: {  	v2 =	vld @!p1 [tilespmem:s2+$0xF238];
	_ =	sdelay $0x4  }
0x1cc: {  	v1 =	vmax.f32 @!p1 v1, v2  }
0x1cd: {  	v2 =	vld @!p1 [tilespmem:s2+$0xF248];
	[tilespmem:s2+$0xF238] =	vst @!p1 v1  }
0x1ce: {  	v1 =	vld @!p1 [tilespmem:$0xF198];
	_ =	sdelay $0x4  }
0x1cf: {  	v1 =	vmax.f32 @!p1 v1, v2  }
0x1d0: {  	v2 =	vld @!p1 [tilespmem:s2+$0xF258];
	[tilespmem:s2+$0xF248] =	vst @!p1 v1  }
0x1d1: {  	v1 =	vld @!p1 [tilespmem:$0xF1A8];
	_ =	sdelay $0x4  }
0x1d2: {  	v1 =	vmax.f32 @!p1 v1, v2  }
0x1d3: {  	v2 =	vld @!p1 [tilespmem:s2+$0xF268];
	[tilespmem:s2+$0xF258] =	vst @!p1 v1  }
0x1d4: {  	v1 =	vld @!p1 [tilespmem:$0xF1B8];
	_ =	sdelay $0x4  }
0x1d5: {  	v1 =	vmax.f32 @!p1 v1, v2  }
0x1d6: {  	v2 =	vld @!p1 [tilespmem:s2+$0xF278];
	[tilespmem:s2+$0xF268] =	vst @!p1 v1  }
0x1d7: {  	v1 =	vld @!p1 [tilespmem:$0xF1C8];
	_ =	sdelay $0x4  }
0x1d8: {  	v1 =	vmax.f32 @!p1 v1, v2  }
0x1d9: {  	v2 =	vld @!p1 [tilespmem:s2+$0xF288];
	[tilespmem:s2+$0xF278] =	vst @!p1 v1  }
0x1da: {  	v1 =	vld @!p1 [tilespmem:$0xF1D8];
	_ =	sdelay $0x4  }
0x1db: {  	v1 =	vmax.f32 @!p1 v1, v2  }
0x1dc: {  	v2 =	vld @!p1 [tilespmem:s2+$0xF298];
	[tilespmem:s2+$0xF288] =	vst @!p1 v1  }
0x1dd: {  	v1 =	vld @!p1 [tilespmem:$0xF1E8];
	_ =	sdelay $0x4  }
0x1de: {  	v1 =	vmax.f32 @!p1 v1, v2  }
0x1df: {  	v2 =	vld @!p1 [tilespmem:s2+$0xF2A8];
	[tilespmem:s2+$0xF298] =	vst @!p1 v1  }
0x1e0: {  	v1 =	vld @!p1 [tilespmem:$0xF1F8];
	_ =	sdelay $0x4  }
0x1e1: {  	v1 =	vmax.f32 @!p1 v1, v2  }
0x1e2: {  	[tilespmem:s2+$0xF2A8] =	vst @!p1 v1  }
0x1e3: {  	s0 =	sshrl.u32 s0, $0x2;
	[tilespmem:s6+$0xF218] =	vst.msk $0x1, v0  }
0x1e4: {  	v0 =	vld [tilespmem:s0+$0xF238];
	_ =	sdelay $0x2  }
0x1e5: {  	s31 =	sshll.u32 s6, $0x9  }
0x1e6: {  	s2 =	sshra.s32 s31, $0x2  }
0x1e7: {  	[tilespmem:s2+$0xF238] =	vst v0  }
0x1e8: {  	v0 =	vld [tilespmem:s0+$0xF248];
	_ =	sdelay $0x4  }
0x1e9: {  	[tilespmem:s2+$0xF248] =	vst v0  }
0x1ea: {  	v0 =	vld [tilespmem:s0+$0xF258];
	_ =	sdelay $0x4  }
0x1eb: {  	[tilespmem:s2+$0xF258] =	vst v0  }
0x1ec: {  	v0 =	vld [tilespmem:s0+$0xF268];
	_ =	sdelay $0x4  }
0x1ed: {  	[tilespmem:s2+$0xF268] =	vst v0  }
0x1ee: {  	v0 =	vld [tilespmem:s0+$0xF278];
	_ =	sdelay $0x4  }
0x1ef: {  	[tilespmem:s2+$0xF278] =	vst v0  }
0x1f0: {  	v0 =	vld [tilespmem:s0+$0xF288];
	_ =	sdelay $0x4  }
0x1f1: {  	[tilespmem:s2+$0xF288] =	vst v0  }
0x1f2: {  	v0 =	vld [tilespmem:s0+$0xF298];
	_ =	sdelay $0x4  }
0x1f3: {  	[tilespmem:s2+$0xF298] =	vst v0  }
0x1f4: {  	v0 =	vld [tilespmem:s0+$0xF2A8];
	_ =	sdelay $0x4  }
0x1f5: {  	s6 =	sadd.s32 $0x1, s6;
	[tilespmem:s2+$0xF2A8] =	vst v0  }
.LBB3_33:
0x1f6: {  	s11 =	sadd.s32 $0x1, s11  }
0x1f7: {  	p1 =	sne.s32 s11, $0x20  }
.Ltmp25:
0x1f8: {  	_ = 	snop;
	(pc) =	sbr.rel @!p1 .LBB3_34-.Ltmp25, $1  }
0x1f9: {  	_ =	sdelay $0x3  }
.LBB3_26:
0x1fa: {  	v0 =	vld.msk [tilespmem:s11+$0xF218], $0x1;
	_ =	sdelay $0x4  }
0x1fb: {  	(v2sf) =	vpush v0, $0x0;
	_ =	sdelay $0xe  }
0x1fc: {  	s12 =	spop (v2sf)  }
0x1fd: {  	p1 =	seq.s32 s12, $0xFFFFFFFF  }
.Ltmp26:
0x1fe: {  	_ = 	snop;
	(pc) =	sbr.rel @p1 .LBB3_33-.Ltmp26, $1  }
0x1ff: {  	_ =	sdelay $0x3  }
0x200: {  	p1 =	slt.s32 s6, $0x1  }
.Ltmp27:
0x201: {  	_ = 	snop;
	(pc) =	sbr.rel @p1 .LBB3_32-.Ltmp27, $1  }
0x202: {  	_ =	sdelay $0x3  }
0x203: {  	s13 =	simm.s32 $0xF218;
	p1 =	por $0x0, $0x0  }
0x204: {  	v1 =	vld.msk @!p1 [tilespmem:s13+$0x0], $0x1;
	_ =	sdelay $0x4  }
0x205: {  	(v2sf) =	vpush @!p1 v1, $0x0;
	_ =	sdelay $0xd  }
0x206: {  	p3 =	sne.s32 s6, $0x1  }
.Ltmp28:
0x207: {  	s0 =	spop @!p1 (v2sf);
	(pc) =	sbr.rel @!p3 .LBB3_30-.Ltmp28, $4  }
0x208: {  	p2 =	seq.s32 @!p1 s12, s0  }
0x209: {  	s14 =	simm.s32 $0x0;
	p2 =	por !p2, p1  }
0x20a: {  	s2 =	simm.s32 $0xFFFFFFFF;
	s14 =	simm.s32 @p2 $0xFFFFFFFF  }
0x20b: {  	s0 =	simm.s32 $0x1;
	s14 =	smov.u32 @p1 s2  }
.LBB3_29:
0x20c: {  	s2 =	smov.u32 s14;
	p1 =	sne.s32 s14, $0xFFFFFFFF  }
0x20d: {  	s13 =	sadd.s32 $0x1, s13;
	s14 =	smov.u32 s0;
	s0 =	sadd.s32 $0x1, s0  }
0x20e: {  	p2 =	sne.s32 s6, s0;
	v1 =	vld.msk @!p1 [tilespmem:s13+$0x0], $0x1;
	_ =	sdelay $0x4  }
0x20f: {  	(v2sf) =	vpush @!p1 v1, $0x0;
	_ =	sdelay $0xe  }
.Ltmp29:
0x210: {  	s3 =	spop @!p1 (v2sf);
	(pc) =	sbr.rel @p2 .LBB3_29-.Ltmp29, $4  }
0x211: {  	p3 =	seq.s32 @!p1 s12, s3  }
0x212: {  	p3 =	por !p3, p1  }
0x213: {  	s14 =	simm.s32 @p3 $0xFFFFFFFF  }
0x214: {  	s14 =	smov.u32 @p1 s2  }
.LBB3_30:
0x215: {  	p1 =	seq.s32 s14, $0xFFFFFFFF  }
.Ltmp30:
0x216: {  	_ = 	snop;
	(pc) =	sbr.rel @p1 .LBB3_32-.Ltmp30, $1  }
0x217: {  	_ =	sdelay $0x3  }
0x218: {  	s0 =	sshll.u32 s11, $0x7  }
0x219: {  	s2 =	sshll.u32 s14, $0x9;
	s0 =	sand.u32 $0x3FFFFF80, s0  }
0x21a: {  	s2 =	sshra.s32 s2, $0x2;
	v0 =	vld [tilespmem:s0+$0xF238]  }
0x21b: {  	v1 =	vld [tilespmem:s2+$0xF238];
	_ =	sdelay $0x4  }
0x21c: {  	v0 =	vmax.f32 v0, v1  }
0x21d: {  	v57 =	vld [tilespmem:s2+$0xF248];
	[tilespmem:s2+$0xF238] =	vst v0  }
0x21e: {  	v0 =	vld [tilespmem:s0+$0xF248];
	_ =	sdelay $0x4  }
0x21f: {  	v0 =	vmax.f32 v0, v57  }
0x220: {  	v58 =	vld [tilespmem:s2+$0xF258];
	[tilespmem:s2+$0xF248] =	vst v0  }
0x221: {  	v0 =	vld [tilespmem:s0+$0xF258];
	_ =	sdelay $0x4  }
0x222: {  	v0 =	vmax.f32 v0, v58  }
0x223: {  	v59 =	vld [tilespmem:s2+$0xF268];
	[tilespmem:s2+$0xF258] =	vst v0  }
0x224: {  	v0 =	vld [tilespmem:s0+$0xF268];
	_ =	sdelay $0x4  }
0x225: {  	v0 =	vmax.f32 v0, v59  }
0x226: {  	v60 =	vld [tilespmem:s2+$0xF278];
	[tilespmem:s2+$0xF268] =	vst v0  }
0x227: {  	v0 =	vld [tilespmem:s0+$0xF278];
	_ =	sdelay $0x4  }
0x228: {  	v0 =	vmax.f32 v0, v60  }
0x229: {  	v61 =	vld [tilespmem:s2+$0xF288];
	[tilespmem:s2+$0xF278] =	vst v0  }
0x22a: {  	v0 =	vld [tilespmem:s0+$0xF288];
	_ =	sdelay $0x4  }
0x22b: {  	v0 =	vmax.f32 v0, v61  }
0x22c: {  	v62 =	vld [tilespmem:s2+$0xF298];
	[tilespmem:s2+$0xF288] =	vst v0  }
0x22d: {  	v0 =	vld [tilespmem:s0+$0xF298];
	_ =	sdelay $0x4  }
0x22e: {  	v0 =	vmax.f32 v0, v62  }
0x22f: {  	v63 =	vld [tilespmem:s2+$0xF2A8];
	[tilespmem:s2+$0xF298] =	vst v0  }
0x230: {  	v0 =	vld [tilespmem:s0+$0xF2A8];
	_ =	sdelay $0x1  }
.Ltmp31:
0x231: {  	_ = 	snop;
	(pc) =	sbr.rel .LBB3_33-.Ltmp31, $3  }
0x232: {  	_ =	sdelay $0x1  }
0x233: {  	v0 =	vmax.f32 v0, v63  }
0x234: {  	[tilespmem:s2+$0xF2A8] =	vst v0  }
.LBB3_34:
0x235: {  	s0 =	simm.s32 $0x6;
	p1 =	seq.s32 s6, $0x0  }
0x236: {  	[sflag:s0] =	ssyncpa.u1 $0x1;
	v0 =	vimm.s32 @p1 $0xFFFFFFFF  }
0x237: {  	s9 =	sadd.s32 $0xFFFFFFFF, s6;
	[tilespmem:$0x10238] =	vst @p1 v0  }
0x238: {  	v0 =	vld.msk @!p1 [tilespmem:s9+$0xF218], $0x1;
	_ =	sdelay $0x1  }
0x239: {  	v1 =	vld.msk @!p1 [tilespmem:$0xF218], $0x1;
	_ =	sdelay $0x2  }
0x23a: {  	p2 =	seq.s32 @!p1 s9, $0x0;
	v0 =	vbroadcast @!p1 v0, $0x0  }
0x23b: {  	vm0 =	vmmov @!p1 $0x1;
	p2 =	por !p2, p1  }
0x23c: {  	v1 =	vnsel @!p1 vm0, $0xFFFFFFFF, v1;
	vm0 =	vcmask @!p1 $0x308;
	v0 =	vpsel !p2, $0xFFFFFFFF, v0  }
0x23d: {  	p2 =	sne.s32 @!p1 s8, s7;
	v0 =	vsel @!p1 vm0, v1, v0  }
0x23e: {  	s0 =	simm.s32 @!p1 $0xF238;
	s2 =	simm.s32 @!p1 $0x0;
	p3 =	por !p2, p1;
	[tilespmem:$0x10238] =	vst @!p1 v0  }
0x23f: {  	[spmem:s2] =	stream.linear.scatter @!p1 [tilespmem:s0], [sflag:$0x1], $0x80, $0x38;
	[tilespmem:$0x1F6F8] =	vst v63  }
0x240: {  	s0 =	sshll.u32 @!p3 s9, $0x9  }
0x241: {  	s0 =	sshra.s32 @!p3 s0, $0x2  }
0x242: {  	s2 =	simm.s32 @!p3 $0x80;
	s0 =	sadd.s32 @!p3 $0xF238, s0  }
0x243: {  	[spmem:s2] =	stream.linear.scatter @!p3 [tilespmem:s0], [sflag:$0x1], $0x80, $0x38;
	[tilespmem:$0x1F6F8] =	vst v63  }
0x244: {  	s0 =	simm.s32 @!p3 $0x1  }
0x245: {  	_ =	swait.ge @!p3 [sflag:s0], $0x100  }
0x246: {  	p1 =	por p2, p1;
	[sflag:s0] =	ssyncset.done @!p3 $0x0  }
0x247: {  	[sflag:s0] =	ssyncadd.s32 @!p3 $0xFFFFFF00;
	s0 =	simm.s32 @!p1 $0x1  }
0x248: {  	_ =	swait.ge @!p1 [sflag:s0], $0x80  }
0x249: {  	s29 =	simm.s32 $0x10238;
	[sflag:s0] =	ssyncset.done @!p1 $0x0  }
0x24a: {  	s30 =	simm.s32 $0x1000;
	s31 =	simm.s32 $0x1;
	[sflag:s0] =	ssyncadd.s32 @!p1 $0xFFFFFF80  }
0x24b: {  	[spmem:s30] =	stream.linear.scatter [tilespmem:s29], [sflag:$0x1], $0x10, $0x38;
	[tilespmem:$0x1F6F8] =	vst v63  }
0x24c: {  	_ =	swait.ge [sflag:s31], $0x10  }
0x24d: {  	[sflag:s31] =	ssyncset.done $0x0  }
0x24e: {  	p1 =	seq.s32 s15, $0x0;
	s8 =	rddreg [dreg:$0x2];
	[sflag:s31] =	ssyncadd.s32 $0xFFFFFFF0  }
0x24f: {  	s2 =	sshll.u32 @p1 s8, $0xE;
	s7 =	rddreg [dreg:$0x3]  }
0x250: {  	s0 =	sadd.s32 @p1 $0x15C3C, s2;
	s2 =	sshll.u32 @p1 s7, $0x11  }
0x251: {  	_ =	sfence.stream.spmem;
	s0 =	sor.u32 @p1 s2, s0  }
0x252: {  	[sflag:s0] =	ssyncadd.remote.s32 @p1 $0x1;
	s0 =	simm.s32 @p1 $0x4  }
0x253: {  	s3 =	simm.s32 @!p1 $0x3C;
	s2 =	sand.u32 $0xFFFFFFFE, s8;
	_ =	swait.ge @p1 [sflag:s0], $0x22  }
0x254: {  	s4 =	simm.s32 @!p1 $0x0;
	s2 =	sadd.s32 @!p1 $0x4, s2;
	[sflag:s0] =	ssyncset.done @p1 $0x0  }
0x255: {  	s5 =	simm.s32 @!p1 $0x100;
	[sflag:s0] =	ssyncadd.s32 @p1 $0xFFFFFFDE;
	s0 =	sshll.u32 @!p1 s2, $0x1A  }
0x256: {  	s2 =	sshll.u32 @!p1 s2, $0xD;
	s0 =	sor.u32 @!p1 s0, s7;
	_ =	swait.eq @!p1 [sflag:s3], $0x1  }
0x257: {  	s2 =	sor.u32 @!p1 $0x1C04, s2;
	s3 =	simm.s32 @!p1 $0x1C03;
	s0 =	sor.u32 @!p1 $0x80004000, s0  }
0x258: {  	[spmem:s5], [sflag:s2] =	dma.general @!p1 [spmem:s4], [sflag:s3], length:$0x20, [dreg:$0x0], stride_count:$0x0, ici_dest:s0, dma_misc:DstOpCode:WRITE  }
0x259: {  	p2 =	slt.s32 s9, $0x2;
	s4 =	simm.s32 @!p1 $0x200;
	s5 =	simm.s32 @!p1 $0x202  }
0x25a: {  	[spmem:s5], [sflag:s2] =	dma.general @!p1 [spmem:s4], [sflag:s3], length:$0x2, [dreg:$0x0], stride_count:$0x0, ici_dest:s0, dma_misc:DstOpCode:WRITE  }
.Ltmp32:
0x25b: {  	s0 =	simm.s32 @!p1 $0x3;
	(pc) =	sbr.rel @p2 .LBB3_38-.Ltmp32, $4  }
0x25c: {  	s2 =	sshll.u32 @!p1 s8, $0xE;
	_ =	swait.ge @!p1 [sflag:s0], $0x22  }
0x25d: {  	s3 =	sshll.u32 @!p1 s7, $0x11;
	s2 =	sadd.s32 @!p1 $0x11C3C, s2;
	[sflag:s0] =	ssyncset.done @!p1 $0x0  }
0x25e: {  	[sflag:s0] =	ssyncadd.s32 @!p1 $0xFFFFFFDE;
	s0 =	sor.u32 @!p1 s3, s2  }
0x25f: {  	[sflag:s0] =	ssyncadd.remote.s32 @!p1 $0xFFFFFFFF;
	s0 =	simm.s32 $0x0  }
0x260: {  	s0 =	simm.s32 $0xF219  }
0x261: {  	v0 =	vld.msk [tilespmem:s0+$0x0], $0x1;
	_ =	sdelay $0x4  }
0x262: {  	(v2sf) =	vpush v0, $0x0;
	_ =	sdelay $0xb  }
0x263: {  	s31 =	sadd.s32 $0xFFFFFFFE, s6  }
0x264: {  	s0 =	sadd.s32 $0xFFFFFFFF, s31  }
0x265: {  	p2 =	sne.s32 s0, $0x0  }
.Ltmp33:
0x266: {  	s2 =	spop (v2sf);
	(pc) =	sbr.rel @!p2 .LBB3_37-.Ltmp33, $4  }
0x267: {  	s4 =	simm.s32 $0xF2B8;
	s7 =	simm.s32 $0x0;
	p1 =	sgt.u32 s2, $0xFFFF0  }
0x268: {  	s5 =	simm.s32 $0x0;
	s6 =	simm.s32 $0xF21A;
	s3 =	sand.u32 @!p1 $0xFFFF8, s2  }
0x269: {  	s2 =	sand.u32 @!p1 $0x7, s2;
	s7 =	simm.s32 @!p1 $0x200;
	s3 =	sadd.s32 @!p1 s1, s3  }
0x26a: {  	[hbm4b:s3+s2] =	stream.linear.scatter @!p1 [tilespmem:s4], [sflag:$0x5], $0x80, $0x38;
	[tilespmem:$0x1F6F8] =	vst v63  }
.LBB3_36:
0x26b: {  	v0 =	vld.msk [tilespmem:s6+$0x0], $0x1;
	s0 =	sadd.s32 $0xFFFFFFFF, s0;
	s5 =	sadd.s32 s5, s7  }
0x26c: {  	p1 =	sne.s32 s0, $0x0;
	_ =	sdelay $0x3  }
0x26d: {  	(v2sf) =	vpush v0, $0x0;
	_ =	sdelay $0xe  }
.Ltmp34:
0x26e: {  	s2 =	spop (v2sf);
	(pc) =	sbr.rel @p1 .LBB3_36-.Ltmp34, $4  }
0x26f: {  	s7 =	simm.s32 $0x0;
	p2 =	sgt.u32 s2, $0xFFFF0  }
0x270: {  	s4 =	sadd.s32 $0x80, s4;
	s7 =	simm.s32 @!p2 $0x200;
	s3 =	sand.u32 @!p2 $0xFFFF8, s2  }
0x271: {  	s6 =	sadd.s32 $0x1, s6;
	s2 =	sand.u32 @!p2 $0x7, s2;
	s3 =	sadd.s32 @!p2 s1, s3  }
0x272: {  	[hbm4b:s3+s2] =	stream.linear.scatter @!p2 [tilespmem:s4], [sflag:$0x5], $0x80, $0x38;
	[tilespmem:$0x1F6F8] =	vst v63  }
.LBB3_37:
0x273: {  	s0 =	sadd.s32 s5, s7  }
0x274: {  	s0 =	sshrl.u32 s0, $0x2  }
.LBB3_38:
0x275: {  	s2 =	simm.s32 $0x5  }
0x276: {  	_ =	swait.ge [sflag:s2], s0  }
0x277: {  	s31 =	ssub.s32 $0x0, s0;
	[sflag:s2] =	ssyncset.done $0x0  }
0x278: {  	[sflag:s2] =	ssyncadd.s32 s31  }
0x279: {  	[sflag:s2] =	ssyncpa.u1 $0x1  }
.LBB3_39:
0x27a: {  	s0 =	sor.u32 s15, s16  }
0x27b: {  	p1 =	sne.s32 s0, $0x0  }
.Ltmp35:
0x27c: {  	_ = 	snop;
	(pc) =	sbr.rel @p1 .LBB3_54-.Ltmp35, $3  }
0x27d: {  	_ =	sdelay $0x1  }
0x27e: {  	[bflag:$0x0] =	sbarrier.arrive $0xFFFF  }
0x27f: {  	_ =	sfence  }
0x280: {  	s0 =	simm.s32 $0x7  }
0x281: {  	s2 =	simm.s32 $0x1000;
	s3 =	simm.s32 $0xF218;
	[sflag:s0] =	ssyncpa.u1 $0x0  }
0x282: {  	[tilespmem:s3], [sflag:$0x7] =	stream.linear.gather [spmem:s2], $0x20, $0x38;
	[tilespmem:$0x1F6F8] =	vst v63  }
0x283: {  	s30 =	simm.s32 $0xF238;
	s2 =	simm.s32 $0x0  }
0x284: {  	[tilespmem:s30], [sflag:$0x7] =	stream.linear.gather [spmem:s2], $0x1000, $0x38;
	[tilespmem:$0x1F6F8] =	vst v63  }
.Ltmp36:
0x285: {  	_ = 	snop;
	(pc) =	sbr.rel .LBB3_41-.Ltmp36, $4  }
0x286: {  	_ =	swait.ge [sflag:s0], $0x1020  }
0x287: {  	[sflag:s0] =	ssyncset.done $0x0  }
0x288: {  	s31 =	simm.s32 $0x8;
	[sflag:s0] =	ssyncadd.s32 $0xFFFFEFE0  }
0x289: {  	s3 =	simm.s32 $0x0;
	[sflag:s31] =	ssyncpa.u1 $0x0  }
.LBB3_47:
0x28a: {  	p1 =	slt.u32 s4, $0xFFFF1  }
0x28b: {  	s0 =	sand.u32 @p1 $0xFFFF8, s4  }
0x28c: {  	s4 =	sand.u32 @p1 $0x7, s4;
	s5 =	simm.s32 @p1 $0xF188;
	s0 =	sadd.s32 @p1 s1, s0  }
0x28d: {  	[tilespmem:s5], [sflag:$0x8] =	stream.linear.gather @p1 [hbm4b:s0+s4], $0x80, $0x38;
	[tilespmem:$0x1F6F8] =	vst v63  }
0x28e: {  	s0 =	simm.s32 @p1 $0x8  }
0x28f: {  	_ =	swait.ge @p1 [sflag:s0], $0x80  }
0x290: {  	[sflag:s0] =	ssyncset.done @p1 $0x0  }
0x291: {  	[sflag:s0] =	ssyncadd.s32 @p1 $0xFFFFFF80;
	s0 =	sshll.u32 @p1 s3, $0x9  }
0x292: {  	s4 =	sshrl.u32 @p1 s0, $0x2;
	v1 =	vld @p1 [tilespmem:$0xF188]  }
0x293: {  	v2 =	vld @p1 [tilespmem:s4+$0xF238];
	_ =	sdelay $0x4  }
0x294: {  	v1 =	vmax.f32 @p1 v1, v2  }
0x295: {  	v2 =	vld @p1 [tilespmem:s4+$0xF248];
	[tilespmem:s4+$0xF238] =	vst @p1 v1  }
0x296: {  	v1 =	vld @p1 [tilespmem:$0xF198];
	_ =	sdelay $0x4  }
0x297: {  	v1 =	vmax.f32 @p1 v1, v2  }
0x298: {  	v2 =	vld @p1 [tilespmem:s4+$0xF258];
	[tilespmem:s4+$0xF248] =	vst @p1 v1  }
0x299: {  	v1 =	vld @p1 [tilespmem:$0xF1A8];
	_ =	sdelay $0x4  }
0x29a: {  	v1 =	vmax.f32 @p1 v1, v2  }
0x29b: {  	v2 =	vld @p1 [tilespmem:s4+$0xF268];
	[tilespmem:s4+$0xF258] =	vst @p1 v1  }
0x29c: {  	v1 =	vld @p1 [tilespmem:$0xF1B8];
	_ =	sdelay $0x4  }
0x29d: {  	v1 =	vmax.f32 @p1 v1, v2  }
0x29e: {  	v2 =	vld @p1 [tilespmem:s4+$0xF278];
	[tilespmem:s4+$0xF268] =	vst @p1 v1  }
0x29f: {  	v1 =	vld @p1 [tilespmem:$0xF1C8];
	_ =	sdelay $0x4  }
0x2a0: {  	v1 =	vmax.f32 @p1 v1, v2  }
0x2a1: {  	v2 =	vld @p1 [tilespmem:s4+$0xF288];
	[tilespmem:s4+$0xF278] =	vst @p1 v1  }
0x2a2: {  	v1 =	vld @p1 [tilespmem:$0xF1D8];
	_ =	sdelay $0x4  }
0x2a3: {  	v1 =	vmax.f32 @p1 v1, v2  }
0x2a4: {  	v2 =	vld @p1 [tilespmem:s4+$0xF298];
	[tilespmem:s4+$0xF288] =	vst @p1 v1  }
0x2a5: {  	v1 =	vld @p1 [tilespmem:$0xF1E8];
	_ =	sdelay $0x4  }
0x2a6: {  	v1 =	vmax.f32 @p1 v1, v2  }
0x2a7: {  	v2 =	vld @p1 [tilespmem:s4+$0xF2A8];
	[tilespmem:s4+$0xF298] =	vst @p1 v1  }
0x2a8: {  	v1 =	vld @p1 [tilespmem:$0xF1F8];
	_ =	sdelay $0x4  }
0x2a9: {  	s5 =	sshll.u32 @!p1 s3, $0x9;
	v1 =	vmax.f32 @p1 v1, v2  }
0x2aa: {  	s5 =	smov.u32 @p1 s0;
	[tilespmem:s4+$0xF2A8] =	vst @p1 v1  }
0x2ab: {  	s0 =	sshrl.u32 s5, $0x2;
	[tilespmem:s2+$0xF218] =	vst.msk $0x1, v0  }
0x2ac: {  	v0 =	vld [tilespmem:s0+$0xF238];
	_ =	sdelay $0x2  }
0x2ad: {  	s31 =	sshll.u32 s2, $0x9  }
0x2ae: {  	s4 =	sshra.s32 s31, $0x2  }
0x2af: {  	[tilespmem:s4+$0xF238] =	vst v0  }
0x2b0: {  	v0 =	vld [tilespmem:s0+$0xF248];
	_ =	sdelay $0x4  }
0x2b1: {  	[tilespmem:s4+$0xF248] =	vst v0  }
0x2b2: {  	v0 =	vld [tilespmem:s0+$0xF258];
	_ =	sdelay $0x4  }
0x2b3: {  	[tilespmem:s4+$0xF258] =	vst v0  }
0x2b4: {  	v0 =	vld [tilespmem:s0+$0xF268];
	_ =	sdelay $0x4  }
0x2b5: {  	[tilespmem:s4+$0xF268] =	vst v0  }
0x2b6: {  	v0 =	vld [tilespmem:s0+$0xF278];
	_ =	sdelay $0x4  }
0x2b7: {  	[tilespmem:s4+$0xF278] =	vst v0  }
0x2b8: {  	v0 =	vld [tilespmem:s0+$0xF288];
	_ =	sdelay $0x4  }
0x2b9: {  	[tilespmem:s4+$0xF288] =	vst v0  }
0x2ba: {  	v0 =	vld [tilespmem:s0+$0xF298];
	_ =	sdelay $0x4  }
0x2bb: {  	[tilespmem:s4+$0xF298] =	vst v0  }
0x2bc: {  	v0 =	vld [tilespmem:s0+$0xF2A8];
	_ =	sdelay $0x4  }
0x2bd: {  	s2 =	sadd.s32 $0x1, s2;
	[tilespmem:s4+$0xF2A8] =	vst v0  }
.LBB3_48:
0x2be: {  	s3 =	sadd.s32 $0x1, s3  }
0x2bf: {  	p1 =	sne.s32 s3, $0x20  }
.Ltmp37:
0x2c0: {  	_ = 	snop;
	(pc) =	sbr.rel @!p1 .LBB3_49-.Ltmp37, $1  }
0x2c1: {  	_ =	sdelay $0x3  }
.LBB3_41:
0x2c2: {  	v0 =	vld.msk [tilespmem:s3+$0xF218], $0x1;
	_ =	sdelay $0x4  }
0x2c3: {  	(v2sf) =	vpush v0, $0x0;
	_ =	sdelay $0xe  }
0x2c4: {  	s4 =	spop (v2sf)  }
0x2c5: {  	p1 =	seq.s32 s4, $0xFFFFFFFF  }
.Ltmp38:
0x2c6: {  	_ = 	snop;
	(pc) =	sbr.rel @p1 .LBB3_48-.Ltmp38, $1  }
0x2c7: {  	_ =	sdelay $0x3  }
0x2c8: {  	p1 =	slt.s32 s2, $0x1  }
.Ltmp39:
0x2c9: {  	_ = 	snop;
	(pc) =	sbr.rel @p1 .LBB3_47-.Ltmp39, $1  }
0x2ca: {  	_ =	sdelay $0x3  }
0x2cb: {  	s5 =	simm.s32 $0xF218;
	p1 =	por $0x0, $0x0  }
0x2cc: {  	v1 =	vld.msk @!p1 [tilespmem:s5+$0x0], $0x1;
	_ =	sdelay $0x4  }
0x2cd: {  	(v2sf) =	vpush @!p1 v1, $0x0;
	_ =	sdelay $0xd  }
0x2ce: {  	p3 =	sne.s32 s2, $0x1  }
.Ltmp40:
0x2cf: {  	s0 =	spop @!p1 (v2sf);
	(pc) =	sbr.rel @!p3 .LBB3_45-.Ltmp40, $4  }
0x2d0: {  	p2 =	seq.s32 @!p1 s4, s0  }
0x2d1: {  	s6 =	simm.s32 $0x0;
	p2 =	por !p2, p1  }
0x2d2: {  	s7 =	simm.s32 $0xFFFFFFFF;
	s6 =	simm.s32 @p2 $0xFFFFFFFF  }
0x2d3: {  	s0 =	simm.s32 $0x1;
	s6 =	smov.u32 @p1 s7  }
.LBB3_44:
0x2d4: {  	s7 =	smov.u32 s6;
	p1 =	sne.s32 s6, $0xFFFFFFFF  }
0x2d5: {  	s5 =	sadd.s32 $0x1, s5;
	s6 =	smov.u32 s0;
	s0 =	sadd.s32 $0x1, s0  }
0x2d6: {  	p2 =	sne.s32 s2, s0;
	v1 =	vld.msk @!p1 [tilespmem:s5+$0x0], $0x1;
	_ =	sdelay $0x4  }
0x2d7: {  	(v2sf) =	vpush @!p1 v1, $0x0;
	_ =	sdelay $0xe  }
.Ltmp41:
0x2d8: {  	s8 =	spop @!p1 (v2sf);
	(pc) =	sbr.rel @p2 .LBB3_44-.Ltmp41, $4  }
0x2d9: {  	p3 =	seq.s32 @!p1 s4, s8  }
0x2da: {  	p3 =	por !p3, p1  }
0x2db: {  	s6 =	simm.s32 @p3 $0xFFFFFFFF  }
0x2dc: {  	s6 =	smov.u32 @p1 s7  }
.LBB3_45:
0x2dd: {  	p1 =	seq.s32 s6, $0xFFFFFFFF  }
.Ltmp42:
0x2de: {  	_ = 	snop;
	(pc) =	sbr.rel @p1 .LBB3_47-.Ltmp42, $1  }
0x2df: {  	_ =	sdelay $0x3  }
0x2e0: {  	s0 =	sshll.u32 s3, $0x7  }
0x2e1: {  	s4 =	sshll.u32 s6, $0x9;
	s0 =	sand.u32 $0x3FFFFF80, s0  }
0x2e2: {  	s4 =	sshra.s32 s4, $0x2;
	v0 =	vld [tilespmem:s0+$0xF238]  }
0x2e3: {  	v1 =	vld [tilespmem:s4+$0xF238];
	_ =	sdelay $0x4  }
0x2e4: {  	v0 =	vmax.f32 v0, v1  }
0x2e5: {  	v57 =	vld [tilespmem:s4+$0xF248];
	[tilespmem:s4+$0xF238] =	vst v0  }
0x2e6: {  	v0 =	vld [tilespmem:s0+$0xF248];
	_ =	sdelay $0x4  }
0x2e7: {  	v0 =	vmax.f32 v0, v57  }
0x2e8: {  	v58 =	vld [tilespmem:s4+$0xF258];
	[tilespmem:s4+$0xF248] =	vst v0  }
0x2e9: {  	v0 =	vld [tilespmem:s0+$0xF258];
	_ =	sdelay $0x4  }
0x2ea: {  	v0 =	vmax.f32 v0, v58  }
0x2eb: {  	v59 =	vld [tilespmem:s4+$0xF268];
	[tilespmem:s4+$0xF258] =	vst v0  }
0x2ec: {  	v0 =	vld [tilespmem:s0+$0xF268];
	_ =	sdelay $0x4  }
0x2ed: {  	v0 =	vmax.f32 v0, v59  }
0x2ee: {  	v60 =	vld [tilespmem:s4+$0xF278];
	[tilespmem:s4+$0xF268] =	vst v0  }
0x2ef: {  	v0 =	vld [tilespmem:s0+$0xF278];
	_ =	sdelay $0x4  }
0x2f0: {  	v0 =	vmax.f32 v0, v60  }
0x2f1: {  	v61 =	vld [tilespmem:s4+$0xF288];
	[tilespmem:s4+$0xF278] =	vst v0  }
0x2f2: {  	v0 =	vld [tilespmem:s0+$0xF288];
	_ =	sdelay $0x4  }
0x2f3: {  	v0 =	vmax.f32 v0, v61  }
0x2f4: {  	v62 =	vld [tilespmem:s4+$0xF298];
	[tilespmem:s4+$0xF288] =	vst v0  }
0x2f5: {  	v0 =	vld [tilespmem:s0+$0xF298];
	_ =	sdelay $0x4  }
0x2f6: {  	v0 =	vmax.f32 v0, v62  }
0x2f7: {  	v63 =	vld [tilespmem:s4+$0xF2A8];
	[tilespmem:s4+$0xF298] =	vst v0  }
0x2f8: {  	v0 =	vld [tilespmem:s0+$0xF2A8];
	_ =	sdelay $0x1  }
.Ltmp43:
0x2f9: {  	_ = 	snop;
	(pc) =	sbr.rel .LBB3_48-.Ltmp43, $3  }
0x2fa: {  	_ =	sdelay $0x1  }
0x2fb: {  	v0 =	vmax.f32 v0, v63  }
0x2fc: {  	[tilespmem:s4+$0xF2A8] =	vst v0  }
.LBB3_49:
0x2fd: {  	p1 =	slt.s32 s2, $0x1  }
.Ltmp44:
0x2fe: {  	_ = 	snop;
	(pc) =	sbr.rel @p1 .LBB3_53-.Ltmp44, $3  }
0x2ff: {  	_ =	sdelay $0x1  }
0x300: {  	s0 =	simm.s32 $0x8  }
0x301: {  	s3 =	simm.s32 $0x0;
	[sflag:s0] =	ssyncpa.u1 $0x1  }
0x302: {  	s0 =	simm.s32 $0xF218  }
0x303: {  	v0 =	vld.msk [tilespmem:s0+$0x0], $0x1;
	_ =	sdelay $0x4  }
0x304: {  	(v2sf) =	vpush v0, $0x0;
	_ =	sdelay $0xe  }
0x305: {  	s0 =	sadd.s32 $0xFFFFFFFF, s2;
	s5 =	spop (v2sf)  }
0x306: {  	p2 =	sne.s32 s0, $0x0;
	p1 =	sgt.u32 s5, $0xFFFF0  }
.Ltmp45:
0x307: {  	s6 =	sand.u32 @!p1 $0xFFFF8, s5;
	(pc) =	sbr.rel @!p2 .LBB3_52-.Ltmp45, $4  }
0x308: {  	s4 =	simm.s32 $0xF238;
	s5 =	sand.u32 @!p1 $0x7, s5;
	s2 =	sadd.s32 @!p1 s1, s6  }
0x309: {  	[hbm4b:s2+s5] =	stream.linear.scatter @!p1 [tilespmem:s4], [sflag:$0x7], $0x80, $0x38;
	[tilespmem:$0x1F6F8] =	vst v63  }
0x30a: {  	s5 =	simm.s32 $0x0  }
0x30b: {  	s2 =	simm.s32 $0xF219;
	s5 =	simm.s32 @!p1 $0x200  }
.LBB3_51:
0x30c: {  	v0 =	vld.msk [tilespmem:s2+$0x0], $0x1;
	s0 =	sadd.s32 $0xFFFFFFFF, s0;
	s3 =	sadd.s32 s3, s5  }
0x30d: {  	p1 =	sne.s32 s0, $0x0;
	_ =	sdelay $0x3  }
0x30e: {  	(v2sf) =	vpush v0, $0x0;
	_ =	sdelay $0xe  }
.Ltmp46:
0x30f: {  	s6 =	spop (v2sf);
	(pc) =	sbr.rel @p1 .LBB3_51-.Ltmp46, $4  }
0x310: {  	s5 =	simm.s32 $0x0;
	p2 =	sgt.u32 s6, $0xFFFF0  }
0x311: {  	s4 =	sadd.s32 $0x80, s4;
	s5 =	simm.s32 @!p2 $0x200;
	s7 =	sand.u32 @!p2 $0xFFFF8, s6  }
0x312: {  	s2 =	sadd.s32 $0x1, s2;
	s6 =	sand.u32 @!p2 $0x7, s6;
	s7 =	sadd.s32 @!p2 s1, s7  }
0x313: {  	[hbm4b:s7+s6] =	stream.linear.scatter @!p2 [tilespmem:s4], [sflag:$0x7], $0x80, $0x38;
	[tilespmem:$0x1F6F8] =	vst v63  }
.LBB3_52:
0x314: {  	s0 =	sadd.s32 s3, s5  }
0x315: {  	s3 =	sshrl.u32 s0, $0x2  }
.LBB3_53:
0x316: {  	s0 =	simm.s32 $0x7  }
0x317: {  	_ =	swait.ge [sflag:s0], s3  }
0x318: {  	s1 =	ssub.s32 $0x0, s3;
	[sflag:s0] =	ssyncset.done $0x0  }
0x319: {  	[sflag:s0] =	ssyncadd.s32 s1  }
0x31a: {  	[sflag:s0] =	ssyncpa.u1 $0x1  }
.LBB3_54:
0x31b: {  	_ =	sfence;
	s0 =	simm.s32 $0x1  }
0x31c: {  	[sflag:s0] =	ssyncpa.u1 $0x1  }
0x31d: {  	_ =	strace $0x9000005C  }
0x31e: {  	[bflag:$0x2] =	sbarrier.arrive $0xFFFF  }
0x31f: {  	s0 =	rddreg [dreg:$0x4]  }
0x320: {  	s0 =	sadd.s32 @!p0 $0x100000, s0  }
0x321: {  	[sflag:s0] =	ssyncadd.tile.s32 @!p0 $0x1;
	_ =	shalt  }
.Lfunc_end3:
_tile_overlayer_lowered:
.L_overlay_start_3:
0x322: {  	(tag) =	ssettag $0x3  }
0x323: {  	s0 =	rddreg [dreg:$0x0];
	s2 =	stileid.u32  }
0x324: {  	s1 =	rddreg [dreg:$0x1];
	p0 =	sne.s32 s2, $0x0  }
0x325: {  	s3 =	rddreg [dreg:$0x2];
	[bflag:$0x3] =	sbarrier.arrive $0xFFFF;
	s2 =	simm.s32 @!p0 $0x1C01  }
0x326: {  	[timem:s3], [sflag:s2] =	dma.local @!p0 [hbm:s0], s1  }
0x327: {  	s0 =	simm.s32 @!p0 $0x1  }
0x328: {  	_ =	swait.ge @!p0 [sflag:s0], s1  }
0x329: {  	s1 =	ssub.s32 @!p0 $0x0, s1;
	[sflag:s0] =	ssyncset.done @!p0 $0x0  }
0x32a: {  	[sflag:s0] =	ssyncadd.s32 @!p0 s1  }
0x32b: {  	[bflag:$0x3] =	sbarrier.arrive $0xFFFF  }
0x32c: {  	_ =	shalt  }

// kernel: sparse-core-data-format-call.1.cloned.1.call-start
scs
called_computation.5_lowered:
.L_overlay_start_0:
0x0: {  	s2 =	sld [smem:$0x3FD9]  }
0x1: {  	s3 =	sld [smem:$0x3FFE];
	_ =	sdelay $0x1  }
0x2: {  	s1 =	srdreg.scid  }
0x3: {  	s0 =	sand.u32 $0x1, s1  }
0x4: {  	s18 =	sshll.u32 s0, $0xA;
	s2 =	sadd.s32 s3, s2  }
0x5: {  	s2 =	sadd.s32 s2, s18  }
0x6: {  	[smem:$0x3FB5] =	sst s2  }
0x7: {  	_ = 	snop  }
0x8: {  	(tm) =	ssettm $0x1  }
0x9: {  	s19 =	sld [smem:$0x3FFB];
	_ =	sdelay $0x3  }
0xa: {  	_ =	strace s19  }
0xb: {  	s2 =	sld [smem:$0x3FFC];
	_ =	sdelay $0x3  }
0xc: {  	_ =	strace s2  }
0xd: {  	s2 =	sld [smem:$0x3FFD];
	_ =	sdelay $0x3  }
0xe: {  	_ =	strace s2  }
0xf: {  	_ =	strace $0x8FFFFFFF  }
0x10: {  	s20 =	sld [smem:$0x3FDB];
	_ =	sdelay $0x1  }
0x11: {  	s21 =	simm.s32 $_scs_section_size  }
0x12: {  	s4 =	simm.s32 $_size__tile_overlayer_lowered;
	s5 =	simm.s32 $_tile_overlayer_lowered  }
0x13: {  	s6 =	simm.s32 $0x1BFF;
	s22 =	sshll.u32 s5, $0x1;
	s3 =	sadd.s32 s21, s20  }
0x14: {  	s23 =	simm.s32 $0x0;
	s4 =	sshll.u32 s4, $0x1;
	s5 =	sadd.s32 s22, s3  }
0x15: {  	[timem:s23], [sflag:s6] =	dma.local [hbm:s5], s4  }
0x16: {  	_ =	swait.ge [sflag:s6], s4  }
0x17: {  	s4 =	ssub.s32 $0x0, s4;
	[sflag:s6] =	ssyncset.done $0x0  }
0x18: {  	[sflag:s6] =	ssyncadd.s32 s4;
	_ =	sdelay $0x1  }
0x19: {  	s24 =	simm.s32 $0x1B8B  }
0x1a: {  	_ =	swait.ge [sflag:s24], $0x1  }
0x1b: {  	[sflag:s24] =	ssyncset.done $0x0  }
0x1c: {  	[sflag:s24] =	ssyncadd.s32 $0xFFFFFFFF  }
0x1d: {  	s4 =	sld [smem:$0x0]  }
0x1e: {  	s5 =	sand.u32 $0xFFFFFFFE, s1  }
0x1f: {  	p0 =	sne.s32 s1, s5  }
0x20: {  	s5 =	sshll.u32 @p0 s5, $0xE  }
0x21: {  	s5 =	sadd.s32 @p0 $0x11B8D, s5;
	s6 =	sshll.u32 @p0 s4, $0x11  }
0x22: {  	s5 =	sor.u32 @p0 s6, s5  }
0x23: {  	[sflag:s5] =	ssyncadd.remote.s32 @p0 $0x1;
	_ =	sdelay $0x1  }
0x24: {  	s5 =	simm.s32 @p0 $0x1B8D  }
0x25: {  	_ =	swait.eq @p0 [sflag:s5], $0x1  }
0x26: {  	[sflag:s5] =	ssyncadd.s32 @p0 $0xFFFFFFFF  }
0x27: {  	s6 =	sshll.u32 @!p0 s1, $0xE  }
0x28: {  	s6 =	sor.u32 @!p0 $0x4000, s6;
	s5 =	simm.s32 @!p0 $0x1B8D  }
0x29: {  	s4 =	sshll.u32 @!p0 s4, $0x11;
	s6 =	sadd.s32 @!p0 $0x11B8D, s6;
	_ =	swait.eq @!p0 [sflag:s5], $0x1  }
0x2a: {  	s4 =	sor.u32 @!p0 s4, s6;
	[sflag:s5] =	ssyncadd.s32 @!p0 $0xFFFFFFFF  }
0x2b: {  	s26 =	simm.s32 $0x1B8E;
	s25 =	sld [smem:$0x3FFE];
	[sflag:s4] =	ssyncadd.remote.s32 @!p0 $0x1  }
0x2c: {  	s27 =	simm.s32 $execute0_lowered;
	[smem:$0x3FD2] =	sst s26  }
0x2d: {  	s5 =	sshll.u32 s27, $0x1;
	_ =	strace $0x80000064;
	[dreg:$0x1] =	wrdreg $0xFFFFFFFF  }
0x2e: {  	s28 =	simm.s32 $_size_execute0_lowered;
	s3 =	sadd.s32 s3, s5;
	[dreg:$0x0] =	wrdreg $0x0  }
0x2f: {  	s5 =	sshll.u32 s28, $0x1;
	[dreg:$0x2] =	wrdreg s3  }
0x30: {  	[dreg:$0x3] =	wrdreg s5  }
0x31: {  	[dreg:$0x4] =	wrdreg $0xC0  }
0x32: {  	_ =	task [dreg:s23], $0x5FFFF  }
0x33: {  	[dreg:$0x1] =	wrdreg $0xFFFFFFFF  }
0x34: {  	[dreg:$0x0] =	wrdreg $0x60  }
0x35: {  	[dreg:$0x2] =	wrdreg s25  }
0x36: {  	[dreg:$0x3] =	wrdreg $0xB  }
0x37: {  	_ =	task.clear_ibuf [dreg:s23], $0x4FFFF;
	_ =	strace $0x90000064  }
0x38: {  	s29 =	simm.s32 $0xB;
	_ =	strace $0x80000066  }
0x39: {  	_ =	swait.ge [sflag:s29], $0x1  }
0x3a: {  	[sflag:s29] =	ssyncadd.s32 $0xFFFFFFFF  }
0x3b: {  	_ =	strace $0x90000066  }
0x3c: {  	_ =	sfence  }
0x3d: {  	s30 =	sld [smem:$0x0];
	_ =	sdelay $0x2  }
0x3e: {  	s31 =	sshll.u32 s1, $0xD;
	s1 =	sshrl.u32 s1, $0x2  }
0x3f: {  	s4 =	sand.u32 $0x4000, s31;
	s1 =	sadd.s32 s1, s30  }
0x40: {  	s0 =	sor.u32 s4, s0;
	s1 =	sshll.u32 s1, $0x11  }
0x41: {  	s0 =	sor.u32 s1, s0  }
0x42: {  	s0 =	sadd.s32 $0x8F2B, s0  }
0x43: {  	[sflag:s0] =	ssyncadd.remote.s32 $0x1  }
0x44: {  	_ =	sfence.sel $0xFFFF  }
0x45: {  	[dreg:$0x0] =	wrdreg $0xFFFFFFFF;
	(pc) =	sbr.abs _section_cstart, $3  }
0x46: {  	[dreg:$0x1] =	wrdreg $0xFFFFFFFF  }
0x47: {  	_ =	task.clear_ibuf [dreg:s23], $0x2FFFF;
	_ =	strace $0x9FFFFFFF  }
0x48: {  	(tm) =	ssettm $0x7FFFFFFF  }
0x49: {  	_ =	shalt  }
tec
execute0_lowered:
.L_overlay_start_1:
0x0: {  	(tag) =	ssettag $0x1  }
0x1: {  	s4 =	rddreg [dreg:$0x0]  }
0x2: {  	s0 =	rddreg [dreg:$0x1];
	_ =	strace $0x80000065;
	s3 =	srdreg.scid  }
0x3: {  	s1 =	stileid.u32;
	s6 =	simm.s32 $0x2;
	s10 =	simm.s32 $0x0  }
.Ltmp0:
0x4: {  	p0 =	por $0x0, $0x0;
	s11 =	simm.s32 $0x0;
	(pc) =	sbr.rel .LBB1_1-.Ltmp0, $4  }
0x5: {  	s8 =	simm.s32 $0x0;
	s7 =	simm.s32 $0x0;
	s5 =	sshll.u32 s3, $0x4  }
0x6: {  	s2 =	sadd.s32 $0x765800, s4;
	s3 =	simm.s32 $0x1;
	s5 =	sand.u32 $0x10, s5  }
0x7: {  	s4 =	sadd.s32 $0x658400, s4;
	[sflag:s3] =	ssyncpa.u1 $0x0;
	s5 =	sor.u32 s1, s5  }
0x8: {  	[sflag:s6] =	ssyncpa.u1 $0x0;
	s6 =	simm.s32 $0x10000;
	s9 =	smov.u32 s5  }
.LBB1_5:
0x9: {  	s12 =	sadd.s32 $0x80, s8  }
0xa: {  	s10 =	sadd.s32 $0x20, s9;
	s14 =	smov.u32 s9;
	p2 =	sgt.s32 s12, $0xFF  }
0xb: {  	p1 =	slt.u32 s7, $0x2;
	s14 =	smov.u32 @p2 s10  }
0xc: {  	s7 =	sadd.s32 $0x1, s7;
	s12 =	simm.s32 @p2 $0x0;
	p2 =	sgt.s32 s14, $0xFF  }
0xd: {  	s14 =	smov.u32 @p2 s5;
	p2 =	sne.s32 s7, $0x12  }
.Ltmp1:
0xe: {  	_ = 	snop;
	(pc) =	sbr.rel @!p2 .LBB1_6-.Ltmp1, $4  }
0xf: {  	s13 =	simm.s32 @!p1 $0x2  }
0x10: {  	s11 =	smov.u32 s9;
	_ =	swait.ge @!p1 [sflag:s13], $0x4000  }
0x11: {  	p0 =	por !p0, !p0;
	s10 =	smov.u32 s8;
	[sflag:s13] =	ssyncset.done @!p1 $0x0  }
0x12: {  	s8 =	smov.u32 s12;
	[sflag:s13] =	ssyncadd.s32 @!p1 $0xFFFFC000;
	s9 =	smov.u32 s14  }
.LBB1_1:
0x13: {  	p1 =	sgt.u32 s7, $0xF  }
0x14: {  	s12 =	sxor.u32 @!p1 $0xFFFFFFFF, s7;
	s13 =	sshll.u32 @!p1 s9, $0xC;
	s14 =	sshll.u32 @!p1 s8, $0x4  }
0x15: {  	s12 =	sshll.u32 @!p1 s12, $0xE;
	s14 =	sand.u32 @!p1 $0xFF0, s14;
	s13 =	sadd.s32 @!p1 s2, s13  }
0x16: {  	s12 =	sand.u32 @!p1 $0x4000, s12;
	s13 =	sadd.s32 @!p1 s14, s13;
	s14 =	simm.s32 @!p1 $0x0  }
0x17: {  	[tilespmem:s12], [sflag:$0x1] =	stream.linear.gather @!p1 [hbm4b:s13+s14], $0x4000, $0x38;
	[tilespmem:$0x10100] =	vst v63  }
0x18: {  	p1 =	seq.s32 s7, $0x0  }
0x19: {  	p2 =	seq.s32 @!p1 s7, $0x11  }
0x1a: {  	p1 =	por p1, p2  }
.Ltmp2:
0x1b: {  	_ = 	snop;
	(pc) =	sbr.rel @p1 .LBB1_5-.Ltmp2, $1  }
0x1c: {  	_ =	sdelay $0x3  }
0x1d: {  	s12 =	simm.s32 $0x1  }
0x1e: {  	_ =	swait.ge [sflag:s3], $0x4000;
	s12 =	simm.s32 @!p0 $0x0  }
0x1f: {  	[sflag:s3] =	ssyncset.done $0x0;
	s13 =	sshll.u32 s12, $0xE  }
0x20: {  	[sflag:s3] =	ssyncadd.s32 $0xFFFFC000;
	s15 =	sor.u32 $0x40, s13  }
0x21: {  	s12 =	smul.u32 $0x10200, s12;
	v0 =	vld [tilespmem:s15+$0x30]  }
0x22: {  	v3 =	vld [tilespmem:s15+$0xFFFFFFD0]  }
0x23: {  	s12 =	sshrl.u32 s12, $0x2;
	v4 =	vld [tilespmem:s15+$0xFFFFFFE0]  }
0x24: {  	v5 =	vld [tilespmem:s15+$0xFFFFFFF0];
	s13 =	sor.u32 $0x8000, s12  }
0x25: {  	s31 =	sand.u32 $0x1, s7;
	v1 =	vld [tilespmem:s15+$0x0];
	s14 =	sadd.s32 $0x0, s13  }
0x26: {  	v2 =	vld [tilespmem:s15+$0x10];
	s12 =	smul.u32 $0x10200, s31;
	[tilespmem:s14+$0x3870 ss:$0x81] =	vst.msk $0xffff, v0  }
0x27: {  	[tilespmem:s14+$0x810 ss:$0x81] =	vst.msk $0xffff, v3;
	v3 =	vld [tilespmem:s15+$0x20]  }
0x28: {  	s12 =	sshrl.u32 s12, $0x2;
	v0 =	vld [tilespmem:s15+$0xFFFFFFC0];
	[tilespmem:s14+$0x1020 ss:$0x81] =	vst.msk $0xffff, v4;
	s15 =	sadd.s32 $0x80, s15  }
0x29: {  	s16 =	simm.s32 $0x4;
	s17 =	simm.s32 $0x8;
	s12 =	sor.u32 $0x8000, s12;
	[tilespmem:s14+$0x1830 ss:$0x81] =	vst.msk $0xffff, v5;
	v4 =	vld [tilespmem:s15+$0x30]  }
.LBB1_3:
0x2a: {  	p1 =	sne.s32 s17, $0x1FC;
	v5 =	vld [tilespmem:s15+$0xFFFFFFD0];
	[tilespmem:s14+$0x2040 ss:$0x81] =	vst.msk $0xffff, v1  }
0x2b: {  	v6 =	vld [tilespmem:s15+$0xFFFFFFE0];
	[tilespmem:s14+$0x2850 ss:$0x81] =	vst.msk $0xffff, v2  }
0x2c: {  	s18 =	sshra.s32 s16, $0x2;
	s16 =	smov.u32 s17;
	v7 =	vld [tilespmem:s15+$0xFFFFFFF0];
	[tilespmem:s14+$0x3060 ss:$0x81] =	vst.msk $0xffff, v3  }
.Ltmp3:
0x2d: {  	v1 =	vld [tilespmem:s15+$0x0];
	[tilespmem:s14+$0x0 ss:$0x81] =	vst.msk $0xffff, v0;
	s14 =	sadd.s32 s18, s13;
	(pc) =	sbr.rel @p1 .LBB1_3-.Ltmp3, $4  }
0x2e: {  	v2 =	vld [tilespmem:s15+$0x10];
	[tilespmem:s14+$0x3870 ss:$0x81] =	vst.msk $0xffff, v4  }
0x2f: {  	[tilespmem:s14+$0x810 ss:$0x81] =	vst.msk $0xffff, v5;
	v3 =	vld [tilespmem:s15+$0x20]  }
0x30: {  	v0 =	vld [tilespmem:s15+$0xFFFFFFC0];
	[tilespmem:s14+$0x1020 ss:$0x81] =	vst.msk $0xffff, v6;
	s15 =	sadd.s32 $0x80, s15  }
0x31: {  	s17 =	sadd.s32 $0x4, s17;
	v4 =	vld [tilespmem:s15+$0x30];
	[tilespmem:s14+$0x1830 ss:$0x81] =	vst.msk $0xffff, v7  }
0x32: {  	v5 =	vld [tilespmem:s15+$0xFFFFFFD0];
	[tilespmem:s14+$0x2040 ss:$0x81] =	vst.msk $0xffff, v1  }
0x33: {  	v58 =	vld [tilespmem:s15+$0xFFFFFFE0];
	[tilespmem:s14+$0x2850 ss:$0x81] =	vst.msk $0xffff, v2  }
0x34: {  	s16 =	sshra.s32 s16, $0x2;
	v59 =	vld [tilespmem:s15+$0xFFFFFFF0];
	[tilespmem:s14+$0x3060 ss:$0x81] =	vst.msk $0xffff, v3  }
0x35: {  	v60 =	vld [tilespmem:s15+$0x0];
	s13 =	sadd.s32 s16, s13;
	[tilespmem:s14+$0x0 ss:$0x81] =	vst.msk $0xffff, v0  }
0x36: {  	v61 =	vld [tilespmem:s15+$0x10];
	[tilespmem:s13+$0x3870 ss:$0x81] =	vst.msk $0xffff, v4  }
0x37: {  	v62 =	vld [tilespmem:s15+$0x20];
	s27 =	sshll.u32 s11, $0x8;
	[tilespmem:s13+$0x810 ss:$0x81] =	vst.msk $0xffff, v5  }
0x38: {  	v63 =	vld [tilespmem:s15+$0xFFFFFFC0];
	s28 =	sshll.u32 s10, $0x3;
	s29 =	sshll.u32 s11, $0x7;
	s14 =	sand.u32 $0xF800, s27;
	[tilespmem:s13+$0x1020 ss:$0x81] =	vst.msk $0xffff, v58  }
0x39: {  	s30 =	sand.u32 $0x78, s10;
	s11 =	sand.u32 $0x380, s29;
	s14 =	sadd.s32 s14, s28;
	[tilespmem:s13+$0x1830 ss:$0x81] =	vst.msk $0xffff, v59  }
.Ltmp4:
0x3a: {  	s11 =	sor.u32 s30, s11;
	[tilespmem:s13+$0x2040 ss:$0x81] =	vst.msk $0xffff, v60;
	s14 =	sand.u32 $0xFC00, s14;
	(pc) =	sbr.rel .LBB1_5-.Ltmp4, $4  }
0x3b: {  	s31 =	sand.u32 $0x7, s10;
	[tilespmem:s13+$0x2850 ss:$0x81] =	vst.msk $0xffff, v61;
	s11 =	sor.u32 s14, s11  }
0x3c: {  	s10 =	sshll.u32 s31, $0x12;
	[tilespmem:s13+$0x3060 ss:$0x81] =	vst.msk $0xffff, v62;
	s11 =	sshrl.u32 s11, $0x3  }
0x3d: {  	s10 =	sor.u32 $0x80, s10;
	[tilespmem:s13+$0x0 ss:$0x81] =	vst.msk $0xffff, v63;
	s11 =	sadd.s32 s4, s11  }
0x3e: {  	[hbm4b:s11+s10] =	stream.strided.scatter [tilespmem:s12], [sflag:$0x2], $0x4000, s6, s10, $0x20;
	[tilespmem:$0x10100] =	vst v63  }
.LBB1_6:
0x3f: {  	_ =	sfence.sel $0x180000  }
0x40: {  	s2 =	simm.s32 $0x1;
	[bflag:$0x0] =	sbarrier.arrive $0xFFFF  }
0x41: {  	s31 =	simm.s32 $0x2;
	[sflag:s2] =	ssyncpa.u1 $0x1  }
0x42: {  	[sflag:s31] =	ssyncpa.u1 $0x1  }
0x43: {  	p0 =	sne.s32 s1, $0x0;
	_ =	strace $0x90000065  }
0x44: {  	s0 =	sadd.s32 @!p0 $0x100000, s0;
	[bflag:$0x2] =	sbarrier.arrive $0xFFFF  }
0x45: {  	[sflag:s0] =	ssyncadd.tile.s32 @!p0 $0x1;
	_ =	shalt  }
.Lfunc_end1:
_tile_overlayer_lowered:
.L_overlay_start_2:
0x46: {  	(tag) =	ssettag $0x2  }
0x47: {  	s0 =	rddreg [dreg:$0x0];
	s2 =	stileid.u32  }
0x48: {  	s1 =	rddreg [dreg:$0x1];
	p0 =	sne.s32 s2, $0x0  }
0x49: {  	s3 =	rddreg [dreg:$0x2];
	[bflag:$0x3] =	sbarrier.arrive $0xFFFF;
	s2 =	simm.s32 @!p0 $0x1C01  }
0x4a: {  	[timem:s3], [sflag:s2] =	dma.local @!p0 [hbm:s0], s1  }
0x4b: {  	s0 =	simm.s32 @!p0 $0x1  }
0x4c: {  	_ =	swait.ge @!p0 [sflag:s0], s1  }
0x4d: {  	s1 =	ssub.s32 @!p0 $0x0, s1;
	[sflag:s0] =	ssyncset.done @!p0 $0x0  }
0x4e: {  	[sflag:s0] =	ssyncadd.s32 @!p0 s1  }
0x4f: {  	[bflag:$0x3] =	sbarrier.arrive $0xFFFF  }
0x50: {  	_ =	shalt  }

// kernel: sparse-core-data-format-call.2.cloned.1.call-start
scs
called_computation.6_lowered:
.L_overlay_start_0:
0x0: {  	s2 =	sld [smem:$0x3FD9]  }
0x1: {  	s3 =	sld [smem:$0x3FFE];
	_ =	sdelay $0x1  }
0x2: {  	s1 =	srdreg.scid  }
0x3: {  	s0 =	sand.u32 $0x1, s1  }
0x4: {  	s18 =	sshll.u32 s0, $0xA;
	s2 =	sadd.s32 s3, s2  }
0x5: {  	s2 =	sadd.s32 s2, s18  }
0x6: {  	[smem:$0x3FB5] =	sst s2  }
0x7: {  	_ = 	snop  }
0x8: {  	(tm) =	ssettm $0x1  }
0x9: {  	s19 =	sld [smem:$0x3FFB];
	_ =	sdelay $0x3  }
0xa: {  	_ =	strace s19  }
0xb: {  	s2 =	sld [smem:$0x3FFC];
	_ =	sdelay $0x3  }
0xc: {  	_ =	strace s2  }
0xd: {  	s2 =	sld [smem:$0x3FFD];
	_ =	sdelay $0x3  }
0xe: {  	_ =	strace s2  }
0xf: {  	_ =	strace $0x8FFFFFFF  }
0x10: {  	s20 =	sld [smem:$0x3FDB];
	_ =	sdelay $0x1  }
0x11: {  	s21 =	simm.s32 $_scs_section_size  }
0x12: {  	s4 =	simm.s32 $_size__tile_overlayer_lowered;
	s5 =	simm.s32 $_tile_overlayer_lowered  }
0x13: {  	s6 =	simm.s32 $0x1BFF;
	s22 =	sshll.u32 s5, $0x1;
	s3 =	sadd.s32 s21, s20  }
0x14: {  	s23 =	simm.s32 $0x0;
	s4 =	sshll.u32 s4, $0x1;
	s5 =	sadd.s32 s22, s3  }
0x15: {  	[timem:s23], [sflag:s6] =	dma.local [hbm:s5], s4  }
0x16: {  	_ =	swait.ge [sflag:s6], s4  }
0x17: {  	s4 =	ssub.s32 $0x0, s4;
	[sflag:s6] =	ssyncset.done $0x0  }
0x18: {  	[sflag:s6] =	ssyncadd.s32 s4;
	_ =	sdelay $0x1  }
0x19: {  	s24 =	simm.s32 $0x1B8B  }
0x1a: {  	_ =	swait.ge [sflag:s24], $0x1  }
0x1b: {  	[sflag:s24] =	ssyncset.done $0x0  }
0x1c: {  	[sflag:s24] =	ssyncadd.s32 $0xFFFFFFFF  }
0x1d: {  	s4 =	sld [smem:$0x0]  }
0x1e: {  	s5 =	sand.u32 $0xFFFFFFFE, s1  }
0x1f: {  	p0 =	sne.s32 s1, s5  }
0x20: {  	s5 =	sshll.u32 @p0 s5, $0xE  }
0x21: {  	s5 =	sadd.s32 @p0 $0x11B8D, s5;
	s6 =	sshll.u32 @p0 s4, $0x11  }
0x22: {  	s5 =	sor.u32 @p0 s6, s5  }
0x23: {  	[sflag:s5] =	ssyncadd.remote.s32 @p0 $0x1;
	_ =	sdelay $0x1  }
0x24: {  	s5 =	simm.s32 @p0 $0x1B8D  }
0x25: {  	_ =	swait.eq @p0 [sflag:s5], $0x1  }
0x26: {  	[sflag:s5] =	ssyncadd.s32 @p0 $0xFFFFFFFF  }
0x27: {  	s6 =	sshll.u32 @!p0 s1, $0xE  }
0x28: {  	s6 =	sor.u32 @!p0 $0x4000, s6;
	s5 =	simm.s32 @!p0 $0x1B8D  }
0x29: {  	s4 =	sshll.u32 @!p0 s4, $0x11;
	s6 =	sadd.s32 @!p0 $0x11B8D, s6;
	_ =	swait.eq @!p0 [sflag:s5], $0x1  }
0x2a: {  	s4 =	sor.u32 @!p0 s4, s6;
	[sflag:s5] =	ssyncadd.s32 @!p0 $0xFFFFFFFF  }
0x2b: {  	s26 =	simm.s32 $0x1B8E;
	s25 =	sld [smem:$0x3FFE];
	[sflag:s4] =	ssyncadd.remote.s32 @!p0 $0x1  }
0x2c: {  	s27 =	simm.s32 $execute0_lowered;
	[smem:$0x3FD2] =	sst s26  }
0x2d: {  	s5 =	sshll.u32 s27, $0x1;
	_ =	strace $0x80000061;
	[dreg:$0x1] =	wrdreg $0xFFFFFFFF  }
0x2e: {  	s28 =	simm.s32 $_size_execute0_lowered;
	s3 =	sadd.s32 s3, s5;
	[dreg:$0x0] =	wrdreg $0x0  }
0x2f: {  	s5 =	sshll.u32 s28, $0x1;
	[dreg:$0x2] =	wrdreg s3  }
0x30: {  	[dreg:$0x3] =	wrdreg s5  }
0x31: {  	[dreg:$0x4] =	wrdreg $0xC0  }
0x32: {  	_ =	task [dreg:s23], $0x5FFFF  }
0x33: {  	[dreg:$0x1] =	wrdreg $0xFFFFFFFF  }
0x34: {  	[dreg:$0x0] =	wrdreg $0x60  }
0x35: {  	[dreg:$0x2] =	wrdreg s25  }
0x36: {  	[dreg:$0x3] =	wrdreg $0xE  }
0x37: {  	_ =	task.clear_ibuf [dreg:s23], $0x4FFFF;
	_ =	strace $0x90000061  }
0x38: {  	s29 =	simm.s32 $0xE;
	_ =	strace $0x80000063  }
0x39: {  	_ =	swait.ge [sflag:s29], $0x1  }
0x3a: {  	[sflag:s29] =	ssyncadd.s32 $0xFFFFFFFF  }
0x3b: {  	_ =	strace $0x90000063  }
0x3c: {  	_ =	sfence  }
0x3d: {  	s30 =	sld [smem:$0x0];
	_ =	sdelay $0x2  }
0x3e: {  	s31 =	sshll.u32 s1, $0xD;
	s1 =	sshrl.u32 s1, $0x2  }
0x3f: {  	s4 =	sand.u32 $0x4000, s31;
	s1 =	sadd.s32 s1, s30  }
0x40: {  	s0 =	sor.u32 s4, s0;
	s1 =	sshll.u32 s1, $0x11  }
0x41: {  	s0 =	sor.u32 s1, s0  }
0x42: {  	s0 =	sadd.s32 $0x8F2B, s0  }
0x43: {  	[sflag:s0] =	ssyncadd.remote.s32 $0x1  }
0x44: {  	_ =	sfence.sel $0xFFFF  }
0x45: {  	[dreg:$0x0] =	wrdreg $0xFFFFFFFF;
	(pc) =	sbr.abs _section_cstart, $3  }
0x46: {  	[dreg:$0x1] =	wrdreg $0xFFFFFFFF  }
0x47: {  	_ =	task.clear_ibuf [dreg:s23], $0x2FFFF;
	_ =	strace $0x9FFFFFFF  }
0x48: {  	(tm) =	ssettm $0x7FFFFFFF  }
0x49: {  	_ =	shalt  }
tec
execute0_lowered:
.L_overlay_start_1:
0x0: {  	(tag) =	ssettag $0x1  }
0x1: {  	s4 =	rddreg [dreg:$0x0]  }
0x2: {  	s0 =	rddreg [dreg:$0x1];
	_ =	strace $0x80000062;
	s3 =	srdreg.scid  }
0x3: {  	s1 =	stileid.u32;
	s6 =	simm.s32 $0x2;
	s10 =	simm.s32 $0x0  }
.Ltmp0:
0x4: {  	p0 =	por $0x0, $0x0;
	s11 =	simm.s32 $0x0;
	(pc) =	sbr.rel .LBB1_1-.Ltmp0, $4  }
0x5: {  	s8 =	simm.s32 $0x0;
	s7 =	simm.s32 $0x0;
	s5 =	sshll.u32 s3, $0x4  }
0x6: {  	s2 =	sadd.s32 $0x458400, s4;
	s3 =	simm.s32 $0x1;
	s5 =	sand.u32 $0x10, s5  }
0x7: {  	s4 =	sadd.s32 $0x558400, s4;
	[sflag:s3] =	ssyncpa.u1 $0x0;
	s5 =	sor.u32 s1, s5  }
0x8: {  	[sflag:s6] =	ssyncpa.u1 $0x0;
	s6 =	simm.s32 $0x10000;
	s9 =	smov.u32 s5  }
.LBB1_5:
0x9: {  	s12 =	sadd.s32 $0x80, s8  }
0xa: {  	s10 =	sadd.s32 $0x20, s9;
	s14 =	smov.u32 s9;
	p2 =	sgt.s32 s12, $0xFF  }
0xb: {  	p1 =	slt.u32 s7, $0x2;
	s14 =	smov.u32 @p2 s10  }
0xc: {  	s7 =	sadd.s32 $0x1, s7;
	s12 =	simm.s32 @p2 $0x0;
	p2 =	sgt.s32 s14, $0xFF  }
0xd: {  	s14 =	smov.u32 @p2 s5;
	p2 =	sne.s32 s7, $0x12  }
.Ltmp1:
0xe: {  	_ = 	snop;
	(pc) =	sbr.rel @!p2 .LBB1_6-.Ltmp1, $4  }
0xf: {  	s13 =	simm.s32 @!p1 $0x2  }
0x10: {  	s11 =	smov.u32 s9;
	_ =	swait.ge @!p1 [sflag:s13], $0x4000  }
0x11: {  	p0 =	por !p0, !p0;
	s10 =	smov.u32 s8;
	[sflag:s13] =	ssyncset.done @!p1 $0x0  }
0x12: {  	s8 =	smov.u32 s12;
	[sflag:s13] =	ssyncadd.s32 @!p1 $0xFFFFC000;
	s9 =	smov.u32 s14  }
.LBB1_1:
0x13: {  	p1 =	sgt.u32 s7, $0xF  }
0x14: {  	s12 =	sxor.u32 @!p1 $0xFFFFFFFF, s7;
	s13 =	sshll.u32 @!p1 s9, $0xC;
	s14 =	sshll.u32 @!p1 s8, $0x4  }
0x15: {  	s12 =	sshll.u32 @!p1 s12, $0xE;
	s14 =	sand.u32 @!p1 $0xFF0, s14;
	s13 =	sadd.s32 @!p1 s2, s13  }
0x16: {  	s12 =	sand.u32 @!p1 $0x4000, s12;
	s13 =	sadd.s32 @!p1 s14, s13;
	s14 =	simm.s32 @!p1 $0x0  }
0x17: {  	[tilespmem:s12], [sflag:$0x1] =	stream.linear.gather @!p1 [hbm4b:s13+s14], $0x4000, $0x38;
	[tilespmem:$0x10100] =	vst v63  }
0x18: {  	p1 =	seq.s32 s7, $0x0  }
0x19: {  	p2 =	seq.s32 @!p1 s7, $0x11  }
0x1a: {  	p1 =	por p1, p2  }
.Ltmp2:
0x1b: {  	_ = 	snop;
	(pc) =	sbr.rel @p1 .LBB1_5-.Ltmp2, $1  }
0x1c: {  	_ =	sdelay $0x3  }
0x1d: {  	s12 =	simm.s32 $0x1  }
0x1e: {  	_ =	swait.ge [sflag:s3], $0x4000;
	s12 =	simm.s32 @!p0 $0x0  }
0x1f: {  	[sflag:s3] =	ssyncset.done $0x0;
	s13 =	sshll.u32 s12, $0xE  }
0x20: {  	[sflag:s3] =	ssyncadd.s32 $0xFFFFC000;
	s15 =	sor.u32 $0x40, s13  }
0x21: {  	s12 =	smul.u32 $0x10200, s12;
	v0 =	vld [tilespmem:s15+$0x30]  }
0x22: {  	v3 =	vld [tilespmem:s15+$0xFFFFFFD0]  }
0x23: {  	s12 =	sshrl.u32 s12, $0x2;
	v4 =	vld [tilespmem:s15+$0xFFFFFFE0]  }
0x24: {  	v5 =	vld [tilespmem:s15+$0xFFFFFFF0];
	s13 =	sor.u32 $0x8000, s12  }
0x25: {  	s31 =	sand.u32 $0x1, s7;
	v1 =	vld [tilespmem:s15+$0x0];
	s14 =	sadd.s32 $0x0, s13  }
0x26: {  	v2 =	vld [tilespmem:s15+$0x10];
	s12 =	smul.u32 $0x10200, s31;
	[tilespmem:s14+$0x3870 ss:$0x81] =	vst.msk $0xffff, v0  }
0x27: {  	[tilespmem:s14+$0x810 ss:$0x81] =	vst.msk $0xffff, v3;
	v3 =	vld [tilespmem:s15+$0x20]  }
0x28: {  	s12 =	sshrl.u32 s12, $0x2;
	v0 =	vld [tilespmem:s15+$0xFFFFFFC0];
	[tilespmem:s14+$0x1020 ss:$0x81] =	vst.msk $0xffff, v4;
	s15 =	sadd.s32 $0x80, s15  }
0x29: {  	s16 =	simm.s32 $0x4;
	s17 =	simm.s32 $0x8;
	s12 =	sor.u32 $0x8000, s12;
	[tilespmem:s14+$0x1830 ss:$0x81] =	vst.msk $0xffff, v5;
	v4 =	vld [tilespmem:s15+$0x30]  }
.LBB1_3:
0x2a: {  	p1 =	sne.s32 s17, $0x1FC;
	v5 =	vld [tilespmem:s15+$0xFFFFFFD0];
	[tilespmem:s14+$0x2040 ss:$0x81] =	vst.msk $0xffff, v1  }
0x2b: {  	v6 =	vld [tilespmem:s15+$0xFFFFFFE0];
	[tilespmem:s14+$0x2850 ss:$0x81] =	vst.msk $0xffff, v2  }
0x2c: {  	s18 =	sshra.s32 s16, $0x2;
	s16 =	smov.u32 s17;
	v7 =	vld [tilespmem:s15+$0xFFFFFFF0];
	[tilespmem:s14+$0x3060 ss:$0x81] =	vst.msk $0xffff, v3  }
.Ltmp3:
0x2d: {  	v1 =	vld [tilespmem:s15+$0x0];
	[tilespmem:s14+$0x0 ss:$0x81] =	vst.msk $0xffff, v0;
	s14 =	sadd.s32 s18, s13;
	(pc) =	sbr.rel @p1 .LBB1_3-.Ltmp3, $4  }
0x2e: {  	v2 =	vld [tilespmem:s15+$0x10];
	[tilespmem:s14+$0x3870 ss:$0x81] =	vst.msk $0xffff, v4  }
0x2f: {  	[tilespmem:s14+$0x810 ss:$0x81] =	vst.msk $0xffff, v5;
	v3 =	vld [tilespmem:s15+$0x20]  }
0x30: {  	v0 =	vld [tilespmem:s15+$0xFFFFFFC0];
	[tilespmem:s14+$0x1020 ss:$0x81] =	vst.msk $0xffff, v6;
	s15 =	sadd.s32 $0x80, s15  }
0x31: {  	s17 =	sadd.s32 $0x4, s17;
	v4 =	vld [tilespmem:s15+$0x30];
	[tilespmem:s14+$0x1830 ss:$0x81] =	vst.msk $0xffff, v7  }
0x32: {  	v5 =	vld [tilespmem:s15+$0xFFFFFFD0];
	[tilespmem:s14+$0x2040 ss:$0x81] =	vst.msk $0xffff, v1  }
0x33: {  	v58 =	vld [tilespmem:s15+$0xFFFFFFE0];
	[tilespmem:s14+$0x2850 ss:$0x81] =	vst.msk $0xffff, v2  }
0x34: {  	s16 =	sshra.s32 s16, $0x2;
	v59 =	vld [tilespmem:s15+$0xFFFFFFF0];
	[tilespmem:s14+$0x3060 ss:$0x81] =	vst.msk $0xffff, v3  }
0x35: {  	v60 =	vld [tilespmem:s15+$0x0];
	s13 =	sadd.s32 s16, s13;
	[tilespmem:s14+$0x0 ss:$0x81] =	vst.msk $0xffff, v0  }
0x36: {  	v61 =	vld [tilespmem:s15+$0x10];
	[tilespmem:s13+$0x3870 ss:$0x81] =	vst.msk $0xffff, v4  }
0x37: {  	v62 =	vld [tilespmem:s15+$0x20];
	s27 =	sshll.u32 s11, $0x8;
	[tilespmem:s13+$0x810 ss:$0x81] =	vst.msk $0xffff, v5  }
0x38: {  	v63 =	vld [tilespmem:s15+$0xFFFFFFC0];
	s28 =	sshll.u32 s10, $0x3;
	s29 =	sshll.u32 s11, $0x7;
	s14 =	sand.u32 $0xF800, s27;
	[tilespmem:s13+$0x1020 ss:$0x81] =	vst.msk $0xffff, v58  }
0x39: {  	s30 =	sand.u32 $0x78, s10;
	s11 =	sand.u32 $0x380, s29;
	s14 =	sadd.s32 s14, s28;
	[tilespmem:s13+$0x1830 ss:$0x81] =	vst.msk $0xffff, v59  }
.Ltmp4:
0x3a: {  	s11 =	sor.u32 s30, s11;
	[tilespmem:s13+$0x2040 ss:$0x81] =	vst.msk $0xffff, v60;
	s14 =	sand.u32 $0xFC00, s14;
	(pc) =	sbr.rel .LBB1_5-.Ltmp4, $4  }
0x3b: {  	s31 =	sand.u32 $0x7, s10;
	[tilespmem:s13+$0x2850 ss:$0x81] =	vst.msk $0xffff, v61;
	s11 =	sor.u32 s14, s11  }
0x3c: {  	s10 =	sshll.u32 s31, $0x12;
	[tilespmem:s13+$0x3060 ss:$0x81] =	vst.msk $0xffff, v62;
	s11 =	sshrl.u32 s11, $0x3  }
0x3d: {  	s10 =	sor.u32 $0x80, s10;
	[tilespmem:s13+$0x0 ss:$0x81] =	vst.msk $0xffff, v63;
	s11 =	sadd.s32 s4, s11  }
0x3e: {  	[hbm4b:s11+s10] =	stream.strided.scatter [tilespmem:s12], [sflag:$0x2], $0x4000, s6, s10, $0x20;
	[tilespmem:$0x10100] =	vst v63  }
.LBB1_6:
0x3f: {  	_ =	sfence.sel $0x180000  }
0x40: {  	s2 =	simm.s32 $0x1;
	[bflag:$0x0] =	sbarrier.arrive $0xFFFF  }
0x41: {  	s31 =	simm.s32 $0x2;
	[sflag:s2] =	ssyncpa.u1 $0x1  }
0x42: {  	[sflag:s31] =	ssyncpa.u1 $0x1  }
0x43: {  	p0 =	sne.s32 s1, $0x0;
	_ =	strace $0x90000062  }
0x44: {  	s0 =	sadd.s32 @!p0 $0x100000, s0;
	[bflag:$0x2] =	sbarrier.arrive $0xFFFF  }
0x45: {  	[sflag:s0] =	ssyncadd.tile.s32 @!p0 $0x1;
	_ =	shalt  }
.Lfunc_end1:
_tile_overlayer_lowered:
.L_overlay_start_2:
0x46: {  	(tag) =	ssettag $0x2  }
0x47: {  	s0 =	rddreg [dreg:$0x0];
	s2 =	stileid.u32  }
0x48: {  	s1 =	rddreg [dreg:$0x1];
	p0 =	sne.s32 s2, $0x0  }
0x49: {  	s3 =	rddreg [dreg:$0x2];
	[bflag:$0x3] =	sbarrier.arrive $0xFFFF;
	s2 =	simm.s32 @!p0 $0x1C01  }
0x4a: {  	[timem:s3], [sflag:s2] =	dma.local @!p0 [hbm:s0], s1  }
0x4b: {  	s0 =	simm.s32 @!p0 $0x1  }
0x4c: {  	_ =	swait.ge @!p0 [sflag:s0], s1  }
0x4d: {  	s1 =	ssub.s32 @!p0 $0x0, s1;
	[sflag:s0] =	ssyncset.done @!p0 $0x0  }
0x4e: {  	[sflag:s0] =	ssyncadd.s32 @!p0 s1  }
0x4f: {  	[bflag:$0x3] =	sbarrier.arrive $0xFFFF  }
0x50: {  	_ =	shalt  }

// kernel: sparse-core-data-format-call.3.cloned.1.call-start
scs
called_computation.7_lowered:
.L_overlay_start_0:
0x0: {  	s2 =	sld [smem:$0x3FD9]  }
0x1: {  	s3 =	sld [smem:$0x3FFE];
	_ =	sdelay $0x1  }
0x2: {  	s1 =	srdreg.scid  }
0x3: {  	s0 =	sand.u32 $0x1, s1  }
0x4: {  	s18 =	sshll.u32 s0, $0xA;
	s2 =	sadd.s32 s3, s2  }
0x5: {  	s2 =	sadd.s32 s2, s18  }
0x6: {  	[smem:$0x3FB5] =	sst s2  }
0x7: {  	_ = 	snop  }
0x8: {  	(tm) =	ssettm $0x1  }
0x9: {  	s19 =	sld [smem:$0x3FFB];
	_ =	sdelay $0x3  }
0xa: {  	_ =	strace s19  }
0xb: {  	s2 =	sld [smem:$0x3FFC];
	_ =	sdelay $0x3  }
0xc: {  	_ =	strace s2  }
0xd: {  	s2 =	sld [smem:$0x3FFD];
	_ =	sdelay $0x3  }
0xe: {  	_ =	strace s2  }
0xf: {  	_ =	strace $0x8FFFFFFF  }
0x10: {  	s20 =	sld [smem:$0x3FDB];
	_ =	sdelay $0x1  }
0x11: {  	s21 =	simm.s32 $_scs_section_size  }
0x12: {  	s4 =	simm.s32 $_size__tile_overlayer_lowered;
	s5 =	simm.s32 $_tile_overlayer_lowered  }
0x13: {  	s6 =	simm.s32 $0x1BFF;
	s22 =	sshll.u32 s5, $0x1;
	s3 =	sadd.s32 s21, s20  }
0x14: {  	s23 =	simm.s32 $0x0;
	s4 =	sshll.u32 s4, $0x1;
	s5 =	sadd.s32 s22, s3  }
0x15: {  	[timem:s23], [sflag:s6] =	dma.local [hbm:s5], s4  }
0x16: {  	_ =	swait.ge [sflag:s6], s4  }
0x17: {  	s4 =	ssub.s32 $0x0, s4;
	[sflag:s6] =	ssyncset.done $0x0  }
0x18: {  	[sflag:s6] =	ssyncadd.s32 s4;
	_ =	sdelay $0x1  }
0x19: {  	s24 =	simm.s32 $0x1B8B  }
0x1a: {  	_ =	swait.ge [sflag:s24], $0x1  }
0x1b: {  	[sflag:s24] =	ssyncset.done $0x0  }
0x1c: {  	[sflag:s24] =	ssyncadd.s32 $0xFFFFFFFF  }
0x1d: {  	s4 =	sld [smem:$0x0]  }
0x1e: {  	s5 =	sand.u32 $0xFFFFFFFE, s1  }
0x1f: {  	p0 =	sne.s32 s1, s5  }
0x20: {  	s5 =	sshll.u32 @p0 s5, $0xE  }
0x21: {  	s5 =	sadd.s32 @p0 $0x11B8D, s5;
	s6 =	sshll.u32 @p0 s4, $0x11  }
0x22: {  	s5 =	sor.u32 @p0 s6, s5  }
0x23: {  	[sflag:s5] =	ssyncadd.remote.s32 @p0 $0x1;
	_ =	sdelay $0x1  }
0x24: {  	s5 =	simm.s32 @p0 $0x1B8D  }
0x25: {  	_ =	swait.eq @p0 [sflag:s5], $0x1  }
0x26: {  	[sflag:s5] =	ssyncadd.s32 @p0 $0xFFFFFFFF  }
0x27: {  	s6 =	sshll.u32 @!p0 s1, $0xE  }
0x28: {  	s6 =	sor.u32 @!p0 $0x4000, s6;
	s5 =	simm.s32 @!p0 $0x1B8D  }
0x29: {  	s4 =	sshll.u32 @!p0 s4, $0x11;
	s6 =	sadd.s32 @!p0 $0x11B8D, s6;
	_ =	swait.eq @!p0 [sflag:s5], $0x1  }
0x2a: {  	s4 =	sor.u32 @!p0 s4, s6;
	[sflag:s5] =	ssyncadd.s32 @!p0 $0xFFFFFFFF  }
0x2b: {  	s26 =	simm.s32 $0x1B8E;
	s25 =	sld [smem:$0x3FFE];
	[sflag:s4] =	ssyncadd.remote.s32 @!p0 $0x1  }
0x2c: {  	s27 =	simm.s32 $execute0_lowered;
	[smem:$0x3FD2] =	sst s26  }
0x2d: {  	s5 =	sshll.u32 s27, $0x1;
	_ =	strace $0x8000005E;
	[dreg:$0x1] =	wrdreg $0xFFFFFFFF  }
0x2e: {  	s28 =	simm.s32 $_size_execute0_lowered;
	s3 =	sadd.s32 s3, s5;
	[dreg:$0x0] =	wrdreg $0x0  }
0x2f: {  	s5 =	sshll.u32 s28, $0x1;
	[dreg:$0x2] =	wrdreg s3  }
0x30: {  	[dreg:$0x3] =	wrdreg s5  }
0x31: {  	[dreg:$0x4] =	wrdreg $0xC0  }
0x32: {  	_ =	task [dreg:s23], $0x5FFFF  }
0x33: {  	[dreg:$0x1] =	wrdreg $0xFFFFFFFF  }
0x34: {  	[dreg:$0x0] =	wrdreg $0x60  }
0x35: {  	[dreg:$0x2] =	wrdreg s25  }
0x36: {  	[dreg:$0x3] =	wrdreg $0xD  }
0x37: {  	_ =	task.clear_ibuf [dreg:s23], $0x4FFFF;
	_ =	strace $0x9000005E  }
0x38: {  	s29 =	simm.s32 $0xD;
	_ =	strace $0x80000060  }
0x39: {  	_ =	swait.ge [sflag:s29], $0x1  }
0x3a: {  	[sflag:s29] =	ssyncadd.s32 $0xFFFFFFFF  }
0x3b: {  	_ =	strace $0x90000060  }
0x3c: {  	_ =	sfence  }
0x3d: {  	s30 =	sld [smem:$0x0];
	_ =	sdelay $0x2  }
0x3e: {  	s31 =	sshll.u32 s1, $0xD;
	s1 =	sshrl.u32 s1, $0x2  }
0x3f: {  	s4 =	sand.u32 $0x4000, s31;
	s1 =	sadd.s32 s1, s30  }
0x40: {  	s0 =	sor.u32 s4, s0;
	s1 =	sshll.u32 s1, $0x11  }
0x41: {  	s0 =	sor.u32 s1, s0  }
0x42: {  	s0 =	sadd.s32 $0x8F2B, s0  }
0x43: {  	[sflag:s0] =	ssyncadd.remote.s32 $0x1  }
0x44: {  	_ =	sfence.sel $0xFFFF  }
0x45: {  	[dreg:$0x0] =	wrdreg $0xFFFFFFFF;
	(pc) =	sbr.abs _section_cstart, $3  }
0x46: {  	[dreg:$0x1] =	wrdreg $0xFFFFFFFF  }
0x47: {  	_ =	task.clear_ibuf [dreg:s23], $0x2FFFF;
	_ =	strace $0x9FFFFFFF  }
0x48: {  	(tm) =	ssettm $0x7FFFFFFF  }
0x49: {  	_ =	shalt  }
tec
execute0_lowered:
.L_overlay_start_1:
0x0: {  	(tag) =	ssettag $0x1  }
0x1: {  	s4 =	rddreg [dreg:$0x0]  }
0x2: {  	s0 =	rddreg [dreg:$0x1];
	_ =	strace $0x8000005F;
	s3 =	srdreg.scid  }
0x3: {  	s1 =	stileid.u32;
	s6 =	simm.s32 $0x2;
	s10 =	simm.s32 $0x0  }
.Ltmp0:
0x4: {  	p0 =	por $0x0, $0x0;
	s11 =	simm.s32 $0x0;
	(pc) =	sbr.rel .LBB1_1-.Ltmp0, $4  }
0x5: {  	s8 =	simm.s32 $0x0;
	s7 =	simm.s32 $0x0;
	s5 =	sshll.u32 s3, $0x4  }
0x6: {  	s2 =	sadd.s32 $0x358400, s4;
	s3 =	simm.s32 $0x1;
	s5 =	sand.u32 $0x10, s5  }
0x7: {  	s4 =	sadd.s32 $0xA72C00, s4;
	[sflag:s3] =	ssyncpa.u1 $0x0;
	s5 =	sor.u32 s1, s5  }
0x8: {  	[sflag:s6] =	ssyncpa.u1 $0x0;
	s6 =	simm.s32 $0x10000;
	s9 =	smov.u32 s5  }
.LBB1_5:
0x9: {  	s12 =	sadd.s32 $0x80, s8  }
0xa: {  	s10 =	sadd.s32 $0x20, s9;
	s14 =	smov.u32 s9;
	p2 =	sgt.s32 s12, $0xFF  }
0xb: {  	p1 =	slt.u32 s7, $0x2;
	s14 =	smov.u32 @p2 s10  }
0xc: {  	s7 =	sadd.s32 $0x1, s7;
	s12 =	simm.s32 @p2 $0x0;
	p2 =	sgt.s32 s14, $0xFF  }
0xd: {  	s14 =	smov.u32 @p2 s5;
	p2 =	sne.s32 s7, $0x12  }
.Ltmp1:
0xe: {  	_ = 	snop;
	(pc) =	sbr.rel @!p2 .LBB1_6-.Ltmp1, $4  }
0xf: {  	s13 =	simm.s32 @!p1 $0x2  }
0x10: {  	s11 =	smov.u32 s9;
	_ =	swait.ge @!p1 [sflag:s13], $0x4000  }
0x11: {  	p0 =	por !p0, !p0;
	s10 =	smov.u32 s8;
	[sflag:s13] =	ssyncset.done @!p1 $0x0  }
0x12: {  	s8 =	smov.u32 s12;
	[sflag:s13] =	ssyncadd.s32 @!p1 $0xFFFFC000;
	s9 =	smov.u32 s14  }
.LBB1_1:
0x13: {  	p1 =	sgt.u32 s7, $0xF  }
0x14: {  	s12 =	sxor.u32 @!p1 $0xFFFFFFFF, s7;
	s13 =	sshll.u32 @!p1 s9, $0xC;
	s14 =	sshll.u32 @!p1 s8, $0x4  }
0x15: {  	s12 =	sshll.u32 @!p1 s12, $0xE;
	s14 =	sand.u32 @!p1 $0xFF0, s14;
	s13 =	sadd.s32 @!p1 s2, s13  }
0x16: {  	s12 =	sand.u32 @!p1 $0x4000, s12;
	s13 =	sadd.s32 @!p1 s14, s13;
	s14 =	simm.s32 @!p1 $0x0  }
0x17: {  	[tilespmem:s12], [sflag:$0x1] =	stream.linear.gather @!p1 [hbm4b:s13+s14], $0x4000, $0x38;
	[tilespmem:$0x10100] =	vst v63  }
0x18: {  	p1 =	seq.s32 s7, $0x0  }
0x19: {  	p2 =	seq.s32 @!p1 s7, $0x11  }
0x1a: {  	p1 =	por p1, p2  }
.Ltmp2:
0x1b: {  	_ = 	snop;
	(pc) =	sbr.rel @p1 .LBB1_5-.Ltmp2, $1  }
0x1c: {  	_ =	sdelay $0x3  }
0x1d: {  	s12 =	simm.s32 $0x1  }
0x1e: {  	_ =	swait.ge [sflag:s3], $0x4000;
	s12 =	simm.s32 @!p0 $0x0  }
0x1f: {  	[sflag:s3] =	ssyncset.done $0x0;
	s13 =	sshll.u32 s12, $0xE  }
0x20: {  	[sflag:s3] =	ssyncadd.s32 $0xFFFFC000;
	s15 =	sor.u32 $0x40, s13  }
0x21: {  	s12 =	smul.u32 $0x10200, s12;
	v0 =	vld [tilespmem:s15+$0x30]  }
0x22: {  	v3 =	vld [tilespmem:s15+$0xFFFFFFD0]  }
0x23: {  	s12 =	sshrl.u32 s12, $0x2;
	v4 =	vld [tilespmem:s15+$0xFFFFFFE0]  }
0x24: {  	v5 =	vld [tilespmem:s15+$0xFFFFFFF0];
	s13 =	sor.u32 $0x8000, s12  }
0x25: {  	s31 =	sand.u32 $0x1, s7;
	v1 =	vld [tilespmem:s15+$0x0];
	s14 =	sadd.s32 $0x0, s13  }
0x26: {  	v2 =	vld [tilespmem:s15+$0x10];
	s12 =	smul.u32 $0x10200, s31;
	[tilespmem:s14+$0x3870 ss:$0x81] =	vst.msk $0xffff, v0  }
0x27: {  	[tilespmem:s14+$0x810 ss:$0x81] =	vst.msk $0xffff, v3;
	v3 =	vld [tilespmem:s15+$0x20]  }
0x28: {  	s12 =	sshrl.u32 s12, $0x2;
	v0 =	vld [tilespmem:s15+$0xFFFFFFC0];
	[tilespmem:s14+$0x1020 ss:$0x81] =	vst.msk $0xffff, v4;
	s15 =	sadd.s32 $0x80, s15  }
0x29: {  	s16 =	simm.s32 $0x4;
	s17 =	simm.s32 $0x8;
	s12 =	sor.u32 $0x8000, s12;
	[tilespmem:s14+$0x1830 ss:$0x81] =	vst.msk $0xffff, v5;
	v4 =	vld [tilespmem:s15+$0x30]  }
.LBB1_3:
0x2a: {  	p1 =	sne.s32 s17, $0x1FC;
	v5 =	vld [tilespmem:s15+$0xFFFFFFD0];
	[tilespmem:s14+$0x2040 ss:$0x81] =	vst.msk $0xffff, v1  }
0x2b: {  	v6 =	vld [tilespmem:s15+$0xFFFFFFE0];
	[tilespmem:s14+$0x2850 ss:$0x81] =	vst.msk $0xffff, v2  }
0x2c: {  	s18 =	sshra.s32 s16, $0x2;
	s16 =	smov.u32 s17;
	v7 =	vld [tilespmem:s15+$0xFFFFFFF0];
	[tilespmem:s14+$0x3060 ss:$0x81] =	vst.msk $0xffff, v3  }
.Ltmp3:
0x2d: {  	v1 =	vld [tilespmem:s15+$0x0];
	[tilespmem:s14+$0x0 ss:$0x81] =	vst.msk $0xffff, v0;
	s14 =	sadd.s32 s18, s13;
	(pc) =	sbr.rel @p1 .LBB1_3-.Ltmp3, $4  }
0x2e: {  	v2 =	vld [tilespmem:s15+$0x10];
	[tilespmem:s14+$0x3870 ss:$0x81] =	vst.msk $0xffff, v4  }
0x2f: {  	[tilespmem:s14+$0x810 ss:$0x81] =	vst.msk $0xffff, v5;
	v3 =	vld [tilespmem:s15+$0x20]  }
0x30: {  	v0 =	vld [tilespmem:s15+$0xFFFFFFC0];
	[tilespmem:s14+$0x1020 ss:$0x81] =	vst.msk $0xffff, v6;
	s15 =	sadd.s32 $0x80, s15  }
0x31: {  	s17 =	sadd.s32 $0x4, s17;
	v4 =	vld [tilespmem:s15+$0x30];
	[tilespmem:s14+$0x1830 ss:$0x81] =	vst.msk $0xffff, v7  }
0x32: {  	v5 =	vld [tilespmem:s15+$0xFFFFFFD0];
	[tilespmem:s14+$0x2040 ss:$0x81] =	vst.msk $0xffff, v1  }
0x33: {  	v58 =	vld [tilespmem:s15+$0xFFFFFFE0];
	[tilespmem:s14+$0x2850 ss:$0x81] =	vst.msk $0xffff, v2  }
0x34: {  	s16 =	sshra.s32 s16, $0x2;
	v59 =	vld [tilespmem:s15+$0xFFFFFFF0];
	[tilespmem:s14+$0x3060 ss:$0x81] =	vst.msk $0xffff, v3  }
0x35: {  	v60 =	vld [tilespmem:s15+$0x0];
	s13 =	sadd.s32 s16, s13;
	[tilespmem:s14+$0x0 ss:$0x81] =	vst.msk $0xffff, v0  }
0x36: {  	v61 =	vld [tilespmem:s15+$0x10];
	[tilespmem:s13+$0x3870 ss:$0x81] =	vst.msk $0xffff, v4  }
0x37: {  	v62 =	vld [tilespmem:s15+$0x20];
	s27 =	sshll.u32 s11, $0x8;
	[tilespmem:s13+$0x810 ss:$0x81] =	vst.msk $0xffff, v5  }
0x38: {  	v63 =	vld [tilespmem:s15+$0xFFFFFFC0];
	s28 =	sshll.u32 s10, $0x3;
	s29 =	sshll.u32 s11, $0x7;
	s14 =	sand.u32 $0xF800, s27;
	[tilespmem:s13+$0x1020 ss:$0x81] =	vst.msk $0xffff, v58  }
0x39: {  	s30 =	sand.u32 $0x78, s10;
	s11 =	sand.u32 $0x380, s29;
	s14 =	sadd.s32 s14, s28;
	[tilespmem:s13+$0x1830 ss:$0x81] =	vst.msk $0xffff, v59  }
.Ltmp4:
0x3a: {  	s11 =	sor.u32 s30, s11;
	[tilespmem:s13+$0x2040 ss:$0x81] =	vst.msk $0xffff, v60;
	s14 =	sand.u32 $0xFC00, s14;
	(pc) =	sbr.rel .LBB1_5-.Ltmp4, $4  }
0x3b: {  	s31 =	sand.u32 $0x7, s10;
	[tilespmem:s13+$0x2850 ss:$0x81] =	vst.msk $0xffff, v61;
	s11 =	sor.u32 s14, s11  }
0x3c: {  	s10 =	sshll.u32 s31, $0x12;
	[tilespmem:s13+$0x3060 ss:$0x81] =	vst.msk $0xffff, v62;
	s11 =	sshrl.u32 s11, $0x3  }
0x3d: {  	s10 =	sor.u32 $0x80, s10;
	[tilespmem:s13+$0x0 ss:$0x81] =	vst.msk $0xffff, v63;
	s11 =	sadd.s32 s4, s11  }
0x3e: {  	[hbm4b:s11+s10] =	stream.strided.scatter [tilespmem:s12], [sflag:$0x2], $0x4000, s6, s10, $0x20;
	[tilespmem:$0x10100] =	vst v63  }
.LBB1_6:
0x3f: {  	_ =	sfence.sel $0x180000  }
0x40: {  	s2 =	simm.s32 $0x1;
	[bflag:$0x0] =	sbarrier.arrive $0xFFFF  }
0x41: {  	s31 =	simm.s32 $0x2;
	[sflag:s2] =	ssyncpa.u1 $0x1  }
0x42: {  	[sflag:s31] =	ssyncpa.u1 $0x1  }
0x43: {  	p0 =	sne.s32 s1, $0x0;
	_ =	strace $0x9000005F  }
0x44: {  	s0 =	sadd.s32 @!p0 $0x100000, s0;
	[bflag:$0x2] =	sbarrier.arrive $0xFFFF  }
0x45: {  	[sflag:s0] =	ssyncadd.tile.s32 @!p0 $0x1;
	_ =	shalt  }
.Lfunc_end1:
_tile_overlayer_lowered:
.L_overlay_start_2:
0x46: {  	(tag) =	ssettag $0x2  }
0x47: {  	s0 =	rddreg [dreg:$0x0];
	s2 =	stileid.u32  }
0x48: {  	s1 =	rddreg [dreg:$0x1];
	p0 =	sne.s32 s2, $0x0  }
0x49: {  	s3 =	rddreg [dreg:$0x2];
	[bflag:$0x3] =	sbarrier.arrive $0xFFFF;
	s2 =	simm.s32 @!p0 $0x1C01  }
0x4a: {  	[timem:s3], [sflag:s2] =	dma.local @!p0 [hbm:s0], s1  }
0x4b: {  	s0 =	simm.s32 @!p0 $0x1  }
0x4c: {  	_ =	swait.ge @!p0 [sflag:s0], s1  }
0x4d: {  	s1 =	ssub.s32 @!p0 $0x0, s1;
	[sflag:s0] =	ssyncset.done @!p0 $0x0  }
0x4e: {  	[sflag:s0] =	ssyncadd.s32 @!p0 s1  }
0x4f: {  	[bflag:$0x3] =	sbarrier.arrive $0xFFFF  }
0x50: {  	_ =	shalt  }

// kernel: sparse-core-data-format-call.cloned.1.call-start
scs
called_computation.4_lowered:
.L_overlay_start_0:
0x0: {  	s2 =	sld [smem:$0x3FD9]  }
0x1: {  	s3 =	sld [smem:$0x3FFE];
	_ =	sdelay $0x1  }
0x2: {  	s1 =	srdreg.scid  }
0x3: {  	s0 =	sand.u32 $0x1, s1  }
0x4: {  	s18 =	sshll.u32 s0, $0xA;
	s2 =	sadd.s32 s3, s2  }
0x5: {  	s2 =	sadd.s32 s2, s18  }
0x6: {  	[smem:$0x3FB5] =	sst s2  }
0x7: {  	_ = 	snop  }
0x8: {  	s19 =	sld [smem:$0x3FD0];
	(tm) =	ssettm $0x1  }
0x9: {  	s20 =	sld [smem:$0x3FFB];
	_ =	sdelay $0x3  }
0xa: {  	_ =	strace s20  }
0xb: {  	s2 =	sld [smem:$0x3FFC];
	_ =	sdelay $0x3  }
0xc: {  	_ =	strace s2  }
0xd: {  	s2 =	sld [smem:$0x3FFD];
	_ =	sdelay $0x3  }
0xe: {  	_ =	strace s2  }
0xf: {  	_ =	strace $0x8FFFFFFF  }
0x10: {  	s21 =	sld [smem:$0x3FDB];
	_ =	sdelay $0x1  }
0x11: {  	s4 =	simm.s32 $_scs_section_size  }
0x12: {  	s5 =	simm.s32 $_size__tile_overlayer_lowered;
	s6 =	simm.s32 $_tile_overlayer_lowered  }
0x13: {  	s7 =	simm.s32 $0x1BFF;
	s22 =	sshll.u32 s6, $0x1;
	s4 =	sadd.s32 s4, s21  }
0x14: {  	s23 =	simm.s32 $0x0;
	s5 =	sshll.u32 s5, $0x1;
	s6 =	sadd.s32 s22, s4  }
0x15: {  	[timem:s23], [sflag:s7] =	dma.local [hbm:s6], s5  }
0x16: {  	_ =	swait.ge [sflag:s7], s5  }
0x17: {  	s5 =	ssub.s32 $0x0, s5;
	[sflag:s7] =	ssyncset.done $0x0  }
0x18: {  	[sflag:s7] =	ssyncadd.s32 s5;
	_ =	sdelay $0x1  }
0x19: {  	s24 =	simm.s32 $0x1B8B  }
0x1a: {  	_ =	swait.ge [sflag:s24], $0x1  }
0x1b: {  	[sflag:s24] =	ssyncset.done $0x0  }
0x1c: {  	[sflag:s24] =	ssyncadd.s32 $0xFFFFFFFF  }
0x1d: {  	s5 =	sld [smem:$0x0]  }
0x1e: {  	s6 =	sand.u32 $0xFFFFFFFE, s1  }
0x1f: {  	p0 =	sne.s32 s1, s6  }
0x20: {  	s6 =	sshll.u32 @p0 s6, $0xE  }
0x21: {  	s6 =	sadd.s32 @p0 $0x11B8D, s6;
	s7 =	sshll.u32 @p0 s5, $0x11  }
0x22: {  	s6 =	sor.u32 @p0 s7, s6  }
0x23: {  	[sflag:s6] =	ssyncadd.remote.s32 @p0 $0x1;
	_ =	sdelay $0x1  }
0x24: {  	s6 =	simm.s32 @p0 $0x1B8D  }
0x25: {  	_ =	swait.eq @p0 [sflag:s6], $0x1  }
0x26: {  	[sflag:s6] =	ssyncadd.s32 @p0 $0xFFFFFFFF  }
0x27: {  	s7 =	sshll.u32 @!p0 s1, $0xE  }
0x28: {  	s7 =	sor.u32 @!p0 $0x4000, s7;
	s6 =	simm.s32 @!p0 $0x1B8D  }
0x29: {  	s5 =	sshll.u32 @!p0 s5, $0x11;
	s7 =	sadd.s32 @!p0 $0x11B8D, s7;
	_ =	swait.eq @!p0 [sflag:s6], $0x1  }
0x2a: {  	s5 =	sor.u32 @!p0 s5, s7;
	[sflag:s6] =	ssyncadd.s32 @!p0 $0xFFFFFFFF  }
0x2b: {  	s26 =	simm.s32 $0x1B8E;
	s25 =	sld [smem:$0x3FFE];
	[sflag:s5] =	ssyncadd.remote.s32 @!p0 $0x1  }
0x2c: {  	s27 =	simm.s32 $execute0_lowered;
	[smem:$0x3FD2] =	sst s26  }
0x2d: {  	s6 =	sshll.u32 s27, $0x1;
	_ =	strace $0x80000067;
	[dreg:$0x1] =	wrdreg $0xFFFFFFFF  }
0x2e: {  	s28 =	simm.s32 $_size_execute0_lowered;
	s4 =	sadd.s32 s4, s6;
	[dreg:$0x0] =	wrdreg $0x0  }
0x2f: {  	s6 =	sshll.u32 s28, $0x1;
	[dreg:$0x2] =	wrdreg s4  }
0x30: {  	[dreg:$0x3] =	wrdreg s6  }
0x31: {  	[dreg:$0x4] =	wrdreg $0xC0  }
0x32: {  	_ =	task [dreg:s23], $0x5FFFF  }
0x33: {  	[dreg:$0x1] =	wrdreg $0xFFFFFFFF  }
0x34: {  	[dreg:$0x0] =	wrdreg $0x60  }
0x35: {  	[dreg:$0x2] =	wrdreg s19  }
0x36: {  	[dreg:$0x3] =	wrdreg s25  }
0x37: {  	[dreg:$0x4] =	wrdreg $0xC  }
0x38: {  	_ =	task.clear_ibuf [dreg:s23], $0x5FFFF;
	_ =	strace $0x90000067  }
0x39: {  	s29 =	simm.s32 $0xC;
	_ =	strace $0x80000069  }
0x3a: {  	_ =	swait.ge [sflag:s29], $0x1  }
0x3b: {  	[sflag:s29] =	ssyncadd.s32 $0xFFFFFFFF  }
0x3c: {  	_ =	strace $0x90000069  }
0x3d: {  	_ =	sfence  }
0x3e: {  	s30 =	sld [smem:$0x0];
	_ =	sdelay $0x2  }
0x3f: {  	s31 =	sshll.u32 s1, $0xD;
	s1 =	sshrl.u32 s1, $0x2  }
0x40: {  	s4 =	sand.u32 $0x4000, s31;
	s1 =	sadd.s32 s1, s30  }
0x41: {  	s0 =	sor.u32 s4, s0;
	s1 =	sshll.u32 s1, $0x11  }
0x42: {  	s0 =	sor.u32 s1, s0  }
0x43: {  	s0 =	sadd.s32 $0x8F2B, s0  }
0x44: {  	[sflag:s0] =	ssyncadd.remote.s32 $0x1  }
0x45: {  	_ =	sfence.sel $0xFFFF  }
0x46: {  	[dreg:$0x0] =	wrdreg $0xFFFFFFFF;
	(pc) =	sbr.abs _section_cstart, $3  }
0x47: {  	[dreg:$0x1] =	wrdreg $0xFFFFFFFF  }
0x48: {  	_ =	task.clear_ibuf [dreg:s23], $0x2FFFF;
	_ =	strace $0x9FFFFFFF  }
0x49: {  	(tm) =	ssettm $0x7FFFFFFF  }
tec
execute0_lowered:
.L_overlay_start_1:
0x0: {  	(tag) =	ssettag $0x1  }
0x1: {  	s2 =	rddreg [dreg:$0x0]  }
0x2: {  	s4 =	rddreg [dreg:$0x1]  }
0x3: {  	s0 =	rddreg [dreg:$0x2];
	_ =	strace $0x80000068  }
0x4: {  	s3 =	srdreg.scid;
	s1 =	stileid.u32;
	s6 =	simm.s32 $0x2  }
.Ltmp0:
0x5: {  	s10 =	simm.s32 $0x0;
	p0 =	por $0x0, $0x0;
	(pc) =	sbr.rel .LBB1_1-.Ltmp0, $4  }
0x6: {  	s11 =	simm.s32 $0x0;
	s8 =	simm.s32 $0x0;
	s5 =	sshll.u32 s3, $0x4  }
0x7: {  	s7 =	simm.s32 $0x0;
	s3 =	simm.s32 $0x1;
	s5 =	sand.u32 $0x10, s5  }
0x8: {  	s4 =	sadd.s32 $0x865800, s4;
	[sflag:s3] =	ssyncpa.u1 $0x0;
	s5 =	sor.u32 s1, s5  }
0x9: {  	[sflag:s6] =	ssyncpa.u1 $0x0;
	s6 =	simm.s32 $0x10000;
	s9 =	smov.u32 s5  }
.LBB1_5:
0xa: {  	s12 =	sadd.s32 $0x80, s8  }
0xb: {  	s10 =	sadd.s32 $0x20, s9;
	s14 =	smov.u32 s9;
	p2 =	sgt.s32 s12, $0xFF  }
0xc: {  	p1 =	slt.u32 s7, $0x2;
	s14 =	smov.u32 @p2 s10  }
0xd: {  	s7 =	sadd.s32 $0x1, s7;
	s12 =	simm.s32 @p2 $0x0;
	p2 =	sgt.s32 s14, $0xFF  }
0xe: {  	s14 =	smov.u32 @p2 s5;
	p2 =	sne.s32 s7, $0x12  }
.Ltmp1:
0xf: {  	_ = 	snop;
	(pc) =	sbr.rel @!p2 .LBB1_6-.Ltmp1, $4  }
0x10: {  	s13 =	simm.s32 @!p1 $0x2  }
0x11: {  	s11 =	smov.u32 s9;
	_ =	swait.ge @!p1 [sflag:s13], $0x4000  }
0x12: {  	p0 =	por !p0, !p0;
	s10 =	smov.u32 s8;
	[sflag:s13] =	ssyncset.done @!p1 $0x0  }
0x13: {  	s8 =	smov.u32 s12;
	[sflag:s13] =	ssyncadd.s32 @!p1 $0xFFFFC000;
	s9 =	smov.u32 s14  }
.LBB1_1:
0x14: {  	p1 =	sgt.u32 s7, $0xF  }
0x15: {  	s12 =	sxor.u32 @!p1 $0xFFFFFFFF, s7;
	s13 =	sshll.u32 @!p1 s9, $0xC;
	s14 =	sshll.u32 @!p1 s8, $0x4  }
0x16: {  	s12 =	sshll.u32 @!p1 s12, $0xE;
	s14 =	sand.u32 @!p1 $0xFF0, s14;
	s13 =	sadd.s32 @!p1 s2, s13  }
0x17: {  	s12 =	sand.u32 @!p1 $0x4000, s12;
	s13 =	sadd.s32 @!p1 s14, s13;
	s14 =	simm.s32 @!p1 $0x0  }
0x18: {  	[tilespmem:s12], [sflag:$0x1] =	stream.linear.gather @!p1 [hbm4b:s13+s14], $0x4000, $0x38;
	[tilespmem:$0x10100] =	vst v63  }
0x19: {  	p1 =	seq.s32 s7, $0x0  }
0x1a: {  	p2 =	seq.s32 @!p1 s7, $0x11  }
0x1b: {  	p1 =	por p1, p2  }
.Ltmp2:
0x1c: {  	_ = 	snop;
	(pc) =	sbr.rel @p1 .LBB1_5-.Ltmp2, $1  }
0x1d: {  	_ =	sdelay $0x3  }
0x1e: {  	s12 =	simm.s32 $0x1  }
0x1f: {  	_ =	swait.ge [sflag:s3], $0x4000;
	s12 =	simm.s32 @!p0 $0x0  }
0x20: {  	[sflag:s3] =	ssyncset.done $0x0;
	s13 =	sshll.u32 s12, $0xE  }
0x21: {  	[sflag:s3] =	ssyncadd.s32 $0xFFFFC000;
	s15 =	sor.u32 $0x40, s13  }
0x22: {  	s12 =	smul.u32 $0x10200, s12;
	v0 =	vld [tilespmem:s15+$0x30]  }
0x23: {  	v3 =	vld [tilespmem:s15+$0xFFFFFFD0]  }
0x24: {  	s12 =	sshrl.u32 s12, $0x2;
	v4 =	vld [tilespmem:s15+$0xFFFFFFE0]  }
0x25: {  	v5 =	vld [tilespmem:s15+$0xFFFFFFF0];
	s13 =	sor.u32 $0x8000, s12  }
0x26: {  	s31 =	sand.u32 $0x1, s7;
	v1 =	vld [tilespmem:s15+$0x0];
	s14 =	sadd.s32 $0x0, s13  }
0x27: {  	v2 =	vld [tilespmem:s15+$0x10];
	s12 =	smul.u32 $0x10200, s31;
	[tilespmem:s14+$0x3870 ss:$0x81] =	vst.msk $0xffff, v0  }
0x28: {  	[tilespmem:s14+$0x810 ss:$0x81] =	vst.msk $0xffff, v3;
	v3 =	vld [tilespmem:s15+$0x20]  }
0x29: {  	s12 =	sshrl.u32 s12, $0x2;
	v0 =	vld [tilespmem:s15+$0xFFFFFFC0];
	[tilespmem:s14+$0x1020 ss:$0x81] =	vst.msk $0xffff, v4;
	s15 =	sadd.s32 $0x80, s15  }
0x2a: {  	s16 =	simm.s32 $0x4;
	s17 =	simm.s32 $0x8;
	s12 =	sor.u32 $0x8000, s12;
	[tilespmem:s14+$0x1830 ss:$0x81] =	vst.msk $0xffff, v5;
	v4 =	vld [tilespmem:s15+$0x30]  }
.LBB1_3:
0x2b: {  	p1 =	sne.s32 s17, $0x1FC;
	v5 =	vld [tilespmem:s15+$0xFFFFFFD0];
	[tilespmem:s14+$0x2040 ss:$0x81] =	vst.msk $0xffff, v1  }
0x2c: {  	v6 =	vld [tilespmem:s15+$0xFFFFFFE0];
	[tilespmem:s14+$0x2850 ss:$0x81] =	vst.msk $0xffff, v2  }
0x2d: {  	s18 =	sshra.s32 s16, $0x2;
	s16 =	smov.u32 s17;
	v7 =	vld [tilespmem:s15+$0xFFFFFFF0];
	[tilespmem:s14+$0x3060 ss:$0x81] =	vst.msk $0xffff, v3  }
.Ltmp3:
0x2e: {  	v1 =	vld [tilespmem:s15+$0x0];
	[tilespmem:s14+$0x0 ss:$0x81] =	vst.msk $0xffff, v0;
	s14 =	sadd.s32 s18, s13;
	(pc) =	sbr.rel @p1 .LBB1_3-.Ltmp3, $4  }
0x2f: {  	v2 =	vld [tilespmem:s15+$0x10];
	[tilespmem:s14+$0x3870 ss:$0x81] =	vst.msk $0xffff, v4  }
0x30: {  	[tilespmem:s14+$0x810 ss:$0x81] =	vst.msk $0xffff, v5;
	v3 =	vld [tilespmem:s15+$0x20]  }
0x31: {  	v0 =	vld [tilespmem:s15+$0xFFFFFFC0];
	[tilespmem:s14+$0x1020 ss:$0x81] =	vst.msk $0xffff, v6;
	s15 =	sadd.s32 $0x80, s15  }
0x32: {  	s17 =	sadd.s32 $0x4, s17;
	v4 =	vld [tilespmem:s15+$0x30];
	[tilespmem:s14+$0x1830 ss:$0x81] =	vst.msk $0xffff, v7  }
0x33: {  	v5 =	vld [tilespmem:s15+$0xFFFFFFD0];
	[tilespmem:s14+$0x2040 ss:$0x81] =	vst.msk $0xffff, v1  }
0x34: {  	v58 =	vld [tilespmem:s15+$0xFFFFFFE0];
	[tilespmem:s14+$0x2850 ss:$0x81] =	vst.msk $0xffff, v2  }
0x35: {  	s16 =	sshra.s32 s16, $0x2;
	v59 =	vld [tilespmem:s15+$0xFFFFFFF0];
	[tilespmem:s14+$0x3060 ss:$0x81] =	vst.msk $0xffff, v3  }
0x36: {  	v60 =	vld [tilespmem:s15+$0x0];
	s13 =	sadd.s32 s16, s13;
	[tilespmem:s14+$0x0 ss:$0x81] =	vst.msk $0xffff, v0  }
0x37: {  	v61 =	vld [tilespmem:s15+$0x10];
	[tilespmem:s13+$0x3870 ss:$0x81] =	vst.msk $0xffff, v4  }
0x38: {  	v62 =	vld [tilespmem:s15+$0x20];
	s27 =	sshll.u32 s11, $0x8;
	[tilespmem:s13+$0x810 ss:$0x81] =	vst.msk $0xffff, v5  }
0x39: {  	v63 =	vld [tilespmem:s15+$0xFFFFFFC0];
	s28 =	sshll.u32 s10, $0x3;
	s29 =	sshll.u32 s11, $0x7;
	s14 =	sand.u32 $0xF800, s27;
	[tilespmem:s13+$0x1020 ss:$0x81] =	vst.msk $0xffff, v58  }
0x3a: {  	s30 =	sand.u32 $0x78, s10;
	s11 =	sand.u32 $0x380, s29;
	s14 =	sadd.s32 s14, s28;
	[tilespmem:s13+$0x1830 ss:$0x81] =	vst.msk $0xffff, v59  }
.Ltmp4:
0x3b: {  	s11 =	sor.u32 s30, s11;
	[tilespmem:s13+$0x2040 ss:$0x81] =	vst.msk $0xffff, v60;
	s14 =	sand.u32 $0xFC00, s14;
	(pc) =	sbr.rel .LBB1_5-.Ltmp4, $4  }
0x3c: {  	s31 =	sand.u32 $0x7, s10;
	[tilespmem:s13+$0x2850 ss:$0x81] =	vst.msk $0xffff, v61;
	s11 =	sor.u32 s14, s11  }
0x3d: {  	s10 =	sshll.u32 s31, $0x12;
	[tilespmem:s13+$0x3060 ss:$0x81] =	vst.msk $0xffff, v62;
	s11 =	sshrl.u32 s11, $0x3  }
0x3e: {  	s10 =	sor.u32 $0x80, s10;
	[tilespmem:s13+$0x0 ss:$0x81] =	vst.msk $0xffff, v63;
	s11 =	sadd.s32 s4, s11  }
0x3f: {  	[hbm4b:s11+s10] =	stream.strided.scatter [tilespmem:s12], [sflag:$0x2], $0x4000, s6, s10, $0x20;
	[tilespmem:$0x10100] =	vst v63  }
.LBB1_6:
0x40: {  	_ =	sfence.sel $0x180000  }
0x41: {  	s2 =	simm.s32 $0x1;
	[bflag:$0x0] =	sbarrier.arrive $0xFFFF  }
0x42: {  	s31 =	simm.s32 $0x2;
	[sflag:s2] =	ssyncpa.u1 $0x1  }
0x43: {  	[sflag:s31] =	ssyncpa.u1 $0x1  }
0x44: {  	p0 =	sne.s32 s1, $0x0;
	_ =	strace $0x90000068  }
0x45: {  	s0 =	sadd.s32 @!p0 $0x100000, s0;
	[bflag:$0x2] =	sbarrier.arrive $0xFFFF  }
0x46: {  	[sflag:s0] =	ssyncadd.tile.s32 @!p0 $0x1;
	_ =	shalt  }
.Lfunc_end1:
_tile_overlayer_lowered:
.L_overlay_start_2:
0x47: {  	(tag) =	ssettag $0x2  }
0x48: {  	s0 =	rddreg [dreg:$0x0];
	s2 =	stileid.u32  }
0x49: {  	s1 =	rddreg [dreg:$0x1];
	p0 =	sne.s32 s2, $0x0  }
0x4a: {  	s3 =	rddreg [dreg:$0x2];
	[bflag:$0x3] =	sbarrier.arrive $0xFFFF;
	s2 =	simm.s32 @!p0 $0x1C01  }
0x4b: {  	[timem:s3], [sflag:s2] =	dma.local @!p0 [hbm:s0], s1  }
0x4c: {  	s0 =	simm.s32 @!p0 $0x1  }
0x4d: {  	_ =	swait.ge @!p0 [sflag:s0], s1  }
0x4e: {  	s1 =	ssub.s32 @!p0 $0x0, s1;
	[sflag:s0] =	ssyncset.done @!p0 $0x0  }
0x4f: {  	[sflag:s0] =	ssyncadd.s32 @!p0 s1  }
0x50: {  	[bflag:$0x3] =	sbarrier.arrive $0xFFFF  }
0x51: {  	_ =	shalt  }

</sc_bundles>
